<compile_context>
chip_gen: v7x
topology: tpu7x:2x2x1
jax: 0.10.2.dev20260603
libtpu: 0.0.44.dev20260713+nightly
codegen_flags: <defaults>
</compile_context>

<pallas_src>
import functools

import jax
import jax.numpy as jnp
from jax import lax
from jax.experimental import pallas as pl
from jax.experimental.pallas import tpu as pltpu
from jax.experimental.pallas import tpu_sc as plsc

SC_NC, SC_NS, SC_L = 2, 16, 16
NW = SC_NC * SC_NS

B, S, H = 1, 2048, 1024
E, I2, TOPK = 8, 2048, 2
I = I2 // 2
N = B * S
T = 256
NBLK = 24
NSLOT = NBLK * T

_NEG = -1e30


def _router_body(x_ref, rw_ref, scores_ref, tidx_ref, tval_ref):
    x = x_ref[...]
    rw = rw_ref[...]
    logits = lax.dot_general(x, rw, (((1,), (1,)), ((), ())),
                             preferred_element_type=jnp.float32)
    lane = lax.broadcasted_iota(jnp.int32, logits.shape, 1)
    lm = jnp.where(lane < E, logits, _NEG)
    m = jnp.max(lm, axis=1, keepdims=True)
    e = jnp.exp(lm - m)
    s = e / jnp.sum(e, axis=1, keepdims=True)
    v1 = jnp.max(s, axis=1, keepdims=True)
    i1 = jnp.min(jnp.where(s == v1, lane, 127), axis=1, keepdims=True)
    sm = jnp.where(lane == i1, -1.0, s)
    v2 = jnp.max(sm, axis=1, keepdims=True)
    i2 = jnp.min(jnp.where(sm == v2, lane, 127), axis=1, keepdims=True)
    scores_ref[...] = s[:, :E]
    lane8 = lax.broadcasted_iota(jnp.int32, (T, E), 1)
    tidx_ref[...] = jnp.where(lane8 == 0, i1, i2)
    tval_ref[...] = jnp.where(lane8 == 0, v1, v2)


def _router(flat, rw_pad):
    return pl.pallas_call(
        _router_body,
        grid=(N // T,),
        in_specs=[
            pl.BlockSpec((T, H), lambda i: (i, 0)),
            pl.BlockSpec((128, H), lambda i: (0, 0)),
        ],
        out_specs=[
            pl.BlockSpec((T, E), lambda i: (i, 0)),
            pl.BlockSpec((T, E), lambda i: (i, 0)),
            pl.BlockSpec((T, E), lambda i: (i, 0)),
        ],
        out_shape=[
            jax.ShapeDtypeStruct((N, E), jnp.float32),
            jax.ShapeDtypeStruct((N, E), jnp.int32),
            jax.ShapeDtypeStruct((N, E), jnp.float32),
        ],
    )(flat, rw_pad)


def _schedule(tidx, tval):
    i12 = tidx[:, :TOPK]
    v12 = tval[:, :TOPK]
    ef = i12.reshape(-1)
    oh = (ef[:, None] == jnp.arange(E)[None, :]).astype(jnp.int32)
    csum = jnp.cumsum(oh, axis=0)
    rank = jnp.sum(oh * csum, axis=1) - 1
    counts = csum[-1]
    pc = ((counts + T - 1) // T) * T
    ends = jnp.cumsum(pc)
    off = ends - pc
    slot = off[ef] + rank
    nblocks = (ends[-1] // T).astype(jnp.int32)
    tok = jnp.arange(TOPK * N, dtype=jnp.int32) // TOPK
    sorted_token = (jnp.arange(NSLOT, dtype=jnp.int32) % N).at[slot].set(
        tok, unique_indices=True)
    slot_w = jnp.zeros((NSLOT,), jnp.float32).at[slot].set(
        v12.reshape(-1), unique_indices=True)
    bstart = jnp.arange(NBLK, dtype=jnp.int32) * T
    raw = jnp.clip(jnp.searchsorted(ends, bstart, side='right'), 0, E - 1)
    last = raw[nblocks - 1]
    block_expert = jnp.where(jnp.arange(NBLK) < nblocks, raw, last)
    block_expert = block_expert.astype(jnp.int32)
    s1 = slot.reshape(N, TOPK)[:, 0]
    s2 = slot.reshape(N, TOPK)[:, 1]
    return (sorted_token, slot_w.reshape(NSLOT, 1), block_expert,
            jnp.reshape(nblocks, (1,)), s1, s2)


def _mlp_body(nb_ref, be_ref, xs_ref, wg_ref, wu_ref, bg_ref, bu_ref,
              w2_ref, b2_ref, sw_ref, y_ref):
    b = pl.program_id(0)

    @pl.when(b < nb_ref[0])
    def _():
        x = xs_ref[...].astype(jnp.bfloat16)
        g = lax.dot_general(x, wg_ref[0], (((1,), (0,)), ((), ())),
                            preferred_element_type=jnp.float32) + bg_ref[0]
        u = lax.dot_general(x, wu_ref[0], (((1,), (0,)), ((), ())),
                            preferred_element_type=jnp.float32) + bu_ref[0]
        g = jnp.minimum(g, 7.0)
        u = jnp.clip(u, -7.0, 7.0)
        act = (u + 1.0) * g * (1.0 / (1.0 + jnp.exp(g * -1.702)))
        y = lax.dot_general(act.astype(jnp.bfloat16), w2_ref[0],
                            (((1,), (0,)), ((), ())),
                            preferred_element_type=jnp.float32)
        y = y + b2_ref[0]
        y_ref[...] = y * sw_ref[...]


def _grouped_mlp(xs, wg, wu, bg, bu, w2, b2, slot_w, block_expert, nblocks):
    grid_spec = pltpu.PrefetchScalarGridSpec(
        num_scalar_prefetch=2,
        grid=(NBLK,),
        in_specs=[
            pl.BlockSpec((T, H), lambda b, nb, be: (b, 0)),
            pl.BlockSpec((1, H, I), lambda b, nb, be: (be[b], 0, 0)),
            pl.BlockSpec((1, H, I), lambda b, nb, be: (be[b], 0, 0)),
            pl.BlockSpec((1, 1, I), lambda b, nb, be: (be[b], 0, 0)),
            pl.BlockSpec((1, 1, I), lambda b, nb, be: (be[b], 0, 0)),
            pl.BlockSpec((1, I, H), lambda b, nb, be: (be[b], 0, 0)),
            pl.BlockSpec((1, 1, H), lambda b, nb, be: (be[b], 0, 0)),
            pl.BlockSpec((T, 1), lambda b, nb, be: (b, 0)),
        ],
        out_specs=pl.BlockSpec((T, H), lambda b, nb, be: (b, 0)),
    )
    return pl.pallas_call(
        _mlp_body,
        grid_spec=grid_spec,
        out_shape=jax.ShapeDtypeStruct((NSLOT, H), jnp.float32),
    )(nblocks, block_expert, xs, wg, wu, bg, bu, w2, b2, slot_w)


def _sc_mesh():
    return plsc.VectorSubcoreMesh(core_axis_name="c", subcore_axis_name="s",
                                  num_cores=SC_NC, num_subcores=SC_NS)


_GCHUNK = 48
_GROWS = NSLOT // NW
_GNC = _GROWS // _GCHUNK
_GNB = 2


def _sc_gather(idx, flat):
    k = functools.partial(
        pl.kernel, mesh=_sc_mesh(),
        out_type=jax.ShapeDtypeStruct((NSLOT, H), jnp.float32),
        scratch_types=[
            pltpu.VMEM((_GNC, _GCHUNK), jnp.int32),
        ] + [pltpu.VMEM((_GCHUNK, H), jnp.float32)] * _GNB
          + [pltpu.SemaphoreType.DMA] * (2 * _GNB),
    )
    return k(_sc_gather_body)(idx, flat)


def _sc_gather_body(idx_hbm, flat_hbm, out_hbm, idx_v, *rest):
    bufs = rest[:_GNB]
    gsems = rest[_GNB:2 * _GNB]
    ssems = rest[2 * _GNB:]
    wid = lax.axis_index("s") * SC_NC + lax.axis_index("c")
    base = wid * _GROWS
    pltpu.sync_copy(idx_hbm.at[wid], idx_v)
    gathers = [None] * _GNB
    stores = [None] * _GNB
    for c in range(min(_GNB, _GNC)):
        gathers[c] = pltpu.async_copy(flat_hbm.at[idx_v.at[c]], bufs[c],
                                      gsems[c])
    for c in range(_GNC):
        p = c % _GNB
        gathers[p].wait()
        stores[p] = pltpu.async_copy(
            bufs[p], out_hbm.at[pl.ds(base + c * _GCHUNK, _GCHUNK)], ssems[p])
        nxt = c + _GNB
        if nxt < _GNC:
            stores[p].wait()
            gathers[p] = pltpu.async_copy(flat_hbm.at[idx_v.at[nxt]], bufs[p],
                                          gsems[p])
    for st in stores:
        if st is not None:
            st.wait()


_CTOK = N // NW
_CCHUNK = 32
_CNC = _CTOK // _CCHUNK


def _sc_combine(s1r, s2r, y):
    k = functools.partial(
        pl.kernel, mesh=_sc_mesh(),
        out_type=jax.ShapeDtypeStruct((N, H), jnp.float32),
        scratch_types=[
            pltpu.VMEM((_CNC, _CCHUNK), jnp.int32),
            pltpu.VMEM((_CNC, _CCHUNK), jnp.int32),
            pltpu.VMEM((_CCHUNK, H), jnp.float32),
            pltpu.VMEM((_CCHUNK, H), jnp.float32),
            pltpu.SemaphoreType.DMA,
            pltpu.SemaphoreType.DMA,
            pltpu.SemaphoreType.DMA,
        ],
    )
    return k(_sc_combine_body)(s1r, s2r, y)


def _sc_combine_body(s1_hbm, s2_hbm, y_hbm, out_hbm, i1_v, i2_v, bufa, bufb,
                     sema, semb, ssem):
    wid = lax.axis_index("s") * SC_NC + lax.axis_index("c")
    base = wid * _CTOK
    pltpu.sync_copy(s1_hbm.at[wid], i1_v)
    pltpu.sync_copy(s2_hbm.at[wid], i2_v)
    for c in range(_CNC):
        ga = pltpu.async_copy(y_hbm.at[i1_v.at[c]], bufa, sema)
        gb = pltpu.async_copy(y_hbm.at[i2_v.at[c]], bufb, semb)
        ga.wait()
        gb.wait()

        def _row(r, _):
            for j in range(H // SC_L):
                sl = pl.ds(j * SC_L, SC_L)
                bufa[r, sl] = bufa[r, sl] + bufb[r, sl]
            return 0

        lax.fori_loop(0, _CCHUNK, _row, 0)
        pltpu.sync_copy(bufa, out_hbm.at[pl.ds(base + c * _CCHUNK, _CCHUNK)])


def kernel(hidden_states, router_weight, gate_up_proj, gate_up_proj_bias,
           down_proj, down_proj_bias):
    flat = hidden_states.reshape(N, H)
    rw_pad = jnp.zeros((128, H), jnp.float32).at[:E].set(router_weight)
    w1t = jnp.transpose(gate_up_proj.astype(jnp.bfloat16).reshape(E, H, I, 2),
                        (0, 3, 1, 2))
    wg, wu = w1t[:, 0], w1t[:, 1]
    b1t = jnp.transpose(gate_up_proj_bias.reshape(E, 1, I, 2), (0, 3, 1, 2))
    bg, bu = b1t[:, 0], b1t[:, 1]
    w2b = down_proj.astype(jnp.bfloat16)
    b2r = down_proj_bias.reshape(E, 1, H)

    scores, tidx, tval = _router(flat, rw_pad)
    sorted_token, slot_w, block_expert, nblocks, s1, s2 = _schedule(tidx, tval)

    xs = _sc_gather(sorted_token.reshape(NW, _GNC, _GCHUNK), flat)
    y = _grouped_mlp(xs, wg, wu, bg, bu, w2b, b2r, slot_w, block_expert,
                     nblocks)
    out = _sc_combine(s1.reshape(NW, _CNC, _CCHUNK),
                      s2.reshape(NW, _CNC, _CCHUNK), y)
    return out.reshape(B, S, H), scores

# --- scband reference (transcript-rebuilt; emitter-appended) ---
"""Pipeline reference for scband-mo-emlp-2027224563966 (READ-ONLY COPY).

The authoritative reference and input builder live on the scoring server;
editing this copy changes nothing except your own understanding.
"""

import jax, jax.numpy as jnp
import numpy as np

B, S, H = 1, 2048, 1024
E, I, TOPK = 8, 1024, 2

def setup_inputs(seed: int = 0) -> dict:
    key = jax.random.key(seed)
    k1, k2, k3, k4 = jax.random.split(key, 4)
    hidden_states = jax.random.normal(k1, (B, S, H), dtype=jnp.float32)
    router_weight = jax.random.normal(k2, (E, H), dtype=jnp.float32) * 0.02
    gate_up_proj = jax.random.normal(k3, (E, H, 2 * I), dtype=jnp.float32) * 0.02
    gate_up_proj_bias = jnp.zeros((E, 2 * I), dtype=jnp.float32)
    down_proj = jax.random.normal(k4, (E, I, H), dtype=jnp.float32) * 0.02
    down_proj_bias = jnp.zeros((E, H), dtype=jnp.float32)
    return {
        'hidden_states': hidden_states,
        'router_weight': router_weight,
        'gate_up_proj': gate_up_proj,
        'gate_up_proj_bias': gate_up_proj_bias,
        'down_proj': down_proj,
        'down_proj_bias': down_proj_bias,
    }

def reference(hidden_states, router_weight, gate_up_proj, gate_up_proj_bias, down_proj, down_proj_bias):
    b, s, h = hidden_states.shape
    n = b * s
    flat = hidden_states.reshape(n, h)
    # router
    logits = flat @ router_weight.T
    scores = jax.nn.softmax(logits, axis=-1)
    _, indices = jax.lax.top_k(scores, TOPK)
    # experts (dense: every token through every expert)
    gate_up = jnp.einsum('nh,eho->neo', flat, gate_up_proj)
    gate_up = gate_up + gate_up_proj_bias
    gate = jnp.minimum(gate_up[..., ::2], 7.0)
    up = jnp.clip(gate_up[..., 1::2], -7.0, 7.0)
    activated = (up + 1.0) * gate * jax.nn.sigmoid(gate * 1.702)
    expert_out = jnp.einsum('nei,eih->neh', activated, down_proj)
    expert_out = expert_out + down_proj_bias
    # sparse mixture weights via scatter-overwrite
    topv = jnp.take_along_axis(scores, indices, axis=-1)
    weights = jnp.zeros((n, E), dtype=hidden_states.dtype)
    weights = weights.at[jnp.arange(n)[:, None], indices].set(topv)
    out = (expert_out * weights[..., None]).sum(axis=1)
    return (out.reshape(b, s, h), scores)

if __name__ == "__main__":
    import jax
    _d = setup_inputs()
    print(jax.jit(kernel)(*tuple(_d.values())))

</pallas_src>

<mosaic_0001>
#map = affine_map<(d0, d1) -> (0, 0, 0)>
#map1 = affine_map<(d0, d1) -> (0, 0)>
module attributes {stable_mosaic.version = 14 : i64} {
  func.func @_sc_gather_body(%arg0: i32, %arg1: i32, %arg2: memref<32x4x48xi32, #tpu.memory_space<hbm>>, %arg3: memref<2048x1024xf32, #tpu.memory_space<hbm>>, %arg4: memref<6144x1024xf32, #tpu.memory_space<hbm>>, %arg5: memref<4x48xi32, #tpu.memory_space<vmem>>, %arg6: memref<48x1024xf32, #tpu.memory_space<vmem>>, %arg7: memref<48x1024xf32, #tpu.memory_space<vmem>>, %arg8: memref<!tpu.dma_semaphore, #tpu.memory_space<semaphore_mem>>, %arg9: memref<!tpu.dma_semaphore, #tpu.memory_space<semaphore_mem>>, %arg10: memref<!tpu.dma_semaphore, #tpu.memory_space<semaphore_mem>>, %arg11: memref<!tpu.dma_semaphore, #tpu.memory_space<semaphore_mem>>) attributes {dimension_semantics = [#tpu.dimension_semantics<core_parallel>, #tpu.dimension_semantics<subcore_parallel>], iteration_bounds = array<i64: 2, 16>, scalar_prefetch = 0 : i64, scratch_operands = 7 : i64, tpu.core_type = #tpu.core_type<sc_vector_subcore>, window_params = [{transform_indices = #map}, {transform_indices = #map1}, {transform_indices = #map1}]} {
    %mul3A = arith.constant 2 : i32
    %mul3A_0 = arith.muli %arg1, %mul3A : i32
    %add3A = arith.addi %mul3A_0, %arg0 : i32
    %mul3A_1 = arith.constant 192 : i32
    %mul3A_2 = arith.muli %add3A, %mul3A_1 : i32
    "tpu.region"() ({
      %run_scoped3A = tpu.sem_alloc : memref<!tpu.dma_semaphore, #tpu.memory_space<semaphore_mem>>
      %dma_start3A_97 = arith.constant 0 : i32
      %dma_start3A_98 = arith.constant 0 : i32
      %dma_start3A_99 = tpu.memref_slice %arg2[%add3A, %dma_start3A_97, %dma_start3A_98] : memref<32x4x48xi32, #tpu.memory_space<hbm>> -> memref<1x4x48xi32, #tpu.memory_space<hbm>>
      %dma_start3A_100 = tpu.memref_squeeze %dma_start3A_99 : memref<1x4x48xi32, #tpu.memory_space<hbm>> -> memref<4x48xi32, #tpu.memory_space<hbm>>
      %dma_start3A_101 = arith.constant 0 : i32
      %dma_start3A_102 = arith.constant 0 : i32
      %dma_start3A_103 = tpu.memref_slice %arg2[%add3A, %dma_start3A_101, %dma_start3A_102] : memref<32x4x48xi32, #tpu.memory_space<hbm>> -> memref<1x4x48xi32, #tpu.memory_space<hbm>>
      %dma_start3A_104 = tpu.memref_squeeze %dma_start3A_103 : memref<1x4x48xi32, #tpu.memory_space<hbm>> -> memref<4x48xi32, #tpu.memory_space<hbm>>
      tpu.enqueue_dma source(%dma_start3A_104 : memref<4x48xi32, #tpu.memory_space<hbm>>) target(%arg5 : memref<4x48xi32, #tpu.memory_space<vmem>>) target_semaphore(%run_scoped3A : memref<!tpu.dma_semaphore, #tpu.memory_space<semaphore_mem>>)
      %dma_wait3A_105 = arith.constant 0 : i32
      %dma_wait3A_106 = arith.constant 0 : i32
      %dma_wait3A_107 = tpu.memref_slice %arg2[%add3A, %dma_wait3A_105, %dma_wait3A_106] : memref<32x4x48xi32, #tpu.memory_space<hbm>> -> memref<1x4x48xi32, #tpu.memory_space<hbm>>
      %dma_wait3A_108 = tpu.memref_squeeze %dma_wait3A_107 : memref<1x4x48xi32, #tpu.memory_space<hbm>> -> memref<4x48xi32, #tpu.memory_space<hbm>>
      %dma_wait3A_109 = arith.constant 0 : i32
      %dma_wait3A_110 = arith.constant 0 : i32
      %dma_wait3A_111 = tpu.memref_slice %arg2[%add3A, %dma_wait3A_109, %dma_wait3A_110] : memref<32x4x48xi32, #tpu.memory_space<hbm>> -> memref<1x4x48xi32, #tpu.memory_space<hbm>>
      %dma_wait3A_112 = tpu.memref_squeeze %dma_wait3A_111 : memref<1x4x48xi32, #tpu.memory_space<hbm>> -> memref<4x48xi32, #tpu.memory_space<hbm>>
      tpu.wait_dma2 semaphore(%run_scoped3A : memref<!tpu.dma_semaphore, #tpu.memory_space<semaphore_mem>>) src(%dma_wait3A_112 : memref<4x48xi32, #tpu.memory_space<hbm>>) dst(%arg5 : memref<4x48xi32, #tpu.memory_space<vmem>>)
      tpu.yield
    }) : () -> ()
    %dma_start3A = arith.constant 0 : i32
    %dma_start3A_3 = arith.constant 0 : i32
    %dma_start3A_4 = tpu.memref_slice %arg5[%dma_start3A, %dma_start3A_3] : memref<4x48xi32, #tpu.memory_space<vmem>> -> memref<1x48xi32, #tpu.memory_space<vmem>>
    %dma_start3A_5 = tpu.memref_squeeze %dma_start3A_4 : memref<1x48xi32, #tpu.memory_space<vmem>> -> memref<48xi32, #tpu.memory_space<vmem>>
    %dma_start3A_6 = arith.constant 0 : i32
    %dma_start3A_7 = arith.constant 0 : i32
    %dma_start3A_8 = tpu.memref_slice %arg3[%dma_start3A_6, %dma_start3A_7] : memref<2048x1024xf32, #tpu.memory_space<hbm>> -> memref<2048x1024xf32, #tpu.memory_space<hbm>>
    tpu.enqueue_indirect_dma source(%dma_start3A_8 : memref<2048x1024xf32, #tpu.memory_space<hbm>>) target(%arg6 : memref<48x1024xf32, #tpu.memory_space<vmem>>) offsets(%dma_start3A_5 : memref<48xi32, #tpu.memory_space<vmem>>) semaphore(%arg8 : memref<!tpu.dma_semaphore, #tpu.memory_space<semaphore_mem>>)
    %dma_start3A_9 = arith.constant 1 : i32
    %dma_start3A_10 = arith.constant 0 : i32
    %dma_start3A_11 = tpu.memref_slice %arg5[%dma_start3A_9, %dma_start3A_10] : memref<4x48xi32, #tpu.memory_space<vmem>> -> memref<1x48xi32, #tpu.memory_space<vmem>>
    %dma_start3A_12 = tpu.memref_squeeze %dma_start3A_11 : memref<1x48xi32, #tpu.memory_space<vmem>> -> memref<48xi32, #tpu.memory_space<vmem>>
    %dma_start3A_13 = arith.constant 0 : i32
    %dma_start3A_14 = arith.constant 0 : i32
    %dma_start3A_15 = tpu.memref_slice %arg3[%dma_start3A_13, %dma_start3A_14] : memref<2048x1024xf32, #tpu.memory_space<hbm>> -> memref<2048x1024xf32, #tpu.memory_space<hbm>>
    tpu.enqueue_indirect_dma source(%dma_start3A_15 : memref<2048x1024xf32, #tpu.memory_space<hbm>>) target(%arg7 : memref<48x1024xf32, #tpu.memory_space<vmem>>) offsets(%dma_start3A_12 : memref<48xi32, #tpu.memory_space<vmem>>) semaphore(%arg9 : memref<!tpu.dma_semaphore, #tpu.memory_space<semaphore_mem>>)
    %dma_wait3A = arith.constant 0 : i32
    %dma_wait3A_16 = arith.constant 0 : i32
    %dma_wait3A_17 = tpu.memref_slice %arg5[%dma_wait3A, %dma_wait3A_16] : memref<4x48xi32, #tpu.memory_space<vmem>> -> memref<1x48xi32, #tpu.memory_space<vmem>>
    %dma_wait3A_18 = tpu.memref_squeeze %dma_wait3A_17 : memref<1x48xi32, #tpu.memory_space<vmem>> -> memref<48xi32, #tpu.memory_space<vmem>>
    %dma_wait3A_19 = arith.constant 0 : i32
    %dma_wait3A_20 = arith.constant 0 : i32
    %dma_wait3A_21 = tpu.memref_slice %arg3[%dma_wait3A_19, %dma_wait3A_20] : memref<2048x1024xf32, #tpu.memory_space<hbm>> -> memref<2048x1024xf32, #tpu.memory_space<hbm>>
    tpu.wait_indirect_dma semaphore(%arg8 : memref<!tpu.dma_semaphore, #tpu.memory_space<semaphore_mem>>) src(%dma_wait3A_21 : memref<2048x1024xf32, #tpu.memory_space<hbm>>) dst(%arg6 : memref<48x1024xf32, #tpu.memory_space<vmem>>)
    %add3A_22 = arith.constant 0 : i32
    %add3A_23 = arith.addi %mul3A_2, %add3A_22 : i32
    %dma_start3A_24 = arith.constant 0 : i32
    %dma_start3A_25 = tpu.memref_slice %arg4[%add3A_23, %dma_start3A_24] : memref<6144x1024xf32, #tpu.memory_space<hbm>> -> memref<48x1024xf32, #tpu.memory_space<hbm>>
    %dma_start3A_26 = arith.constant 0 : i32
    %dma_start3A_27 = tpu.memref_slice %arg4[%add3A_23, %dma_start3A_26] : memref<6144x1024xf32, #tpu.memory_space<hbm>> -> memref<48x1024xf32, #tpu.memory_space<hbm>>
    tpu.enqueue_dma source(%arg6 : memref<48x1024xf32, #tpu.memory_space<vmem>>) target(%dma_start3A_27 : memref<48x1024xf32, #tpu.memory_space<hbm>>) target_semaphore(%arg10 : memref<!tpu.dma_semaphore, #tpu.memory_space<semaphore_mem>>)
    %dma_wait3A_28 = arith.constant 0 : i32
    %dma_wait3A_29 = tpu.memref_slice %arg4[%add3A_23, %dma_wait3A_28] : memref<6144x1024xf32, #tpu.memory_space<hbm>> -> memref<48x1024xf32, #tpu.memory_space<hbm>>
    %dma_wait3A_30 = arith.constant 0 : i32
    %dma_wait3A_31 = tpu.memref_slice %arg4[%add3A_23, %dma_wait3A_30] : memref<6144x1024xf32, #tpu.memory_space<hbm>> -> memref<48x1024xf32, #tpu.memory_space<hbm>>
    tpu.wait_dma2 semaphore(%arg10 : memref<!tpu.dma_semaphore, #tpu.memory_space<semaphore_mem>>) src(%arg6 : memref<48x1024xf32, #tpu.memory_space<vmem>>) dst(%dma_wait3A_31 : memref<48x1024xf32, #tpu.memory_space<hbm>>)
    %dma_start3A_32 = arith.constant 2 : i32
    %dma_start3A_33 = arith.constant 0 : i32
    %dma_start3A_34 = tpu.memref_slice %arg5[%dma_start3A_32, %dma_start3A_33] : memref<4x48xi32, #tpu.memory_space<vmem>> -> memref<1x48xi32, #tpu.memory_space<vmem>>
    %dma_start3A_35 = tpu.memref_squeeze %dma_start3A_34 : memref<1x48xi32, #tpu.memory_space<vmem>> -> memref<48xi32, #tpu.memory_space<vmem>>
    %dma_start3A_36 = arith.constant 0 : i32
    %dma_start3A_37 = arith.constant 0 : i32
    %dma_start3A_38 = tpu.memref_slice %arg3[%dma_start3A_36, %dma_start3A_37] : memref<2048x1024xf32, #tpu.memory_space<hbm>> -> memref<2048x1024xf32, #tpu.memory_space<hbm>>
    tpu.enqueue_indirect_dma source(%dma_start3A_38 : memref<2048x1024xf32, #tpu.memory_space<hbm>>) target(%arg6 : memref<48x1024xf32, #tpu.memory_space<vmem>>) offsets(%dma_start3A_35 : memref<48xi32, #tpu.memory_space<vmem>>) semaphore(%arg8 : memref<!tpu.dma_semaphore, #tpu.memory_space<semaphore_mem>>)
    %dma_wait3A_39 = arith.constant 1 : i32
    %dma_wait3A_40 = arith.constant 0 : i32
    %dma_wait3A_41 = tpu.memref_slice %arg5[%dma_wait3A_39, %dma_wait3A_40] : memref<4x48xi32, #tpu.memory_space<vmem>> -> memref<1x48xi32, #tpu.memory_space<vmem>>
    %dma_wait3A_42 = tpu.memref_squeeze %dma_wait3A_41 : memref<1x48xi32, #tpu.memory_space<vmem>> -> memref<48xi32, #tpu.memory_space<vmem>>
    %dma_wait3A_43 = arith.constant 0 : i32
    %dma_wait3A_44 = arith.constant 0 : i32
    %dma_wait3A_45 = tpu.memref_slice %arg3[%dma_wait3A_43, %dma_wait3A_44] : memref<2048x1024xf32, #tpu.memory_space<hbm>> -> memref<2048x1024xf32, #tpu.memory_space<hbm>>
    tpu.wait_indirect_dma semaphore(%arg9 : memref<!tpu.dma_semaphore, #tpu.memory_space<semaphore_mem>>) src(%dma_wait3A_45 : memref<2048x1024xf32, #tpu.memory_space<hbm>>) dst(%arg7 : memref<48x1024xf32, #tpu.memory_space<vmem>>)
    %add3A_46 = arith.constant 48 : i32
    %add3A_47 = arith.addi %mul3A_2, %add3A_46 : i32
    %dma_start3A_48 = arith.constant 0 : i32
    %dma_start3A_49 = tpu.memref_slice %arg4[%add3A_47, %dma_start3A_48] : memref<6144x1024xf32, #tpu.memory_space<hbm>> -> memref<48x1024xf32, #tpu.memory_space<hbm>>
    %dma_start3A_50 = arith.constant 0 : i32
    %dma_start3A_51 = tpu.memref_slice %arg4[%add3A_47, %dma_start3A_50] : memref<6144x1024xf32, #tpu.memory_space<hbm>> -> memref<48x1024xf32, #tpu.memory_space<hbm>>
    tpu.enqueue_dma source(%arg7 : memref<48x1024xf32, #tpu.memory_space<vmem>>) target(%dma_start3A_51 : memref<48x1024xf32, #tpu.memory_space<hbm>>) target_semaphore(%arg11 : memref<!tpu.dma_semaphore, #tpu.memory_space<semaphore_mem>>)
    %dma_wait3A_52 = arith.constant 0 : i32
    %dma_wait3A_53 = tpu.memref_slice %arg4[%add3A_47, %dma_wait3A_52] : memref<6144x1024xf32, #tpu.memory_space<hbm>> -> memref<48x1024xf32, #tpu.memory_space<hbm>>
    %dma_wait3A_54 = arith.constant 0 : i32
    %dma_wait3A_55 = tpu.memref_slice %arg4[%add3A_47, %dma_wait3A_54] : memref<6144x1024xf32, #tpu.memory_space<hbm>> -> memref<48x1024xf32, #tpu.memory_space<hbm>>
    tpu.wait_dma2 semaphore(%arg11 : memref<!tpu.dma_semaphore, #tpu.memory_space<semaphore_mem>>) src(%arg7 : memref<48x1024xf32, #tpu.memory_space<vmem>>) dst(%dma_wait3A_55 : memref<48x1024xf32, #tpu.memory_space<hbm>>)
    %dma_start3A_56 = arith.constant 3 : i32
    %dma_start3A_57 = arith.constant 0 : i32
    %dma_start3A_58 = tpu.memref_slice %arg5[%dma_start3A_56, %dma_start3A_57] : memref<4x48xi32, #tpu.memory_space<vmem>> -> memref<1x48xi32, #tpu.memory_space<vmem>>
    %dma_start3A_59 = tpu.memref_squeeze %dma_start3A_58 : memref<1x48xi32, #tpu.memory_space<vmem>> -> memref<48xi32, #tpu.memory_space<vmem>>
    %dma_start3A_60 = arith.constant 0 : i32
    %dma_start3A_61 = arith.constant 0 : i32
    %dma_start3A_62 = tpu.memref_slice %arg3[%dma_start3A_60, %dma_start3A_61] : memref<2048x1024xf32, #tpu.memory_space<hbm>> -> memref<2048x1024xf32, #tpu.memory_space<hbm>>
    tpu.enqueue_indirect_dma source(%dma_start3A_62 : memref<2048x1024xf32, #tpu.memory_space<hbm>>) target(%arg7 : memref<48x1024xf32, #tpu.memory_space<vmem>>) offsets(%dma_start3A_59 : memref<48xi32, #tpu.memory_space<vmem>>) semaphore(%arg9 : memref<!tpu.dma_semaphore, #tpu.memory_space<semaphore_mem>>)
    %dma_wait3A_63 = arith.constant 2 : i32
    %dma_wait3A_64 = arith.constant 0 : i32
    %dma_wait3A_65 = tpu.memref_slice %arg5[%dma_wait3A_63, %dma_wait3A_64] : memref<4x48xi32, #tpu.memory_space<vmem>> -> memref<1x48xi32, #tpu.memory_space<vmem>>
    %dma_wait3A_66 = tpu.memref_squeeze %dma_wait3A_65 : memref<1x48xi32, #tpu.memory_space<vmem>> -> memref<48xi32, #tpu.memory_space<vmem>>
    %dma_wait3A_67 = arith.constant 0 : i32
    %dma_wait3A_68 = arith.constant 0 : i32
    %dma_wait3A_69 = tpu.memref_slice %arg3[%dma_wait3A_67, %dma_wait3A_68] : memref<2048x1024xf32, #tpu.memory_space<hbm>> -> memref<2048x1024xf32, #tpu.memory_space<hbm>>
    tpu.wait_indirect_dma semaphore(%arg8 : memref<!tpu.dma_semaphore, #tpu.memory_space<semaphore_mem>>) src(%dma_wait3A_69 : memref<2048x1024xf32, #tpu.memory_space<hbm>>) dst(%arg6 : memref<48x1024xf32, #tpu.memory_space<vmem>>)
    %add3A_70 = arith.constant 96 : i32
    %add3A_71 = arith.addi %mul3A_2, %add3A_70 : i32
    %dma_start3A_72 = arith.constant 0 : i32
    %dma_start3A_73 = tpu.memref_slice %arg4[%add3A_71, %dma_start3A_72] : memref<6144x1024xf32, #tpu.memory_space<hbm>> -> memref<48x1024xf32, #tpu.memory_space<hbm>>
    %dma_start3A_74 = arith.constant 0 : i32
    %dma_start3A_75 = tpu.memref_slice %arg4[%add3A_71, %dma_start3A_74] : memref<6144x1024xf32, #tpu.memory_space<hbm>> -> memref<48x1024xf32, #tpu.memory_space<hbm>>
    tpu.enqueue_dma source(%arg6 : memref<48x1024xf32, #tpu.memory_space<vmem>>) target(%dma_start3A_75 : memref<48x1024xf32, #tpu.memory_space<hbm>>) target_semaphore(%arg10 : memref<!tpu.dma_semaphore, #tpu.memory_space<semaphore_mem>>)
    %dma_wait3A_76 = arith.constant 3 : i32
    %dma_wait3A_77 = arith.constant 0 : i32
    %dma_wait3A_78 = tpu.memref_slice %arg5[%dma_wait3A_76, %dma_wait3A_77] : memref<4x48xi32, #tpu.memory_space<vmem>> -> memref<1x48xi32, #tpu.memory_space<vmem>>
    %dma_wait3A_79 = tpu.memref_squeeze %dma_wait3A_78 : memref<1x48xi32, #tpu.memory_space<vmem>> -> memref<48xi32, #tpu.memory_space<vmem>>
    %dma_wait3A_80 = arith.constant 0 : i32
    %dma_wait3A_81 = arith.constant 0 : i32
    %dma_wait3A_82 = tpu.memref_slice %arg3[%dma_wait3A_80, %dma_wait3A_81] : memref<2048x1024xf32, #tpu.memory_space<hbm>> -> memref<2048x1024xf32, #tpu.memory_space<hbm>>
    tpu.wait_indirect_dma semaphore(%arg9 : memref<!tpu.dma_semaphore, #tpu.memory_space<semaphore_mem>>) src(%dma_wait3A_82 : memref<2048x1024xf32, #tpu.memory_space<hbm>>) dst(%arg7 : memref<48x1024xf32, #tpu.memory_space<vmem>>)
    %add3A_83 = arith.constant 144 : i32
    %add3A_84 = arith.addi %mul3A_2, %add3A_83 : i32
    %dma_start3A_85 = arith.constant 0 : i32
    %dma_start3A_86 = tpu.memref_slice %arg4[%add3A_84, %dma_start3A_85] : memref<6144x1024xf32, #tpu.memory_space<hbm>> -> memref<48x1024xf32, #tpu.memory_space<hbm>>
    %dma_start3A_87 = arith.constant 0 : i32
    %dma_start3A_88 = tpu.memref_slice %arg4[%add3A_84, %dma_start3A_87] : memref<6144x1024xf32, #tpu.memory_space<hbm>> -> memref<48x1024xf32, #tpu.memory_space<hbm>>
    tpu.enqueue_dma source(%arg7 : memref<48x1024xf32, #tpu.memory_space<vmem>>) target(%dma_start3A_88 : memref<48x1024xf32, #tpu.memory_space<hbm>>) target_semaphore(%arg11 : memref<!tpu.dma_semaphore, #tpu.memory_space<semaphore_mem>>)
    %dma_wait3A_89 = arith.constant 0 : i32
    %dma_wait3A_90 = tpu.memref_slice %arg4[%add3A_71, %dma_wait3A_89] : memref<6144x1024xf32, #tpu.memory_space<hbm>> -> memref<48x1024xf32, #tpu.memory_space<hbm>>
    %dma_wait3A_91 = arith.constant 0 : i32
    %dma_wait3A_92 = tpu.memref_slice %arg4[%add3A_71, %dma_wait3A_91] : memref<6144x1024xf32, #tpu.memory_space<hbm>> -> memref<48x1024xf32, #tpu.memory_space<hbm>>
    tpu.wait_dma2 semaphore(%arg10 : memref<!tpu.dma_semaphore, #tpu.memory_space<semaphore_mem>>) src(%arg6 : memref<48x1024xf32, #tpu.memory_space<vmem>>) dst(%dma_wait3A_92 : memref<48x1024xf32, #tpu.memory_space<hbm>>)
    %dma_wait3A_93 = arith.constant 0 : i32
    %dma_wait3A_94 = tpu.memref_slice %arg4[%add3A_84, %dma_wait3A_93] : memref<6144x1024xf32, #tpu.memory_space<hbm>> -> memref<48x1024xf32, #tpu.memory_space<hbm>>
    %dma_wait3A_95 = arith.constant 0 : i32
    %dma_wait3A_96 = tpu.memref_slice %arg4[%add3A_84, %dma_wait3A_95] : memref<6144x1024xf32, #tpu.memory_space<hbm>> -> memref<48x1024xf32, #tpu.memory_space<hbm>>
    tpu.wait_dma2 semaphore(%arg11 : memref<!tpu.dma_semaphore, #tpu.memory_space<semaphore_mem>>) src(%arg7 : memref<48x1024xf32, #tpu.memory_space<vmem>>) dst(%dma_wait3A_96 : memref<48x1024xf32, #tpu.memory_space<hbm>>)
    return
  }
}

#map = affine_map<(d0, d1) -> (0, 0, 0)>
#map1 = affine_map<(d0, d1) -> (0, 0)>
module attributes {stable_mosaic.version = 14 : i64} {
  func.func @_sc_combine_body(%arg0: i32, %arg1: i32, %arg2: memref<32x2x32xi32, #tpu.memory_space<hbm>>, %arg3: memref<32x2x32xi32, #tpu.memory_space<hbm>>, %arg4: memref<6144x1024xf32, #tpu.memory_space<hbm>>, %arg5: memref<2048x1024xf32, #tpu.memory_space<hbm>>, %arg6: memref<2x32xi32, #tpu.memory_space<vmem>>, %arg7: memref<2x32xi32, #tpu.memory_space<vmem>>, %arg8: memref<32x1024xf32, #tpu.memory_space<vmem>>, %arg9: memref<32x1024xf32, #tpu.memory_space<vmem>>, %arg10: memref<!tpu.dma_semaphore, #tpu.memory_space<semaphore_mem>>, %arg11: memref<!tpu.dma_semaphore, #tpu.memory_space<semaphore_mem>>, %arg12: memref<!tpu.dma_semaphore, #tpu.memory_space<semaphore_mem>>) attributes {dimension_semantics = [#tpu.dimension_semantics<core_parallel>, #tpu.dimension_semantics<subcore_parallel>], iteration_bounds = array<i64: 2, 16>, scalar_prefetch = 0 : i64, scratch_operands = 7 : i64, tpu.core_type = #tpu.core_type<sc_vector_subcore>, window_params = [{transform_indices = #map}, {transform_indices = #map}, {transform_indices = #map1}, {transform_indices = #map1}]} {
    %mul3A = arith.constant 2 : i32
    %mul3A_0 = arith.muli %arg1, %mul3A : i32
    %add3A = arith.addi %mul3A_0, %arg0 : i32
    %mul3A_1 = arith.constant 64 : i32
    %mul3A_2 = arith.muli %add3A, %mul3A_1 : i32
    "tpu.region"() ({
      %run_scoped3A = tpu.sem_alloc : memref<!tpu.dma_semaphore, #tpu.memory_space<semaphore_mem>>
      %dma_start3A_74 = arith.constant 0 : i32
      %dma_start3A_75 = arith.constant 0 : i32
      %dma_start3A_76 = tpu.memref_slice %arg2[%add3A, %dma_start3A_74, %dma_start3A_75] : memref<32x2x32xi32, #tpu.memory_space<hbm>> -> memref<1x2x32xi32, #tpu.memory_space<hbm>>
      %dma_start3A_77 = tpu.memref_squeeze %dma_start3A_76 : memref<1x2x32xi32, #tpu.memory_space<hbm>> -> memref<2x32xi32, #tpu.memory_space<hbm>>
      %dma_start3A_78 = arith.constant 0 : i32
      %dma_start3A_79 = arith.constant 0 : i32
      %dma_start3A_80 = tpu.memref_slice %arg2[%add3A, %dma_start3A_78, %dma_start3A_79] : memref<32x2x32xi32, #tpu.memory_space<hbm>> -> memref<1x2x32xi32, #tpu.memory_space<hbm>>
      %dma_start3A_81 = tpu.memref_squeeze %dma_start3A_80 : memref<1x2x32xi32, #tpu.memory_space<hbm>> -> memref<2x32xi32, #tpu.memory_space<hbm>>
      tpu.enqueue_dma source(%dma_start3A_81 : memref<2x32xi32, #tpu.memory_space<hbm>>) target(%arg6 : memref<2x32xi32, #tpu.memory_space<vmem>>) target_semaphore(%run_scoped3A : memref<!tpu.dma_semaphore, #tpu.memory_space<semaphore_mem>>)
      %dma_wait3A_82 = arith.constant 0 : i32
      %dma_wait3A_83 = arith.constant 0 : i32
      %dma_wait3A_84 = tpu.memref_slice %arg2[%add3A, %dma_wait3A_82, %dma_wait3A_83] : memref<32x2x32xi32, #tpu.memory_space<hbm>> -> memref<1x2x32xi32, #tpu.memory_space<hbm>>
      %dma_wait3A_85 = tpu.memref_squeeze %dma_wait3A_84 : memref<1x2x32xi32, #tpu.memory_space<hbm>> -> memref<2x32xi32, #tpu.memory_space<hbm>>
      %dma_wait3A_86 = arith.constant 0 : i32
      %dma_wait3A_87 = arith.constant 0 : i32
      %dma_wait3A_88 = tpu.memref_slice %arg2[%add3A, %dma_wait3A_86, %dma_wait3A_87] : memref<32x2x32xi32, #tpu.memory_space<hbm>> -> memref<1x2x32xi32, #tpu.memory_space<hbm>>
      %dma_wait3A_89 = tpu.memref_squeeze %dma_wait3A_88 : memref<1x2x32xi32, #tpu.memory_space<hbm>> -> memref<2x32xi32, #tpu.memory_space<hbm>>
      tpu.wait_dma2 semaphore(%run_scoped3A : memref<!tpu.dma_semaphore, #tpu.memory_space<semaphore_mem>>) src(%dma_wait3A_89 : memref<2x32xi32, #tpu.memory_space<hbm>>) dst(%arg6 : memref<2x32xi32, #tpu.memory_space<vmem>>)
      tpu.yield
    }) : () -> ()
    "tpu.region"() ({
      %run_scoped3A = tpu.sem_alloc : memref<!tpu.dma_semaphore, #tpu.memory_space<semaphore_mem>>
      %dma_start3A_74 = arith.constant 0 : i32
      %dma_start3A_75 = arith.constant 0 : i32
      %dma_start3A_76 = tpu.memref_slice %arg3[%add3A, %dma_start3A_74, %dma_start3A_75] : memref<32x2x32xi32, #tpu.memory_space<hbm>> -> memref<1x2x32xi32, #tpu.memory_space<hbm>>
      %dma_start3A_77 = tpu.memref_squeeze %dma_start3A_76 : memref<1x2x32xi32, #tpu.memory_space<hbm>> -> memref<2x32xi32, #tpu.memory_space<hbm>>
      %dma_start3A_78 = arith.constant 0 : i32
      %dma_start3A_79 = arith.constant 0 : i32
      %dma_start3A_80 = tpu.memref_slice %arg3[%add3A, %dma_start3A_78, %dma_start3A_79] : memref<32x2x32xi32, #tpu.memory_space<hbm>> -> memref<1x2x32xi32, #tpu.memory_space<hbm>>
      %dma_start3A_81 = tpu.memref_squeeze %dma_start3A_80 : memref<1x2x32xi32, #tpu.memory_space<hbm>> -> memref<2x32xi32, #tpu.memory_space<hbm>>
      tpu.enqueue_dma source(%dma_start3A_81 : memref<2x32xi32, #tpu.memory_space<hbm>>) target(%arg7 : memref<2x32xi32, #tpu.memory_space<vmem>>) target_semaphore(%run_scoped3A : memref<!tpu.dma_semaphore, #tpu.memory_space<semaphore_mem>>)
      %dma_wait3A_82 = arith.constant 0 : i32
      %dma_wait3A_83 = arith.constant 0 : i32
      %dma_wait3A_84 = tpu.memref_slice %arg3[%add3A, %dma_wait3A_82, %dma_wait3A_83] : memref<32x2x32xi32, #tpu.memory_space<hbm>> -> memref<1x2x32xi32, #tpu.memory_space<hbm>>
      %dma_wait3A_85 = tpu.memref_squeeze %dma_wait3A_84 : memref<1x2x32xi32, #tpu.memory_space<hbm>> -> memref<2x32xi32, #tpu.memory_space<hbm>>
      %dma_wait3A_86 = arith.constant 0 : i32
      %dma_wait3A_87 = arith.constant 0 : i32
      %dma_wait3A_88 = tpu.memref_slice %arg3[%add3A, %dma_wait3A_86, %dma_wait3A_87] : memref<32x2x32xi32, #tpu.memory_space<hbm>> -> memref<1x2x32xi32, #tpu.memory_space<hbm>>
      %dma_wait3A_89 = tpu.memref_squeeze %dma_wait3A_88 : memref<1x2x32xi32, #tpu.memory_space<hbm>> -> memref<2x32xi32, #tpu.memory_space<hbm>>
      tpu.wait_dma2 semaphore(%run_scoped3A : memref<!tpu.dma_semaphore, #tpu.memory_space<semaphore_mem>>) src(%dma_wait3A_89 : memref<2x32xi32, #tpu.memory_space<hbm>>) dst(%arg7 : memref<2x32xi32, #tpu.memory_space<vmem>>)
      tpu.yield
    }) : () -> ()
    %dma_start3A = arith.constant 0 : i32
    %dma_start3A_3 = arith.constant 0 : i32
    %dma_start3A_4 = tpu.memref_slice %arg6[%dma_start3A, %dma_start3A_3] : memref<2x32xi32, #tpu.memory_space<vmem>> -> memref<1x32xi32, #tpu.memory_space<vmem>>
    %dma_start3A_5 = tpu.memref_squeeze %dma_start3A_4 : memref<1x32xi32, #tpu.memory_space<vmem>> -> memref<32xi32, #tpu.memory_space<vmem>>
    %dma_start3A_6 = arith.constant 0 : i32
    %dma_start3A_7 = arith.constant 0 : i32
    %dma_start3A_8 = tpu.memref_slice %arg4[%dma_start3A_6, %dma_start3A_7] : memref<6144x1024xf32, #tpu.memory_space<hbm>> -> memref<6144x1024xf32, #tpu.memory_space<hbm>>
    tpu.enqueue_indirect_dma source(%dma_start3A_8 : memref<6144x1024xf32, #tpu.memory_space<hbm>>) target(%arg8 : memref<32x1024xf32, #tpu.memory_space<vmem>>) offsets(%dma_start3A_5 : memref<32xi32, #tpu.memory_space<vmem>>) semaphore(%arg10 : memref<!tpu.dma_semaphore, #tpu.memory_space<semaphore_mem>>)
    %dma_start3A_9 = arith.constant 0 : i32
    %dma_start3A_10 = arith.constant 0 : i32
    %dma_start3A_11 = tpu.memref_slice %arg7[%dma_start3A_9, %dma_start3A_10] : memref<2x32xi32, #tpu.memory_space<vmem>> -> memref<1x32xi32, #tpu.memory_space<vmem>>
    %dma_start3A_12 = tpu.memref_squeeze %dma_start3A_11 : memref<1x32xi32, #tpu.memory_space<vmem>> -> memref<32xi32, #tpu.memory_space<vmem>>
    %dma_start3A_13 = arith.constant 0 : i32
    %dma_start3A_14 = arith.constant 0 : i32
    %dma_start3A_15 = tpu.memref_slice %arg4[%dma_start3A_13, %dma_start3A_14] : memref<6144x1024xf32, #tpu.memory_space<hbm>> -> memref<6144x1024xf32, #tpu.memory_space<hbm>>
    tpu.enqueue_indirect_dma source(%dma_start3A_15 : memref<6144x1024xf32, #tpu.memory_space<hbm>>) target(%arg9 : memref<32x1024xf32, #tpu.memory_space<vmem>>) offsets(%dma_start3A_12 : memref<32xi32, #tpu.memory_space<vmem>>) semaphore(%arg11 : memref<!tpu.dma_semaphore, #tpu.memory_space<semaphore_mem>>)
    %dma_wait3A = arith.constant 0 : i32
    %dma_wait3A_16 = arith.constant 0 : i32
    %dma_wait3A_17 = tpu.memref_slice %arg6[%dma_wait3A, %dma_wait3A_16] : memref<2x32xi32, #tpu.memory_space<vmem>> -> memref<1x32xi32, #tpu.memory_space<vmem>>
    %dma_wait3A_18 = tpu.memref_squeeze %dma_wait3A_17 : memref<1x32xi32, #tpu.memory_space<vmem>> -> memref<32xi32, #tpu.memory_space<vmem>>
    %dma_wait3A_19 = arith.constant 0 : i32
    %dma_wait3A_20 = arith.constant 0 : i32
    %dma_wait3A_21 = tpu.memref_slice %arg4[%dma_wait3A_19, %dma_wait3A_20] : memref<6144x1024xf32, #tpu.memory_space<hbm>> -> memref<6144x1024xf32, #tpu.memory_space<hbm>>
    tpu.wait_indirect_dma semaphore(%arg10 : memref<!tpu.dma_semaphore, #tpu.memory_space<semaphore_mem>>) src(%dma_wait3A_21 : memref<6144x1024xf32, #tpu.memory_space<hbm>>) dst(%arg8 : memref<32x1024xf32, #tpu.memory_space<vmem>>)
    %dma_wait3A_22 = arith.constant 0 : i32
    %dma_wait3A_23 = arith.constant 0 : i32
    %dma_wait3A_24 = tpu.memref_slice %arg7[%dma_wait3A_22, %dma_wait3A_23] : memref<2x32xi32, #tpu.memory_space<vmem>> -> memref<1x32xi32, #tpu.memory_space<vmem>>
    %dma_wait3A_25 = tpu.memref_squeeze %dma_wait3A_24 : memref<1x32xi32, #tpu.memory_space<vmem>> -> memref<32xi32, #tpu.memory_space<vmem>>
    %dma_wait3A_26 = arith.constant 0 : i32
    %dma_wait3A_27 = arith.constant 0 : i32
    %dma_wait3A_28 = tpu.memref_slice %arg4[%dma_wait3A_26, %dma_wait3A_27] : memref<6144x1024xf32, #tpu.memory_space<hbm>> -> memref<6144x1024xf32, #tpu.memory_space<hbm>>
    tpu.wait_indirect_dma semaphore(%arg11 : memref<!tpu.dma_semaphore, #tpu.memory_space<semaphore_mem>>) src(%dma_wait3A_28 : memref<6144x1024xf32, #tpu.memory_space<hbm>>) dst(%arg9 : memref<32x1024xf32, #tpu.memory_space<vmem>>)
    %scan3A = arith.constant 0 : i32
    %scan3A_29 = arith.constant 0 : i32
    %scan3A_30 = arith.constant 32 : i32
    %scan3A_31 = arith.addi %scan3A_29, %scan3A_30 : i32
    %scan3A_32 = arith.constant 1 : i32
    %scan3A_33 = scf.for %scan3A_74 = %scan3A_29 to %scan3A_31 step %scan3A_32 iter_args(%scan3A_75 = %scan3A) -> (i32)  : i32 {
      %get3A = arith.index_cast %scan3A_74 : i32 to index
      %get3A_76 = arith.constant 0 : index
      %get3A_77 = tpu.vector_load %arg8[%get3A, %get3A_76] {strides = array<i32>} : memref<32x1024xf32, #tpu.memory_space<vmem>>, vector<1x16xf32>,
      %get3A_78 = vector.shape_cast %get3A_77 : vector<1x16xf32> to vector<16xf32>
      %get3A_79 = arith.index_cast %scan3A_74 : i32 to index
      %get3A_80 = arith.constant 0 : index
      %get3A_81 = tpu.vector_load %arg9[%get3A_79, %get3A_80] {strides = array<i32>} : memref<32x1024xf32, #tpu.memory_space<vmem>>, vector<1x16xf32>,
      %get3A_82 = vector.shape_cast %get3A_81 : vector<1x16xf32> to vector<16xf32>
      %add3A_83 = arith.addf %get3A_78, %get3A_82 : vector<16xf32>
      %swap3A = arith.index_cast %scan3A_74 : i32 to index
      %swap3A_84 = arith.constant 0 : index
      %swap3A_85 = tpu.vector_load %arg8[%swap3A, %swap3A_84] {strides = array<i32>} : memref<32x1024xf32, #tpu.memory_space<vmem>>, vector<1x16xf32>,
      %swap3A_86 = vector.shape_cast %swap3A_85 : vector<1x16xf32> to vector<16xf32>
      %swap3A_87 = vector.shape_cast %add3A_83 : vector<16xf32> to vector<1x16xf32>
      tpu.vector_store %arg8[%swap3A, %swap3A_84], %swap3A_87 {strides = array<i32>} : memref<32x1024xf32, #tpu.memory_space<vmem>>, vector<1x16xf32>,
      %get3A_88 = arith.index_cast %scan3A_74 : i32 to index
      %get3A_89 = arith.constant 16 : index
      %get3A_90 = tpu.vector_load %arg8[%get3A_88, %get3A_89] {strides = array<i32>} : memref<32x1024xf32, #tpu.memory_space<vmem>>, vector<1x16xf32>,
      %get3A_91 = vector.shape_cast %get3A_90 : vector<1x16xf32> to vector<16xf32>
      %get3A_92 = arith.index_cast %scan3A_74 : i32 to index
      %get3A_93 = arith.constant 16 : index
      %get3A_94 = tpu.vector_load %arg9[%get3A_92, %get3A_93] {strides = array<i32>} : memref<32x1024xf32, #tpu.memory_space<vmem>>, vector<1x16xf32>,
      %get3A_95 = vector.shape_cast %get3A_94 : vector<1x16xf32> to vector<16xf32>
      %add3A_96 = arith.addf %get3A_91, %get3A_95 : vector<16xf32>
      %swap3A_97 = arith.index_cast %scan3A_74 : i32 to index
      %swap3A_98 = arith.constant 16 : index
      %swap3A_99 = tpu.vector_load %arg8[%swap3A_97, %swap3A_98] {strides = array<i32>} : memref<32x1024xf32, #tpu.memory_space<vmem>>, vector<1x16xf32>,
      %swap3A_100 = vector.shape_cast %swap3A_99 : vector<1x16xf32> to vector<16xf32>
      %swap3A_101 = vector.shape_cast %add3A_96 : vector<16xf32> to vector<1x16xf32>
      tpu.vector_store %arg8[%swap3A_97, %swap3A_98], %swap3A_101 {strides = array<i32>} : memref<32x1024xf32, #tpu.memory_space<vmem>>, vector<1x16xf32>,
      %get3A_102 = arith.index_cast %scan3A_74 : i32 to index
      %get3A_103 = arith.constant 32 : index
      %get3A_104 = tpu.vector_load %arg8[%get3A_102, %get3A_103] {strides = array<i32>} : memref<32x1024xf32, #tpu.memory_space<vmem>>, vector<1x16xf32>,
      %get3A_105 = vector.shape_cast %get3A_104 : vector<1x16xf32> to vector<16xf32>
      %get3A_106 = arith.index_cast %scan3A_74 : i32 to index
      %get3A_107 = arith.constant 32 : index
      %get3A_108 = tpu.vector_load %arg9[%get3A_106, %get3A_107] {strides = array<i32>} : memref<32x1024xf32, #tpu.memory_space<vmem>>, vector<1x16xf32>,
      %get3A_109 = vector.shape_cast %get3A_108 : vector<1x16xf32> to vector<16xf32>
      %add3A_110 = arith.addf %get3A_105, %get3A_109 : vector<16xf32>
      %swap3A_111 = arith.index_cast %scan3A_74 : i32 to index
      %swap3A_112 = arith.constant 32 : index
      %swap3A_113 = tpu.vector_load %arg8[%swap3A_111, %swap3A_112] {strides = array<i32>} : memref<32x1024xf32, #tpu.memory_space<vmem>>, vector<1x16xf32>,
      %swap3A_114 = vector.shape_cast %swap3A_113 : vector<1x16xf32> to vector<16xf32>
      %swap3A_115 = vector.shape_cast %add3A_110 : vector<16xf32> to vector<1x16xf32>
      tpu.vector_store %arg8[%swap3A_111, %swap3A_112], %swap3A_115 {strides = array<i32>} : memref<32x1024xf32, #tpu.memory_space<vmem>>, vector<1x16xf32>,
      %get3A_116 = arith.index_cast %scan3A_74 : i32 to index
      %get3A_117 = arith.constant 48 : index
      %get3A_118 = tpu.vector_load %arg8[%get3A_116, %get3A_117] {strides = array<i32>} : memref<32x1024xf32, #tpu.memory_space<vmem>>, vector<1x16xf32>,
      %get3A_119 = vector.shape_cast %get3A_118 : vector<1x16xf32> to vector<16xf32>
      %get3A_120 = arith.index_cast %scan3A_74 : i32 to index
      %get3A_121 = arith.constant 48 : index
      %get3A_122 = tpu.vector_load %arg9[%get3A_120, %get3A_121] {strides = array<i32>} : memref<32x1024xf32, #tpu.memory_space<vmem>>, vector<1x16xf32>,
      %get3A_123 = vector.shape_cast %get3A_122 : vector<1x16xf32> to vector<16xf32>
      %add3A_124 = arith.addf %get3A_119, %get3A_123 : vector<16xf32>
      %swap3A_125 = arith.index_cast %scan3A_74 : i32 to index
      %swap3A_126 = arith.constant 48 : index
      %swap3A_127 = tpu.vector_load %arg8[%swap3A_125, %swap3A_126] {strides = array<i32>} : memref<32x1024xf32, #tpu.memory_space<vmem>>, vector<1x16xf32>,
      %swap3A_128 = vector.shape_cast %swap3A_127 : vector<1x16xf32> to vector<16xf32>
      %swap3A_129 = vector.shape_cast %add3A_124 : vector<16xf32> to vector<1x16xf32>
      tpu.vector_store %arg8[%swap3A_125, %swap3A_126], %swap3A_129 {strides = array<i32>} : memref<32x1024xf32, #tpu.memory_space<vmem>>, vector<1x16xf32>,
      %get3A_130 = arith.index_cast %scan3A_74 : i32 to index
      %get3A_131 = arith.constant 64 : index
      %get3A_132 = tpu.vector_load %arg8[%get3A_130, %get3A_131] {strides = array<i32>} : memref<32x1024xf32, #tpu.memory_space<vmem>>, vector<1x16xf32>,
      %get3A_133 = vector.shape_cast %get3A_132 : vector<1x16xf32> to vector<16xf32>
      %get3A_134 = arith.index_cast %scan3A_74 : i32 to index
      %get3A_135 = arith.constant 64 : index
      %get3A_136 = tpu.vector_load %arg9[%get3A_134, %get3A_135] {strides = array<i32>} : memref<32x1024xf32, #tpu.memory_space<vmem>>, vector<1x16xf32>,
      %get3A_137 = vector.shape_cast %get3A_136 : vector<1x16xf32> to vector<16xf32>
      %add3A_138 = arith.addf %get3A_133, %get3A_137 : vector<16xf32>
      %swap3A_139 = arith.index_cast %scan3A_74 : i32 to index
      %swap3A_140 = arith.constant 64 : index
      %swap3A_141 = tpu.vector_load %arg8[%swap3A_139, %swap3A_140] {strides = array<i32>} : memref<32x1024xf32, #tpu.memory_space<vmem>>, vector<1x16xf32>,
      %swap3A_142 = vector.shape_cast %swap3A_141 : vector<1x16xf32> to vector<16xf32>
      %swap3A_143 = vector.shape_cast %add3A_138 : vector<16xf32> to vector<1x16xf32>
      tpu.vector_store %arg8[%swap3A_139, %swap3A_140], %swap3A_143 {strides = array<i32>} : memref<32x1024xf32, #tpu.memory_space<vmem>>, vector<1x16xf32>,
      %get3A_144 = arith.index_cast %scan3A_74 : i32 to index
      %get3A_145 = arith.constant 80 : index
      %get3A_146 = tpu.vector_load %arg8[%get3A_144, %get3A_145] {strides = array<i32>} : memref<32x1024xf32, #tpu.memory_space<vmem>>, vector<1x16xf32>,
      %get3A_147 = vector.shape_cast %get3A_146 : vector<1x16xf32> to vector<16xf32>
      %get3A_148 = arith.index_cast %scan3A_74 : i32 to index
      %get3A_149 = arith.constant 80 : index
      %get3A_150 = tpu.vector_load %arg9[%get3A_148, %get3A_149] {strides = array<i32>} : memref<32x1024xf32, #tpu.memory_space<vmem>>, vector<1x16xf32>,
      %get3A_151 = vector.shape_cast %get3A_150 : vector<1x16xf32> to vector<16xf32>
      %add3A_152 = arith.addf %get3A_147, %get3A_151 : vector<16xf32>
      %swap3A_153 = arith.index_cast %scan3A_74 : i32 to index
      %swap3A_154 = arith.constant 80 : index
      %swap3A_155 = tpu.vector_load %arg8[%swap3A_153, %swap3A_154] {strides = array<i32>} : memref<32x1024xf32, #tpu.memory_space<vmem>>, vector<1x16xf32>,
      %swap3A_156 = vector.shape_cast %swap3A_155 : vector<1x16xf32> to vector<16xf32>
      %swap3A_157 = vector.shape_cast %add3A_152 : vector<16xf32> to vector<1x16xf32>
      tpu.vector_store %arg8[%swap3A_153, %swap3A_154], %swap3A_157 {strides = array<i32>} : memref<32x1024xf32, #tpu.memory_space<vmem>>, vector<1x16xf32>,
      %get3A_158 = arith.index_cast %scan3A_74 : i32 to index
      %get3A_159 = arith.constant 96 : index
      %get3A_160 = tpu.vector_load %arg8[%get3A_158, %get3A_159] {strides = array<i32>} : memref<32x1024xf32, #tpu.memory_space<vmem>>, vector<1x16xf32>,
      %get3A_161 = vector.shape_cast %get3A_160 : vector<1x16xf32> to vector<16xf32>
      %get3A_162 = arith.index_cast %scan3A_74 : i32 to index
      %get3A_163 = arith.constant 96 : index
      %get3A_164 = tpu.vector_load %arg9[%get3A_162, %get3A_163] {strides = array<i32>} : memref<32x1024xf32, #tpu.memory_space<vmem>>, vector<1x16xf32>,
      %get3A_165 = vector.shape_cast %get3A_164 : vector<1x16xf32> to vector<16xf32>
      %add3A_166 = arith.addf %get3A_161, %get3A_165 : vector<16xf32>
      %swap3A_167 = arith.index_cast %scan3A_74 : i32 to index
      %swap3A_168 = arith.constant 96 : index
      %swap3A_169 = tpu.vector_load %arg8[%swap3A_167, %swap3A_168] {strides = array<i32>} : memref<32x1024xf32, #tpu.memory_space<vmem>>, vector<1x16xf32>,
      %swap3A_170 = vector.shape_cast %swap3A_169 : vector<1x16xf32> to vector<16xf32>
      %swap3A_171 = vector.shape_cast %add3A_166 : vector<16xf32> to vector<1x16xf32>
      tpu.vector_store %arg8[%swap3A_167, %swap3A_168], %swap3A_171 {strides = array<i32>} : memref<32x1024xf32, #tpu.memory_space<vmem>>, vector<1x16xf32>,
      %get3A_172 = arith.index_cast %scan3A_74 : i32 to index
      %get3A_173 = arith.constant 112 : index
      %get3A_174 = tpu.vector_load %arg8[%get3A_172, %get3A_173] {strides = array<i32>} : memref<32x1024xf32, #tpu.memory_space<vmem>>, vector<1x16xf32>,
      %get3A_175 = vector.shape_cast %get3A_174 : vector<1x16xf32> to vector<16xf32>
      %get3A_176 = arith.index_cast %scan3A_74 : i32 to index
      %get3A_177 = arith.constant 112 : index
      %get3A_178 = tpu.vector_load %arg9[%get3A_176, %get3A_177] {strides = array<i32>} : memref<32x1024xf32, #tpu.memory_space<vmem>>, vector<1x16xf32>,
      %get3A_179 = vector.shape_cast %get3A_178 : vector<1x16xf32> to vector<16xf32>
      %add3A_180 = arith.addf %get3A_175, %get3A_179 : vector<16xf32>
      %swap3A_181 = arith.index_cast %scan3A_74 : i32 to index
      %swap3A_182 = arith.constant 112 : index
      %swap3A_183 = tpu.vector_load %arg8[%swap3A_181, %swap3A_182] {strides = array<i32>} : memref<32x1024xf32, #tpu.memory_space<vmem>>, vector<1x16xf32>,
      %swap3A_184 = vector.shape_cast %swap3A_183 : vector<1x16xf32> to vector<16xf32>
      %swap3A_185 = vector.shape_cast %add3A_180 : vector<16xf32> to vector<1x16xf32>
      tpu.vector_store %arg8[%swap3A_181, %swap3A_182], %swap3A_185 {strides = array<i32>} : memref<32x1024xf32, #tpu.memory_space<vmem>>, vector<1x16xf32>,
      %get3A_186 = arith.index_cast %scan3A_74 : i32 to index
      %get3A_187 = arith.constant 128 : index
      %get3A_188 = tpu.vector_load %arg8[%get3A_186, %get3A_187] {strides = array<i32>} : memref<32x1024xf32, #tpu.memory_space<vmem>>, vector<1x16xf32>,
      %get3A_189 = vector.shape_cast %get3A_188 : vector<1x16xf32> to vector<16xf32>
      %get3A_190 = arith.index_cast %scan3A_74 : i32 to index
      %get3A_191 = arith.constant 128 : index
      %get3A_192 = tpu.vector_load %arg9[%get3A_190, %get3A_191] {strides = array<i32>} : memref<32x1024xf32, #tpu.memory_space<vmem>>, vector<1x16xf32>,
      %get3A_193 = vector.shape_cast %get3A_192 : vector<1x16xf32> to vector<16xf32>
      %add3A_194 = arith.addf %get3A_189, %get3A_193 : vector<16xf32>
      %swap3A_195 = arith.index_cast %scan3A_74 : i32 to index
      %swap3A_196 = arith.constant 128 : index
      %swap3A_197 = tpu.vector_load %arg8[%swap3A_195, %swap3A_196] {strides = array<i32>} : memref<32x1024xf32, #tpu.memory_space<vmem>>, vector<1x16xf32>,
      %swap3A_198 = vector.shape_cast %swap3A_197 : vector<1x16xf32> to vector<16xf32>
      %swap3A_199 = vector.shape_cast %add3A_194 : vector<16xf32> to vector<1x16xf32>
      tpu.vector_store %arg8[%swap3A_195, %swap3A_196], %swap3A_199 {strides = array<i32>} : memref<32x1024xf32, #tpu.memory_space<vmem>>, vector<1x16xf32>,
      %get3A_200 = arith.index_cast %scan3A_74 : i32 to index
      %get3A_201 = arith.constant 144 : index
      %get3A_202 = tpu.vector_load %arg8[%get3A_200, %get3A_201] {strides = array<i32>} : memref<32x1024xf32, #tpu.memory_space<vmem>>, vector<1x16xf32>,
      %get3A_203 = vector.shape_cast %get3A_202 : vector<1x16xf32> to vector<16xf32>
      %get3A_204 = arith.index_cast %scan3A_74 : i32 to index
      %get3A_205 = arith.constant 144 : index
      %get3A_206 = tpu.vector_load %arg9[%get3A_204, %get3A_205] {strides = array<i32>} : memref<32x1024xf32, #tpu.memory_space<vmem>>, vector<1x16xf32>,
      %get3A_207 = vector.shape_cast %get3A_206 : vector<1x16xf32> to vector<16xf32>
      %add3A_208 = arith.addf %get3A_203, %get3A_207 : vector<16xf32>
      %swap3A_209 = arith.index_cast %scan3A_74 : i32 to index
      %swap3A_210 = arith.constant 144 : index
      %swap3A_211 = tpu.vector_load %arg8[%swap3A_209, %swap3A_210] {strides = array<i32>} : memref<32x1024xf32, #tpu.memory_space<vmem>>, vector<1x16xf32>,
      %swap3A_212 = vector.shape_cast %swap3A_211 : vector<1x16xf32> to vector<16xf32>
      %swap3A_213 = vector.shape_cast %add3A_208 : vector<16xf32> to vector<1x16xf32>
      tpu.vector_store %arg8[%swap3A_209, %swap3A_210], %swap3A_213 {strides = array<i32>} : memref<32x1024xf32, #tpu.memory_space<vmem>>, vector<1x16xf32>,
      %get3A_214 = arith.index_cast %scan3A_74 : i32 to index
      %get3A_215 = arith.constant 160 : index
      %get3A_216 = tpu.vector_load %arg8[%get3A_214, %get3A_215] {strides = array<i32>} : memref<32x1024xf32, #tpu.memory_space<vmem>>, vector<1x16xf32>,
      %get3A_217 = vector.shape_cast %get3A_216 : vector<1x16xf32> to vector<16xf32>
      %get3A_218 = arith.index_cast %scan3A_74 : i32 to index
      %get3A_219 = arith.constant 160 : index
      %get3A_220 = tpu.vector_load %arg9[%get3A_218, %get3A_219] {strides = array<i32>} : memref<32x1024xf32, #tpu.memory_space<vmem>>, vector<1x16xf32>,
      %get3A_221 = vector.shape_cast %get3A_220 : vector<1x16xf32> to vector<16xf32>
      %add3A_222 = arith.addf %get3A_217, %get3A_221 : vector<16xf32>
      %swap3A_223 = arith.index_cast %scan3A_74 : i32 to index
      %swap3A_224 = arith.constant 160 : index
      %swap3A_225 = tpu.vector_load %arg8[%swap3A_223, %swap3A_224] {strides = array<i32>} : memref<32x1024xf32, #tpu.memory_space<vmem>>, vector<1x16xf32>,
      %swap3A_226 = vector.shape_cast %swap3A_225 : vector<1x16xf32> to vector<16xf32>
      %swap3A_227 = vector.shape_cast %add3A_222 : vector<16xf32> to vector<1x16xf32>
      tpu.vector_store %arg8[%swap3A_223, %swap3A_224], %swap3A_227 {strides = array<i32>} : memref<32x1024xf32, #tpu.memory_space<vmem>>, vector<1x16xf32>,
      %get3A_228 = arith.index_cast %scan3A_74 : i32 to index
      %get3A_229 = arith.constant 176 : index
      %get3A_230 = tpu.vector_load %arg8[%get3A_228, %get3A_229] {strides = array<i32>} : memref<32x1024xf32, #tpu.memory_space<vmem>>, vector<1x16xf32>,
      %get3A_231 = vector.shape_cast %get3A_230 : vector<1x16xf32> to vector<16xf32>
      %get3A_232 = arith.index_cast %scan3A_74 : i32 to index
      %get3A_233 = arith.constant 176 : index
      %get3A_234 = tpu.vector_load %arg9[%get3A_232, %get3A_233] {strides = array<i32>} : memref<32x1024xf32, #tpu.memory_space<vmem>>, vector<1x16xf32>,
      %get3A_235 = vector.shape_cast %get3A_234 : vector<1x16xf32> to vector<16xf32>
      %add3A_236 = arith.addf %get3A_231, %get3A_235 : vector<16xf32>
      %swap3A_237 = arith.index_cast %scan3A_74 : i32 to index
      %swap3A_238 = arith.constant 176 : index
      %swap3A_239 = tpu.vector_load %arg8[%swap3A_237, %swap3A_238] {strides = array<i32>} : memref<32x1024xf32, #tpu.memory_space<vmem>>, vector<1x16xf32>,
      %swap3A_240 = vector.shape_cast %swap3A_239 : vector<1x16xf32> to vector<16xf32>
      %swap3A_241 = vector.shape_cast %add3A_236 : vector<16xf32> to vector<1x16xf32>
      tpu.vector_store %arg8[%swap3A_237, %swap3A_238], %swap3A_241 {strides = array<i32>} : memref<32x1024xf32, #tpu.memory_space<vmem>>, vector<1x16xf32>,
      %get3A_242 = arith.index_cast %scan3A_74 : i32 to index
      %get3A_243 = arith.constant 192 : index
      %get3A_244 = tpu.vector_load %arg8[%get3A_242, %get3A_243] {strides = array<i32>} : memref<32x1024xf32, #tpu.memory_space<vmem>>, vector<1x16xf32>,
      %get3A_245 = vector.shape_cast %get3A_244 : vector<1x16xf32> to vector<16xf32>
      %get3A_246 = arith.index_cast %scan3A_74 : i32 to index
      %get3A_247 = arith.constant 192 : index
      %get3A_248 = tpu.vector_load %arg9[%get3A_246, %get3A_247] {strides = array<i32>} : memref<32x1024xf32, #tpu.memory_space<vmem>>, vector<1x16xf32>,
      %get3A_249 = vector.shape_cast %get3A_248 : vector<1x16xf32> to vector<16xf32>
      %add3A_250 = arith.addf %get3A_245, %get3A_249 : vector<16xf32>
      %swap3A_251 = arith.index_cast %scan3A_74 : i32 to index
      %swap3A_252 = arith.constant 192 : index
      %swap3A_253 = tpu.vector_load %arg8[%swap3A_251, %swap3A_252] {strides = array<i32>} : memref<32x1024xf32, #tpu.memory_space<vmem>>, vector<1x16xf32>,
      %swap3A_254 = vector.shape_cast %swap3A_253 : vector<1x16xf32> to vector<16xf32>
      %swap3A_255 = vector.shape_cast %add3A_250 : vector<16xf32> to vector<1x16xf32>
      tpu.vector_store %arg8[%swap3A_251, %swap3A_252], %swap3A_255 {strides = array<i32>} : memref<32x1024xf32, #tpu.memory_space<vmem>>, vector<1x16xf32>,
      %get3A_256 = arith.index_cast %scan3A_74 : i32 to index
      %get3A_257 = arith.constant 208 : index
      %get3A_258 = tpu.vector_load %arg8[%get3A_256, %get3A_257] {strides = array<i32>} : memref<32x1024xf32, #tpu.memory_space<vmem>>, vector<1x16xf32>,
      %get3A_259 = vector.shape_cast %get3A_258 : vector<1x16xf32> to vector<16xf32>
      %get3A_260 = arith.index_cast %scan3A_74 : i32 to index
      %get3A_261 = arith.constant 208 : index
      %get3A_262 = tpu.vector_load %arg9[%get3A_260, %get3A_261] {strides = array<i32>} : memref<32x1024xf32, #tpu.memory_space<vmem>>, vector<1x16xf32>,
      %get3A_263 = vector.shape_cast %get3A_262 : vector<1x16xf32> to vector<16xf32>
      %add3A_264 = arith.addf %get3A_259, %get3A_263 : vector<16xf32>
      %swap3A_265 = arith.index_cast %scan3A_74 : i32 to index
      %swap3A_266 = arith.constant 208 : index
      %swap3A_267 = tpu.vector_load %arg8[%swap3A_265, %swap3A_266] {strides = array<i32>} : memref<32x1024xf32, #tpu.memory_space<vmem>>, vector<1x16xf32>,
      %swap3A_268 = vector.shape_cast %swap3A_267 : vector<1x16xf32> to vector<16xf32>
      %swap3A_269 = vector.shape_cast %add3A_264 : vector<16xf32> to vector<1x16xf32>
      tpu.vector_store %arg8[%swap3A_265, %swap3A_266], %swap3A_269 {strides = array<i32>} : memref<32x1024xf32, #tpu.memory_space<vmem>>, vector<1x16xf32>,
      %get3A_270 = arith.index_cast %scan3A_74 : i32 to index
      %get3A_271 = arith.constant 224 : index
      %get3A_272 = tpu.vector_load %arg8[%get3A_270, %get3A_271] {strides = array<i32>} : memref<32x1024xf32, #tpu.memory_space<vmem>>, vector<1x16xf32>,
      %get3A_273 = vector.shape_cast %get3A_272 : vector<1x16xf32> to vector<16xf32>
      %get3A_274 = arith.index_cast %scan3A_74 : i32 to index
      %get3A_275 = arith.constant 224 : index
      %get3A_276 = tpu.vector_load %arg9[%get3A_274, %get3A_275] {strides = array<i32>} : memref<32x1024xf32, #tpu.memory_space<vmem>>, vector<1x16xf32>,
      %get3A_277 = vector.shape_cast %get3A_276 : vector<1x16xf32> to vector<16xf32>
      %add3A_278 = arith.addf %get3A_273, %get3A_277 : vector<16xf32>
      %swap3A_279 = arith.index_cast %scan3A_74 : i32 to index
      %swap3A_280 = arith.constant 224 : index
      %swap3A_281 = tpu.vector_load %arg8[%swap3A_279, %swap3A_280] {strides = array<i32>} : memref<32x1024xf32, #tpu.memory_space<vmem>>, vector<1x16xf32>,
      %swap3A_282 = vector.shape_cast %swap3A_281 : vector<1x16xf32> to vector<16xf32>
      %swap3A_283 = vector.shape_cast %add3A_278 : vector<16xf32> to vector<1x16xf32>
      tpu.vector_store %arg8[%swap3A_279, %swap3A_280], %swap3A_283 {strides = array<i32>} : memref<32x1024xf32, #tpu.memory_space<vmem>>, vector<1x16xf32>,
      %get3A_284 = arith.index_cast %scan3A_74 : i32 to index
      %get3A_285 = arith.constant 240 : index
      %get3A_286 = tpu.vector_load %arg8[%get3A_284, %get3A_285] {strides = array<i32>} : memref<32x1024xf32, #tpu.memory_space<vmem>>, vector<1x16xf32>,
      %get3A_287 = vector.shape_cast %get3A_286 : vector<1x16xf32> to vector<16xf32>
      %get3A_288 = arith.index_cast %scan3A_74 : i32 to index
      %get3A_289 = arith.constant 240 : index
      %get3A_290 = tpu.vector_load %arg9[%get3A_288, %get3A_289] {strides = array<i32>} : memref<32x1024xf32, #tpu.memory_space<vmem>>, vector<1x16xf32>,
      %get3A_291 = vector.shape_cast %get3A_290 : vector<1x16xf32> to vector<16xf32>
      %add3A_292 = arith.addf %get3A_287, %get3A_291 : vector<16xf32>
      %swap3A_293 = arith.index_cast %scan3A_74 : i32 to index
      %swap3A_294 = arith.constant 240 : index
      %swap3A_295 = tpu.vector_load %arg8[%swap3A_293, %swap3A_294] {strides = array<i32>} : memref<32x1024xf32, #tpu.memory_space<vmem>>, vector<1x16xf32>,
      %swap3A_296 = vector.shape_cast %swap3A_295 : vector<1x16xf32> to vector<16xf32>
      %swap3A_297 = vector.shape_cast %add3A_292 : vector<16xf32> to vector<1x16xf32>
      tpu.vector_store %arg8[%swap3A_293, %swap3A_294], %swap3A_297 {strides = array<i32>} : memref<32x1024xf32, #tpu.memory_space<vmem>>, vector<1x16xf32>,
      %get3A_298 = arith.index_cast %scan3A_74 : i32 to index
      %get3A_299 = arith.constant 256 : index
      %get3A_300 = tpu.vector_load %arg8[%get3A_298, %get3A_299] {strides = array<i32>} : memref<32x1024xf32, #tpu.memory_space<vmem>>, vector<1x16xf32>,
      %get3A_301 = vector.shape_cast %get3A_300 : vector<1x16xf32> to vector<16xf32>
      %get3A_302 = arith.index_cast %scan3A_74 : i32 to index
      %get3A_303 = arith.constant 256 : index
      %get3A_304 = tpu.vector_load %arg9[%get3A_302, %get3A_303] {strides = array<i32>} : memref<32x1024xf32, #tpu.memory_space<vmem>>, vector<1x16xf32>,
      %get3A_305 = vector.shape_cast %get3A_304 : vector<1x16xf32> to vector<16xf32>
      %add3A_306 = arith.addf %get3A_301, %get3A_305 : vector<16xf32>
      %swap3A_307 = arith.index_cast %scan3A_74 : i32 to index
      %swap3A_308 = arith.constant 256 : index
      %swap3A_309 = tpu.vector_load %arg8[%swap3A_307, %swap3A_308] {strides = array<i32>} : memref<32x1024xf32, #tpu.memory_space<vmem>>, vector<1x16xf32>,
      %swap3A_310 = vector.shape_cast %swap3A_309 : vector<1x16xf32> to vector<16xf32>
      %swap3A_311 = vector.shape_cast %add3A_306 : vector<16xf32> to vector<1x16xf32>
      tpu.vector_store %arg8[%swap3A_307, %swap3A_308], %swap3A_311 {strides = array<i32>} : memref<32x1024xf32, #tpu.memory_space<vmem>>, vector<1x16xf32>,
      %get3A_312 = arith.index_cast %scan3A_74 : i32 to index
      %get3A_313 = arith.constant 272 : index
      %get3A_314 = tpu.vector_load %arg8[%get3A_312, %get3A_313] {strides = array<i32>} : memref<32x1024xf32, #tpu.memory_space<vmem>>, vector<1x16xf32>,
      %get3A_315 = vector.shape_cast %get3A_314 : vector<1x16xf32> to vector<16xf32>
      %get3A_316 = arith.index_cast %scan3A_74 : i32 to index
      %get3A_317 = arith.constant 272 : index
      %get3A_318 = tpu.vector_load %arg9[%get3A_316, %get3A_317] {strides = array<i32>} : memref<32x1024xf32, #tpu.memory_space<vmem>>, vector<1x16xf32>,
      %get3A_319 = vector.shape_cast %get3A_318 : vector<1x16xf32> to vector<16xf32>
      %add3A_320 = arith.addf %get3A_315, %get3A_319 : vector<16xf32>
      %swap3A_321 = arith.index_cast %scan3A_74 : i32 to index
      %swap3A_322 = arith.constant 272 : index
      %swap3A_323 = tpu.vector_load %arg8[%swap3A_321, %swap3A_322] {strides = array<i32>} : memref<32x1024xf32, #tpu.memory_space<vmem>>, vector<1x16xf32>,
      %swap3A_324 = vector.shape_cast %swap3A_323 : vector<1x16xf32> to vector<16xf32>
      %swap3A_325 = vector.shape_cast %add3A_320 : vector<16xf32> to vector<1x16xf32>
      tpu.vector_store %arg8[%swap3A_321, %swap3A_322], %swap3A_325 {strides = array<i32>} : memref<32x1024xf32, #tpu.memory_space<vmem>>, vector<1x16xf32>,
      %get3A_326 = arith.index_cast %scan3A_74 : i32 to index
      %get3A_327 = arith.constant 288 : index
      %get3A_328 = tpu.vector_load %arg8[%get3A_326, %get3A_327] {strides = array<i32>} : memref<32x1024xf32, #tpu.memory_space<vmem>>, vector<1x16xf32>,
      %get3A_329 = vector.shape_cast %get3A_328 : vector<1x16xf32> to vector<16xf32>
      %get3A_330 = arith.index_cast %scan3A_74 : i32 to index
      %get3A_331 = arith.constant 288 : index
      %get3A_332 = tpu.vector_load %arg9[%get3A_330, %get3A_331] {strides = array<i32>} : memref<32x1024xf32, #tpu.memory_space<vmem>>, vector<1x16xf32>,
      %get3A_333 = vector.shape_cast %get3A_332 : vector<1x16xf32> to vector<16xf32>
      %add3A_334 = arith.addf %get3A_329, %get3A_333 : vector<16xf32>
      %swap3A_335 = arith.index_cast %scan3A_74 : i32 to index
      %swap3A_336 = arith.constant 288 : index
      %swap3A_337 = tpu.vector_load %arg8[%swap3A_335, %swap3A_336] {strides = array<i32>} : memref<32x1024xf32, #tpu.memory_space<vmem>>, vector<1x16xf32>,
      %swap3A_338 = vector.shape_cast %swap3A_337 : vector<1x16xf32> to vector<16xf32>
      %swap3A_339 = vector.shape_cast %add3A_334 : vector<16xf32> to vector<1x16xf32>
      tpu.vector_store %arg8[%swap3A_335, %swap3A_336], %swap3A_339 {strides = array<i32>} : memref<32x1024xf32, #tpu.memory_space<vmem>>, vector<1x16xf32>,
      %get3A_340 = arith.index_cast %scan3A_74 : i32 to index
      %get3A_341 = arith.constant 304 : index
      %get3A_342 = tpu.vector_load %arg8[%get3A_340, %get3A_341] {strides = array<i32>} : memref<32x1024xf32, #tpu.memory_space<vmem>>, vector<1x16xf32>,
      %get3A_343 = vector.shape_cast %get3A_342 : vector<1x16xf32> to vector<16xf32>
      %get3A_344 = arith.index_cast %scan3A_74 : i32 to index
      %get3A_345 = arith.constant 304 : index
      %get3A_346 = tpu.vector_load %arg9[%get3A_344, %get3A_345] {strides = array<i32>} : memref<32x1024xf32, #tpu.memory_space<vmem>>, vector<1x16xf32>,
      %get3A_347 = vector.shape_cast %get3A_346 : vector<1x16xf32> to vector<16xf32>
      %add3A_348 = arith.addf %get3A_343, %get3A_347 : vector<16xf32>
      %swap3A_349 = arith.index_cast %scan3A_74 : i32 to index
      %swap3A_350 = arith.constant 304 : index
      %swap3A_351 = tpu.vector_load %arg8[%swap3A_349, %swap3A_350] {strides = array<i32>} : memref<32x1024xf32, #tpu.memory_space<vmem>>, vector<1x16xf32>,
      %swap3A_352 = vector.shape_cast %swap3A_351 : vector<1x16xf32> to vector<16xf32>
      %swap3A_353 = vector.shape_cast %add3A_348 : vector<16xf32> to vector<1x16xf32>
      tpu.vector_store %arg8[%swap3A_349, %swap3A_350], %swap3A_353 {strides = array<i32>} : memref<32x1024xf32, #tpu.memory_space<vmem>>, vector<1x16xf32>,
      %get3A_354 = arith.index_cast %scan3A_74 : i32 to index
      %get3A_355 = arith.constant 320 : index
      %get3A_356 = tpu.vector_load %arg8[%get3A_354, %get3A_355] {strides = array<i32>} : memref<32x1024xf32, #tpu.memory_space<vmem>>, vector<1x16xf32>,
      %get3A_357 = vector.shape_cast %get3A_356 : vector<1x16xf32> to vector<16xf32>
      %get3A_358 = arith.index_cast %scan3A_74 : i32 to index
      %get3A_359 = arith.constant 320 : index
      %get3A_360 = tpu.vector_load %arg9[%get3A_358, %get3A_359] {strides = array<i32>} : memref<32x1024xf32, #tpu.memory_space<vmem>>, vector<1x16xf32>,
      %get3A_361 = vector.shape_cast %get3A_360 : vector<1x16xf32> to vector<16xf32>
      %add3A_362 = arith.addf %get3A_357, %get3A_361 : vector<16xf32>
      %swap3A_363 = arith.index_cast %scan3A_74 : i32 to index
      %swap3A_364 = arith.constant 320 : index
      %swap3A_365 = tpu.vector_load %arg8[%swap3A_363, %swap3A_364] {strides = array<i32>} : memref<32x1024xf32, #tpu.memory_space<vmem>>, vector<1x16xf32>,
      %swap3A_366 = vector.shape_cast %swap3A_365 : vector<1x16xf32> to vector<16xf32>
      %swap3A_367 = vector.shape_cast %add3A_362 : vector<16xf32> to vector<1x16xf32>
      tpu.vector_store %arg8[%swap3A_363, %swap3A_364], %swap3A_367 {strides = array<i32>} : memref<32x1024xf32, #tpu.memory_space<vmem>>, vector<1x16xf32>,
      %get3A_368 = arith.index_cast %scan3A_74 : i32 to index
      %get3A_369 = arith.constant 336 : index
      %get3A_370 = tpu.vector_load %arg8[%get3A_368, %get3A_369] {strides = array<i32>} : memref<32x1024xf32, #tpu.memory_space<vmem>>, vector<1x16xf32>,
      %get3A_371 = vector.shape_cast %get3A_370 : vector<1x16xf32> to vector<16xf32>
      %get3A_372 = arith.index_cast %scan3A_74 : i32 to index
      %get3A_373 = arith.constant 336 : index
      %get3A_374 = tpu.vector_load %arg9[%get3A_372, %get3A_373] {strides = array<i32>} : memref<32x1024xf32, #tpu.memory_space<vmem>>, vector<1x16xf32>,
      %get3A_375 = vector.shape_cast %get3A_374 : vector<1x16xf32> to vector<16xf32>
      %add3A_376 = arith.addf %get3A_371, %get3A_375 : vector<16xf32>
      %swap3A_377 = arith.index_cast %scan3A_74 : i32 to index
      %swap3A_378 = arith.constant 336 : index
      %swap3A_379 = tpu.vector_load %arg8[%swap3A_377, %swap3A_378] {strides = array<i32>} : memref<32x1024xf32, #tpu.memory_space<vmem>>, vector<1x16xf32>,
      %swap3A_380 = vector.shape_cast %swap3A_379 : vector<1x16xf32> to vector<16xf32>
      %swap3A_381 = vector.shape_cast %add3A_376 : vector<16xf32> to vector<1x16xf32>
      tpu.vector_store %arg8[%swap3A_377, %swap3A_378], %swap3A_381 {strides = array<i32>} : memref<32x1024xf32, #tpu.memory_space<vmem>>, vector<1x16xf32>,
      %get3A_382 = arith.index_cast %scan3A_74 : i32 to index
      %get3A_383 = arith.constant 352 : index
      %get3A_384 = tpu.vector_load %arg8[%get3A_382, %get3A_383] {strides = array<i32>} : memref<32x1024xf32, #tpu.memory_space<vmem>>, vector<1x16xf32>,
      %get3A_385 = vector.shape_cast %get3A_384 : vector<1x16xf32> to vector<16xf32>
      %get3A_386 = arith.index_cast %scan3A_74 : i32 to index
      %get3A_387 = arith.constant 352 : index
      %get3A_388 = tpu.vector_load %arg9[%get3A_386, %get3A_387] {strides = array<i32>} : memref<32x1024xf32, #tpu.memory_space<vmem>>, vector<1x16xf32>,
      %get3A_389 = vector.shape_cast %get3A_388 : vector<1x16xf32> to vector<16xf32>
      %add3A_390 = arith.addf %get3A_385, %get3A_389 : vector<16xf32>
      %swap3A_391 = arith.index_cast %scan3A_74 : i32 to index
      %swap3A_392 = arith.constant 352 : index
      %swap3A_393 = tpu.vector_load %arg8[%swap3A_391, %swap3A_392] {strides = array<i32>} : memref<32x1024xf32, #tpu.memory_space<vmem>>, vector<1x16xf32>,
      %swap3A_394 = vector.shape_cast %swap3A_393 : vector<1x16xf32> to vector<16xf32>
      %swap3A_395 = vector.shape_cast %add3A_390 : vector<16xf32> to vector<1x16xf32>
      tpu.vector_store %arg8[%swap3A_391, %swap3A_392], %swap3A_395 {strides = array<i32>} : memref<32x1024xf32, #tpu.memory_space<vmem>>, vector<1x16xf32>,
      %get3A_396 = arith.index_cast %scan3A_74 : i32 to index
      %get3A_397 = arith.constant 368 : index
      %get3A_398 = tpu.vector_load %arg8[%get3A_396, %get3A_397] {strides = array<i32>} : memref<32x1024xf32, #tpu.memory_space<vmem>>, vector<1x16xf32>,
      %get3A_399 = vector.shape_cast %get3A_398 : vector<1x16xf32> to vector<16xf32>
      %get3A_400 = arith.index_cast %scan3A_74 : i32 to index
      %get3A_401 = arith.constant 368 : index
      %get3A_402 = tpu.vector_load %arg9[%get3A_400, %get3A_401] {strides = array<i32>} : memref<32x1024xf32, #tpu.memory_space<vmem>>, vector<1x16xf32>,
      %get3A_403 = vector.shape_cast %get3A_402 : vector<1x16xf32> to vector<16xf32>
      %add3A_404 = arith.addf %get3A_399, %get3A_403 : vector<16xf32>
      %swap3A_405 = arith.index_cast %scan3A_74 : i32 to index
      %swap3A_406 = arith.constant 368 : index
      %swap3A_407 = tpu.vector_load %arg8[%swap3A_405, %swap3A_406] {strides = array<i32>} : memref<32x1024xf32, #tpu.memory_space<vmem>>, vector<1x16xf32>,
      %swap3A_408 = vector.shape_cast %swap3A_407 : vector<1x16xf32> to vector<16xf32>
      %swap3A_409 = vector.shape_cast %add3A_404 : vector<16xf32> to vector<1x16xf32>
      tpu.vector_store %arg8[%swap3A_405, %swap3A_406], %swap3A_409 {strides = array<i32>} : memref<32x1024xf32, #tpu.memory_space<vmem>>, vector<1x16xf32>,
      %get3A_410 = arith.index_cast %scan3A_74 : i32 to index
      %get3A_411 = arith.constant 384 : index
      %get3A_412 = tpu.vector_load %arg8[%get3A_410, %get3A_411] {strides = array<i32>} : memref<32x1024xf32, #tpu.memory_space<vmem>>, vector<1x16xf32>,
      %get3A_413 = vector.shape_cast %get3A_412 : vector<1x16xf32> to vector<16xf32>
      %get3A_414 = arith.index_cast %scan3A_74 : i32 to index
      %get3A_415 = arith.constant 384 : index
      %get3A_416 = tpu.vector_load %arg9[%get3A_414, %get3A_415] {strides = array<i32>} : memref<32x1024xf32, #tpu.memory_space<vmem>>, vector<1x16xf32>,
      %get3A_417 = vector.shape_cast %get3A_416 : vector<1x16xf32> to vector<16xf32>
      %add3A_418 = arith.addf %get3A_413, %get3A_417 : vector<16xf32>
      %swap3A_419 = arith.index_cast %scan3A_74 : i32 to index
      %swap3A_420 = arith.constant 384 : index
      %swap3A_421 = tpu.vector_load %arg8[%swap3A_419, %swap3A_420] {strides = array<i32>} : memref<32x1024xf32, #tpu.memory_space<vmem>>, vector<1x16xf32>,
      %swap3A_422 = vector.shape_cast %swap3A_421 : vector<1x16xf32> to vector<16xf32>
      %swap3A_423 = vector.shape_cast %add3A_418 : vector<16xf32> to vector<1x16xf32>
      tpu.vector_store %arg8[%swap3A_419, %swap3A_420], %swap3A_423 {strides = array<i32>} : memref<32x1024xf32, #tpu.memory_space<vmem>>, vector<1x16xf32>,
      %get3A_424 = arith.index_cast %scan3A_74 : i32 to index
      %get3A_425 = arith.constant 400 : index
      %get3A_426 = tpu.vector_load %arg8[%get3A_424, %get3A_425] {strides = array<i32>} : memref<32x1024xf32, #tpu.memory_space<vmem>>, vector<1x16xf32>,
      %get3A_427 = vector.shape_cast %get3A_426 : vector<1x16xf32> to vector<16xf32>
      %get3A_428 = arith.index_cast %scan3A_74 : i32 to index
      %get3A_429 = arith.constant 400 : index
      %get3A_430 = tpu.vector_load %arg9[%get3A_428, %get3A_429] {strides = array<i32>} : memref<32x1024xf32, #tpu.memory_space<vmem>>, vector<1x16xf32>,
      %get3A_431 = vector.shape_cast %get3A_430 : vector<1x16xf32> to vector<16xf32>
      %add3A_432 = arith.addf %get3A_427, %get3A_431 : vector<16xf32>
      %swap3A_433 = arith.index_cast %scan3A_74 : i32 to index
      %swap3A_434 = arith.constant 400 : index
      %swap3A_435 = tpu.vector_load %arg8[%swap3A_433, %swap3A_434] {strides = array<i32>} : memref<32x1024xf32, #tpu.memory_space<vmem>>, vector<1x16xf32>,
      %swap3A_436 = vector.shape_cast %swap3A_435 : vector<1x16xf32> to vector<16xf32>
      %swap3A_437 = vector.shape_cast %add3A_432 : vector<16xf32> to vector<1x16xf32>
      tpu.vector_store %arg8[%swap3A_433, %swap3A_434], %swap3A_437 {strides = array<i32>} : memref<32x1024xf32, #tpu.memory_space<vmem>>, vector<1x16xf32>,
      %get3A_438 = arith.index_cast %scan3A_74 : i32 to index
      %get3A_439 = arith.constant 416 : index
      %get3A_440 = tpu.vector_load %arg8[%get3A_438, %get3A_439] {strides = array<i32>} : memref<32x1024xf32, #tpu.memory_space<vmem>>, vector<1x16xf32>,
      %get3A_441 = vector.shape_cast %get3A_440 : vector<1x16xf32> to vector<16xf32>
      %get3A_442 = arith.index_cast %scan3A_74 : i32 to index
      %get3A_443 = arith.constant 416 : index
      %get3A_444 = tpu.vector_load %arg9[%get3A_442, %get3A_443] {strides = array<i32>} : memref<32x1024xf32, #tpu.memory_space<vmem>>, vector<1x16xf32>,
      %get3A_445 = vector.shape_cast %get3A_444 : vector<1x16xf32> to vector<16xf32>
      %add3A_446 = arith.addf %get3A_441, %get3A_445 : vector<16xf32>
      %swap3A_447 = arith.index_cast %scan3A_74 : i32 to index
      %swap3A_448 = arith.constant 416 : index
      %swap3A_449 = tpu.vector_load %arg8[%swap3A_447, %swap3A_448] {strides = array<i32>} : memref<32x1024xf32, #tpu.memory_space<vmem>>, vector<1x16xf32>,
      %swap3A_450 = vector.shape_cast %swap3A_449 : vector<1x16xf32> to vector<16xf32>
      %swap3A_451 = vector.shape_cast %add3A_446 : vector<16xf32> to vector<1x16xf32>
      tpu.vector_store %arg8[%swap3A_447, %swap3A_448], %swap3A_451 {strides = array<i32>} : memref<32x1024xf32, #tpu.memory_space<vmem>>, vector<1x16xf32>,
      %get3A_452 = arith.index_cast %scan3A_74 : i32 to index
      %get3A_453 = arith.constant 432 : index
      %get3A_454 = tpu.vector_load %arg8[%get3A_452, %get3A_453] {strides = array<i32>} : memref<32x1024xf32, #tpu.memory_space<vmem>>, vector<1x16xf32>,
      %get3A_455 = vector.shape_cast %get3A_454 : vector<1x16xf32> to vector<16xf32>
      %get3A_456 = arith.index_cast %scan3A_74 : i32 to index
      %get3A_457 = arith.constant 432 : index
      %get3A_458 = tpu.vector_load %arg9[%get3A_456, %get3A_457] {strides = array<i32>} : memref<32x1024xf32, #tpu.memory_space<vmem>>, vector<1x16xf32>,
      %get3A_459 = vector.shape_cast %get3A_458 : vector<1x16xf32> to vector<16xf32>
      %add3A_460 = arith.addf %get3A_455, %get3A_459 : vector<16xf32>
      %swap3A_461 = arith.index_cast %scan3A_74 : i32 to index
      %swap3A_462 = arith.constant 432 : index
      %swap3A_463 = tpu.vector_load %arg8[%swap3A_461, %swap3A_462] {strides = array<i32>} : memref<32x1024xf32, #tpu.memory_space<vmem>>, vector<1x16xf32>,
      %swap3A_464 = vector.shape_cast %swap3A_463 : vector<1x16xf32> to vector<16xf32>
      %swap3A_465 = vector.shape_cast %add3A_460 : vector<16xf32> to vector<1x16xf32>
      tpu.vector_store %arg8[%swap3A_461, %swap3A_462], %swap3A_465 {strides = array<i32>} : memref<32x1024xf32, #tpu.memory_space<vmem>>, vector<1x16xf32>,
      %get3A_466 = arith.index_cast %scan3A_74 : i32 to index
      %get3A_467 = arith.constant 448 : index
      %get3A_468 = tpu.vector_load %arg8[%get3A_466, %get3A_467] {strides = array<i32>} : memref<32x1024xf32, #tpu.memory_space<vmem>>, vector<1x16xf32>,
      %get3A_469 = vector.shape_cast %get3A_468 : vector<1x16xf32> to vector<16xf32>
      %get3A_470 = arith.index_cast %scan3A_74 : i32 to index
      %get3A_471 = arith.constant 448 : index
      %get3A_472 = tpu.vector_load %arg9[%get3A_470, %get3A_471] {strides = array<i32>} : memref<32x1024xf32, #tpu.memory_space<vmem>>, vector<1x16xf32>,
      %get3A_473 = vector.shape_cast %get3A_472 : vector<1x16xf32> to vector<16xf32>
      %add3A_474 = arith.addf %get3A_469, %get3A_473 : vector<16xf32>
      %swap3A_475 = arith.index_cast %scan3A_74 : i32 to index
      %swap3A_476 = arith.constant 448 : index
      %swap3A_477 = tpu.vector_load %arg8[%swap3A_475, %swap3A_476] {strides = array<i32>} : memref<32x1024xf32, #tpu.memory_space<vmem>>, vector<1x16xf32>,
      %swap3A_478 = vector.shape_cast %swap3A_477 : vector<1x16xf32> to vector<16xf32>
      %swap3A_479 = vector.shape_cast %add3A_474 : vector<16xf32> to vector<1x16xf32>
      tpu.vector_store %arg8[%swap3A_475, %swap3A_476], %swap3A_479 {strides = array<i32>} : memref<32x1024xf32, #tpu.memory_space<vmem>>, vector<1x16xf32>,
      %get3A_480 = arith.index_cast %scan3A_74 : i32 to index
      %get3A_481 = arith.constant 464 : index
      %get3A_482 = tpu.vector_load %arg8[%get3A_480, %get3A_481] {strides = array<i32>} : memref<32x1024xf32, #tpu.memory_space<vmem>>, vector<1x16xf32>,
      %get3A_483 = vector.shape_cast %get3A_482 : vector<1x16xf32> to vector<16xf32>
      %get3A_484 = arith.index_cast %scan3A_74 : i32 to index
      %get3A_485 = arith.constant 464 : index
      %get3A_486 = tpu.vector_load %arg9[%get3A_484, %get3A_485] {strides = array<i32>} : memref<32x1024xf32, #tpu.memory_space<vmem>>, vector<1x16xf32>,
      %get3A_487 = vector.shape_cast %get3A_486 : vector<1x16xf32> to vector<16xf32>
      %add3A_488 = arith.addf %get3A_483, %get3A_487 : vector<16xf32>
      %swap3A_489 = arith.index_cast %scan3A_74 : i32 to index
      %swap3A_490 = arith.constant 464 : index
      %swap3A_491 = tpu.vector_load %arg8[%swap3A_489, %swap3A_490] {strides = array<i32>} : memref<32x1024xf32, #tpu.memory_space<vmem>>, vector<1x16xf32>,
      %swap3A_492 = vector.shape_cast %swap3A_491 : vector<1x16xf32> to vector<16xf32>
      %swap3A_493 = vector.shape_cast %add3A_488 : vector<16xf32> to vector<1x16xf32>
      tpu.vector_store %arg8[%swap3A_489, %swap3A_490], %swap3A_493 {strides = array<i32>} : memref<32x1024xf32, #tpu.memory_space<vmem>>, vector<1x16xf32>,
      %get3A_494 = arith.index_cast %scan3A_74 : i32 to index
      %get3A_495 = arith.constant 480 : index
      %get3A_496 = tpu.vector_load %arg8[%get3A_494, %get3A_495] {strides = array<i32>} : memref<32x1024xf32, #tpu.memory_space<vmem>>, vector<1x16xf32>,
      %get3A_497 = vector.shape_cast %get3A_496 : vector<1x16xf32> to vector<16xf32>
      %get3A_498 = arith.index_cast %scan3A_74 : i32 to index
      %get3A_499 = arith.constant 480 : index
      %get3A_500 = tpu.vector_load %arg9[%get3A_498, %get3A_499] {strides = array<i32>} : memref<32x1024xf32, #tpu.memory_space<vmem>>, vector<1x16xf32>,
      %get3A_501 = vector.shape_cast %get3A_500 : vector<1x16xf32> to vector<16xf32>
      %add3A_502 = arith.addf %get3A_497, %get3A_501 : vector<16xf32>
      %swap3A_503 = arith.index_cast %scan3A_74 : i32 to index
      %swap3A_504 = arith.constant 480 : index
      %swap3A_505 = tpu.vector_load %arg8[%swap3A_503, %swap3A_504] {strides = array<i32>} : memref<32x1024xf32, #tpu.memory_space<vmem>>, vector<1x16xf32>,
      %swap3A_506 = vector.shape_cast %swap3A_505 : vector<1x16xf32> to vector<16xf32>
      %swap3A_507 = vector.shape_cast %add3A_502 : vector<16xf32> to vector<1x16xf32>
      tpu.vector_store %arg8[%swap3A_503, %swap3A_504], %swap3A_507 {strides = array<i32>} : memref<32x1024xf32, #tpu.memory_space<vmem>>, vector<1x16xf32>,
      %get3A_508 = arith.index_cast %scan3A_74 : i32 to index
      %get3A_509 = arith.constant 496 : index
      %get3A_510 = tpu.vector_load %arg8[%get3A_508, %get3A_509] {strides = array<i32>} : memref<32x1024xf32, #tpu.memory_space<vmem>>, vector<1x16xf32>,
      %get3A_511 = vector.shape_cast %get3A_510 : vector<1x16xf32> to vector<16xf32>
      %get3A_512 = arith.index_cast %scan3A_74 : i32 to index
      %get3A_513 = arith.constant 496 : index
      %get3A_514 = tpu.vector_load %arg9[%get3A_512, %get3A_513] {strides = array<i32>} : memref<32x1024xf32, #tpu.memory_space<vmem>>, vector<1x16xf32>,
      %get3A_515 = vector.shape_cast %get3A_514 : vector<1x16xf32> to vector<16xf32>
      %add3A_516 = arith.addf %get3A_511, %get3A_515 : vector<16xf32>
      %swap3A_517 = arith.index_cast %scan3A_74 : i32 to index
      %swap3A_518 = arith.constant 496 : index
      %swap3A_519 = tpu.vector_load %arg8[%swap3A_517, %swap3A_518] {strides = array<i32>} : memref<32x1024xf32, #tpu.memory_space<vmem>>, vector<1x16xf32>,
      %swap3A_520 = vector.shape_cast %swap3A_519 : vector<1x16xf32> to vector<16xf32>
      %swap3A_521 = vector.shape_cast %add3A_516 : vector<16xf32> to vector<1x16xf32>
      tpu.vector_store %arg8[%swap3A_517, %swap3A_518], %swap3A_521 {strides = array<i32>} : memref<32x1024xf32, #tpu.memory_space<vmem>>, vector<1x16xf32>,
      %get3A_522 = arith.index_cast %scan3A_74 : i32 to index
      %get3A_523 = arith.constant 512 : index
      %get3A_524 = tpu.vector_load %arg8[%get3A_522, %get3A_523] {strides = array<i32>} : memref<32x1024xf32, #tpu.memory_space<vmem>>, vector<1x16xf32>,
      %get3A_525 = vector.shape_cast %get3A_524 : vector<1x16xf32> to vector<16xf32>
      %get3A_526 = arith.index_cast %scan3A_74 : i32 to index
      %get3A_527 = arith.constant 512 : index
      %get3A_528 = tpu.vector_load %arg9[%get3A_526, %get3A_527] {strides = array<i32>} : memref<32x1024xf32, #tpu.memory_space<vmem>>, vector<1x16xf32>,
      %get3A_529 = vector.shape_cast %get3A_528 : vector<1x16xf32> to vector<16xf32>
      %add3A_530 = arith.addf %get3A_525, %get3A_529 : vector<16xf32>
      %swap3A_531 = arith.index_cast %scan3A_74 : i32 to index
      %swap3A_532 = arith.constant 512 : index
      %swap3A_533 = tpu.vector_load %arg8[%swap3A_531, %swap3A_532] {strides = array<i32>} : memref<32x1024xf32, #tpu.memory_space<vmem>>, vector<1x16xf32>,
      %swap3A_534 = vector.shape_cast %swap3A_533 : vector<1x16xf32> to vector<16xf32>
      %swap3A_535 = vector.shape_cast %add3A_530 : vector<16xf32> to vector<1x16xf32>
      tpu.vector_store %arg8[%swap3A_531, %swap3A_532], %swap3A_535 {strides = array<i32>} : memref<32x1024xf32, #tpu.memory_space<vmem>>, vector<1x16xf32>,
      %get3A_536 = arith.index_cast %scan3A_74 : i32 to index
      %get3A_537 = arith.constant 528 : index
      %get3A_538 = tpu.vector_load %arg8[%get3A_536, %get3A_537] {strides = array<i32>} : memref<32x1024xf32, #tpu.memory_space<vmem>>, vector<1x16xf32>,
      %get3A_539 = vector.shape_cast %get3A_538 : vector<1x16xf32> to vector<16xf32>
      %get3A_540 = arith.index_cast %scan3A_74 : i32 to index
      %get3A_541 = arith.constant 528 : index
      %get3A_542 = tpu.vector_load %arg9[%get3A_540, %get3A_541] {strides = array<i32>} : memref<32x1024xf32, #tpu.memory_space<vmem>>, vector<1x16xf32>,
      %get3A_543 = vector.shape_cast %get3A_542 : vector<1x16xf32> to vector<16xf32>
      %add3A_544 = arith.addf %get3A_539, %get3A_543 : vector<16xf32>
      %swap3A_545 = arith.index_cast %scan3A_74 : i32 to index
      %swap3A_546 = arith.constant 528 : index
      %swap3A_547 = tpu.vector_load %arg8[%swap3A_545, %swap3A_546] {strides = array<i32>} : memref<32x1024xf32, #tpu.memory_space<vmem>>, vector<1x16xf32>,
      %swap3A_548 = vector.shape_cast %swap3A_547 : vector<1x16xf32> to vector<16xf32>
      %swap3A_549 = vector.shape_cast %add3A_544 : vector<16xf32> to vector<1x16xf32>
      tpu.vector_store %arg8[%swap3A_545, %swap3A_546], %swap3A_549 {strides = array<i32>} : memref<32x1024xf32, #tpu.memory_space<vmem>>, vector<1x16xf32>,
      %get3A_550 = arith.index_cast %scan3A_74 : i32 to index
      %get3A_551 = arith.constant 544 : index
      %get3A_552 = tpu.vector_load %arg8[%get3A_550, %get3A_551] {strides = array<i32>} : memref<32x1024xf32, #tpu.memory_space<vmem>>, vector<1x16xf32>,
      %get3A_553 = vector.shape_cast %get3A_552 : vector<1x16xf32> to vector<16xf32>
      %get3A_554 = arith.index_cast %scan3A_74 : i32 to index
      %get3A_555 = arith.constant 544 : index
      %get3A_556 = tpu.vector_load %arg9[%get3A_554, %get3A_555] {strides = array<i32>} : memref<32x1024xf32, #tpu.memory_space<vmem>>, vector<1x16xf32>,
      %get3A_557 = vector.shape_cast %get3A_556 : vector<1x16xf32> to vector<16xf32>
      %add3A_558 = arith.addf %get3A_553, %get3A_557 : vector<16xf32>
      %swap3A_559 = arith.index_cast %scan3A_74 : i32 to index
      %swap3A_560 = arith.constant 544 : index
      %swap3A_561 = tpu.vector_load %arg8[%swap3A_559, %swap3A_560] {strides = array<i32>} : memref<32x1024xf32, #tpu.memory_space<vmem>>, vector<1x16xf32>,
      %swap3A_562 = vector.shape_cast %swap3A_561 : vector<1x16xf32> to vector<16xf32>
      %swap3A_563 = vector.shape_cast %add3A_558 : vector<16xf32> to vector<1x16xf32>
      tpu.vector_store %arg8[%swap3A_559, %swap3A_560], %swap3A_563 {strides = array<i32>} : memref<32x1024xf32, #tpu.memory_space<vmem>>, vector<1x16xf32>,
      %get3A_564 = arith.index_cast %scan3A_74 : i32 to index
      %get3A_565 = arith.constant 560 : index
      %get3A_566 = tpu.vector_load %arg8[%get3A_564, %get3A_565] {strides = array<i32>} : memref<32x1024xf32, #tpu.memory_space<vmem>>, vector<1x16xf32>,
      %get3A_567 = vector.shape_cast %get3A_566 : vector<1x16xf32> to vector<16xf32>
      %get3A_568 = arith.index_cast %scan3A_74 : i32 to index
      %get3A_569 = arith.constant 560 : index
      %get3A_570 = tpu.vector_load %arg9[%get3A_568, %get3A_569] {strides = array<i32>} : memref<32x1024xf32, #tpu.memory_space<vmem>>, vector<1x16xf32>,
      %get3A_571 = vector.shape_cast %get3A_570 : vector<1x16xf32> to vector<16xf32>
      %add3A_572 = arith.addf %get3A_567, %get3A_571 : vector<16xf32>
      %swap3A_573 = arith.index_cast %scan3A_74 : i32 to index
      %swap3A_574 = arith.constant 560 : index
      %swap3A_575 = tpu.vector_load %arg8[%swap3A_573, %swap3A_574] {strides = array<i32>} : memref<32x1024xf32, #tpu.memory_space<vmem>>, vector<1x16xf32>,
      %swap3A_576 = vector.shape_cast %swap3A_575 : vector<1x16xf32> to vector<16xf32>
      %swap3A_577 = vector.shape_cast %add3A_572 : vector<16xf32> to vector<1x16xf32>
      tpu.vector_store %arg8[%swap3A_573, %swap3A_574], %swap3A_577 {strides = array<i32>} : memref<32x1024xf32, #tpu.memory_space<vmem>>, vector<1x16xf32>,
      %get3A_578 = arith.index_cast %scan3A_74 : i32 to index
      %get3A_579 = arith.constant 576 : index
      %get3A_580 = tpu.vector_load %arg8[%get3A_578, %get3A_579] {strides = array<i32>} : memref<32x1024xf32, #tpu.memory_space<vmem>>, vector<1x16xf32>,
      %get3A_581 = vector.shape_cast %get3A_580 : vector<1x16xf32> to vector<16xf32>
      %get3A_582 = arith.index_cast %scan3A_74 : i32 to index
      %get3A_583 = arith.constant 576 : index
      %get3A_584 = tpu.vector_load %arg9[%get3A_582, %get3A_583] {strides = array<i32>} : memref<32x1024xf32, #tpu.memory_space<vmem>>, vector<1x16xf32>,
      %get3A_585 = vector.shape_cast %get3A_584 : vector<1x16xf32> to vector<16xf32>
      %add3A_586 = arith.addf %get3A_581, %get3A_585 : vector<16xf32>
      %swap3A_587 = arith.index_cast %scan3A_74 : i32 to index
      %swap3A_588 = arith.constant 576 : index
      %swap3A_589 = tpu.vector_load %arg8[%swap3A_587, %swap3A_588] {strides = array<i32>} : memref<32x1024xf32, #tpu.memory_space<vmem>>, vector<1x16xf32>,
      %swap3A_590 = vector.shape_cast %swap3A_589 : vector<1x16xf32> to vector<16xf32>
      %swap3A_591 = vector.shape_cast %add3A_586 : vector<16xf32> to vector<1x16xf32>
      tpu.vector_store %arg8[%swap3A_587, %swap3A_588], %swap3A_591 {strides = array<i32>} : memref<32x1024xf32, #tpu.memory_space<vmem>>, vector<1x16xf32>,
      %get3A_592 = arith.index_cast %scan3A_74 : i32 to index
      %get3A_593 = arith.constant 592 : index
      %get3A_594 = tpu.vector_load %arg8[%get3A_592, %get3A_593] {strides = array<i32>} : memref<32x1024xf32, #tpu.memory_space<vmem>>, vector<1x16xf32>,
      %get3A_595 = vector.shape_cast %get3A_594 : vector<1x16xf32> to vector<16xf32>
      %get3A_596 = arith.index_cast %scan3A_74 : i32 to index
      %get3A_597 = arith.constant 592 : index
      %get3A_598 = tpu.vector_load %arg9[%get3A_596, %get3A_597] {strides = array<i32>} : memref<32x1024xf32, #tpu.memory_space<vmem>>, vector<1x16xf32>,
      %get3A_599 = vector.shape_cast %get3A_598 : vector<1x16xf32> to vector<16xf32>
      %add3A_600 = arith.addf %get3A_595, %get3A_599 : vector<16xf32>
      %swap3A_601 = arith.index_cast %scan3A_74 : i32 to index
      %swap3A_602 = arith.constant 592 : index
      %swap3A_603 = tpu.vector_load %arg8[%swap3A_601, %swap3A_602] {strides = array<i32>} : memref<32x1024xf32, #tpu.memory_space<vmem>>, vector<1x16xf32>,
      %swap3A_604 = vector.shape_cast %swap3A_603 : vector<1x16xf32> to vector<16xf32>
      %swap3A_605 = vector.shape_cast %add3A_600 : vector<16xf32> to vector<1x16xf32>
      tpu.vector_store %arg8[%swap3A_601, %swap3A_602], %swap3A_605 {strides = array<i32>} : memref<32x1024xf32, #tpu.memory_space<vmem>>, vector<1x16xf32>,
      %get3A_606 = arith.index_cast %scan3A_74 : i32 to index
      %get3A_607 = arith.constant 608 : index
      %get3A_608 = tpu.vector_load %arg8[%get3A_606, %get3A_607] {strides = array<i32>} : memref<32x1024xf32, #tpu.memory_space<vmem>>, vector<1x16xf32>,
      %get3A_609 = vector.shape_cast %get3A_608 : vector<1x16xf32> to vector<16xf32>
      %get3A_610 = arith.index_cast %scan3A_74 : i32 to index
      %get3A_611 = arith.constant 608 : index
      %get3A_612 = tpu.vector_load %arg9[%get3A_610, %get3A_611] {strides = array<i32>} : memref<32x1024xf32, #tpu.memory_space<vmem>>, vector<1x16xf32>,
      %get3A_613 = vector.shape_cast %get3A_612 : vector<1x16xf32> to vector<16xf32>
      %add3A_614 = arith.addf %get3A_609, %get3A_613 : vector<16xf32>
      %swap3A_615 = arith.index_cast %scan3A_74 : i32 to index
      %swap3A_616 = arith.constant 608 : index
      %swap3A_617 = tpu.vector_load %arg8[%swap3A_615, %swap3A_616] {strides = array<i32>} : memref<32x1024xf32, #tpu.memory_space<vmem>>, vector<1x16xf32>,
      %swap3A_618 = vector.shape_cast %swap3A_617 : vector<1x16xf32> to vector<16xf32>
      %swap3A_619 = vector.shape_cast %add3A_614 : vector<16xf32> to vector<1x16xf32>
      tpu.vector_store %arg8[%swap3A_615, %swap3A_616], %swap3A_619 {strides = array<i32>} : memref<32x1024xf32, #tpu.memory_space<vmem>>, vector<1x16xf32>,
      %get3A_620 = arith.index_cast %scan3A_74 : i32 to index
      %get3A_621 = arith.constant 624 : index
      %get3A_622 = tpu.vector_load %arg8[%get3A_620, %get3A_621] {strides = array<i32>} : memref<32x1024xf32, #tpu.memory_space<vmem>>, vector<1x16xf32>,
      %get3A_623 = vector.shape_cast %get3A_622 : vector<1x16xf32> to vector<16xf32>
      %get3A_624 = arith.index_cast %scan3A_74 : i32 to index
      %get3A_625 = arith.constant 624 : index
      %get3A_626 = tpu.vector_load %arg9[%get3A_624, %get3A_625] {strides = array<i32>} : memref<32x1024xf32, #tpu.memory_space<vmem>>, vector<1x16xf32>,
      %get3A_627 = vector.shape_cast %get3A_626 : vector<1x16xf32> to vector<16xf32>
      %add3A_628 = arith.addf %get3A_623, %get3A_627 : vector<16xf32>
      %swap3A_629 = arith.index_cast %scan3A_74 : i32 to index
      %swap3A_630 = arith.constant 624 : index
      %swap3A_631 = tpu.vector_load %arg8[%swap3A_629, %swap3A_630] {strides = array<i32>} : memref<32x1024xf32, #tpu.memory_space<vmem>>, vector<1x16xf32>,
      %swap3A_632 = vector.shape_cast %swap3A_631 : vector<1x16xf32> to vector<16xf32>
      %swap3A_633 = vector.shape_cast %add3A_628 : vector<16xf32> to vector<1x16xf32>
      tpu.vector_store %arg8[%swap3A_629, %swap3A_630], %swap3A_633 {strides = array<i32>} : memref<32x1024xf32, #tpu.memory_space<vmem>>, vector<1x16xf32>,
      %get3A_634 = arith.index_cast %scan3A_74 : i32 to index
      %get3A_635 = arith.constant 640 : index
      %get3A_636 = tpu.vector_load %arg8[%get3A_634, %get3A_635] {strides = array<i32>} : memref<32x1024xf32, #tpu.memory_space<vmem>>, vector<1x16xf32>,
      %get3A_637 = vector.shape_cast %get3A_636 : vector<1x16xf32> to vector<16xf32>
      %get3A_638 = arith.index_cast %scan3A_74 : i32 to index
      %get3A_639 = arith.constant 640 : index
      %get3A_640 = tpu.vector_load %arg9[%get3A_638, %get3A_639] {strides = array<i32>} : memref<32x1024xf32, #tpu.memory_space<vmem>>, vector<1x16xf32>,
      %get3A_641 = vector.shape_cast %get3A_640 : vector<1x16xf32> to vector<16xf32>
      %add3A_642 = arith.addf %get3A_637, %get3A_641 : vector<16xf32>
      %swap3A_643 = arith.index_cast %scan3A_74 : i32 to index
      %swap3A_644 = arith.constant 640 : index
      %swap3A_645 = tpu.vector_load %arg8[%swap3A_643, %swap3A_644] {strides = array<i32>} : memref<32x1024xf32, #tpu.memory_space<vmem>>, vector<1x16xf32>,
      %swap3A_646 = vector.shape_cast %swap3A_645 : vector<1x16xf32> to vector<16xf32>
      %swap3A_647 = vector.shape_cast %add3A_642 : vector<16xf32> to vector<1x16xf32>
      tpu.vector_store %arg8[%swap3A_643, %swap3A_644], %swap3A_647 {strides = array<i32>} : memref<32x1024xf32, #tpu.memory_space<vmem>>, vector<1x16xf32>,
      %get3A_648 = arith.index_cast %scan3A_74 : i32 to index
      %get3A_649 = arith.constant 656 : index
      %get3A_650 = tpu.vector_load %arg8[%get3A_648, %get3A_649] {strides = array<i32>} : memref<32x1024xf32, #tpu.memory_space<vmem>>, vector<1x16xf32>,
      %get3A_651 = vector.shape_cast %get3A_650 : vector<1x16xf32> to vector<16xf32>
      %get3A_652 = arith.index_cast %scan3A_74 : i32 to index
      %get3A_653 = arith.constant 656 : index
      %get3A_654 = tpu.vector_load %arg9[%get3A_652, %get3A_653] {strides = array<i32>} : memref<32x1024xf32, #tpu.memory_space<vmem>>, vector<1x16xf32>,
      %get3A_655 = vector.shape_cast %get3A_654 : vector<1x16xf32> to vector<16xf32>
      %add3A_656 = arith.addf %get3A_651, %get3A_655 : vector<16xf32>
      %swap3A_657 = arith.index_cast %scan3A_74 : i32 to index
      %swap3A_658 = arith.constant 656 : index
      %swap3A_659 = tpu.vector_load %arg8[%swap3A_657, %swap3A_658] {strides = array<i32>} : memref<32x1024xf32, #tpu.memory_space<vmem>>, vector<1x16xf32>,
      %swap3A_660 = vector.shape_cast %swap3A_659 : vector<1x16xf32> to vector<16xf32>
      %swap3A_661 = vector.shape_cast %add3A_656 : vector<16xf32> to vector<1x16xf32>
      tpu.vector_store %arg8[%swap3A_657, %swap3A_658], %swap3A_661 {strides = array<i32>} : memref<32x1024xf32, #tpu.memory_space<vmem>>, vector<1x16xf32>,
      %get3A_662 = arith.index_cast %scan3A_74 : i32 to index
      %get3A_663 = arith.constant 672 : index
      %get3A_664 = tpu.vector_load %arg8[%get3A_662, %get3A_663] {strides = array<i32>} : memref<32x1024xf32, #tpu.memory_space<vmem>>, vector<1x16xf32>,
      %get3A_665 = vector.shape_cast %get3A_664 : vector<1x16xf32> to vector<16xf32>
      %get3A_666 = arith.index_cast %scan3A_74 : i32 to index
      %get3A_667 = arith.constant 672 : index
      %get3A_668 = tpu.vector_load %arg9[%get3A_666, %get3A_667] {strides = array<i32>} : memref<32x1024xf32, #tpu.memory_space<vmem>>, vector<1x16xf32>,
      %get3A_669 = vector.shape_cast %get3A_668 : vector<1x16xf32> to vector<16xf32>
      %add3A_670 = arith.addf %get3A_665, %get3A_669 : vector<16xf32>
      %swap3A_671 = arith.index_cast %scan3A_74 : i32 to index
      %swap3A_672 = arith.constant 672 : index
      %swap3A_673 = tpu.vector_load %arg8[%swap3A_671, %swap3A_672] {strides = array<i32>} : memref<32x1024xf32, #tpu.memory_space<vmem>>, vector<1x16xf32>,
      %swap3A_674 = vector.shape_cast %swap3A_673 : vector<1x16xf32> to vector<16xf32>
      %swap3A_675 = vector.shape_cast %add3A_670 : vector<16xf32> to vector<1x16xf32>
      tpu.vector_store %arg8[%swap3A_671, %swap3A_672], %swap3A_675 {strides = array<i32>} : memref<32x1024xf32, #tpu.memory_space<vmem>>, vector<1x16xf32>,
      %get3A_676 = arith.index_cast %scan3A_74 : i32 to index
      %get3A_677 = arith.constant 688 : index
      %get3A_678 = tpu.vector_load %arg8[%get3A_676, %get3A_677] {strides = array<i32>} : memref<32x1024xf32, #tpu.memory_space<vmem>>, vector<1x16xf32>,
      %get3A_679 = vector.shape_cast %get3A_678 : vector<1x16xf32> to vector<16xf32>
      %get3A_680 = arith.index_cast %scan3A_74 : i32 to index
      %get3A_681 = arith.constant 688 : index
      %get3A_682 = tpu.vector_load %arg9[%get3A_680, %get3A_681] {strides = array<i32>} : memref<32x1024xf32, #tpu.memory_space<vmem>>, vector<1x16xf32>,
      %get3A_683 = vector.shape_cast %get3A_682 : vector<1x16xf32> to vector<16xf32>
      %add3A_684 = arith.addf %get3A_679, %get3A_683 : vector<16xf32>
      %swap3A_685 = arith.index_cast %scan3A_74 : i32 to index
      %swap3A_686 = arith.constant 688 : index
      %swap3A_687 = tpu.vector_load %arg8[%swap3A_685, %swap3A_686] {strides = array<i32>} : memref<32x1024xf32, #tpu.memory_space<vmem>>, vector<1x16xf32>,
      %swap3A_688 = vector.shape_cast %swap3A_687 : vector<1x16xf32> to vector<16xf32>
      %swap3A_689 = vector.shape_cast %add3A_684 : vector<16xf32> to vector<1x16xf32>
      tpu.vector_store %arg8[%swap3A_685, %swap3A_686], %swap3A_689 {strides = array<i32>} : memref<32x1024xf32, #tpu.memory_space<vmem>>, vector<1x16xf32>,
      %get3A_690 = arith.index_cast %scan3A_74 : i32 to index
      %get3A_691 = arith.constant 704 : index
      %get3A_692 = tpu.vector_load %arg8[%get3A_690, %get3A_691] {strides = array<i32>} : memref<32x1024xf32, #tpu.memory_space<vmem>>, vector<1x16xf32>,
      %get3A_693 = vector.shape_cast %get3A_692 : vector<1x16xf32> to vector<16xf32>
      %get3A_694 = arith.index_cast %scan3A_74 : i32 to index
      %get3A_695 = arith.constant 704 : index
      %get3A_696 = tpu.vector_load %arg9[%get3A_694, %get3A_695] {strides = array<i32>} : memref<32x1024xf32, #tpu.memory_space<vmem>>, vector<1x16xf32>,
      %get3A_697 = vector.shape_cast %get3A_696 : vector<1x16xf32> to vector<16xf32>
      %add3A_698 = arith.addf %get3A_693, %get3A_697 : vector<16xf32>
      %swap3A_699 = arith.index_cast %scan3A_74 : i32 to index
      %swap3A_700 = arith.constant 704 : index
      %swap3A_701 = tpu.vector_load %arg8[%swap3A_699, %swap3A_700] {strides = array<i32>} : memref<32x1024xf32, #tpu.memory_space<vmem>>, vector<1x16xf32>,
      %swap3A_702 = vector.shape_cast %swap3A_701 : vector<1x16xf32> to vector<16xf32>
      %swap3A_703 = vector.shape_cast %add3A_698 : vector<16xf32> to vector<1x16xf32>
      tpu.vector_store %arg8[%swap3A_699, %swap3A_700], %swap3A_703 {strides = array<i32>} : memref<32x1024xf32, #tpu.memory_space<vmem>>, vector<1x16xf32>,
      %get3A_704 = arith.index_cast %scan3A_74 : i32 to index
      %get3A_705 = arith.constant 720 : index
      %get3A_706 = tpu.vector_load %arg8[%get3A_704, %get3A_705] {strides = array<i32>} : memref<32x1024xf32, #tpu.memory_space<vmem>>, vector<1x16xf32>,
      %get3A_707 = vector.shape_cast %get3A_706 : vector<1x16xf32> to vector<16xf32>
      %get3A_708 = arith.index_cast %scan3A_74 : i32 to index
      %get3A_709 = arith.constant 720 : index
      %get3A_710 = tpu.vector_load %arg9[%get3A_708, %get3A_709] {strides = array<i32>} : memref<32x1024xf32, #tpu.memory_space<vmem>>, vector<1x16xf32>,
      %get3A_711 = vector.shape_cast %get3A_710 : vector<1x16xf32> to vector<16xf32>
      %add3A_712 = arith.addf %get3A_707, %get3A_711 : vector<16xf32>
      %swap3A_713 = arith.index_cast %scan3A_74 : i32 to index
      %swap3A_714 = arith.constant 720 : index
      %swap3A_715 = tpu.vector_load %arg8[%swap3A_713, %swap3A_714] {strides = array<i32>} : memref<32x1024xf32, #tpu.memory_space<vmem>>, vector<1x16xf32>,
      %swap3A_716 = vector.shape_cast %swap3A_715 : vector<1x16xf32> to vector<16xf32>
      %swap3A_717 = vector.shape_cast %add3A_712 : vector<16xf32> to vector<1x16xf32>
      tpu.vector_store %arg8[%swap3A_713, %swap3A_714], %swap3A_717 {strides = array<i32>} : memref<32x1024xf32, #tpu.memory_space<vmem>>, vector<1x16xf32>,
      %get3A_718 = arith.index_cast %scan3A_74 : i32 to index
      %get3A_719 = arith.constant 736 : index
      %get3A_720 = tpu.vector_load %arg8[%get3A_718, %get3A_719] {strides = array<i32>} : memref<32x1024xf32, #tpu.memory_space<vmem>>, vector<1x16xf32>,
      %get3A_721 = vector.shape_cast %get3A_720 : vector<1x16xf32> to vector<16xf32>
      %get3A_722 = arith.index_cast %scan3A_74 : i32 to index
      %get3A_723 = arith.constant 736 : index
      %get3A_724 = tpu.vector_load %arg9[%get3A_722, %get3A_723] {strides = array<i32>} : memref<32x1024xf32, #tpu.memory_space<vmem>>, vector<1x16xf32>,
      %get3A_725 = vector.shape_cast %get3A_724 : vector<1x16xf32> to vector<16xf32>
      %add3A_726 = arith.addf %get3A_721, %get3A_725 : vector<16xf32>
      %swap3A_727 = arith.index_cast %scan3A_74 : i32 to index
      %swap3A_728 = arith.constant 736 : index
      %swap3A_729 = tpu.vector_load %arg8[%swap3A_727, %swap3A_728] {strides = array<i32>} : memref<32x1024xf32, #tpu.memory_space<vmem>>, vector<1x16xf32>,
      %swap3A_730 = vector.shape_cast %swap3A_729 : vector<1x16xf32> to vector<16xf32>
      %swap3A_731 = vector.shape_cast %add3A_726 : vector<16xf32> to vector<1x16xf32>
      tpu.vector_store %arg8[%swap3A_727, %swap3A_728], %swap3A_731 {strides = array<i32>} : memref<32x1024xf32, #tpu.memory_space<vmem>>, vector<1x16xf32>,
      %get3A_732 = arith.index_cast %scan3A_74 : i32 to index
      %get3A_733 = arith.constant 752 : index
      %get3A_734 = tpu.vector_load %arg8[%get3A_732, %get3A_733] {strides = array<i32>} : memref<32x1024xf32, #tpu.memory_space<vmem>>, vector<1x16xf32>,
      %get3A_735 = vector.shape_cast %get3A_734 : vector<1x16xf32> to vector<16xf32>
      %get3A_736 = arith.index_cast %scan3A_74 : i32 to index
      %get3A_737 = arith.constant 752 : index
      %get3A_738 = tpu.vector_load %arg9[%get3A_736, %get3A_737] {strides = array<i32>} : memref<32x1024xf32, #tpu.memory_space<vmem>>, vector<1x16xf32>,
      %get3A_739 = vector.shape_cast %get3A_738 : vector<1x16xf32> to vector<16xf32>
      %add3A_740 = arith.addf %get3A_735, %get3A_739 : vector<16xf32>
      %swap3A_741 = arith.index_cast %scan3A_74 : i32 to index
      %swap3A_742 = arith.constant 752 : index
      %swap3A_743 = tpu.vector_load %arg8[%swap3A_741, %swap3A_742] {strides = array<i32>} : memref<32x1024xf32, #tpu.memory_space<vmem>>, vector<1x16xf32>,
      %swap3A_744 = vector.shape_cast %swap3A_743 : vector<1x16xf32> to vector<16xf32>
      %swap3A_745 = vector.shape_cast %add3A_740 : vector<16xf32> to vector<1x16xf32>
      tpu.vector_store %arg8[%swap3A_741, %swap3A_742], %swap3A_745 {strides = array<i32>} : memref<32x1024xf32, #tpu.memory_space<vmem>>, vector<1x16xf32>,
      %get3A_746 = arith.index_cast %scan3A_74 : i32 to index
      %get3A_747 = arith.constant 768 : index
      %get3A_748 = tpu.vector_load %arg8[%get3A_746, %get3A_747] {strides = array<i32>} : memref<32x1024xf32, #tpu.memory_space<vmem>>, vector<1x16xf32>,
      %get3A_749 = vector.shape_cast %get3A_748 : vector<1x16xf32> to vector<16xf32>
      %get3A_750 = arith.index_cast %scan3A_74 : i32 to index
      %get3A_751 = arith.constant 768 : index
      %get3A_752 = tpu.vector_load %arg9[%get3A_750, %get3A_751] {strides = array<i32>} : memref<32x1024xf32, #tpu.memory_space<vmem>>, vector<1x16xf32>,
      %get3A_753 = vector.shape_cast %get3A_752 : vector<1x16xf32> to vector<16xf32>
      %add3A_754 = arith.addf %get3A_749, %get3A_753 : vector<16xf32>
      %swap3A_755 = arith.index_cast %scan3A_74 : i32 to index
      %swap3A_756 = arith.constant 768 : index
      %swap3A_757 = tpu.vector_load %arg8[%swap3A_755, %swap3A_756] {strides = array<i32>} : memref<32x1024xf32, #tpu.memory_space<vmem>>, vector<1x16xf32>,
      %swap3A_758 = vector.shape_cast %swap3A_757 : vector<1x16xf32> to vector<16xf32>
      %swap3A_759 = vector.shape_cast %add3A_754 : vector<16xf32> to vector<1x16xf32>
      tpu.vector_store %arg8[%swap3A_755, %swap3A_756], %swap3A_759 {strides = array<i32>} : memref<32x1024xf32, #tpu.memory_space<vmem>>, vector<1x16xf32>,
      %get3A_760 = arith.index_cast %scan3A_74 : i32 to index
      %get3A_761 = arith.constant 784 : index
      %get3A_762 = tpu.vector_load %arg8[%get3A_760, %get3A_761] {strides = array<i32>} : memref<32x1024xf32, #tpu.memory_space<vmem>>, vector<1x16xf32>,
      %get3A_763 = vector.shape_cast %get3A_762 : vector<1x16xf32> to vector<16xf32>
      %get3A_764 = arith.index_cast %scan3A_74 : i32 to index
      %get3A_765 = arith.constant 784 : index
      %get3A_766 = tpu.vector_load %arg9[%get3A_764, %get3A_765] {strides = array<i32>} : memref<32x1024xf32, #tpu.memory_space<vmem>>, vector<1x16xf32>,
      %get3A_767 = vector.shape_cast %get3A_766 : vector<1x16xf32> to vector<16xf32>
      %add3A_768 = arith.addf %get3A_763, %get3A_767 : vector<16xf32>
      %swap3A_769 = arith.index_cast %scan3A_74 : i32 to index
      %swap3A_770 = arith.constant 784 : index
      %swap3A_771 = tpu.vector_load %arg8[%swap3A_769, %swap3A_770] {strides = array<i32>} : memref<32x1024xf32, #tpu.memory_space<vmem>>, vector<1x16xf32>,
      %swap3A_772 = vector.shape_cast %swap3A_771 : vector<1x16xf32> to vector<16xf32>
      %swap3A_773 = vector.shape_cast %add3A_768 : vector<16xf32> to vector<1x16xf32>
      tpu.vector_store %arg8[%swap3A_769, %swap3A_770], %swap3A_773 {strides = array<i32>} : memref<32x1024xf32, #tpu.memory_space<vmem>>, vector<1x16xf32>,
      %get3A_774 = arith.index_cast %scan3A_74 : i32 to index
      %get3A_775 = arith.constant 800 : index
      %get3A_776 = tpu.vector_load %arg8[%get3A_774, %get3A_775] {strides = array<i32>} : memref<32x1024xf32, #tpu.memory_space<vmem>>, vector<1x16xf32>,
      %get3A_777 = vector.shape_cast %get3A_776 : vector<1x16xf32> to vector<16xf32>
      %get3A_778 = arith.index_cast %scan3A_74 : i32 to index
      %get3A_779 = arith.constant 800 : index
      %get3A_780 = tpu.vector_load %arg9[%get3A_778, %get3A_779] {strides = array<i32>} : memref<32x1024xf32, #tpu.memory_space<vmem>>, vector<1x16xf32>,
      %get3A_781 = vector.shape_cast %get3A_780 : vector<1x16xf32> to vector<16xf32>
      %add3A_782 = arith.addf %get3A_777, %get3A_781 : vector<16xf32>
      %swap3A_783 = arith.index_cast %scan3A_74 : i32 to index
      %swap3A_784 = arith.constant 800 : index
      %swap3A_785 = tpu.vector_load %arg8[%swap3A_783, %swap3A_784] {strides = array<i32>} : memref<32x1024xf32, #tpu.memory_space<vmem>>, vector<1x16xf32>,
      %swap3A_786 = vector.shape_cast %swap3A_785 : vector<1x16xf32> to vector<16xf32>
      %swap3A_787 = vector.shape_cast %add3A_782 : vector<16xf32> to vector<1x16xf32>
      tpu.vector_store %arg8[%swap3A_783, %swap3A_784], %swap3A_787 {strides = array<i32>} : memref<32x1024xf32, #tpu.memory_space<vmem>>, vector<1x16xf32>,
      %get3A_788 = arith.index_cast %scan3A_74 : i32 to index
      %get3A_789 = arith.constant 816 : index
      %get3A_790 = tpu.vector_load %arg8[%get3A_788, %get3A_789] {strides = array<i32>} : memref<32x1024xf32, #tpu.memory_space<vmem>>, vector<1x16xf32>,
      %get3A_791 = vector.shape_cast %get3A_790 : vector<1x16xf32> to vector<16xf32>
      %get3A_792 = arith.index_cast %scan3A_74 : i32 to index
      %get3A_793 = arith.constant 816 : index
      %get3A_794 = tpu.vector_load %arg9[%get3A_792, %get3A_793] {strides = array<i32>} : memref<32x1024xf32, #tpu.memory_space<vmem>>, vector<1x16xf32>,
      %get3A_795 = vector.shape_cast %get3A_794 : vector<1x16xf32> to vector<16xf32>
      %add3A_796 = arith.addf %get3A_791, %get3A_795 : vector<16xf32>
      %swap3A_797 = arith.index_cast %scan3A_74 : i32 to index
      %swap3A_798 = arith.constant 816 : index
      %swap3A_799 = tpu.vector_load %arg8[%swap3A_797, %swap3A_798] {strides = array<i32>} : memref<32x1024xf32, #tpu.memory_space<vmem>>, vector<1x16xf32>,
      %swap3A_800 = vector.shape_cast %swap3A_799 : vector<1x16xf32> to vector<16xf32>
      %swap3A_801 = vector.shape_cast %add3A_796 : vector<16xf32> to vector<1x16xf32>
      tpu.vector_store %arg8[%swap3A_797, %swap3A_798], %swap3A_801 {strides = array<i32>} : memref<32x1024xf32, #tpu.memory_space<vmem>>, vector<1x16xf32>,
      %get3A_802 = arith.index_cast %scan3A_74 : i32 to index
      %get3A_803 = arith.constant 832 : index
      %get3A_804 = tpu.vector_load %arg8[%get3A_802, %get3A_803] {strides = array<i32>} : memref<32x1024xf32, #tpu.memory_space<vmem>>, vector<1x16xf32>,
      %get3A_805 = vector.shape_cast %get3A_804 : vector<1x16xf32> to vector<16xf32>
      %get3A_806 = arith.index_cast %scan3A_74 : i32 to index
      %get3A_807 = arith.constant 832 : index
      %get3A_808 = tpu.vector_load %arg9[%get3A_806, %get3A_807] {strides = array<i32>} : memref<32x1024xf32, #tpu.memory_space<vmem>>, vector<1x16xf32>,
      %get3A_809 = vector.shape_cast %get3A_808 : vector<1x16xf32> to vector<16xf32>
      %add3A_810 = arith.addf %get3A_805, %get3A_809 : vector<16xf32>
      %swap3A_811 = arith.index_cast %scan3A_74 : i32 to index
      %swap3A_812 = arith.constant 832 : index
      %swap3A_813 = tpu.vector_load %arg8[%swap3A_811, %swap3A_812] {strides = array<i32>} : memref<32x1024xf32, #tpu.memory_space<vmem>>, vector<1x16xf32>,
      %swap3A_814 = vector.shape_cast %swap3A_813 : vector<1x16xf32> to vector<16xf32>
      %swap3A_815 = vector.shape_cast %add3A_810 : vector<16xf32> to vector<1x16xf32>
      tpu.vector_store %arg8[%swap3A_811, %swap3A_812], %swap3A_815 {strides = array<i32>} : memref<32x1024xf32, #tpu.memory_space<vmem>>, vector<1x16xf32>,
      %get3A_816 = arith.index_cast %scan3A_74 : i32 to index
      %get3A_817 = arith.constant 848 : index
      %get3A_818 = tpu.vector_load %arg8[%get3A_816, %get3A_817] {strides = array<i32>} : memref<32x1024xf32, #tpu.memory_space<vmem>>, vector<1x16xf32>,
      %get3A_819 = vector.shape_cast %get3A_818 : vector<1x16xf32> to vector<16xf32>
      %get3A_820 = arith.index_cast %scan3A_74 : i32 to index
      %get3A_821 = arith.constant 848 : index
      %get3A_822 = tpu.vector_load %arg9[%get3A_820, %get3A_821] {strides = array<i32>} : memref<32x1024xf32, #tpu.memory_space<vmem>>, vector<1x16xf32>,
      %get3A_823 = vector.shape_cast %get3A_822 : vector<1x16xf32> to vector<16xf32>
      %add3A_824 = arith.addf %get3A_819, %get3A_823 : vector<16xf32>
      %swap3A_825 = arith.index_cast %scan3A_74 : i32 to index
      %swap3A_826 = arith.constant 848 : index
      %swap3A_827 = tpu.vector_load %arg8[%swap3A_825, %swap3A_826] {strides = array<i32>} : memref<32x1024xf32, #tpu.memory_space<vmem>>, vector<1x16xf32>,
      %swap3A_828 = vector.shape_cast %swap3A_827 : vector<1x16xf32> to vector<16xf32>
      %swap3A_829 = vector.shape_cast %add3A_824 : vector<16xf32> to vector<1x16xf32>
      tpu.vector_store %arg8[%swap3A_825, %swap3A_826], %swap3A_829 {strides = array<i32>} : memref<32x1024xf32, #tpu.memory_space<vmem>>, vector<1x16xf32>,
      %get3A_830 = arith.index_cast %scan3A_74 : i32 to index
      %get3A_831 = arith.constant 864 : index
      %get3A_832 = tpu.vector_load %arg8[%get3A_830, %get3A_831] {strides = array<i32>} : memref<32x1024xf32, #tpu.memory_space<vmem>>, vector<1x16xf32>,
      %get3A_833 = vector.shape_cast %get3A_832 : vector<1x16xf32> to vector<16xf32>
      %get3A_834 = arith.index_cast %scan3A_74 : i32 to index
      %get3A_835 = arith.constant 864 : index
      %get3A_836 = tpu.vector_load %arg9[%get3A_834, %get3A_835] {strides = array<i32>} : memref<32x1024xf32, #tpu.memory_space<vmem>>, vector<1x16xf32>,
      %get3A_837 = vector.shape_cast %get3A_836 : vector<1x16xf32> to vector<16xf32>
      %add3A_838 = arith.addf %get3A_833, %get3A_837 : vector<16xf32>
      %swap3A_839 = arith.index_cast %scan3A_74 : i32 to index
      %swap3A_840 = arith.constant 864 : index
      %swap3A_841 = tpu.vector_load %arg8[%swap3A_839, %swap3A_840] {strides = array<i32>} : memref<32x1024xf32, #tpu.memory_space<vmem>>, vector<1x16xf32>,
      %swap3A_842 = vector.shape_cast %swap3A_841 : vector<1x16xf32> to vector<16xf32>
      %swap3A_843 = vector.shape_cast %add3A_838 : vector<16xf32> to vector<1x16xf32>
      tpu.vector_store %arg8[%swap3A_839, %swap3A_840], %swap3A_843 {strides = array<i32>} : memref<32x1024xf32, #tpu.memory_space<vmem>>, vector<1x16xf32>,
      %get3A_844 = arith.index_cast %scan3A_74 : i32 to index
      %get3A_845 = arith.constant 880 : index
      %get3A_846 = tpu.vector_load %arg8[%get3A_844, %get3A_845] {strides = array<i32>} : memref<32x1024xf32, #tpu.memory_space<vmem>>, vector<1x16xf32>,
      %get3A_847 = vector.shape_cast %get3A_846 : vector<1x16xf32> to vector<16xf32>
      %get3A_848 = arith.index_cast %scan3A_74 : i32 to index
      %get3A_849 = arith.constant 880 : index
      %get3A_850 = tpu.vector_load %arg9[%get3A_848, %get3A_849] {strides = array<i32>} : memref<32x1024xf32, #tpu.memory_space<vmem>>, vector<1x16xf32>,
      %get3A_851 = vector.shape_cast %get3A_850 : vector<1x16xf32> to vector<16xf32>
      %add3A_852 = arith.addf %get3A_847, %get3A_851 : vector<16xf32>
      %swap3A_853 = arith.index_cast %scan3A_74 : i32 to index
      %swap3A_854 = arith.constant 880 : index
      %swap3A_855 = tpu.vector_load %arg8[%swap3A_853, %swap3A_854] {strides = array<i32>} : memref<32x1024xf32, #tpu.memory_space<vmem>>, vector<1x16xf32>,
      %swap3A_856 = vector.shape_cast %swap3A_855 : vector<1x16xf32> to vector<16xf32>
      %swap3A_857 = vector.shape_cast %add3A_852 : vector<16xf32> to vector<1x16xf32>
      tpu.vector_store %arg8[%swap3A_853, %swap3A_854], %swap3A_857 {strides = array<i32>} : memref<32x1024xf32, #tpu.memory_space<vmem>>, vector<1x16xf32>,
      %get3A_858 = arith.index_cast %scan3A_74 : i32 to index
      %get3A_859 = arith.constant 896 : index
      %get3A_860 = tpu.vector_load %arg8[%get3A_858, %get3A_859] {strides = array<i32>} : memref<32x1024xf32, #tpu.memory_space<vmem>>, vector<1x16xf32>,
      %get3A_861 = vector.shape_cast %get3A_860 : vector<1x16xf32> to vector<16xf32>
      %get3A_862 = arith.index_cast %scan3A_74 : i32 to index
      %get3A_863 = arith.constant 896 : index
      %get3A_864 = tpu.vector_load %arg9[%get3A_862, %get3A_863] {strides = array<i32>} : memref<32x1024xf32, #tpu.memory_space<vmem>>, vector<1x16xf32>,
      %get3A_865 = vector.shape_cast %get3A_864 : vector<1x16xf32> to vector<16xf32>
      %add3A_866 = arith.addf %get3A_861, %get3A_865 : vector<16xf32>
      %swap3A_867 = arith.index_cast %scan3A_74 : i32 to index
      %swap3A_868 = arith.constant 896 : index
      %swap3A_869 = tpu.vector_load %arg8[%swap3A_867, %swap3A_868] {strides = array<i32>} : memref<32x1024xf32, #tpu.memory_space<vmem>>, vector<1x16xf32>,
      %swap3A_870 = vector.shape_cast %swap3A_869 : vector<1x16xf32> to vector<16xf32>
      %swap3A_871 = vector.shape_cast %add3A_866 : vector<16xf32> to vector<1x16xf32>
      tpu.vector_store %arg8[%swap3A_867, %swap3A_868], %swap3A_871 {strides = array<i32>} : memref<32x1024xf32, #tpu.memory_space<vmem>>, vector<1x16xf32>,
      %get3A_872 = arith.index_cast %scan3A_74 : i32 to index
      %get3A_873 = arith.constant 912 : index
      %get3A_874 = tpu.vector_load %arg8[%get3A_872, %get3A_873] {strides = array<i32>} : memref<32x1024xf32, #tpu.memory_space<vmem>>, vector<1x16xf32>,
      %get3A_875 = vector.shape_cast %get3A_874 : vector<1x16xf32> to vector<16xf32>
      %get3A_876 = arith.index_cast %scan3A_74 : i32 to index
      %get3A_877 = arith.constant 912 : index
      %get3A_878 = tpu.vector_load %arg9[%get3A_876, %get3A_877] {strides = array<i32>} : memref<32x1024xf32, #tpu.memory_space<vmem>>, vector<1x16xf32>,
      %get3A_879 = vector.shape_cast %get3A_878 : vector<1x16xf32> to vector<16xf32>
      %add3A_880 = arith.addf %get3A_875, %get3A_879 : vector<16xf32>
      %swap3A_881 = arith.index_cast %scan3A_74 : i32 to index
      %swap3A_882 = arith.constant 912 : index
      %swap3A_883 = tpu.vector_load %arg8[%swap3A_881, %swap3A_882] {strides = array<i32>} : memref<32x1024xf32, #tpu.memory_space<vmem>>, vector<1x16xf32>,
      %swap3A_884 = vector.shape_cast %swap3A_883 : vector<1x16xf32> to vector<16xf32>
      %swap3A_885 = vector.shape_cast %add3A_880 : vector<16xf32> to vector<1x16xf32>
      tpu.vector_store %arg8[%swap3A_881, %swap3A_882], %swap3A_885 {strides = array<i32>} : memref<32x1024xf32, #tpu.memory_space<vmem>>, vector<1x16xf32>,
      %get3A_886 = arith.index_cast %scan3A_74 : i32 to index
      %get3A_887 = arith.constant 928 : index
      %get3A_888 = tpu.vector_load %arg8[%get3A_886, %get3A_887] {strides = array<i32>} : memref<32x1024xf32, #tpu.memory_space<vmem>>, vector<1x16xf32>,
      %get3A_889 = vector.shape_cast %get3A_888 : vector<1x16xf32> to vector<16xf32>
      %get3A_890 = arith.index_cast %scan3A_74 : i32 to index
      %get3A_891 = arith.constant 928 : index
      %get3A_892 = tpu.vector_load %arg9[%get3A_890, %get3A_891] {strides = array<i32>} : memref<32x1024xf32, #tpu.memory_space<vmem>>, vector<1x16xf32>,
      %get3A_893 = vector.shape_cast %get3A_892 : vector<1x16xf32> to vector<16xf32>
      %add3A_894 = arith.addf %get3A_889, %get3A_893 : vector<16xf32>
      %swap3A_895 = arith.index_cast %scan3A_74 : i32 to index
      %swap3A_896 = arith.constant 928 : index
      %swap3A_897 = tpu.vector_load %arg8[%swap3A_895, %swap3A_896] {strides = array<i32>} : memref<32x1024xf32, #tpu.memory_space<vmem>>, vector<1x16xf32>,
      %swap3A_898 = vector.shape_cast %swap3A_897 : vector<1x16xf32> to vector<16xf32>
      %swap3A_899 = vector.shape_cast %add3A_894 : vector<16xf32> to vector<1x16xf32>
      tpu.vector_store %arg8[%swap3A_895, %swap3A_896], %swap3A_899 {strides = array<i32>} : memref<32x1024xf32, #tpu.memory_space<vmem>>, vector<1x16xf32>,
      %get3A_900 = arith.index_cast %scan3A_74 : i32 to index
      %get3A_901 = arith.constant 944 : index
      %get3A_902 = tpu.vector_load %arg8[%get3A_900, %get3A_901] {strides = array<i32>} : memref<32x1024xf32, #tpu.memory_space<vmem>>, vector<1x16xf32>,
      %get3A_903 = vector.shape_cast %get3A_902 : vector<1x16xf32> to vector<16xf32>
      %get3A_904 = arith.index_cast %scan3A_74 : i32 to index
      %get3A_905 = arith.constant 944 : index
      %get3A_906 = tpu.vector_load %arg9[%get3A_904, %get3A_905] {strides = array<i32>} : memref<32x1024xf32, #tpu.memory_space<vmem>>, vector<1x16xf32>,
      %get3A_907 = vector.shape_cast %get3A_906 : vector<1x16xf32> to vector<16xf32>
      %add3A_908 = arith.addf %get3A_903, %get3A_907 : vector<16xf32>
      %swap3A_909 = arith.index_cast %scan3A_74 : i32 to index
      %swap3A_910 = arith.constant 944 : index
      %swap3A_911 = tpu.vector_load %arg8[%swap3A_909, %swap3A_910] {strides = array<i32>} : memref<32x1024xf32, #tpu.memory_space<vmem>>, vector<1x16xf32>,
      %swap3A_912 = vector.shape_cast %swap3A_911 : vector<1x16xf32> to vector<16xf32>
      %swap3A_913 = vector.shape_cast %add3A_908 : vector<16xf32> to vector<1x16xf32>
      tpu.vector_store %arg8[%swap3A_909, %swap3A_910], %swap3A_913 {strides = array<i32>} : memref<32x1024xf32, #tpu.memory_space<vmem>>, vector<1x16xf32>,
      %get3A_914 = arith.index_cast %scan3A_74 : i32 to index
      %get3A_915 = arith.constant 960 : index
      %get3A_916 = tpu.vector_load %arg8[%get3A_914, %get3A_915] {strides = array<i32>} : memref<32x1024xf32, #tpu.memory_space<vmem>>, vector<1x16xf32>,
      %get3A_917 = vector.shape_cast %get3A_916 : vector<1x16xf32> to vector<16xf32>
      %get3A_918 = arith.index_cast %scan3A_74 : i32 to index
      %get3A_919 = arith.constant 960 : index
      %get3A_920 = tpu.vector_load %arg9[%get3A_918, %get3A_919] {strides = array<i32>} : memref<32x1024xf32, #tpu.memory_space<vmem>>, vector<1x16xf32>,
      %get3A_921 = vector.shape_cast %get3A_920 : vector<1x16xf32> to vector<16xf32>
      %add3A_922 = arith.addf %get3A_917, %get3A_921 : vector<16xf32>
      %swap3A_923 = arith.index_cast %scan3A_74 : i32 to index
      %swap3A_924 = arith.constant 960 : index
      %swap3A_925 = tpu.vector_load %arg8[%swap3A_923, %swap3A_924] {strides = array<i32>} : memref<32x1024xf32, #tpu.memory_space<vmem>>, vector<1x16xf32>,
      %swap3A_926 = vector.shape_cast %swap3A_925 : vector<1x16xf32> to vector<16xf32>
      %swap3A_927 = vector.shape_cast %add3A_922 : vector<16xf32> to vector<1x16xf32>
      tpu.vector_store %arg8[%swap3A_923, %swap3A_924], %swap3A_927 {strides = array<i32>} : memref<32x1024xf32, #tpu.memory_space<vmem>>, vector<1x16xf32>,
      %get3A_928 = arith.index_cast %scan3A_74 : i32 to index
      %get3A_929 = arith.constant 976 : index
      %get3A_930 = tpu.vector_load %arg8[%get3A_928, %get3A_929] {strides = array<i32>} : memref<32x1024xf32, #tpu.memory_space<vmem>>, vector<1x16xf32>,
      %get3A_931 = vector.shape_cast %get3A_930 : vector<1x16xf32> to vector<16xf32>
      %get3A_932 = arith.index_cast %scan3A_74 : i32 to index
      %get3A_933 = arith.constant 976 : index
      %get3A_934 = tpu.vector_load %arg9[%get3A_932, %get3A_933] {strides = array<i32>} : memref<32x1024xf32, #tpu.memory_space<vmem>>, vector<1x16xf32>,
      %get3A_935 = vector.shape_cast %get3A_934 : vector<1x16xf32> to vector<16xf32>
      %add3A_936 = arith.addf %get3A_931, %get3A_935 : vector<16xf32>
      %swap3A_937 = arith.index_cast %scan3A_74 : i32 to index
      %swap3A_938 = arith.constant 976 : index
      %swap3A_939 = tpu.vector_load %arg8[%swap3A_937, %swap3A_938] {strides = array<i32>} : memref<32x1024xf32, #tpu.memory_space<vmem>>, vector<1x16xf32>,
      %swap3A_940 = vector.shape_cast %swap3A_939 : vector<1x16xf32> to vector<16xf32>
      %swap3A_941 = vector.shape_cast %add3A_936 : vector<16xf32> to vector<1x16xf32>
      tpu.vector_store %arg8[%swap3A_937, %swap3A_938], %swap3A_941 {strides = array<i32>} : memref<32x1024xf32, #tpu.memory_space<vmem>>, vector<1x16xf32>,
      %get3A_942 = arith.index_cast %scan3A_74 : i32 to index
      %get3A_943 = arith.constant 992 : index
      %get3A_944 = tpu.vector_load %arg8[%get3A_942, %get3A_943] {strides = array<i32>} : memref<32x1024xf32, #tpu.memory_space<vmem>>, vector<1x16xf32>,
      %get3A_945 = vector.shape_cast %get3A_944 : vector<1x16xf32> to vector<16xf32>
      %get3A_946 = arith.index_cast %scan3A_74 : i32 to index
      %get3A_947 = arith.constant 992 : index
      %get3A_948 = tpu.vector_load %arg9[%get3A_946, %get3A_947] {strides = array<i32>} : memref<32x1024xf32, #tpu.memory_space<vmem>>, vector<1x16xf32>,
      %get3A_949 = vector.shape_cast %get3A_948 : vector<1x16xf32> to vector<16xf32>
      %add3A_950 = arith.addf %get3A_945, %get3A_949 : vector<16xf32>
      %swap3A_951 = arith.index_cast %scan3A_74 : i32 to index
      %swap3A_952 = arith.constant 992 : index
      %swap3A_953 = tpu.vector_load %arg8[%swap3A_951, %swap3A_952] {strides = array<i32>} : memref<32x1024xf32, #tpu.memory_space<vmem>>, vector<1x16xf32>,
      %swap3A_954 = vector.shape_cast %swap3A_953 : vector<1x16xf32> to vector<16xf32>
      %swap3A_955 = vector.shape_cast %add3A_950 : vector<16xf32> to vector<1x16xf32>
      tpu.vector_store %arg8[%swap3A_951, %swap3A_952], %swap3A_955 {strides = array<i32>} : memref<32x1024xf32, #tpu.memory_space<vmem>>, vector<1x16xf32>,
      %get3A_956 = arith.index_cast %scan3A_74 : i32 to index
      %get3A_957 = arith.constant 1008 : index
      %get3A_958 = tpu.vector_load %arg8[%get3A_956, %get3A_957] {strides = array<i32>} : memref<32x1024xf32, #tpu.memory_space<vmem>>, vector<1x16xf32>,
      %get3A_959 = vector.shape_cast %get3A_958 : vector<1x16xf32> to vector<16xf32>
      %get3A_960 = arith.index_cast %scan3A_74 : i32 to index
      %get3A_961 = arith.constant 1008 : index
      %get3A_962 = tpu.vector_load %arg9[%get3A_960, %get3A_961] {strides = array<i32>} : memref<32x1024xf32, #tpu.memory_space<vmem>>, vector<1x16xf32>,
      %get3A_963 = vector.shape_cast %get3A_962 : vector<1x16xf32> to vector<16xf32>
      %add3A_964 = arith.addf %get3A_959, %get3A_963 : vector<16xf32>
      %swap3A_965 = arith.index_cast %scan3A_74 : i32 to index
      %swap3A_966 = arith.constant 1008 : index
      %swap3A_967 = tpu.vector_load %arg8[%swap3A_965, %swap3A_966] {strides = array<i32>} : memref<32x1024xf32, #tpu.memory_space<vmem>>, vector<1x16xf32>,
      %swap3A_968 = vector.shape_cast %swap3A_967 : vector<1x16xf32> to vector<16xf32>
      %swap3A_969 = vector.shape_cast %add3A_964 : vector<16xf32> to vector<1x16xf32>
      tpu.vector_store %arg8[%swap3A_965, %swap3A_966], %swap3A_969 {strides = array<i32>} : memref<32x1024xf32, #tpu.memory_space<vmem>>, vector<1x16xf32>,
      %scan3A_970 = arith.constant 0 : i32
      scf.yield %scan3A_970 : i32
    }
    %scan3A_34 = arith.constant 32 : i32
    %add3A_35 = arith.constant 0 : i32
    %add3A_36 = arith.addi %mul3A_2, %add3A_35 : i32
    "tpu.region"() ({
      %run_scoped3A = tpu.sem_alloc : memref<!tpu.dma_semaphore, #tpu.memory_space<semaphore_mem>>
      %dma_start3A_74 = arith.constant 0 : i32
      %dma_start3A_75 = tpu.memref_slice %arg5[%add3A_36, %dma_start3A_74] : memref<2048x1024xf32, #tpu.memory_space<hbm>> -> memref<32x1024xf32, #tpu.memory_space<hbm>>
      %dma_start3A_76 = arith.constant 0 : i32
      %dma_start3A_77 = tpu.memref_slice %arg5[%add3A_36, %dma_start3A_76] : memref<2048x1024xf32, #tpu.memory_space<hbm>> -> memref<32x1024xf32, #tpu.memory_space<hbm>>
      tpu.enqueue_dma source(%arg8 : memref<32x1024xf32, #tpu.memory_space<vmem>>) target(%dma_start3A_77 : memref<32x1024xf32, #tpu.memory_space<hbm>>) target_semaphore(%run_scoped3A : memref<!tpu.dma_semaphore, #tpu.memory_space<semaphore_mem>>)
      %dma_wait3A_78 = arith.constant 0 : i32
      %dma_wait3A_79 = tpu.memref_slice %arg5[%add3A_36, %dma_wait3A_78] : memref<2048x1024xf32, #tpu.memory_space<hbm>> -> memref<32x1024xf32, #tpu.memory_space<hbm>>
      %dma_wait3A_80 = arith.constant 0 : i32
      %dma_wait3A_81 = tpu.memref_slice %arg5[%add3A_36, %dma_wait3A_80] : memref<2048x1024xf32, #tpu.memory_space<hbm>> -> memref<32x1024xf32, #tpu.memory_space<hbm>>
      tpu.wait_dma2 semaphore(%run_scoped3A : memref<!tpu.dma_semaphore, #tpu.memory_space<semaphore_mem>>) src(%arg8 : memref<32x1024xf32, #tpu.memory_space<vmem>>) dst(%dma_wait3A_81 : memref<32x1024xf32, #tpu.memory_space<hbm>>)
      tpu.yield
    }) : () -> ()
    %dma_start3A_37 = arith.constant 1 : i32
    %dma_start3A_38 = arith.constant 0 : i32
    %dma_start3A_39 = tpu.memref_slice %arg6[%dma_start3A_37, %dma_start3A_38] : memref<2x32xi32, #tpu.memory_space<vmem>> -> memref<1x32xi32, #tpu.memory_space<vmem>>
    %dma_start3A_40 = tpu.memref_squeeze %dma_start3A_39 : memref<1x32xi32, #tpu.memory_space<vmem>> -> memref<32xi32, #tpu.memory_space<vmem>>
    %dma_start3A_41 = arith.constant 0 : i32
    %dma_start3A_42 = arith.constant 0 : i32
    %dma_start3A_43 = tpu.memref_slice %arg4[%dma_start3A_41, %dma_start3A_42] : memref<6144x1024xf32, #tpu.memory_space<hbm>> -> memref<6144x1024xf32, #tpu.memory_space<hbm>>
    tpu.enqueue_indirect_dma source(%dma_start3A_43 : memref<6144x1024xf32, #tpu.memory_space<hbm>>) target(%arg8 : memref<32x1024xf32, #tpu.memory_space<vmem>>) offsets(%dma_start3A_40 : memref<32xi32, #tpu.memory_space<vmem>>) semaphore(%arg10 : memref<!tpu.dma_semaphore, #tpu.memory_space<semaphore_mem>>)
    %dma_start3A_44 = arith.constant 1 : i32
    %dma_start3A_45 = arith.constant 0 : i32
    %dma_start3A_46 = tpu.memref_slice %arg7[%dma_start3A_44, %dma_start3A_45] : memref<2x32xi32, #tpu.memory_space<vmem>> -> memref<1x32xi32, #tpu.memory_space<vmem>>
    %dma_start3A_47 = tpu.memref_squeeze %dma_start3A_46 : memref<1x32xi32, #tpu.memory_space<vmem>> -> memref<32xi32, #tpu.memory_space<vmem>>
    %dma_start3A_48 = arith.constant 0 : i32
    %dma_start3A_49 = arith.constant 0 : i32
    %dma_start3A_50 = tpu.memref_slice %arg4[%dma_start3A_48, %dma_start3A_49] : memref<6144x1024xf32, #tpu.memory_space<hbm>> -> memref<6144x1024xf32, #tpu.memory_space<hbm>>
    tpu.enqueue_indirect_dma source(%dma_start3A_50 : memref<6144x1024xf32, #tpu.memory_space<hbm>>) target(%arg9 : memref<32x1024xf32, #tpu.memory_space<vmem>>) offsets(%dma_start3A_47 : memref<32xi32, #tpu.memory_space<vmem>>) semaphore(%arg11 : memref<!tpu.dma_semaphore, #tpu.memory_space<semaphore_mem>>)
    %dma_wait3A_51 = arith.constant 1 : i32
    %dma_wait3A_52 = arith.constant 0 : i32
    %dma_wait3A_53 = tpu.memref_slice %arg6[%dma_wait3A_51, %dma_wait3A_52] : memref<2x32xi32, #tpu.memory_space<vmem>> -> memref<1x32xi32, #tpu.memory_space<vmem>>
    %dma_wait3A_54 = tpu.memref_squeeze %dma_wait3A_53 : memref<1x32xi32, #tpu.memory_space<vmem>> -> memref<32xi32, #tpu.memory_space<vmem>>
    %dma_wait3A_55 = arith.constant 0 : i32
    %dma_wait3A_56 = arith.constant 0 : i32
    %dma_wait3A_57 = tpu.memref_slice %arg4[%dma_wait3A_55, %dma_wait3A_56] : memref<6144x1024xf32, #tpu.memory_space<hbm>> -> memref<6144x1024xf32, #tpu.memory_space<hbm>>
    tpu.wait_indirect_dma semaphore(%arg10 : memref<!tpu.dma_semaphore, #tpu.memory_space<semaphore_mem>>) src(%dma_wait3A_57 : memref<6144x1024xf32, #tpu.memory_space<hbm>>) dst(%arg8 : memref<32x1024xf32, #tpu.memory_space<vmem>>)
    %dma_wait3A_58 = arith.constant 1 : i32
    %dma_wait3A_59 = arith.constant 0 : i32
    %dma_wait3A_60 = tpu.memref_slice %arg7[%dma_wait3A_58, %dma_wait3A_59] : memref<2x32xi32, #tpu.memory_space<vmem>> -> memref<1x32xi32, #tpu.memory_space<vmem>>
    %dma_wait3A_61 = tpu.memref_squeeze %dma_wait3A_60 : memref<1x32xi32, #tpu.memory_space<vmem>> -> memref<32xi32, #tpu.memory_space<vmem>>
    %dma_wait3A_62 = arith.constant 0 : i32
    %dma_wait3A_63 = arith.constant 0 : i32
    %dma_wait3A_64 = tpu.memref_slice %arg4[%dma_wait3A_62, %dma_wait3A_63] : memref<6144x1024xf32, #tpu.memory_space<hbm>> -> memref<6144x1024xf32, #tpu.memory_space<hbm>>
    tpu.wait_indirect_dma semaphore(%arg11 : memref<!tpu.dma_semaphore, #tpu.memory_space<semaphore_mem>>) src(%dma_wait3A_64 : memref<6144x1024xf32, #tpu.memory_space<hbm>>) dst(%arg9 : memref<32x1024xf32, #tpu.memory_space<vmem>>)
    %scan3A_65 = arith.constant 0 : i32
    %scan3A_66 = arith.constant 0 : i32
    %scan3A_67 = arith.constant 32 : i32
    %scan3A_68 = arith.addi %scan3A_66, %scan3A_67 : i32
    %scan3A_69 = arith.constant 1 : i32
    %scan3A_70 = scf.for %scan3A_74 = %scan3A_66 to %scan3A_68 step %scan3A_69 iter_args(%scan3A_75 = %scan3A_65) -> (i32)  : i32 {
      %get3A = arith.index_cast %scan3A_74 : i32 to index
      %get3A_76 = arith.constant 0 : index
      %get3A_77 = tpu.vector_load %arg8[%get3A, %get3A_76] {strides = array<i32>} : memref<32x1024xf32, #tpu.memory_space<vmem>>, vector<1x16xf32>,
      %get3A_78 = vector.shape_cast %get3A_77 : vector<1x16xf32> to vector<16xf32>
      %get3A_79 = arith.index_cast %scan3A_74 : i32 to index
      %get3A_80 = arith.constant 0 : index
      %get3A_81 = tpu.vector_load %arg9[%get3A_79, %get3A_80] {strides = array<i32>} : memref<32x1024xf32, #tpu.memory_space<vmem>>, vector<1x16xf32>,
      %get3A_82 = vector.shape_cast %get3A_81 : vector<1x16xf32> to vector<16xf32>
      %add3A_83 = arith.addf %get3A_78, %get3A_82 : vector<16xf32>
      %swap3A = arith.index_cast %scan3A_74 : i32 to index
      %swap3A_84 = arith.constant 0 : index
      %swap3A_85 = tpu.vector_load %arg8[%swap3A, %swap3A_84] {strides = array<i32>} : memref<32x1024xf32, #tpu.memory_space<vmem>>, vector<1x16xf32>,
      %swap3A_86 = vector.shape_cast %swap3A_85 : vector<1x16xf32> to vector<16xf32>
      %swap3A_87 = vector.shape_cast %add3A_83 : vector<16xf32> to vector<1x16xf32>
      tpu.vector_store %arg8[%swap3A, %swap3A_84], %swap3A_87 {strides = array<i32>} : memref<32x1024xf32, #tpu.memory_space<vmem>>, vector<1x16xf32>,
      %get3A_88 = arith.index_cast %scan3A_74 : i32 to index
      %get3A_89 = arith.constant 16 : index
      %get3A_90 = tpu.vector_load %arg8[%get3A_88, %get3A_89] {strides = array<i32>} : memref<32x1024xf32, #tpu.memory_space<vmem>>, vector<1x16xf32>,
      %get3A_91 = vector.shape_cast %get3A_90 : vector<1x16xf32> to vector<16xf32>
      %get3A_92 = arith.index_cast %scan3A_74 : i32 to index
      %get3A_93 = arith.constant 16 : index
      %get3A_94 = tpu.vector_load %arg9[%get3A_92, %get3A_93] {strides = array<i32>} : memref<32x1024xf32, #tpu.memory_space<vmem>>, vector<1x16xf32>,
      %get3A_95 = vector.shape_cast %get3A_94 : vector<1x16xf32> to vector<16xf32>
      %add3A_96 = arith.addf %get3A_91, %get3A_95 : vector<16xf32>
      %swap3A_97 = arith.index_cast %scan3A_74 : i32 to index
      %swap3A_98 = arith.constant 16 : index
      %swap3A_99 = tpu.vector_load %arg8[%swap3A_97, %swap3A_98] {strides = array<i32>} : memref<32x1024xf32, #tpu.memory_space<vmem>>, vector<1x16xf32>,
      %swap3A_100 = vector.shape_cast %swap3A_99 : vector<1x16xf32> to vector<16xf32>
      %swap3A_101 = vector.shape_cast %add3A_96 : vector<16xf32> to vector<1x16xf32>
      tpu.vector_store %arg8[%swap3A_97, %swap3A_98], %swap3A_101 {strides = array<i32>} : memref<32x1024xf32, #tpu.memory_space<vmem>>, vector<1x16xf32>,
      %get3A_102 = arith.index_cast %scan3A_74 : i32 to index
      %get3A_103 = arith.constant 32 : index
      %get3A_104 = tpu.vector_load %arg8[%get3A_102, %get3A_103] {strides = array<i32>} : memref<32x1024xf32, #tpu.memory_space<vmem>>, vector<1x16xf32>,
      %get3A_105 = vector.shape_cast %get3A_104 : vector<1x16xf32> to vector<16xf32>
      %get3A_106 = arith.index_cast %scan3A_74 : i32 to index
      %get3A_107 = arith.constant 32 : index
      %get3A_108 = tpu.vector_load %arg9[%get3A_106, %get3A_107] {strides = array<i32>} : memref<32x1024xf32, #tpu.memory_space<vmem>>, vector<1x16xf32>,
      %get3A_109 = vector.shape_cast %get3A_108 : vector<1x16xf32> to vector<16xf32>
      %add3A_110 = arith.addf %get3A_105, %get3A_109 : vector<16xf32>
      %swap3A_111 = arith.index_cast %scan3A_74 : i32 to index
      %swap3A_112 = arith.constant 32 : index
      %swap3A_113 = tpu.vector_load %arg8[%swap3A_111, %swap3A_112] {strides = array<i32>} : memref<32x1024xf32, #tpu.memory_space<vmem>>, vector<1x16xf32>,
      %swap3A_114 = vector.shape_cast %swap3A_113 : vector<1x16xf32> to vector<16xf32>
      %swap3A_115 = vector.shape_cast %add3A_110 : vector<16xf32> to vector<1x16xf32>
      tpu.vector_store %arg8[%swap3A_111, %swap3A_112], %swap3A_115 {strides = array<i32>} : memref<32x1024xf32, #tpu.memory_space<vmem>>, vector<1x16xf32>,
      %get3A_116 = arith.index_cast %scan3A_74 : i32 to index
      %get3A_117 = arith.constant 48 : index
      %get3A_118 = tpu.vector_load %arg8[%get3A_116, %get3A_117] {strides = array<i32>} : memref<32x1024xf32, #tpu.memory_space<vmem>>, vector<1x16xf32>,
      %get3A_119 = vector.shape_cast %get3A_118 : vector<1x16xf32> to vector<16xf32>
      %get3A_120 = arith.index_cast %scan3A_74 : i32 to index
      %get3A_121 = arith.constant 48 : index
      %get3A_122 = tpu.vector_load %arg9[%get3A_120, %get3A_121] {strides = array<i32>} : memref<32x1024xf32, #tpu.memory_space<vmem>>, vector<1x16xf32>,
      %get3A_123 = vector.shape_cast %get3A_122 : vector<1x16xf32> to vector<16xf32>
      %add3A_124 = arith.addf %get3A_119, %get3A_123 : vector<16xf32>
      %swap3A_125 = arith.index_cast %scan3A_74 : i32 to index
      %swap3A_126 = arith.constant 48 : index
      %swap3A_127 = tpu.vector_load %arg8[%swap3A_125, %swap3A_126] {strides = array<i32>} : memref<32x1024xf32, #tpu.memory_space<vmem>>, vector<1x16xf32>,
      %swap3A_128 = vector.shape_cast %swap3A_127 : vector<1x16xf32> to vector<16xf32>
      %swap3A_129 = vector.shape_cast %add3A_124 : vector<16xf32> to vector<1x16xf32>
      tpu.vector_store %arg8[%swap3A_125, %swap3A_126], %swap3A_129 {strides = array<i32>} : memref<32x1024xf32, #tpu.memory_space<vmem>>, vector<1x16xf32>,
      %get3A_130 = arith.index_cast %scan3A_74 : i32 to index
      %get3A_131 = arith.constant 64 : index
      %get3A_132 = tpu.vector_load %arg8[%get3A_130, %get3A_131] {strides = array<i32>} : memref<32x1024xf32, #tpu.memory_space<vmem>>, vector<1x16xf32>,
      %get3A_133 = vector.shape_cast %get3A_132 : vector<1x16xf32> to vector<16xf32>
      %get3A_134 = arith.index_cast %scan3A_74 : i32 to index
      %get3A_135 = arith.constant 64 : index
      %get3A_136 = tpu.vector_load %arg9[%get3A_134, %get3A_135] {strides = array<i32>} : memref<32x1024xf32, #tpu.memory_space<vmem>>, vector<1x16xf32>,
      %get3A_137 = vector.shape_cast %get3A_136 : vector<1x16xf32> to vector<16xf32>
      %add3A_138 = arith.addf %get3A_133, %get3A_137 : vector<16xf32>
      %swap3A_139 = arith.index_cast %scan3A_74 : i32 to index
      %swap3A_140 = arith.constant 64 : index
      %swap3A_141 = tpu.vector_load %arg8[%swap3A_139, %swap3A_140] {strides = array<i32>} : memref<32x1024xf32, #tpu.memory_space<vmem>>, vector<1x16xf32>,
      %swap3A_142 = vector.shape_cast %swap3A_141 : vector<1x16xf32> to vector<16xf32>
      %swap3A_143 = vector.shape_cast %add3A_138 : vector<16xf32> to vector<1x16xf32>
      tpu.vector_store %arg8[%swap3A_139, %swap3A_140], %swap3A_143 {strides = array<i32>} : memref<32x1024xf32, #tpu.memory_space<vmem>>, vector<1x16xf32>,
      %get3A_144 = arith.index_cast %scan3A_74 : i32 to index
      %get3A_145 = arith.constant 80 : index
      %get3A_146 = tpu.vector_load %arg8[%get3A_144, %get3A_145] {strides = array<i32>} : memref<32x1024xf32, #tpu.memory_space<vmem>>, vector<1x16xf32>,
      %get3A_147 = vector.shape_cast %get3A_146 : vector<1x16xf32> to vector<16xf32>
      %get3A_148 = arith.index_cast %scan3A_74 : i32 to index
      %get3A_149 = arith.constant 80 : index
      %get3A_150 = tpu.vector_load %arg9[%get3A_148, %get3A_149] {strides = array<i32>} : memref<32x1024xf32, #tpu.memory_space<vmem>>, vector<1x16xf32>,
      %get3A_151 = vector.shape_cast %get3A_150 : vector<1x16xf32> to vector<16xf32>
      %add3A_152 = arith.addf %get3A_147, %get3A_151 : vector<16xf32>
      %swap3A_153 = arith.index_cast %scan3A_74 : i32 to index
      %swap3A_154 = arith.constant 80 : index
      %swap3A_155 = tpu.vector_load %arg8[%swap3A_153, %swap3A_154] {strides = array<i32>} : memref<32x1024xf32, #tpu.memory_space<vmem>>, vector<1x16xf32>,
      %swap3A_156 = vector.shape_cast %swap3A_155 : vector<1x16xf32> to vector<16xf32>
      %swap3A_157 = vector.shape_cast %add3A_152 : vector<16xf32> to vector<1x16xf32>
      tpu.vector_store %arg8[%swap3A_153, %swap3A_154], %swap3A_157 {strides = array<i32>} : memref<32x1024xf32, #tpu.memory_space<vmem>>, vector<1x16xf32>,
      %get3A_158 = arith.index_cast %scan3A_74 : i32 to index
      %get3A_159 = arith.constant 96 : index
      %get3A_160 = tpu.vector_load %arg8[%get3A_158, %get3A_159] {strides = array<i32>} : memref<32x1024xf32, #tpu.memory_space<vmem>>, vector<1x16xf32>,
      %get3A_161 = vector.shape_cast %get3A_160 : vector<1x16xf32> to vector<16xf32>
      %get3A_162 = arith.index_cast %scan3A_74 : i32 to index
      %get3A_163 = arith.constant 96 : index
      %get3A_164 = tpu.vector_load %arg9[%get3A_162, %get3A_163] {strides = array<i32>} : memref<32x1024xf32, #tpu.memory_space<vmem>>, vector<1x16xf32>,
      %get3A_165 = vector.shape_cast %get3A_164 : vector<1x16xf32> to vector<16xf32>
      %add3A_166 = arith.addf %get3A_161, %get3A_165 : vector<16xf32>
      %swap3A_167 = arith.index_cast %scan3A_74 : i32 to index
      %swap3A_168 = arith.constant 96 : index
      %swap3A_169 = tpu.vector_load %arg8[%swap3A_167, %swap3A_168] {strides = array<i32>} : memref<32x1024xf32, #tpu.memory_space<vmem>>, vector<1x16xf32>,
      %swap3A_170 = vector.shape_cast %swap3A_169 : vector<1x16xf32> to vector<16xf32>
      %swap3A_171 = vector.shape_cast %add3A_166 : vector<16xf32> to vector<1x16xf32>
      tpu.vector_store %arg8[%swap3A_167, %swap3A_168], %swap3A_171 {strides = array<i32>} : memref<32x1024xf32, #tpu.memory_space<vmem>>, vector<1x16xf32>,
      %get3A_172 = arith.index_cast %scan3A_74 : i32 to index
      %get3A_173 = arith.constant 112 : index
      %get3A_174 = tpu.vector_load %arg8[%get3A_172, %get3A_173] {strides = array<i32>} : memref<32x1024xf32, #tpu.memory_space<vmem>>, vector<1x16xf32>,
      %get3A_175 = vector.shape_cast %get3A_174 : vector<1x16xf32> to vector<16xf32>
      %get3A_176 = arith.index_cast %scan3A_74 : i32 to index
      %get3A_177 = arith.constant 112 : index
      %get3A_178 = tpu.vector_load %arg9[%get3A_176, %get3A_177] {strides = array<i32>} : memref<32x1024xf32, #tpu.memory_space<vmem>>, vector<1x16xf32>,
      %get3A_179 = vector.shape_cast %get3A_178 : vector<1x16xf32> to vector<16xf32>
      %add3A_180 = arith.addf %get3A_175, %get3A_179 : vector<16xf32>
      %swap3A_181 = arith.index_cast %scan3A_74 : i32 to index
      %swap3A_182 = arith.constant 112 : index
      %swap3A_183 = tpu.vector_load %arg8[%swap3A_181, %swap3A_182] {strides = array<i32>} : memref<32x1024xf32, #tpu.memory_space<vmem>>, vector<1x16xf32>,
      %swap3A_184 = vector.shape_cast %swap3A_183 : vector<1x16xf32> to vector<16xf32>
      %swap3A_185 = vector.shape_cast %add3A_180 : vector<16xf32> to vector<1x16xf32>
      tpu.vector_store %arg8[%swap3A_181, %swap3A_182], %swap3A_185 {strides = array<i32>} : memref<32x1024xf32, #tpu.memory_space<vmem>>, vector<1x16xf32>,
      %get3A_186 = arith.index_cast %scan3A_74 : i32 to index
      %get3A_187 = arith.constant 128 : index
      %get3A_188 = tpu.vector_load %arg8[%get3A_186, %get3A_187] {strides = array<i32>} : memref<32x1024xf32, #tpu.memory_space<vmem>>, vector<1x16xf32>,
      %get3A_189 = vector.shape_cast %get3A_188 : vector<1x16xf32> to vector<16xf32>
      %get3A_190 = arith.index_cast %scan3A_74 : i32 to index
      %get3A_191 = arith.constant 128 : index
      %get3A_192 = tpu.vector_load %arg9[%get3A_190, %get3A_191] {strides = array<i32>} : memref<32x1024xf32, #tpu.memory_space<vmem>>, vector<1x16xf32>,
      %get3A_193 = vector.shape_cast %get3A_192 : vector<1x16xf32> to vector<16xf32>
      %add3A_194 = arith.addf %get3A_189, %get3A_193 : vector<16xf32>
      %swap3A_195 = arith.index_cast %scan3A_74 : i32 to index
      %swap3A_196 = arith.constant 128 : index
      %swap3A_197 = tpu.vector_load %arg8[%swap3A_195, %swap3A_196] {strides = array<i32>} : memref<32x1024xf32, #tpu.memory_space<vmem>>, vector<1x16xf32>,
      %swap3A_198 = vector.shape_cast %swap3A_197 : vector<1x16xf32> to vector<16xf32>
      %swap3A_199 = vector.shape_cast %add3A_194 : vector<16xf32> to vector<1x16xf32>
      tpu.vector_store %arg8[%swap3A_195, %swap3A_196], %swap3A_199 {strides = array<i32>} : memref<32x1024xf32, #tpu.memory_space<vmem>>, vector<1x16xf32>,
      %get3A_200 = arith.index_cast %scan3A_74 : i32 to index
      %get3A_201 = arith.constant 144 : index
      %get3A_202 = tpu.vector_load %arg8[%get3A_200, %get3A_201] {strides = array<i32>} : memref<32x1024xf32, #tpu.memory_space<vmem>>, vector<1x16xf32>,
      %get3A_203 = vector.shape_cast %get3A_202 : vector<1x16xf32> to vector<16xf32>
      %get3A_204 = arith.index_cast %scan3A_74 : i32 to index
      %get3A_205 = arith.constant 144 : index
      %get3A_206 = tpu.vector_load %arg9[%get3A_204, %get3A_205] {strides = array<i32>} : memref<32x1024xf32, #tpu.memory_space<vmem>>, vector<1x16xf32>,
      %get3A_207 = vector.shape_cast %get3A_206 : vector<1x16xf32> to vector<16xf32>
      %add3A_208 = arith.addf %get3A_203, %get3A_207 : vector<16xf32>
      %swap3A_209 = arith.index_cast %scan3A_74 : i32 to index
      %swap3A_210 = arith.constant 144 : index
      %swap3A_211 = tpu.vector_load %arg8[%swap3A_209, %swap3A_210] {strides = array<i32>} : memref<32x1024xf32, #tpu.memory_space<vmem>>, vector<1x16xf32>,
      %swap3A_212 = vector.shape_cast %swap3A_211 : vector<1x16xf32> to vector<16xf32>
      %swap3A_213 = vector.shape_cast %add3A_208 : vector<16xf32> to vector<1x16xf32>
      tpu.vector_store %arg8[%swap3A_209, %swap3A_210], %swap3A_213 {strides = array<i32>} : memref<32x1024xf32, #tpu.memory_space<vmem>>, vector<1x16xf32>,
      %get3A_214 = arith.index_cast %scan3A_74 : i32 to index
      %get3A_215 = arith.constant 160 : index
      %get3A_216 = tpu.vector_load %arg8[%get3A_214, %get3A_215] {strides = array<i32>} : memref<32x1024xf32, #tpu.memory_space<vmem>>, vector<1x16xf32>,
      %get3A_217 = vector.shape_cast %get3A_216 : vector<1x16xf32> to vector<16xf32>
      %get3A_218 = arith.index_cast %scan3A_74 : i32 to index
      %get3A_219 = arith.constant 160 : index
      %get3A_220 = tpu.vector_load %arg9[%get3A_218, %get3A_219] {strides = array<i32>} : memref<32x1024xf32, #tpu.memory_space<vmem>>, vector<1x16xf32>,
      %get3A_221 = vector.shape_cast %get3A_220 : vector<1x16xf32> to vector<16xf32>
      %add3A_222 = arith.addf %get3A_217, %get3A_221 : vector<16xf32>
      %swap3A_223 = arith.index_cast %scan3A_74 : i32 to index
      %swap3A_224 = arith.constant 160 : index
      %swap3A_225 = tpu.vector_load %arg8[%swap3A_223, %swap3A_224] {strides = array<i32>} : memref<32x1024xf32, #tpu.memory_space<vmem>>, vector<1x16xf32>,
      %swap3A_226 = vector.shape_cast %swap3A_225 : vector<1x16xf32> to vector<16xf32>
      %swap3A_227 = vector.shape_cast %add3A_222 : vector<16xf32> to vector<1x16xf32>
      tpu.vector_store %arg8[%swap3A_223, %swap3A_224], %swap3A_227 {strides = array<i32>} : memref<32x1024xf32, #tpu.memory_space<vmem>>, vector<1x16xf32>,
      %get3A_228 = arith.index_cast %scan3A_74 : i32 to index
      %get3A_229 = arith.constant 176 : index
      %get3A_230 = tpu.vector_load %arg8[%get3A_228, %get3A_229] {strides = array<i32>} : memref<32x1024xf32, #tpu.memory_space<vmem>>, vector<1x16xf32>,
      %get3A_231 = vector.shape_cast %get3A_230 : vector<1x16xf32> to vector<16xf32>
      %get3A_232 = arith.index_cast %scan3A_74 : i32 to index
      %get3A_233 = arith.constant 176 : index
      %get3A_234 = tpu.vector_load %arg9[%get3A_232, %get3A_233] {strides = array<i32>} : memref<32x1024xf32, #tpu.memory_space<vmem>>, vector<1x16xf32>,
      %get3A_235 = vector.shape_cast %get3A_234 : vector<1x16xf32> to vector<16xf32>
      %add3A_236 = arith.addf %get3A_231, %get3A_235 : vector<16xf32>
      %swap3A_237 = arith.index_cast %scan3A_74 : i32 to index
      %swap3A_238 = arith.constant 176 : index
      %swap3A_239 = tpu.vector_load %arg8[%swap3A_237, %swap3A_238] {strides = array<i32>} : memref<32x1024xf32, #tpu.memory_space<vmem>>, vector<1x16xf32>,
      %swap3A_240 = vector.shape_cast %swap3A_239 : vector<1x16xf32> to vector<16xf32>
      %swap3A_241 = vector.shape_cast %add3A_236 : vector<16xf32> to vector<1x16xf32>
      tpu.vector_store %arg8[%swap3A_237, %swap3A_238], %swap3A_241 {strides = array<i32>} : memref<32x1024xf32, #tpu.memory_space<vmem>>, vector<1x16xf32>,
      %get3A_242 = arith.index_cast %scan3A_74 : i32 to index
      %get3A_243 = arith.constant 192 : index
      %get3A_244 = tpu.vector_load %arg8[%get3A_242, %get3A_243] {strides = array<i32>} : memref<32x1024xf32, #tpu.memory_space<vmem>>, vector<1x16xf32>,
      %get3A_245 = vector.shape_cast %get3A_244 : vector<1x16xf32> to vector<16xf32>
      %get3A_246 = arith.index_cast %scan3A_74 : i32 to index
      %get3A_247 = arith.constant 192 : index
      %get3A_248 = tpu.vector_load %arg9[%get3A_246, %get3A_247] {strides = array<i32>} : memref<32x1024xf32, #tpu.memory_space<vmem>>, vector<1x16xf32>,
      %get3A_249 = vector.shape_cast %get3A_248 : vector<1x16xf32> to vector<16xf32>
      %add3A_250 = arith.addf %get3A_245, %get3A_249 : vector<16xf32>
      %swap3A_251 = arith.index_cast %scan3A_74 : i32 to index
      %swap3A_252 = arith.constant 192 : index
      %swap3A_253 = tpu.vector_load %arg8[%swap3A_251, %swap3A_252] {strides = array<i32>} : memref<32x1024xf32, #tpu.memory_space<vmem>>, vector<1x16xf32>,
      %swap3A_254 = vector.shape_cast %swap3A_253 : vector<1x16xf32> to vector<16xf32>
      %swap3A_255 = vector.shape_cast %add3A_250 : vector<16xf32> to vector<1x16xf32>
      tpu.vector_store %arg8[%swap3A_251, %swap3A_252], %swap3A_255 {strides = array<i32>} : memref<32x1024xf32, #tpu.memory_space<vmem>>, vector<1x16xf32>,
      %get3A_256 = arith.index_cast %scan3A_74 : i32 to index
      %get3A_257 = arith.constant 208 : index
      %get3A_258 = tpu.vector_load %arg8[%get3A_256, %get3A_257] {strides = array<i32>} : memref<32x1024xf32, #tpu.memory_space<vmem>>, vector<1x16xf32>,
      %get3A_259 = vector.shape_cast %get3A_258 : vector<1x16xf32> to vector<16xf32>
      %get3A_260 = arith.index_cast %scan3A_74 : i32 to index
      %get3A_261 = arith.constant 208 : index
      %get3A_262 = tpu.vector_load %arg9[%get3A_260, %get3A_261] {strides = array<i32>} : memref<32x1024xf32, #tpu.memory_space<vmem>>, vector<1x16xf32>,
      %get3A_263 = vector.shape_cast %get3A_262 : vector<1x16xf32> to vector<16xf32>
      %add3A_264 = arith.addf %get3A_259, %get3A_263 : vector<16xf32>
      %swap3A_265 = arith.index_cast %scan3A_74 : i32 to index
      %swap3A_266 = arith.constant 208 : index
      %swap3A_267 = tpu.vector_load %arg8[%swap3A_265, %swap3A_266] {strides = array<i32>} : memref<32x1024xf32, #tpu.memory_space<vmem>>, vector<1x16xf32>,
      %swap3A_268 = vector.shape_cast %swap3A_267 : vector<1x16xf32> to vector<16xf32>
      %swap3A_269 = vector.shape_cast %add3A_264 : vector<16xf32> to vector<1x16xf32>
      tpu.vector_store %arg8[%swap3A_265, %swap3A_266], %swap3A_269 {strides = array<i32>} : memref<32x1024xf32, #tpu.memory_space<vmem>>, vector<1x16xf32>,
      %get3A_270 = arith.index_cast %scan3A_74 : i32 to index
      %get3A_271 = arith.constant 224 : index
      %get3A_272 = tpu.vector_load %arg8[%get3A_270, %get3A_271] {strides = array<i32>} : memref<32x1024xf32, #tpu.memory_space<vmem>>, vector<1x16xf32>,
      %get3A_273 = vector.shape_cast %get3A_272 : vector<1x16xf32> to vector<16xf32>
      %get3A_274 = arith.index_cast %scan3A_74 : i32 to index
      %get3A_275 = arith.constant 224 : index
      %get3A_276 = tpu.vector_load %arg9[%get3A_274, %get3A_275] {strides = array<i32>} : memref<32x1024xf32, #tpu.memory_space<vmem>>, vector<1x16xf32>,
      %get3A_277 = vector.shape_cast %get3A_276 : vector<1x16xf32> to vector<16xf32>
      %add3A_278 = arith.addf %get3A_273, %get3A_277 : vector<16xf32>
      %swap3A_279 = arith.index_cast %scan3A_74 : i32 to index
      %swap3A_280 = arith.constant 224 : index
      %swap3A_281 = tpu.vector_load %arg8[%swap3A_279, %swap3A_280] {strides = array<i32>} : memref<32x1024xf32, #tpu.memory_space<vmem>>, vector<1x16xf32>,
      %swap3A_282 = vector.shape_cast %swap3A_281 : vector<1x16xf32> to vector<16xf32>
      %swap3A_283 = vector.shape_cast %add3A_278 : vector<16xf32> to vector<1x16xf32>
      tpu.vector_store %arg8[%swap3A_279, %swap3A_280], %swap3A_283 {strides = array<i32>} : memref<32x1024xf32, #tpu.memory_space<vmem>>, vector<1x16xf32>,
      %get3A_284 = arith.index_cast %scan3A_74 : i32 to index
      %get3A_285 = arith.constant 240 : index
      %get3A_286 = tpu.vector_load %arg8[%get3A_284, %get3A_285] {strides = array<i32>} : memref<32x1024xf32, #tpu.memory_space<vmem>>, vector<1x16xf32>,
      %get3A_287 = vector.shape_cast %get3A_286 : vector<1x16xf32> to vector<16xf32>
      %get3A_288 = arith.index_cast %scan3A_74 : i32 to index
      %get3A_289 = arith.constant 240 : index
      %get3A_290 = tpu.vector_load %arg9[%get3A_288, %get3A_289] {strides = array<i32>} : memref<32x1024xf32, #tpu.memory_space<vmem>>, vector<1x16xf32>,
      %get3A_291 = vector.shape_cast %get3A_290 : vector<1x16xf32> to vector<16xf32>
      %add3A_292 = arith.addf %get3A_287, %get3A_291 : vector<16xf32>
      %swap3A_293 = arith.index_cast %scan3A_74 : i32 to index
      %swap3A_294 = arith.constant 240 : index
      %swap3A_295 = tpu.vector_load %arg8[%swap3A_293, %swap3A_294] {strides = array<i32>} : memref<32x1024xf32, #tpu.memory_space<vmem>>, vector<1x16xf32>,
      %swap3A_296 = vector.shape_cast %swap3A_295 : vector<1x16xf32> to vector<16xf32>
      %swap3A_297 = vector.shape_cast %add3A_292 : vector<16xf32> to vector<1x16xf32>
      tpu.vector_store %arg8[%swap3A_293, %swap3A_294], %swap3A_297 {strides = array<i32>} : memref<32x1024xf32, #tpu.memory_space<vmem>>, vector<1x16xf32>,
      %get3A_298 = arith.index_cast %scan3A_74 : i32 to index
      %get3A_299 = arith.constant 256 : index
      %get3A_300 = tpu.vector_load %arg8[%get3A_298, %get3A_299] {strides = array<i32>} : memref<32x1024xf32, #tpu.memory_space<vmem>>, vector<1x16xf32>,
      %get3A_301 = vector.shape_cast %get3A_300 : vector<1x16xf32> to vector<16xf32>
      %get3A_302 = arith.index_cast %scan3A_74 : i32 to index
      %get3A_303 = arith.constant 256 : index
      %get3A_304 = tpu.vector_load %arg9[%get3A_302, %get3A_303] {strides = array<i32>} : memref<32x1024xf32, #tpu.memory_space<vmem>>, vector<1x16xf32>,
      %get3A_305 = vector.shape_cast %get3A_304 : vector<1x16xf32> to vector<16xf32>
      %add3A_306 = arith.addf %get3A_301, %get3A_305 : vector<16xf32>
      %swap3A_307 = arith.index_cast %scan3A_74 : i32 to index
      %swap3A_308 = arith.constant 256 : index
      %swap3A_309 = tpu.vector_load %arg8[%swap3A_307, %swap3A_308] {strides = array<i32>} : memref<32x1024xf32, #tpu.memory_space<vmem>>, vector<1x16xf32>,
      %swap3A_310 = vector.shape_cast %swap3A_309 : vector<1x16xf32> to vector<16xf32>
      %swap3A_311 = vector.shape_cast %add3A_306 : vector<16xf32> to vector<1x16xf32>
      tpu.vector_store %arg8[%swap3A_307, %swap3A_308], %swap3A_311 {strides = array<i32>} : memref<32x1024xf32, #tpu.memory_space<vmem>>, vector<1x16xf32>,
      %get3A_312 = arith.index_cast %scan3A_74 : i32 to index
      %get3A_313 = arith.constant 272 : index
      %get3A_314 = tpu.vector_load %arg8[%get3A_312, %get3A_313] {strides = array<i32>} : memref<32x1024xf32, #tpu.memory_space<vmem>>, vector<1x16xf32>,
      %get3A_315 = vector.shape_cast %get3A_314 : vector<1x16xf32> to vector<16xf32>
      %get3A_316 = arith.index_cast %scan3A_74 : i32 to index
      %get3A_317 = arith.constant 272 : index
      %get3A_318 = tpu.vector_load %arg9[%get3A_316, %get3A_317] {strides = array<i32>} : memref<32x1024xf32, #tpu.memory_space<vmem>>, vector<1x16xf32>,
      %get3A_319 = vector.shape_cast %get3A_318 : vector<1x16xf32> to vector<16xf32>
      %add3A_320 = arith.addf %get3A_315, %get3A_319 : vector<16xf32>
      %swap3A_321 = arith.index_cast %scan3A_74 : i32 to index
      %swap3A_322 = arith.constant 272 : index
      %swap3A_323 = tpu.vector_load %arg8[%swap3A_321, %swap3A_322] {strides = array<i32>} : memref<32x1024xf32, #tpu.memory_space<vmem>>, vector<1x16xf32>,
      %swap3A_324 = vector.shape_cast %swap3A_323 : vector<1x16xf32> to vector<16xf32>
      %swap3A_325 = vector.shape_cast %add3A_320 : vector<16xf32> to vector<1x16xf32>
      tpu.vector_store %arg8[%swap3A_321, %swap3A_322], %swap3A_325 {strides = array<i32>} : memref<32x1024xf32, #tpu.memory_space<vmem>>, vector<1x16xf32>,
      %get3A_326 = arith.index_cast %scan3A_74 : i32 to index
      %get3A_327 = arith.constant 288 : index
      %get3A_328 = tpu.vector_load %arg8[%get3A_326, %get3A_327] {strides = array<i32>} : memref<32x1024xf32, #tpu.memory_space<vmem>>, vector<1x16xf32>,
      %get3A_329 = vector.shape_cast %get3A_328 : vector<1x16xf32> to vector<16xf32>
      %get3A_330 = arith.index_cast %scan3A_74 : i32 to index
      %get3A_331 = arith.constant 288 : index
      %get3A_332 = tpu.vector_load %arg9[%get3A_330, %get3A_331] {strides = array<i32>} : memref<32x1024xf32, #tpu.memory_space<vmem>>, vector<1x16xf32>,
      %get3A_333 = vector.shape_cast %get3A_332 : vector<1x16xf32> to vector<16xf32>
      %add3A_334 = arith.addf %get3A_329, %get3A_333 : vector<16xf32>
      %swap3A_335 = arith.index_cast %scan3A_74 : i32 to index
      %swap3A_336 = arith.constant 288 : index
      %swap3A_337 = tpu.vector_load %arg8[%swap3A_335, %swap3A_336] {strides = array<i32>} : memref<32x1024xf32, #tpu.memory_space<vmem>>, vector<1x16xf32>,
      %swap3A_338 = vector.shape_cast %swap3A_337 : vector<1x16xf32> to vector<16xf32>
      %swap3A_339 = vector.shape_cast %add3A_334 : vector<16xf32> to vector<1x16xf32>
      tpu.vector_store %arg8[%swap3A_335, %swap3A_336], %swap3A_339 {strides = array<i32>} : memref<32x1024xf32, #tpu.memory_space<vmem>>, vector<1x16xf32>,
      %get3A_340 = arith.index_cast %scan3A_74 : i32 to index
      %get3A_341 = arith.constant 304 : index
      %get3A_342 = tpu.vector_load %arg8[%get3A_340, %get3A_341] {strides = array<i32>} : memref<32x1024xf32, #tpu.memory_space<vmem>>, vector<1x16xf32>,
      %get3A_343 = vector.shape_cast %get3A_342 : vector<1x16xf32> to vector<16xf32>
      %get3A_344 = arith.index_cast %scan3A_74 : i32 to index
      %get3A_345 = arith.constant 304 : index
      %get3A_346 = tpu.vector_load %arg9[%get3A_344, %get3A_345] {strides = array<i32>} : memref<32x1024xf32, #tpu.memory_space<vmem>>, vector<1x16xf32>,
      %get3A_347 = vector.shape_cast %get3A_346 : vector<1x16xf32> to vector<16xf32>
      %add3A_348 = arith.addf %get3A_343, %get3A_347 : vector<16xf32>
      %swap3A_349 = arith.index_cast %scan3A_74 : i32 to index
      %swap3A_350 = arith.constant 304 : index
      %swap3A_351 = tpu.vector_load %arg8[%swap3A_349, %swap3A_350] {strides = array<i32>} : memref<32x1024xf32, #tpu.memory_space<vmem>>, vector<1x16xf32>,
      %swap3A_352 = vector.shape_cast %swap3A_351 : vector<1x16xf32> to vector<16xf32>
      %swap3A_353 = vector.shape_cast %add3A_348 : vector<16xf32> to vector<1x16xf32>
      tpu.vector_store %arg8[%swap3A_349, %swap3A_350], %swap3A_353 {strides = array<i32>} : memref<32x1024xf32, #tpu.memory_space<vmem>>, vector<1x16xf32>,
      %get3A_354 = arith.index_cast %scan3A_74 : i32 to index
      %get3A_355 = arith.constant 320 : index
      %get3A_356 = tpu.vector_load %arg8[%get3A_354, %get3A_355] {strides = array<i32>} : memref<32x1024xf32, #tpu.memory_space<vmem>>, vector<1x16xf32>,
      %get3A_357 = vector.shape_cast %get3A_356 : vector<1x16xf32> to vector<16xf32>
      %get3A_358 = arith.index_cast %scan3A_74 : i32 to index
      %get3A_359 = arith.constant 320 : index
      %get3A_360 = tpu.vector_load %arg9[%get3A_358, %get3A_359] {strides = array<i32>} : memref<32x1024xf32, #tpu.memory_space<vmem>>, vector<1x16xf32>,
      %get3A_361 = vector.shape_cast %get3A_360 : vector<1x16xf32> to vector<16xf32>
      %add3A_362 = arith.addf %get3A_357, %get3A_361 : vector<16xf32>
      %swap3A_363 = arith.index_cast %scan3A_74 : i32 to index
      %swap3A_364 = arith.constant 320 : index
      %swap3A_365 = tpu.vector_load %arg8[%swap3A_363, %swap3A_364] {strides = array<i32>} : memref<32x1024xf32, #tpu.memory_space<vmem>>, vector<1x16xf32>,
      %swap3A_366 = vector.shape_cast %swap3A_365 : vector<1x16xf32> to vector<16xf32>
      %swap3A_367 = vector.shape_cast %add3A_362 : vector<16xf32> to vector<1x16xf32>
      tpu.vector_store %arg8[%swap3A_363, %swap3A_364], %swap3A_367 {strides = array<i32>} : memref<32x1024xf32, #tpu.memory_space<vmem>>, vector<1x16xf32>,
      %get3A_368 = arith.index_cast %scan3A_74 : i32 to index
      %get3A_369 = arith.constant 336 : index
      %get3A_370 = tpu.vector_load %arg8[%get3A_368, %get3A_369] {strides = array<i32>} : memref<32x1024xf32, #tpu.memory_space<vmem>>, vector<1x16xf32>,
      %get3A_371 = vector.shape_cast %get3A_370 : vector<1x16xf32> to vector<16xf32>
      %get3A_372 = arith.index_cast %scan3A_74 : i32 to index
      %get3A_373 = arith.constant 336 : index
      %get3A_374 = tpu.vector_load %arg9[%get3A_372, %get3A_373] {strides = array<i32>} : memref<32x1024xf32, #tpu.memory_space<vmem>>, vector<1x16xf32>,
      %get3A_375 = vector.shape_cast %get3A_374 : vector<1x16xf32> to vector<16xf32>
      %add3A_376 = arith.addf %get3A_371, %get3A_375 : vector<16xf32>
      %swap3A_377 = arith.index_cast %scan3A_74 : i32 to index
      %swap3A_378 = arith.constant 336 : index
      %swap3A_379 = tpu.vector_load %arg8[%swap3A_377, %swap3A_378] {strides = array<i32>} : memref<32x1024xf32, #tpu.memory_space<vmem>>, vector<1x16xf32>,
      %swap3A_380 = vector.shape_cast %swap3A_379 : vector<1x16xf32> to vector<16xf32>
      %swap3A_381 = vector.shape_cast %add3A_376 : vector<16xf32> to vector<1x16xf32>
      tpu.vector_store %arg8[%swap3A_377, %swap3A_378], %swap3A_381 {strides = array<i32>} : memref<32x1024xf32, #tpu.memory_space<vmem>>, vector<1x16xf32>,
      %get3A_382 = arith.index_cast %scan3A_74 : i32 to index
      %get3A_383 = arith.constant 352 : index
      %get3A_384 = tpu.vector_load %arg8[%get3A_382, %get3A_383] {strides = array<i32>} : memref<32x1024xf32, #tpu.memory_space<vmem>>, vector<1x16xf32>,
      %get3A_385 = vector.shape_cast %get3A_384 : vector<1x16xf32> to vector<16xf32>
      %get3A_386 = arith.index_cast %scan3A_74 : i32 to index
      %get3A_387 = arith.constant 352 : index
      %get3A_388 = tpu.vector_load %arg9[%get3A_386, %get3A_387] {strides = array<i32>} : memref<32x1024xf32, #tpu.memory_space<vmem>>, vector<1x16xf32>,
      %get3A_389 = vector.shape_cast %get3A_388 : vector<1x16xf32> to vector<16xf32>
      %add3A_390 = arith.addf %get3A_385, %get3A_389 : vector<16xf32>
      %swap3A_391 = arith.index_cast %scan3A_74 : i32 to index
      %swap3A_392 = arith.constant 352 : index
      %swap3A_393 = tpu.vector_load %arg8[%swap3A_391, %swap3A_392] {strides = array<i32>} : memref<32x1024xf32, #tpu.memory_space<vmem>>, vector<1x16xf32>,
      %swap3A_394 = vector.shape_cast %swap3A_393 : vector<1x16xf32> to vector<16xf32>
      %swap3A_395 = vector.shape_cast %add3A_390 : vector<16xf32> to vector<1x16xf32>
      tpu.vector_store %arg8[%swap3A_391, %swap3A_392], %swap3A_395 {strides = array<i32>} : memref<32x1024xf32, #tpu.memory_space<vmem>>, vector<1x16xf32>,
      %get3A_396 = arith.index_cast %scan3A_74 : i32 to index
      %get3A_397 = arith.constant 368 : index
      %get3A_398 = tpu.vector_load %arg8[%get3A_396, %get3A_397] {strides = array<i32>} : memref<32x1024xf32, #tpu.memory_space<vmem>>, vector<1x16xf32>,
      %get3A_399 = vector.shape_cast %get3A_398 : vector<1x16xf32> to vector<16xf32>
      %get3A_400 = arith.index_cast %scan3A_74 : i32 to index
      %get3A_401 = arith.constant 368 : index
      %get3A_402 = tpu.vector_load %arg9[%get3A_400, %get3A_401] {strides = array<i32>} : memref<32x1024xf32, #tpu.memory_space<vmem>>, vector<1x16xf32>,
      %get3A_403 = vector.shape_cast %get3A_402 : vector<1x16xf32> to vector<16xf32>
      %add3A_404 = arith.addf %get3A_399, %get3A_403 : vector<16xf32>
      %swap3A_405 = arith.index_cast %scan3A_74 : i32 to index
      %swap3A_406 = arith.constant 368 : index
      %swap3A_407 = tpu.vector_load %arg8[%swap3A_405, %swap3A_406] {strides = array<i32>} : memref<32x1024xf32, #tpu.memory_space<vmem>>, vector<1x16xf32>,
      %swap3A_408 = vector.shape_cast %swap3A_407 : vector<1x16xf32> to vector<16xf32>
      %swap3A_409 = vector.shape_cast %add3A_404 : vector<16xf32> to vector<1x16xf32>
      tpu.vector_store %arg8[%swap3A_405, %swap3A_406], %swap3A_409 {strides = array<i32>} : memref<32x1024xf32, #tpu.memory_space<vmem>>, vector<1x16xf32>,
      %get3A_410 = arith.index_cast %scan3A_74 : i32 to index
      %get3A_411 = arith.constant 384 : index
      %get3A_412 = tpu.vector_load %arg8[%get3A_410, %get3A_411] {strides = array<i32>} : memref<32x1024xf32, #tpu.memory_space<vmem>>, vector<1x16xf32>,
      %get3A_413 = vector.shape_cast %get3A_412 : vector<1x16xf32> to vector<16xf32>
      %get3A_414 = arith.index_cast %scan3A_74 : i32 to index
      %get3A_415 = arith.constant 384 : index
      %get3A_416 = tpu.vector_load %arg9[%get3A_414, %get3A_415] {strides = array<i32>} : memref<32x1024xf32, #tpu.memory_space<vmem>>, vector<1x16xf32>,
      %get3A_417 = vector.shape_cast %get3A_416 : vector<1x16xf32> to vector<16xf32>
      %add3A_418 = arith.addf %get3A_413, %get3A_417 : vector<16xf32>
      %swap3A_419 = arith.index_cast %scan3A_74 : i32 to index
      %swap3A_420 = arith.constant 384 : index
      %swap3A_421 = tpu.vector_load %arg8[%swap3A_419, %swap3A_420] {strides = array<i32>} : memref<32x1024xf32, #tpu.memory_space<vmem>>, vector<1x16xf32>,
      %swap3A_422 = vector.shape_cast %swap3A_421 : vector<1x16xf32> to vector<16xf32>
      %swap3A_423 = vector.shape_cast %add3A_418 : vector<16xf32> to vector<1x16xf32>
      tpu.vector_store %arg8[%swap3A_419, %swap3A_420], %swap3A_423 {strides = array<i32>} : memref<32x1024xf32, #tpu.memory_space<vmem>>, vector<1x16xf32>,
      %get3A_424 = arith.index_cast %scan3A_74 : i32 to index
      %get3A_425 = arith.constant 400 : index
      %get3A_426 = tpu.vector_load %arg8[%get3A_424, %get3A_425] {strides = array<i32>} : memref<32x1024xf32, #tpu.memory_space<vmem>>, vector<1x16xf32>,
      %get3A_427 = vector.shape_cast %get3A_426 : vector<1x16xf32> to vector<16xf32>
      %get3A_428 = arith.index_cast %scan3A_74 : i32 to index
      %get3A_429 = arith.constant 400 : index
      %get3A_430 = tpu.vector_load %arg9[%get3A_428, %get3A_429] {strides = array<i32>} : memref<32x1024xf32, #tpu.memory_space<vmem>>, vector<1x16xf32>,
      %get3A_431 = vector.shape_cast %get3A_430 : vector<1x16xf32> to vector<16xf32>
      %add3A_432 = arith.addf %get3A_427, %get3A_431 : vector<16xf32>
      %swap3A_433 = arith.index_cast %scan3A_74 : i32 to index
      %swap3A_434 = arith.constant 400 : index
      %swap3A_435 = tpu.vector_load %arg8[%swap3A_433, %swap3A_434] {strides = array<i32>} : memref<32x1024xf32, #tpu.memory_space<vmem>>, vector<1x16xf32>,
      %swap3A_436 = vector.shape_cast %swap3A_435 : vector<1x16xf32> to vector<16xf32>
      %swap3A_437 = vector.shape_cast %add3A_432 : vector<16xf32> to vector<1x16xf32>
      tpu.vector_store %arg8[%swap3A_433, %swap3A_434], %swap3A_437 {strides = array<i32>} : memref<32x1024xf32, #tpu.memory_space<vmem>>, vector<1x16xf32>,
      %get3A_438 = arith.index_cast %scan3A_74 : i32 to index
      %get3A_439 = arith.constant 416 : index
      %get3A_440 = tpu.vector_load %arg8[%get3A_438, %get3A_439] {strides = array<i32>} : memref<32x1024xf32, #tpu.memory_space<vmem>>, vector<1x16xf32>,
      %get3A_441 = vector.shape_cast %get3A_440 : vector<1x16xf32> to vector<16xf32>
      %get3A_442 = arith.index_cast %scan3A_74 : i32 to index
      %get3A_443 = arith.constant 416 : index
      %get3A_444 = tpu.vector_load %arg9[%get3A_442, %get3A_443] {strides = array<i32>} : memref<32x1024xf32, #tpu.memory_space<vmem>>, vector<1x16xf32>,
      %get3A_445 = vector.shape_cast %get3A_444 : vector<1x16xf32> to vector<16xf32>
      %add3A_446 = arith.addf %get3A_441, %get3A_445 : vector<16xf32>
      %swap3A_447 = arith.index_cast %scan3A_74 : i32 to index
      %swap3A_448 = arith.constant 416 : index
      %swap3A_449 = tpu.vector_load %arg8[%swap3A_447, %swap3A_448] {strides = array<i32>} : memref<32x1024xf32, #tpu.memory_space<vmem>>, vector<1x16xf32>,
      %swap3A_450 = vector.shape_cast %swap3A_449 : vector<1x16xf32> to vector<16xf32>
      %swap3A_451 = vector.shape_cast %add3A_446 : vector<16xf32> to vector<1x16xf32>
      tpu.vector_store %arg8[%swap3A_447, %swap3A_448], %swap3A_451 {strides = array<i32>} : memref<32x1024xf32, #tpu.memory_space<vmem>>, vector<1x16xf32>,
      %get3A_452 = arith.index_cast %scan3A_74 : i32 to index
      %get3A_453 = arith.constant 432 : index
      %get3A_454 = tpu.vector_load %arg8[%get3A_452, %get3A_453] {strides = array<i32>} : memref<32x1024xf32, #tpu.memory_space<vmem>>, vector<1x16xf32>,
      %get3A_455 = vector.shape_cast %get3A_454 : vector<1x16xf32> to vector<16xf32>
      %get3A_456 = arith.index_cast %scan3A_74 : i32 to index
      %get3A_457 = arith.constant 432 : index
      %get3A_458 = tpu.vector_load %arg9[%get3A_456, %get3A_457] {strides = array<i32>} : memref<32x1024xf32, #tpu.memory_space<vmem>>, vector<1x16xf32>,
      %get3A_459 = vector.shape_cast %get3A_458 : vector<1x16xf32> to vector<16xf32>
      %add3A_460 = arith.addf %get3A_455, %get3A_459 : vector<16xf32>
      %swap3A_461 = arith.index_cast %scan3A_74 : i32 to index
      %swap3A_462 = arith.constant 432 : index
      %swap3A_463 = tpu.vector_load %arg8[%swap3A_461, %swap3A_462] {strides = array<i32>} : memref<32x1024xf32, #tpu.memory_space<vmem>>, vector<1x16xf32>,
      %swap3A_464 = vector.shape_cast %swap3A_463 : vector<1x16xf32> to vector<16xf32>
      %swap3A_465 = vector.shape_cast %add3A_460 : vector<16xf32> to vector<1x16xf32>
      tpu.vector_store %arg8[%swap3A_461, %swap3A_462], %swap3A_465 {strides = array<i32>} : memref<32x1024xf32, #tpu.memory_space<vmem>>, vector<1x16xf32>,
      %get3A_466 = arith.index_cast %scan3A_74 : i32 to index
      %get3A_467 = arith.constant 448 : index
      %get3A_468 = tpu.vector_load %arg8[%get3A_466, %get3A_467] {strides = array<i32>} : memref<32x1024xf32, #tpu.memory_space<vmem>>, vector<1x16xf32>,
      %get3A_469 = vector.shape_cast %get3A_468 : vector<1x16xf32> to vector<16xf32>
      %get3A_470 = arith.index_cast %scan3A_74 : i32 to index
      %get3A_471 = arith.constant 448 : index
      %get3A_472 = tpu.vector_load %arg9[%get3A_470, %get3A_471] {strides = array<i32>} : memref<32x1024xf32, #tpu.memory_space<vmem>>, vector<1x16xf32>,
      %get3A_473 = vector.shape_cast %get3A_472 : vector<1x16xf32> to vector<16xf32>
      %add3A_474 = arith.addf %get3A_469, %get3A_473 : vector<16xf32>
      %swap3A_475 = arith.index_cast %scan3A_74 : i32 to index
      %swap3A_476 = arith.constant 448 : index
      %swap3A_477 = tpu.vector_load %arg8[%swap3A_475, %swap3A_476] {strides = array<i32>} : memref<32x1024xf32, #tpu.memory_space<vmem>>, vector<1x16xf32>,
      %swap3A_478 = vector.shape_cast %swap3A_477 : vector<1x16xf32> to vector<16xf32>
      %swap3A_479 = vector.shape_cast %add3A_474 : vector<16xf32> to vector<1x16xf32>
      tpu.vector_store %arg8[%swap3A_475, %swap3A_476], %swap3A_479 {strides = array<i32>} : memref<32x1024xf32, #tpu.memory_space<vmem>>, vector<1x16xf32>,
      %get3A_480 = arith.index_cast %scan3A_74 : i32 to index
      %get3A_481 = arith.constant 464 : index
      %get3A_482 = tpu.vector_load %arg8[%get3A_480, %get3A_481] {strides = array<i32>} : memref<32x1024xf32, #tpu.memory_space<vmem>>, vector<1x16xf32>,
      %get3A_483 = vector.shape_cast %get3A_482 : vector<1x16xf32> to vector<16xf32>
      %get3A_484 = arith.index_cast %scan3A_74 : i32 to index
      %get3A_485 = arith.constant 464 : index
      %get3A_486 = tpu.vector_load %arg9[%get3A_484, %get3A_485] {strides = array<i32>} : memref<32x1024xf32, #tpu.memory_space<vmem>>, vector<1x16xf32>,
      %get3A_487 = vector.shape_cast %get3A_486 : vector<1x16xf32> to vector<16xf32>
      %add3A_488 = arith.addf %get3A_483, %get3A_487 : vector<16xf32>
      %swap3A_489 = arith.index_cast %scan3A_74 : i32 to index
      %swap3A_490 = arith.constant 464 : index
      %swap3A_491 = tpu.vector_load %arg8[%swap3A_489, %swap3A_490] {strides = array<i32>} : memref<32x1024xf32, #tpu.memory_space<vmem>>, vector<1x16xf32>,
      %swap3A_492 = vector.shape_cast %swap3A_491 : vector<1x16xf32> to vector<16xf32>
      %swap3A_493 = vector.shape_cast %add3A_488 : vector<16xf32> to vector<1x16xf32>
      tpu.vector_store %arg8[%swap3A_489, %swap3A_490], %swap3A_493 {strides = array<i32>} : memref<32x1024xf32, #tpu.memory_space<vmem>>, vector<1x16xf32>,
      %get3A_494 = arith.index_cast %scan3A_74 : i32 to index
      %get3A_495 = arith.constant 480 : index
      %get3A_496 = tpu.vector_load %arg8[%get3A_494, %get3A_495] {strides = array<i32>} : memref<32x1024xf32, #tpu.memory_space<vmem>>, vector<1x16xf32>,
      %get3A_497 = vector.shape_cast %get3A_496 : vector<1x16xf32> to vector<16xf32>
      %get3A_498 = arith.index_cast %scan3A_74 : i32 to index
      %get3A_499 = arith.constant 480 : index
      %get3A_500 = tpu.vector_load %arg9[%get3A_498, %get3A_499] {strides = array<i32>} : memref<32x1024xf32, #tpu.memory_space<vmem>>, vector<1x16xf32>,
      %get3A_501 = vector.shape_cast %get3A_500 : vector<1x16xf32> to vector<16xf32>
      %add3A_502 = arith.addf %get3A_497, %get3A_501 : vector<16xf32>
      %swap3A_503 = arith.index_cast %scan3A_74 : i32 to index
      %swap3A_504 = arith.constant 480 : index
      %swap3A_505 = tpu.vector_load %arg8[%swap3A_503, %swap3A_504] {strides = array<i32>} : memref<32x1024xf32, #tpu.memory_space<vmem>>, vector<1x16xf32>,
      %swap3A_506 = vector.shape_cast %swap3A_505 : vector<1x16xf32> to vector<16xf32>
      %swap3A_507 = vector.shape_cast %add3A_502 : vector<16xf32> to vector<1x16xf32>
      tpu.vector_store %arg8[%swap3A_503, %swap3A_504], %swap3A_507 {strides = array<i32>} : memref<32x1024xf32, #tpu.memory_space<vmem>>, vector<1x16xf32>,
      %get3A_508 = arith.index_cast %scan3A_74 : i32 to index
      %get3A_509 = arith.constant 496 : index
      %get3A_510 = tpu.vector_load %arg8[%get3A_508, %get3A_509] {strides = array<i32>} : memref<32x1024xf32, #tpu.memory_space<vmem>>, vector<1x16xf32>,
      %get3A_511 = vector.shape_cast %get3A_510 : vector<1x16xf32> to vector<16xf32>
      %get3A_512 = arith.index_cast %scan3A_74 : i32 to index
      %get3A_513 = arith.constant 496 : index
      %get3A_514 = tpu.vector_load %arg9[%get3A_512, %get3A_513] {strides = array<i32>} : memref<32x1024xf32, #tpu.memory_space<vmem>>, vector<1x16xf32>,
      %get3A_515 = vector.shape_cast %get3A_514 : vector<1x16xf32> to vector<16xf32>
      %add3A_516 = arith.addf %get3A_511, %get3A_515 : vector<16xf32>
      %swap3A_517 = arith.index_cast %scan3A_74 : i32 to index
      %swap3A_518 = arith.constant 496 : index
      %swap3A_519 = tpu.vector_load %arg8[%swap3A_517, %swap3A_518] {strides = array<i32>} : memref<32x1024xf32, #tpu.memory_space<vmem>>, vector<1x16xf32>,
      %swap3A_520 = vector.shape_cast %swap3A_519 : vector<1x16xf32> to vector<16xf32>
      %swap3A_521 = vector.shape_cast %add3A_516 : vector<16xf32> to vector<1x16xf32>
      tpu.vector_store %arg8[%swap3A_517, %swap3A_518], %swap3A_521 {strides = array<i32>} : memref<32x1024xf32, #tpu.memory_space<vmem>>, vector<1x16xf32>,
      %get3A_522 = arith.index_cast %scan3A_74 : i32 to index
      %get3A_523 = arith.constant 512 : index
      %get3A_524 = tpu.vector_load %arg8[%get3A_522, %get3A_523] {strides = array<i32>} : memref<32x1024xf32, #tpu.memory_space<vmem>>, vector<1x16xf32>,
      %get3A_525 = vector.shape_cast %get3A_524 : vector<1x16xf32> to vector<16xf32>
      %get3A_526 = arith.index_cast %scan3A_74 : i32 to index
      %get3A_527 = arith.constant 512 : index
      %get3A_528 = tpu.vector_load %arg9[%get3A_526, %get3A_527] {strides = array<i32>} : memref<32x1024xf32, #tpu.memory_space<vmem>>, vector<1x16xf32>,
      %get3A_529 = vector.shape_cast %get3A_528 : vector<1x16xf32> to vector<16xf32>
      %add3A_530 = arith.addf %get3A_525, %get3A_529 : vector<16xf32>
      %swap3A_531 = arith.index_cast %scan3A_74 : i32 to index
      %swap3A_532 = arith.constant 512 : index
      %swap3A_533 = tpu.vector_load %arg8[%swap3A_531, %swap3A_532] {strides = array<i32>} : memref<32x1024xf32, #tpu.memory_space<vmem>>, vector<1x16xf32>,
      %swap3A_534 = vector.shape_cast %swap3A_533 : vector<1x16xf32> to vector<16xf32>
      %swap3A_535 = vector.shape_cast %add3A_530 : vector<16xf32> to vector<1x16xf32>
      tpu.vector_store %arg8[%swap3A_531, %swap3A_532], %swap3A_535 {strides = array<i32>} : memref<32x1024xf32, #tpu.memory_space<vmem>>, vector<1x16xf32>,
      %get3A_536 = arith.index_cast %scan3A_74 : i32 to index
      %get3A_537 = arith.constant 528 : index
      %get3A_538 = tpu.vector_load %arg8[%get3A_536, %get3A_537] {strides = array<i32>} : memref<32x1024xf32, #tpu.memory_space<vmem>>, vector<1x16xf32>,
      %get3A_539 = vector.shape_cast %get3A_538 : vector<1x16xf32> to vector<16xf32>
      %get3A_540 = arith.index_cast %scan3A_74 : i32 to index
      %get3A_541 = arith.constant 528 : index
      %get3A_542 = tpu.vector_load %arg9[%get3A_540, %get3A_541] {strides = array<i32>} : memref<32x1024xf32, #tpu.memory_space<vmem>>, vector<1x16xf32>,
      %get3A_543 = vector.shape_cast %get3A_542 : vector<1x16xf32> to vector<16xf32>
      %add3A_544 = arith.addf %get3A_539, %get3A_543 : vector<16xf32>
      %swap3A_545 = arith.index_cast %scan3A_74 : i32 to index
      %swap3A_546 = arith.constant 528 : index
      %swap3A_547 = tpu.vector_load %arg8[%swap3A_545, %swap3A_546] {strides = array<i32>} : memref<32x1024xf32, #tpu.memory_space<vmem>>, vector<1x16xf32>,
      %swap3A_548 = vector.shape_cast %swap3A_547 : vector<1x16xf32> to vector<16xf32>
      %swap3A_549 = vector.shape_cast %add3A_544 : vector<16xf32> to vector<1x16xf32>
      tpu.vector_store %arg8[%swap3A_545, %swap3A_546], %swap3A_549 {strides = array<i32>} : memref<32x1024xf32, #tpu.memory_space<vmem>>, vector<1x16xf32>,
      %get3A_550 = arith.index_cast %scan3A_74 : i32 to index
      %get3A_551 = arith.constant 544 : index
      %get3A_552 = tpu.vector_load %arg8[%get3A_550, %get3A_551] {strides = array<i32>} : memref<32x1024xf32, #tpu.memory_space<vmem>>, vector<1x16xf32>,
      %get3A_553 = vector.shape_cast %get3A_552 : vector<1x16xf32> to vector<16xf32>
      %get3A_554 = arith.index_cast %scan3A_74 : i32 to index
      %get3A_555 = arith.constant 544 : index
      %get3A_556 = tpu.vector_load %arg9[%get3A_554, %get3A_555] {strides = array<i32>} : memref<32x1024xf32, #tpu.memory_space<vmem>>, vector<1x16xf32>,
      %get3A_557 = vector.shape_cast %get3A_556 : vector<1x16xf32> to vector<16xf32>
      %add3A_558 = arith.addf %get3A_553, %get3A_557 : vector<16xf32>
      %swap3A_559 = arith.index_cast %scan3A_74 : i32 to index
      %swap3A_560 = arith.constant 544 : index
      %swap3A_561 = tpu.vector_load %arg8[%swap3A_559, %swap3A_560] {strides = array<i32>} : memref<32x1024xf32, #tpu.memory_space<vmem>>, vector<1x16xf32>,
      %swap3A_562 = vector.shape_cast %swap3A_561 : vector<1x16xf32> to vector<16xf32>
      %swap3A_563 = vector.shape_cast %add3A_558 : vector<16xf32> to vector<1x16xf32>
      tpu.vector_store %arg8[%swap3A_559, %swap3A_560], %swap3A_563 {strides = array<i32>} : memref<32x1024xf32, #tpu.memory_space<vmem>>, vector<1x16xf32>,
      %get3A_564 = arith.index_cast %scan3A_74 : i32 to index
      %get3A_565 = arith.constant 560 : index
      %get3A_566 = tpu.vector_load %arg8[%get3A_564, %get3A_565] {strides = array<i32>} : memref<32x1024xf32, #tpu.memory_space<vmem>>, vector<1x16xf32>,
      %get3A_567 = vector.shape_cast %get3A_566 : vector<1x16xf32> to vector<16xf32>
      %get3A_568 = arith.index_cast %scan3A_74 : i32 to index
      %get3A_569 = arith.constant 560 : index
      %get3A_570 = tpu.vector_load %arg9[%get3A_568, %get3A_569] {strides = array<i32>} : memref<32x1024xf32, #tpu.memory_space<vmem>>, vector<1x16xf32>,
      %get3A_571 = vector.shape_cast %get3A_570 : vector<1x16xf32> to vector<16xf32>
      %add3A_572 = arith.addf %get3A_567, %get3A_571 : vector<16xf32>
      %swap3A_573 = arith.index_cast %scan3A_74 : i32 to index
      %swap3A_574 = arith.constant 560 : index
      %swap3A_575 = tpu.vector_load %arg8[%swap3A_573, %swap3A_574] {strides = array<i32>} : memref<32x1024xf32, #tpu.memory_space<vmem>>, vector<1x16xf32>,
      %swap3A_576 = vector.shape_cast %swap3A_575 : vector<1x16xf32> to vector<16xf32>
      %swap3A_577 = vector.shape_cast %add3A_572 : vector<16xf32> to vector<1x16xf32>
      tpu.vector_store %arg8[%swap3A_573, %swap3A_574], %swap3A_577 {strides = array<i32>} : memref<32x1024xf32, #tpu.memory_space<vmem>>, vector<1x16xf32>,
      %get3A_578 = arith.index_cast %scan3A_74 : i32 to index
      %get3A_579 = arith.constant 576 : index
      %get3A_580 = tpu.vector_load %arg8[%get3A_578, %get3A_579] {strides = array<i32>} : memref<32x1024xf32, #tpu.memory_space<vmem>>, vector<1x16xf32>,
      %get3A_581 = vector.shape_cast %get3A_580 : vector<1x16xf32> to vector<16xf32>
      %get3A_582 = arith.index_cast %scan3A_74 : i32 to index
      %get3A_583 = arith.constant 576 : index
      %get3A_584 = tpu.vector_load %arg9[%get3A_582, %get3A_583] {strides = array<i32>} : memref<32x1024xf32, #tpu.memory_space<vmem>>, vector<1x16xf32>,
      %get3A_585 = vector.shape_cast %get3A_584 : vector<1x16xf32> to vector<16xf32>
      %add3A_586 = arith.addf %get3A_581, %get3A_585 : vector<16xf32>
      %swap3A_587 = arith.index_cast %scan3A_74 : i32 to index
      %swap3A_588 = arith.constant 576 : index
      %swap3A_589 = tpu.vector_load %arg8[%swap3A_587, %swap3A_588] {strides = array<i32>} : memref<32x1024xf32, #tpu.memory_space<vmem>>, vector<1x16xf32>,
      %swap3A_590 = vector.shape_cast %swap3A_589 : vector<1x16xf32> to vector<16xf32>
      %swap3A_591 = vector.shape_cast %add3A_586 : vector<16xf32> to vector<1x16xf32>
      tpu.vector_store %arg8[%swap3A_587, %swap3A_588], %swap3A_591 {strides = array<i32>} : memref<32x1024xf32, #tpu.memory_space<vmem>>, vector<1x16xf32>,
      %get3A_592 = arith.index_cast %scan3A_74 : i32 to index
      %get3A_593 = arith.constant 592 : index
      %get3A_594 = tpu.vector_load %arg8[%get3A_592, %get3A_593] {strides = array<i32>} : memref<32x1024xf32, #tpu.memory_space<vmem>>, vector<1x16xf32>,
      %get3A_595 = vector.shape_cast %get3A_594 : vector<1x16xf32> to vector<16xf32>
      %get3A_596 = arith.index_cast %scan3A_74 : i32 to index
      %get3A_597 = arith.constant 592 : index
      %get3A_598 = tpu.vector_load %arg9[%get3A_596, %get3A_597] {strides = array<i32>} : memref<32x1024xf32, #tpu.memory_space<vmem>>, vector<1x16xf32>,
      %get3A_599 = vector.shape_cast %get3A_598 : vector<1x16xf32> to vector<16xf32>
      %add3A_600 = arith.addf %get3A_595, %get3A_599 : vector<16xf32>
      %swap3A_601 = arith.index_cast %scan3A_74 : i32 to index
      %swap3A_602 = arith.constant 592 : index
      %swap3A_603 = tpu.vector_load %arg8[%swap3A_601, %swap3A_602] {strides = array<i32>} : memref<32x1024xf32, #tpu.memory_space<vmem>>, vector<1x16xf32>,
      %swap3A_604 = vector.shape_cast %swap3A_603 : vector<1x16xf32> to vector<16xf32>
      %swap3A_605 = vector.shape_cast %add3A_600 : vector<16xf32> to vector<1x16xf32>
      tpu.vector_store %arg8[%swap3A_601, %swap3A_602], %swap3A_605 {strides = array<i32>} : memref<32x1024xf32, #tpu.memory_space<vmem>>, vector<1x16xf32>,
      %get3A_606 = arith.index_cast %scan3A_74 : i32 to index
      %get3A_607 = arith.constant 608 : index
      %get3A_608 = tpu.vector_load %arg8[%get3A_606, %get3A_607] {strides = array<i32>} : memref<32x1024xf32, #tpu.memory_space<vmem>>, vector<1x16xf32>,
      %get3A_609 = vector.shape_cast %get3A_608 : vector<1x16xf32> to vector<16xf32>
      %get3A_610 = arith.index_cast %scan3A_74 : i32 to index
      %get3A_611 = arith.constant 608 : index
      %get3A_612 = tpu.vector_load %arg9[%get3A_610, %get3A_611] {strides = array<i32>} : memref<32x1024xf32, #tpu.memory_space<vmem>>, vector<1x16xf32>,
      %get3A_613 = vector.shape_cast %get3A_612 : vector<1x16xf32> to vector<16xf32>
      %add3A_614 = arith.addf %get3A_609, %get3A_613 : vector<16xf32>
      %swap3A_615 = arith.index_cast %scan3A_74 : i32 to index
      %swap3A_616 = arith.constant 608 : index
      %swap3A_617 = tpu.vector_load %arg8[%swap3A_615, %swap3A_616] {strides = array<i32>} : memref<32x1024xf32, #tpu.memory_space<vmem>>, vector<1x16xf32>,
      %swap3A_618 = vector.shape_cast %swap3A_617 : vector<1x16xf32> to vector<16xf32>
      %swap3A_619 = vector.shape_cast %add3A_614 : vector<16xf32> to vector<1x16xf32>
      tpu.vector_store %arg8[%swap3A_615, %swap3A_616], %swap3A_619 {strides = array<i32>} : memref<32x1024xf32, #tpu.memory_space<vmem>>, vector<1x16xf32>,
      %get3A_620 = arith.index_cast %scan3A_74 : i32 to index
      %get3A_621 = arith.constant 624 : index
      %get3A_622 = tpu.vector_load %arg8[%get3A_620, %get3A_621] {strides = array<i32>} : memref<32x1024xf32, #tpu.memory_space<vmem>>, vector<1x16xf32>,
      %get3A_623 = vector.shape_cast %get3A_622 : vector<1x16xf32> to vector<16xf32>
      %get3A_624 = arith.index_cast %scan3A_74 : i32 to index
      %get3A_625 = arith.constant 624 : index
      %get3A_626 = tpu.vector_load %arg9[%get3A_624, %get3A_625] {strides = array<i32>} : memref<32x1024xf32, #tpu.memory_space<vmem>>, vector<1x16xf32>,
      %get3A_627 = vector.shape_cast %get3A_626 : vector<1x16xf32> to vector<16xf32>
      %add3A_628 = arith.addf %get3A_623, %get3A_627 : vector<16xf32>
      %swap3A_629 = arith.index_cast %scan3A_74 : i32 to index
      %swap3A_630 = arith.constant 624 : index
      %swap3A_631 = tpu.vector_load %arg8[%swap3A_629, %swap3A_630] {strides = array<i32>} : memref<32x1024xf32, #tpu.memory_space<vmem>>, vector<1x16xf32>,
      %swap3A_632 = vector.shape_cast %swap3A_631 : vector<1x16xf32> to vector<16xf32>
      %swap3A_633 = vector.shape_cast %add3A_628 : vector<16xf32> to vector<1x16xf32>
      tpu.vector_store %arg8[%swap3A_629, %swap3A_630], %swap3A_633 {strides = array<i32>} : memref<32x1024xf32, #tpu.memory_space<vmem>>, vector<1x16xf32>,
      %get3A_634 = arith.index_cast %scan3A_74 : i32 to index
      %get3A_635 = arith.constant 640 : index
      %get3A_636 = tpu.vector_load %arg8[%get3A_634, %get3A_635] {strides = array<i32>} : memref<32x1024xf32, #tpu.memory_space<vmem>>, vector<1x16xf32>,
      %get3A_637 = vector.shape_cast %get3A_636 : vector<1x16xf32> to vector<16xf32>
      %get3A_638 = arith.index_cast %scan3A_74 : i32 to index
      %get3A_639 = arith.constant 640 : index
      %get3A_640 = tpu.vector_load %arg9[%get3A_638, %get3A_639] {strides = array<i32>} : memref<32x1024xf32, #tpu.memory_space<vmem>>, vector<1x16xf32>,
      %get3A_641 = vector.shape_cast %get3A_640 : vector<1x16xf32> to vector<16xf32>
      %add3A_642 = arith.addf %get3A_637, %get3A_641 : vector<16xf32>
      %swap3A_643 = arith.index_cast %scan3A_74 : i32 to index
      %swap3A_644 = arith.constant 640 : index
      %swap3A_645 = tpu.vector_load %arg8[%swap3A_643, %swap3A_644] {strides = array<i32>} : memref<32x1024xf32, #tpu.memory_space<vmem>>, vector<1x16xf32>,
      %swap3A_646 = vector.shape_cast %swap3A_645 : vector<1x16xf32> to vector<16xf32>
      %swap3A_647 = vector.shape_cast %add3A_642 : vector<16xf32> to vector<1x16xf32>
      tpu.vector_store %arg8[%swap3A_643, %swap3A_644], %swap3A_647 {strides = array<i32>} : memref<32x1024xf32, #tpu.memory_space<vmem>>, vector<1x16xf32>,
      %get3A_648 = arith.index_cast %scan3A_74 : i32 to index
      %get3A_649 = arith.constant 656 : index
      %get3A_650 = tpu.vector_load %arg8[%get3A_648, %get3A_649] {strides = array<i32>} : memref<32x1024xf32, #tpu.memory_space<vmem>>, vector<1x16xf32>,
      %get3A_651 = vector.shape_cast %get3A_650 : vector<1x16xf32> to vector<16xf32>
      %get3A_652 = arith.index_cast %scan3A_74 : i32 to index
      %get3A_653 = arith.constant 656 : index
      %get3A_654 = tpu.vector_load %arg9[%get3A_652, %get3A_653] {strides = array<i32>} : memref<32x1024xf32, #tpu.memory_space<vmem>>, vector<1x16xf32>,
      %get3A_655 = vector.shape_cast %get3A_654 : vector<1x16xf32> to vector<16xf32>
      %add3A_656 = arith.addf %get3A_651, %get3A_655 : vector<16xf32>
      %swap3A_657 = arith.index_cast %scan3A_74 : i32 to index
      %swap3A_658 = arith.constant 656 : index
      %swap3A_659 = tpu.vector_load %arg8[%swap3A_657, %swap3A_658] {strides = array<i32>} : memref<32x1024xf32, #tpu.memory_space<vmem>>, vector<1x16xf32>,
      %swap3A_660 = vector.shape_cast %swap3A_659 : vector<1x16xf32> to vector<16xf32>
      %swap3A_661 = vector.shape_cast %add3A_656 : vector<16xf32> to vector<1x16xf32>
      tpu.vector_store %arg8[%swap3A_657, %swap3A_658], %swap3A_661 {strides = array<i32>} : memref<32x1024xf32, #tpu.memory_space<vmem>>, vector<1x16xf32>,
      %get3A_662 = arith.index_cast %scan3A_74 : i32 to index
      %get3A_663 = arith.constant 672 : index
      %get3A_664 = tpu.vector_load %arg8[%get3A_662, %get3A_663] {strides = array<i32>} : memref<32x1024xf32, #tpu.memory_space<vmem>>, vector<1x16xf32>,
      %get3A_665 = vector.shape_cast %get3A_664 : vector<1x16xf32> to vector<16xf32>
      %get3A_666 = arith.index_cast %scan3A_74 : i32 to index
      %get3A_667 = arith.constant 672 : index
      %get3A_668 = tpu.vector_load %arg9[%get3A_666, %get3A_667] {strides = array<i32>} : memref<32x1024xf32, #tpu.memory_space<vmem>>, vector<1x16xf32>,
      %get3A_669 = vector.shape_cast %get3A_668 : vector<1x16xf32> to vector<16xf32>
      %add3A_670 = arith.addf %get3A_665, %get3A_669 : vector<16xf32>
      %swap3A_671 = arith.index_cast %scan3A_74 : i32 to index
      %swap3A_672 = arith.constant 672 : index
      %swap3A_673 = tpu.vector_load %arg8[%swap3A_671, %swap3A_672] {strides = array<i32>} : memref<32x1024xf32, #tpu.memory_space<vmem>>, vector<1x16xf32>,
      %swap3A_674 = vector.shape_cast %swap3A_673 : vector<1x16xf32> to vector<16xf32>
      %swap3A_675 = vector.shape_cast %add3A_670 : vector<16xf32> to vector<1x16xf32>
      tpu.vector_store %arg8[%swap3A_671, %swap3A_672], %swap3A_675 {strides = array<i32>} : memref<32x1024xf32, #tpu.memory_space<vmem>>, vector<1x16xf32>,
      %get3A_676 = arith.index_cast %scan3A_74 : i32 to index
      %get3A_677 = arith.constant 688 : index
      %get3A_678 = tpu.vector_load %arg8[%get3A_676, %get3A_677] {strides = array<i32>} : memref<32x1024xf32, #tpu.memory_space<vmem>>, vector<1x16xf32>,
      %get3A_679 = vector.shape_cast %get3A_678 : vector<1x16xf32> to vector<16xf32>
      %get3A_680 = arith.index_cast %scan3A_74 : i32 to index
      %get3A_681 = arith.constant 688 : index
      %get3A_682 = tpu.vector_load %arg9[%get3A_680, %get3A_681] {strides = array<i32>} : memref<32x1024xf32, #tpu.memory_space<vmem>>, vector<1x16xf32>,
      %get3A_683 = vector.shape_cast %get3A_682 : vector<1x16xf32> to vector<16xf32>
      %add3A_684 = arith.addf %get3A_679, %get3A_683 : vector<16xf32>
      %swap3A_685 = arith.index_cast %scan3A_74 : i32 to index
      %swap3A_686 = arith.constant 688 : index
      %swap3A_687 = tpu.vector_load %arg8[%swap3A_685, %swap3A_686] {strides = array<i32>} : memref<32x1024xf32, #tpu.memory_space<vmem>>, vector<1x16xf32>,
      %swap3A_688 = vector.shape_cast %swap3A_687 : vector<1x16xf32> to vector<16xf32>
      %swap3A_689 = vector.shape_cast %add3A_684 : vector<16xf32> to vector<1x16xf32>
      tpu.vector_store %arg8[%swap3A_685, %swap3A_686], %swap3A_689 {strides = array<i32>} : memref<32x1024xf32, #tpu.memory_space<vmem>>, vector<1x16xf32>,
      %get3A_690 = arith.index_cast %scan3A_74 : i32 to index
      %get3A_691 = arith.constant 704 : index
      %get3A_692 = tpu.vector_load %arg8[%get3A_690, %get3A_691] {strides = array<i32>} : memref<32x1024xf32, #tpu.memory_space<vmem>>, vector<1x16xf32>,
      %get3A_693 = vector.shape_cast %get3A_692 : vector<1x16xf32> to vector<16xf32>
      %get3A_694 = arith.index_cast %scan3A_74 : i32 to index
      %get3A_695 = arith.constant 704 : index
      %get3A_696 = tpu.vector_load %arg9[%get3A_694, %get3A_695] {strides = array<i32>} : memref<32x1024xf32, #tpu.memory_space<vmem>>, vector<1x16xf32>,
      %get3A_697 = vector.shape_cast %get3A_696 : vector<1x16xf32> to vector<16xf32>
      %add3A_698 = arith.addf %get3A_693, %get3A_697 : vector<16xf32>
      %swap3A_699 = arith.index_cast %scan3A_74 : i32 to index
      %swap3A_700 = arith.constant 704 : index
      %swap3A_701 = tpu.vector_load %arg8[%swap3A_699, %swap3A_700] {strides = array<i32>} : memref<32x1024xf32, #tpu.memory_space<vmem>>, vector<1x16xf32>,
      %swap3A_702 = vector.shape_cast %swap3A_701 : vector<1x16xf32> to vector<16xf32>
      %swap3A_703 = vector.shape_cast %add3A_698 : vector<16xf32> to vector<1x16xf32>
      tpu.vector_store %arg8[%swap3A_699, %swap3A_700], %swap3A_703 {strides = array<i32>} : memref<32x1024xf32, #tpu.memory_space<vmem>>, vector<1x16xf32>,
      %get3A_704 = arith.index_cast %scan3A_74 : i32 to index
      %get3A_705 = arith.constant 720 : index
      %get3A_706 = tpu.vector_load %arg8[%get3A_704, %get3A_705] {strides = array<i32>} : memref<32x1024xf32, #tpu.memory_space<vmem>>, vector<1x16xf32>,
      %get3A_707 = vector.shape_cast %get3A_706 : vector<1x16xf32> to vector<16xf32>
      %get3A_708 = arith.index_cast %scan3A_74 : i32 to index
      %get3A_709 = arith.constant 720 : index
      %get3A_710 = tpu.vector_load %arg9[%get3A_708, %get3A_709] {strides = array<i32>} : memref<32x1024xf32, #tpu.memory_space<vmem>>, vector<1x16xf32>,
      %get3A_711 = vector.shape_cast %get3A_710 : vector<1x16xf32> to vector<16xf32>
      %add3A_712 = arith.addf %get3A_707, %get3A_711 : vector<16xf32>
      %swap3A_713 = arith.index_cast %scan3A_74 : i32 to index
      %swap3A_714 = arith.constant 720 : index
      %swap3A_715 = tpu.vector_load %arg8[%swap3A_713, %swap3A_714] {strides = array<i32>} : memref<32x1024xf32, #tpu.memory_space<vmem>>, vector<1x16xf32>,
      %swap3A_716 = vector.shape_cast %swap3A_715 : vector<1x16xf32> to vector<16xf32>
      %swap3A_717 = vector.shape_cast %add3A_712 : vector<16xf32> to vector<1x16xf32>
      tpu.vector_store %arg8[%swap3A_713, %swap3A_714], %swap3A_717 {strides = array<i32>} : memref<32x1024xf32, #tpu.memory_space<vmem>>, vector<1x16xf32>,
      %get3A_718 = arith.index_cast %scan3A_74 : i32 to index
      %get3A_719 = arith.constant 736 : index
      %get3A_720 = tpu.vector_load %arg8[%get3A_718, %get3A_719] {strides = array<i32>} : memref<32x1024xf32, #tpu.memory_space<vmem>>, vector<1x16xf32>,
      %get3A_721 = vector.shape_cast %get3A_720 : vector<1x16xf32> to vector<16xf32>
      %get3A_722 = arith.index_cast %scan3A_74 : i32 to index
      %get3A_723 = arith.constant 736 : index
      %get3A_724 = tpu.vector_load %arg9[%get3A_722, %get3A_723] {strides = array<i32>} : memref<32x1024xf32, #tpu.memory_space<vmem>>, vector<1x16xf32>,
      %get3A_725 = vector.shape_cast %get3A_724 : vector<1x16xf32> to vector<16xf32>
      %add3A_726 = arith.addf %get3A_721, %get3A_725 : vector<16xf32>
      %swap3A_727 = arith.index_cast %scan3A_74 : i32 to index
      %swap3A_728 = arith.constant 736 : index
      %swap3A_729 = tpu.vector_load %arg8[%swap3A_727, %swap3A_728] {strides = array<i32>} : memref<32x1024xf32, #tpu.memory_space<vmem>>, vector<1x16xf32>,
      %swap3A_730 = vector.shape_cast %swap3A_729 : vector<1x16xf32> to vector<16xf32>
      %swap3A_731 = vector.shape_cast %add3A_726 : vector<16xf32> to vector<1x16xf32>
      tpu.vector_store %arg8[%swap3A_727, %swap3A_728], %swap3A_731 {strides = array<i32>} : memref<32x1024xf32, #tpu.memory_space<vmem>>, vector<1x16xf32>,
      %get3A_732 = arith.index_cast %scan3A_74 : i32 to index
      %get3A_733 = arith.constant 752 : index
      %get3A_734 = tpu.vector_load %arg8[%get3A_732, %get3A_733] {strides = array<i32>} : memref<32x1024xf32, #tpu.memory_space<vmem>>, vector<1x16xf32>,
      %get3A_735 = vector.shape_cast %get3A_734 : vector<1x16xf32> to vector<16xf32>
      %get3A_736 = arith.index_cast %scan3A_74 : i32 to index
      %get3A_737 = arith.constant 752 : index
      %get3A_738 = tpu.vector_load %arg9[%get3A_736, %get3A_737] {strides = array<i32>} : memref<32x1024xf32, #tpu.memory_space<vmem>>, vector<1x16xf32>,
      %get3A_739 = vector.shape_cast %get3A_738 : vector<1x16xf32> to vector<16xf32>
      %add3A_740 = arith.addf %get3A_735, %get3A_739 : vector<16xf32>
      %swap3A_741 = arith.index_cast %scan3A_74 : i32 to index
      %swap3A_742 = arith.constant 752 : index
      %swap3A_743 = tpu.vector_load %arg8[%swap3A_741, %swap3A_742] {strides = array<i32>} : memref<32x1024xf32, #tpu.memory_space<vmem>>, vector<1x16xf32>,
      %swap3A_744 = vector.shape_cast %swap3A_743 : vector<1x16xf32> to vector<16xf32>
      %swap3A_745 = vector.shape_cast %add3A_740 : vector<16xf32> to vector<1x16xf32>
      tpu.vector_store %arg8[%swap3A_741, %swap3A_742], %swap3A_745 {strides = array<i32>} : memref<32x1024xf32, #tpu.memory_space<vmem>>, vector<1x16xf32>,
      %get3A_746 = arith.index_cast %scan3A_74 : i32 to index
      %get3A_747 = arith.constant 768 : index
      %get3A_748 = tpu.vector_load %arg8[%get3A_746, %get3A_747] {strides = array<i32>} : memref<32x1024xf32, #tpu.memory_space<vmem>>, vector<1x16xf32>,
      %get3A_749 = vector.shape_cast %get3A_748 : vector<1x16xf32> to vector<16xf32>
      %get3A_750 = arith.index_cast %scan3A_74 : i32 to index
      %get3A_751 = arith.constant 768 : index
      %get3A_752 = tpu.vector_load %arg9[%get3A_750, %get3A_751] {strides = array<i32>} : memref<32x1024xf32, #tpu.memory_space<vmem>>, vector<1x16xf32>,
      %get3A_753 = vector.shape_cast %get3A_752 : vector<1x16xf32> to vector<16xf32>
      %add3A_754 = arith.addf %get3A_749, %get3A_753 : vector<16xf32>
      %swap3A_755 = arith.index_cast %scan3A_74 : i32 to index
      %swap3A_756 = arith.constant 768 : index
      %swap3A_757 = tpu.vector_load %arg8[%swap3A_755, %swap3A_756] {strides = array<i32>} : memref<32x1024xf32, #tpu.memory_space<vmem>>, vector<1x16xf32>,
      %swap3A_758 = vector.shape_cast %swap3A_757 : vector<1x16xf32> to vector<16xf32>
      %swap3A_759 = vector.shape_cast %add3A_754 : vector<16xf32> to vector<1x16xf32>
      tpu.vector_store %arg8[%swap3A_755, %swap3A_756], %swap3A_759 {strides = array<i32>} : memref<32x1024xf32, #tpu.memory_space<vmem>>, vector<1x16xf32>,
      %get3A_760 = arith.index_cast %scan3A_74 : i32 to index
      %get3A_761 = arith.constant 784 : index
      %get3A_762 = tpu.vector_load %arg8[%get3A_760, %get3A_761] {strides = array<i32>} : memref<32x1024xf32, #tpu.memory_space<vmem>>, vector<1x16xf32>,
      %get3A_763 = vector.shape_cast %get3A_762 : vector<1x16xf32> to vector<16xf32>
      %get3A_764 = arith.index_cast %scan3A_74 : i32 to index
      %get3A_765 = arith.constant 784 : index
      %get3A_766 = tpu.vector_load %arg9[%get3A_764, %get3A_765] {strides = array<i32>} : memref<32x1024xf32, #tpu.memory_space<vmem>>, vector<1x16xf32>,
      %get3A_767 = vector.shape_cast %get3A_766 : vector<1x16xf32> to vector<16xf32>
      %add3A_768 = arith.addf %get3A_763, %get3A_767 : vector<16xf32>
      %swap3A_769 = arith.index_cast %scan3A_74 : i32 to index
      %swap3A_770 = arith.constant 784 : index
      %swap3A_771 = tpu.vector_load %arg8[%swap3A_769, %swap3A_770] {strides = array<i32>} : memref<32x1024xf32, #tpu.memory_space<vmem>>, vector<1x16xf32>,
      %swap3A_772 = vector.shape_cast %swap3A_771 : vector<1x16xf32> to vector<16xf32>
      %swap3A_773 = vector.shape_cast %add3A_768 : vector<16xf32> to vector<1x16xf32>
      tpu.vector_store %arg8[%swap3A_769, %swap3A_770], %swap3A_773 {strides = array<i32>} : memref<32x1024xf32, #tpu.memory_space<vmem>>, vector<1x16xf32>,
      %get3A_774 = arith.index_cast %scan3A_74 : i32 to index
      %get3A_775 = arith.constant 800 : index
      %get3A_776 = tpu.vector_load %arg8[%get3A_774, %get3A_775] {strides = array<i32>} : memref<32x1024xf32, #tpu.memory_space<vmem>>, vector<1x16xf32>,
      %get3A_777 = vector.shape_cast %get3A_776 : vector<1x16xf32> to vector<16xf32>
      %get3A_778 = arith.index_cast %scan3A_74 : i32 to index
      %get3A_779 = arith.constant 800 : index
      %get3A_780 = tpu.vector_load %arg9[%get3A_778, %get3A_779] {strides = array<i32>} : memref<32x1024xf32, #tpu.memory_space<vmem>>, vector<1x16xf32>,
      %get3A_781 = vector.shape_cast %get3A_780 : vector<1x16xf32> to vector<16xf32>
      %add3A_782 = arith.addf %get3A_777, %get3A_781 : vector<16xf32>
      %swap3A_783 = arith.index_cast %scan3A_74 : i32 to index
      %swap3A_784 = arith.constant 800 : index
      %swap3A_785 = tpu.vector_load %arg8[%swap3A_783, %swap3A_784] {strides = array<i32>} : memref<32x1024xf32, #tpu.memory_space<vmem>>, vector<1x16xf32>,
      %swap3A_786 = vector.shape_cast %swap3A_785 : vector<1x16xf32> to vector<16xf32>
      %swap3A_787 = vector.shape_cast %add3A_782 : vector<16xf32> to vector<1x16xf32>
      tpu.vector_store %arg8[%swap3A_783, %swap3A_784], %swap3A_787 {strides = array<i32>} : memref<32x1024xf32, #tpu.memory_space<vmem>>, vector<1x16xf32>,
      %get3A_788 = arith.index_cast %scan3A_74 : i32 to index
      %get3A_789 = arith.constant 816 : index
      %get3A_790 = tpu.vector_load %arg8[%get3A_788, %get3A_789] {strides = array<i32>} : memref<32x1024xf32, #tpu.memory_space<vmem>>, vector<1x16xf32>,
      %get3A_791 = vector.shape_cast %get3A_790 : vector<1x16xf32> to vector<16xf32>
      %get3A_792 = arith.index_cast %scan3A_74 : i32 to index
      %get3A_793 = arith.constant 816 : index
      %get3A_794 = tpu.vector_load %arg9[%get3A_792, %get3A_793] {strides = array<i32>} : memref<32x1024xf32, #tpu.memory_space<vmem>>, vector<1x16xf32>,
      %get3A_795 = vector.shape_cast %get3A_794 : vector<1x16xf32> to vector<16xf32>
      %add3A_796 = arith.addf %get3A_791, %get3A_795 : vector<16xf32>
      %swap3A_797 = arith.index_cast %scan3A_74 : i32 to index
      %swap3A_798 = arith.constant 816 : index
      %swap3A_799 = tpu.vector_load %arg8[%swap3A_797, %swap3A_798] {strides = array<i32>} : memref<32x1024xf32, #tpu.memory_space<vmem>>, vector<1x16xf32>,
      %swap3A_800 = vector.shape_cast %swap3A_799 : vector<1x16xf32> to vector<16xf32>
      %swap3A_801 = vector.shape_cast %add3A_796 : vector<16xf32> to vector<1x16xf32>
      tpu.vector_store %arg8[%swap3A_797, %swap3A_798], %swap3A_801 {strides = array<i32>} : memref<32x1024xf32, #tpu.memory_space<vmem>>, vector<1x16xf32>,
      %get3A_802 = arith.index_cast %scan3A_74 : i32 to index
      %get3A_803 = arith.constant 832 : index
      %get3A_804 = tpu.vector_load %arg8[%get3A_802, %get3A_803] {strides = array<i32>} : memref<32x1024xf32, #tpu.memory_space<vmem>>, vector<1x16xf32>,
      %get3A_805 = vector.shape_cast %get3A_804 : vector<1x16xf32> to vector<16xf32>
      %get3A_806 = arith.index_cast %scan3A_74 : i32 to index
      %get3A_807 = arith.constant 832 : index
      %get3A_808 = tpu.vector_load %arg9[%get3A_806, %get3A_807] {strides = array<i32>} : memref<32x1024xf32, #tpu.memory_space<vmem>>, vector<1x16xf32>,
      %get3A_809 = vector.shape_cast %get3A_808 : vector<1x16xf32> to vector<16xf32>
      %add3A_810 = arith.addf %get3A_805, %get3A_809 : vector<16xf32>
      %swap3A_811 = arith.index_cast %scan3A_74 : i32 to index
      %swap3A_812 = arith.constant 832 : index
      %swap3A_813 = tpu.vector_load %arg8[%swap3A_811, %swap3A_812] {strides = array<i32>} : memref<32x1024xf32, #tpu.memory_space<vmem>>, vector<1x16xf32>,
      %swap3A_814 = vector.shape_cast %swap3A_813 : vector<1x16xf32> to vector<16xf32>
      %swap3A_815 = vector.shape_cast %add3A_810 : vector<16xf32> to vector<1x16xf32>
      tpu.vector_store %arg8[%swap3A_811, %swap3A_812], %swap3A_815 {strides = array<i32>} : memref<32x1024xf32, #tpu.memory_space<vmem>>, vector<1x16xf32>,
      %get3A_816 = arith.index_cast %scan3A_74 : i32 to index
      %get3A_817 = arith.constant 848 : index
      %get3A_818 = tpu.vector_load %arg8[%get3A_816, %get3A_817] {strides = array<i32>} : memref<32x1024xf32, #tpu.memory_space<vmem>>, vector<1x16xf32>,
      %get3A_819 = vector.shape_cast %get3A_818 : vector<1x16xf32> to vector<16xf32>
      %get3A_820 = arith.index_cast %scan3A_74 : i32 to index
      %get3A_821 = arith.constant 848 : index
      %get3A_822 = tpu.vector_load %arg9[%get3A_820, %get3A_821] {strides = array<i32>} : memref<32x1024xf32, #tpu.memory_space<vmem>>, vector<1x16xf32>,
      %get3A_823 = vector.shape_cast %get3A_822 : vector<1x16xf32> to vector<16xf32>
      %add3A_824 = arith.addf %get3A_819, %get3A_823 : vector<16xf32>
      %swap3A_825 = arith.index_cast %scan3A_74 : i32 to index
      %swap3A_826 = arith.constant 848 : index
      %swap3A_827 = tpu.vector_load %arg8[%swap3A_825, %swap3A_826] {strides = array<i32>} : memref<32x1024xf32, #tpu.memory_space<vmem>>, vector<1x16xf32>,
      %swap3A_828 = vector.shape_cast %swap3A_827 : vector<1x16xf32> to vector<16xf32>
      %swap3A_829 = vector.shape_cast %add3A_824 : vector<16xf32> to vector<1x16xf32>
      tpu.vector_store %arg8[%swap3A_825, %swap3A_826], %swap3A_829 {strides = array<i32>} : memref<32x1024xf32, #tpu.memory_space<vmem>>, vector<1x16xf32>,
      %get3A_830 = arith.index_cast %scan3A_74 : i32 to index
      %get3A_831 = arith.constant 864 : index
      %get3A_832 = tpu.vector_load %arg8[%get3A_830, %get3A_831] {strides = array<i32>} : memref<32x1024xf32, #tpu.memory_space<vmem>>, vector<1x16xf32>,
      %get3A_833 = vector.shape_cast %get3A_832 : vector<1x16xf32> to vector<16xf32>
      %get3A_834 = arith.index_cast %scan3A_74 : i32 to index
      %get3A_835 = arith.constant 864 : index
      %get3A_836 = tpu.vector_load %arg9[%get3A_834, %get3A_835] {strides = array<i32>} : memref<32x1024xf32, #tpu.memory_space<vmem>>, vector<1x16xf32>,
      %get3A_837 = vector.shape_cast %get3A_836 : vector<1x16xf32> to vector<16xf32>
      %add3A_838 = arith.addf %get3A_833, %get3A_837 : vector<16xf32>
      %swap3A_839 = arith.index_cast %scan3A_74 : i32 to index
      %swap3A_840 = arith.constant 864 : index
      %swap3A_841 = tpu.vector_load %arg8[%swap3A_839, %swap3A_840] {strides = array<i32>} : memref<32x1024xf32, #tpu.memory_space<vmem>>, vector<1x16xf32>,
      %swap3A_842 = vector.shape_cast %swap3A_841 : vector<1x16xf32> to vector<16xf32>
      %swap3A_843 = vector.shape_cast %add3A_838 : vector<16xf32> to vector<1x16xf32>
      tpu.vector_store %arg8[%swap3A_839, %swap3A_840], %swap3A_843 {strides = array<i32>} : memref<32x1024xf32, #tpu.memory_space<vmem>>, vector<1x16xf32>,
      %get3A_844 = arith.index_cast %scan3A_74 : i32 to index
      %get3A_845 = arith.constant 880 : index
      %get3A_846 = tpu.vector_load %arg8[%get3A_844, %get3A_845] {strides = array<i32>} : memref<32x1024xf32, #tpu.memory_space<vmem>>, vector<1x16xf32>,
      %get3A_847 = vector.shape_cast %get3A_846 : vector<1x16xf32> to vector<16xf32>
      %get3A_848 = arith.index_cast %scan3A_74 : i32 to index
      %get3A_849 = arith.constant 880 : index
      %get3A_850 = tpu.vector_load %arg9[%get3A_848, %get3A_849] {strides = array<i32>} : memref<32x1024xf32, #tpu.memory_space<vmem>>, vector<1x16xf32>,
      %get3A_851 = vector.shape_cast %get3A_850 : vector<1x16xf32> to vector<16xf32>
      %add3A_852 = arith.addf %get3A_847, %get3A_851 : vector<16xf32>
      %swap3A_853 = arith.index_cast %scan3A_74 : i32 to index
      %swap3A_854 = arith.constant 880 : index
      %swap3A_855 = tpu.vector_load %arg8[%swap3A_853, %swap3A_854] {strides = array<i32>} : memref<32x1024xf32, #tpu.memory_space<vmem>>, vector<1x16xf32>,
      %swap3A_856 = vector.shape_cast %swap3A_855 : vector<1x16xf32> to vector<16xf32>
      %swap3A_857 = vector.shape_cast %add3A_852 : vector<16xf32> to vector<1x16xf32>
      tpu.vector_store %arg8[%swap3A_853, %swap3A_854], %swap3A_857 {strides = array<i32>} : memref<32x1024xf32, #tpu.memory_space<vmem>>, vector<1x16xf32>,
      %get3A_858 = arith.index_cast %scan3A_74 : i32 to index
      %get3A_859 = arith.constant 896 : index
      %get3A_860 = tpu.vector_load %arg8[%get3A_858, %get3A_859] {strides = array<i32>} : memref<32x1024xf32, #tpu.memory_space<vmem>>, vector<1x16xf32>,
      %get3A_861 = vector.shape_cast %get3A_860 : vector<1x16xf32> to vector<16xf32>
      %get3A_862 = arith.index_cast %scan3A_74 : i32 to index
      %get3A_863 = arith.constant 896 : index
      %get3A_864 = tpu.vector_load %arg9[%get3A_862, %get3A_863] {strides = array<i32>} : memref<32x1024xf32, #tpu.memory_space<vmem>>, vector<1x16xf32>,
      %get3A_865 = vector.shape_cast %get3A_864 : vector<1x16xf32> to vector<16xf32>
      %add3A_866 = arith.addf %get3A_861, %get3A_865 : vector<16xf32>
      %swap3A_867 = arith.index_cast %scan3A_74 : i32 to index
      %swap3A_868 = arith.constant 896 : index
      %swap3A_869 = tpu.vector_load %arg8[%swap3A_867, %swap3A_868] {strides = array<i32>} : memref<32x1024xf32, #tpu.memory_space<vmem>>, vector<1x16xf32>,
      %swap3A_870 = vector.shape_cast %swap3A_869 : vector<1x16xf32> to vector<16xf32>
      %swap3A_871 = vector.shape_cast %add3A_866 : vector<16xf32> to vector<1x16xf32>
      tpu.vector_store %arg8[%swap3A_867, %swap3A_868], %swap3A_871 {strides = array<i32>} : memref<32x1024xf32, #tpu.memory_space<vmem>>, vector<1x16xf32>,
      %get3A_872 = arith.index_cast %scan3A_74 : i32 to index
      %get3A_873 = arith.constant 912 : index
      %get3A_874 = tpu.vector_load %arg8[%get3A_872, %get3A_873] {strides = array<i32>} : memref<32x1024xf32, #tpu.memory_space<vmem>>, vector<1x16xf32>,
      %get3A_875 = vector.shape_cast %get3A_874 : vector<1x16xf32> to vector<16xf32>
      %get3A_876 = arith.index_cast %scan3A_74 : i32 to index
      %get3A_877 = arith.constant 912 : index
      %get3A_878 = tpu.vector_load %arg9[%get3A_876, %get3A_877] {strides = array<i32>} : memref<32x1024xf32, #tpu.memory_space<vmem>>, vector<1x16xf32>,
      %get3A_879 = vector.shape_cast %get3A_878 : vector<1x16xf32> to vector<16xf32>
      %add3A_880 = arith.addf %get3A_875, %get3A_879 : vector<16xf32>
      %swap3A_881 = arith.index_cast %scan3A_74 : i32 to index
      %swap3A_882 = arith.constant 912 : index
      %swap3A_883 = tpu.vector_load %arg8[%swap3A_881, %swap3A_882] {strides = array<i32>} : memref<32x1024xf32, #tpu.memory_space<vmem>>, vector<1x16xf32>,
      %swap3A_884 = vector.shape_cast %swap3A_883 : vector<1x16xf32> to vector<16xf32>
      %swap3A_885 = vector.shape_cast %add3A_880 : vector<16xf32> to vector<1x16xf32>
      tpu.vector_store %arg8[%swap3A_881, %swap3A_882], %swap3A_885 {strides = array<i32>} : memref<32x1024xf32, #tpu.memory_space<vmem>>, vector<1x16xf32>,
      %get3A_886 = arith.index_cast %scan3A_74 : i32 to index
      %get3A_887 = arith.constant 928 : index
      %get3A_888 = tpu.vector_load %arg8[%get3A_886, %get3A_887] {strides = array<i32>} : memref<32x1024xf32, #tpu.memory_space<vmem>>, vector<1x16xf32>,
      %get3A_889 = vector.shape_cast %get3A_888 : vector<1x16xf32> to vector<16xf32>
      %get3A_890 = arith.index_cast %scan3A_74 : i32 to index
      %get3A_891 = arith.constant 928 : index
      %get3A_892 = tpu.vector_load %arg9[%get3A_890, %get3A_891] {strides = array<i32>} : memref<32x1024xf32, #tpu.memory_space<vmem>>, vector<1x16xf32>,
      %get3A_893 = vector.shape_cast %get3A_892 : vector<1x16xf32> to vector<16xf32>
      %add3A_894 = arith.addf %get3A_889, %get3A_893 : vector<16xf32>
      %swap3A_895 = arith.index_cast %scan3A_74 : i32 to index
      %swap3A_896 = arith.constant 928 : index
      %swap3A_897 = tpu.vector_load %arg8[%swap3A_895, %swap3A_896] {strides = array<i32>} : memref<32x1024xf32, #tpu.memory_space<vmem>>, vector<1x16xf32>,
      %swap3A_898 = vector.shape_cast %swap3A_897 : vector<1x16xf32> to vector<16xf32>
      %swap3A_899 = vector.shape_cast %add3A_894 : vector<16xf32> to vector<1x16xf32>
      tpu.vector_store %arg8[%swap3A_895, %swap3A_896], %swap3A_899 {strides = array<i32>} : memref<32x1024xf32, #tpu.memory_space<vmem>>, vector<1x16xf32>,
      %get3A_900 = arith.index_cast %scan3A_74 : i32 to index
      %get3A_901 = arith.constant 944 : index
      %get3A_902 = tpu.vector_load %arg8[%get3A_900, %get3A_901] {strides = array<i32>} : memref<32x1024xf32, #tpu.memory_space<vmem>>, vector<1x16xf32>,
      %get3A_903 = vector.shape_cast %get3A_902 : vector<1x16xf32> to vector<16xf32>
      %get3A_904 = arith.index_cast %scan3A_74 : i32 to index
      %get3A_905 = arith.constant 944 : index
      %get3A_906 = tpu.vector_load %arg9[%get3A_904, %get3A_905] {strides = array<i32>} : memref<32x1024xf32, #tpu.memory_space<vmem>>, vector<1x16xf32>,
      %get3A_907 = vector.shape_cast %get3A_906 : vector<1x16xf32> to vector<16xf32>
      %add3A_908 = arith.addf %get3A_903, %get3A_907 : vector<16xf32>
      %swap3A_909 = arith.index_cast %scan3A_74 : i32 to index
      %swap3A_910 = arith.constant 944 : index
      %swap3A_911 = tpu.vector_load %arg8[%swap3A_909, %swap3A_910] {strides = array<i32>} : memref<32x1024xf32, #tpu.memory_space<vmem>>, vector<1x16xf32>,
      %swap3A_912 = vector.shape_cast %swap3A_911 : vector<1x16xf32> to vector<16xf32>
      %swap3A_913 = vector.shape_cast %add3A_908 : vector<16xf32> to vector<1x16xf32>
      tpu.vector_store %arg8[%swap3A_909, %swap3A_910], %swap3A_913 {strides = array<i32>} : memref<32x1024xf32, #tpu.memory_space<vmem>>, vector<1x16xf32>,
      %get3A_914 = arith.index_cast %scan3A_74 : i32 to index
      %get3A_915 = arith.constant 960 : index
      %get3A_916 = tpu.vector_load %arg8[%get3A_914, %get3A_915] {strides = array<i32>} : memref<32x1024xf32, #tpu.memory_space<vmem>>, vector<1x16xf32>,
      %get3A_917 = vector.shape_cast %get3A_916 : vector<1x16xf32> to vector<16xf32>
      %get3A_918 = arith.index_cast %scan3A_74 : i32 to index
      %get3A_919 = arith.constant 960 : index
      %get3A_920 = tpu.vector_load %arg9[%get3A_918, %get3A_919] {strides = array<i32>} : memref<32x1024xf32, #tpu.memory_space<vmem>>, vector<1x16xf32>,
      %get3A_921 = vector.shape_cast %get3A_920 : vector<1x16xf32> to vector<16xf32>
      %add3A_922 = arith.addf %get3A_917, %get3A_921 : vector<16xf32>
      %swap3A_923 = arith.index_cast %scan3A_74 : i32 to index
      %swap3A_924 = arith.constant 960 : index
      %swap3A_925 = tpu.vector_load %arg8[%swap3A_923, %swap3A_924] {strides = array<i32>} : memref<32x1024xf32, #tpu.memory_space<vmem>>, vector<1x16xf32>,
      %swap3A_926 = vector.shape_cast %swap3A_925 : vector<1x16xf32> to vector<16xf32>
      %swap3A_927 = vector.shape_cast %add3A_922 : vector<16xf32> to vector<1x16xf32>
      tpu.vector_store %arg8[%swap3A_923, %swap3A_924], %swap3A_927 {strides = array<i32>} : memref<32x1024xf32, #tpu.memory_space<vmem>>, vector<1x16xf32>,
      %get3A_928 = arith.index_cast %scan3A_74 : i32 to index
      %get3A_929 = arith.constant 976 : index
      %get3A_930 = tpu.vector_load %arg8[%get3A_928, %get3A_929] {strides = array<i32>} : memref<32x1024xf32, #tpu.memory_space<vmem>>, vector<1x16xf32>,
      %get3A_931 = vector.shape_cast %get3A_930 : vector<1x16xf32> to vector<16xf32>
      %get3A_932 = arith.index_cast %scan3A_74 : i32 to index
      %get3A_933 = arith.constant 976 : index
      %get3A_934 = tpu.vector_load %arg9[%get3A_932, %get3A_933] {strides = array<i32>} : memref<32x1024xf32, #tpu.memory_space<vmem>>, vector<1x16xf32>,
      %get3A_935 = vector.shape_cast %get3A_934 : vector<1x16xf32> to vector<16xf32>
      %add3A_936 = arith.addf %get3A_931, %get3A_935 : vector<16xf32>
      %swap3A_937 = arith.index_cast %scan3A_74 : i32 to index
      %swap3A_938 = arith.constant 976 : index
      %swap3A_939 = tpu.vector_load %arg8[%swap3A_937, %swap3A_938] {strides = array<i32>} : memref<32x1024xf32, #tpu.memory_space<vmem>>, vector<1x16xf32>,
      %swap3A_940 = vector.shape_cast %swap3A_939 : vector<1x16xf32> to vector<16xf32>
      %swap3A_941 = vector.shape_cast %add3A_936 : vector<16xf32> to vector<1x16xf32>
      tpu.vector_store %arg8[%swap3A_937, %swap3A_938], %swap3A_941 {strides = array<i32>} : memref<32x1024xf32, #tpu.memory_space<vmem>>, vector<1x16xf32>,
      %get3A_942 = arith.index_cast %scan3A_74 : i32 to index
      %get3A_943 = arith.constant 992 : index
      %get3A_944 = tpu.vector_load %arg8[%get3A_942, %get3A_943] {strides = array<i32>} : memref<32x1024xf32, #tpu.memory_space<vmem>>, vector<1x16xf32>,
      %get3A_945 = vector.shape_cast %get3A_944 : vector<1x16xf32> to vector<16xf32>
      %get3A_946 = arith.index_cast %scan3A_74 : i32 to index
      %get3A_947 = arith.constant 992 : index
      %get3A_948 = tpu.vector_load %arg9[%get3A_946, %get3A_947] {strides = array<i32>} : memref<32x1024xf32, #tpu.memory_space<vmem>>, vector<1x16xf32>,
      %get3A_949 = vector.shape_cast %get3A_948 : vector<1x16xf32> to vector<16xf32>
      %add3A_950 = arith.addf %get3A_945, %get3A_949 : vector<16xf32>
      %swap3A_951 = arith.index_cast %scan3A_74 : i32 to index
      %swap3A_952 = arith.constant 992 : index
      %swap3A_953 = tpu.vector_load %arg8[%swap3A_951, %swap3A_952] {strides = array<i32>} : memref<32x1024xf32, #tpu.memory_space<vmem>>, vector<1x16xf32>,
      %swap3A_954 = vector.shape_cast %swap3A_953 : vector<1x16xf32> to vector<16xf32>
      %swap3A_955 = vector.shape_cast %add3A_950 : vector<16xf32> to vector<1x16xf32>
      tpu.vector_store %arg8[%swap3A_951, %swap3A_952], %swap3A_955 {strides = array<i32>} : memref<32x1024xf32, #tpu.memory_space<vmem>>, vector<1x16xf32>,
      %get3A_956 = arith.index_cast %scan3A_74 : i32 to index
      %get3A_957 = arith.constant 1008 : index
      %get3A_958 = tpu.vector_load %arg8[%get3A_956, %get3A_957] {strides = array<i32>} : memref<32x1024xf32, #tpu.memory_space<vmem>>, vector<1x16xf32>,
      %get3A_959 = vector.shape_cast %get3A_958 : vector<1x16xf32> to vector<16xf32>
      %get3A_960 = arith.index_cast %scan3A_74 : i32 to index
      %get3A_961 = arith.constant 1008 : index
      %get3A_962 = tpu.vector_load %arg9[%get3A_960, %get3A_961] {strides = array<i32>} : memref<32x1024xf32, #tpu.memory_space<vmem>>, vector<1x16xf32>,
      %get3A_963 = vector.shape_cast %get3A_962 : vector<1x16xf32> to vector<16xf32>
      %add3A_964 = arith.addf %get3A_959, %get3A_963 : vector<16xf32>
      %swap3A_965 = arith.index_cast %scan3A_74 : i32 to index
      %swap3A_966 = arith.constant 1008 : index
      %swap3A_967 = tpu.vector_load %arg8[%swap3A_965, %swap3A_966] {strides = array<i32>} : memref<32x1024xf32, #tpu.memory_space<vmem>>, vector<1x16xf32>,
      %swap3A_968 = vector.shape_cast %swap3A_967 : vector<1x16xf32> to vector<16xf32>
      %swap3A_969 = vector.shape_cast %add3A_964 : vector<16xf32> to vector<1x16xf32>
      tpu.vector_store %arg8[%swap3A_965, %swap3A_966], %swap3A_969 {strides = array<i32>} : memref<32x1024xf32, #tpu.memory_space<vmem>>, vector<1x16xf32>,
      %scan3A_970 = arith.constant 0 : i32
      scf.yield %scan3A_970 : i32
    }
    %scan3A_71 = arith.constant 32 : i32
    %add3A_72 = arith.constant 32 : i32
    %add3A_73 = arith.addi %mul3A_2, %add3A_72 : i32
    "tpu.region"() ({
      %run_scoped3A = tpu.sem_alloc : memref<!tpu.dma_semaphore, #tpu.memory_space<semaphore_mem>>
      %dma_start3A_74 = arith.constant 0 : i32
      %dma_start3A_75 = tpu.memref_slice %arg5[%add3A_73, %dma_start3A_74] : memref<2048x1024xf32, #tpu.memory_space<hbm>> -> memref<32x1024xf32, #tpu.memory_space<hbm>>
      %dma_start3A_76 = arith.constant 0 : i32
      %dma_start3A_77 = tpu.memref_slice %arg5[%add3A_73, %dma_start3A_76] : memref<2048x1024xf32, #tpu.memory_space<hbm>> -> memref<32x1024xf32, #tpu.memory_space<hbm>>
      tpu.enqueue_dma source(%arg8 : memref<32x1024xf32, #tpu.memory_space<vmem>>) target(%dma_start3A_77 : memref<32x1024xf32, #tpu.memory_space<hbm>>) target_semaphore(%run_scoped3A : memref<!tpu.dma_semaphore, #tpu.memory_space<semaphore_mem>>)
      %dma_wait3A_78 = arith.constant 0 : i32
      %dma_wait3A_79 = tpu.memref_slice %arg5[%add3A_73, %dma_wait3A_78] : memref<2048x1024xf32, #tpu.memory_space<hbm>> -> memref<32x1024xf32, #tpu.memory_space<hbm>>
      %dma_wait3A_80 = arith.constant 0 : i32
      %dma_wait3A_81 = tpu.memref_slice %arg5[%add3A_73, %dma_wait3A_80] : memref<2048x1024xf32, #tpu.memory_space<hbm>> -> memref<32x1024xf32, #tpu.memory_space<hbm>>
      tpu.wait_dma2 semaphore(%run_scoped3A : memref<!tpu.dma_semaphore, #tpu.memory_space<semaphore_mem>>) src(%arg8 : memref<32x1024xf32, #tpu.memory_space<vmem>>) dst(%dma_wait3A_81 : memref<32x1024xf32, #tpu.memory_space<hbm>>)
      tpu.yield
    }) : () -> ()
    return
  }
}

module attributes {stable_mosaic.version = 14 : i64} {
  func.func @_router_body(%arg0: i32, %arg1: memref<256x1024xf32, #tpu.memory_space<vmem>>, %arg2: memref<128x1024xf32, #tpu.memory_space<vmem>>, %arg3: memref<256x8xf32, #tpu.memory_space<vmem>>, %arg4: memref<256x8xi32, #tpu.memory_space<vmem>>, %arg5: memref<256x8xf32, #tpu.memory_space<vmem>>) attributes {dimension_semantics = [#tpu.dimension_semantics<arbitrary>], iteration_bounds = array<i64: 8>, scalar_prefetch = 0 : i64, scratch_operands = 0 : i64, tpu.core_type = #tpu.core_type<tc>, window_params = [{transform_indices = @transform_0, window_bounds = array<i64: 256, 1024>}, {pipeline_mode = #tpu.pipeline_mode<synchronous>, transform_indices = @transform_1, window_bounds = array<i64: 128, 1024>}, {transform_indices = @transform_2, window_bounds = array<i64: 256, 8>}, {transform_indices = @transform_3, window_bounds = array<i64: 256, 8>}, {transform_indices = @transform_4, window_bounds = array<i64: 256, 8>}]} {
    %get3A = arith.constant 0 : index
    %get3A_0 = arith.constant 0 : index
    %get3A_1 = vector.load %arg1[%get3A, %get3A_0] : memref<256x1024xf32, #tpu.memory_space<vmem>>, vector<256x1024xf32>
    %get3A_2 = arith.constant 0 : index
    %get3A_3 = arith.constant 0 : index
    %get3A_4 = vector.load %arg2[%get3A_2, %get3A_3] : memref<128x1024xf32, #tpu.memory_space<vmem>>, vector<128x1024xf32>
    %dot_general3A = arith.constant dense<0.000000e+00> : vector<256x128xf32>
    %dot_general3A_5 = tpu.matmul %get3A_1, %get3A_4, %dot_general3A {dimension_numbers = #tpu.dot_dimension_numbers<[1], [1], [0], [0], [0, 0, 1, 0], [], []>, transpose_lhs_hint = false} : vector<256x1024xf32>, vector<128x1024xf32>, vector<256x128xf32> -> vector<256x128xf32>
    %iota3A = tpu.iota {dimensions = array<i32: 1>} : vector<256x128xi32>
    %lt3A = arith.constant 8 : i32
    %lt3A_6 = vector.broadcast %lt3A : i32 to vector<256x128xi32>
    %lt3A_7 = arith.cmpi slt, %iota3A, %lt3A_6 : vector<256x128xi32>
    %jit3A = arith.constant -1.000000e+30 : f32
    %broadcast_in_dim3A = vector.broadcast %jit3A : f32 to vector<256x128xf32>
    %select_n3A = arith.select %lt3A_7, %dot_general3A_5, %broadcast_in_dim3A : vector<256x128xi1>, vector<256x128xf32>
    %reduce_max3A = arith.constant dense<0xFF800000> : vector<256xf32>
    %reduce_max3A_8 = vector.multi_reduction <maximumf>, %select_n3A, %reduce_max3A [1] : vector<256x128xf32> to vector<256xf32>
    %broadcast_in_dim3A_9 = vector.shape_cast %reduce_max3A_8 : vector<256xf32> to vector<256x1xf32>
    %sub3A = vector.broadcast %broadcast_in_dim3A_9 : vector<256x1xf32> to vector<256x128xf32>
    %sub3A_10 = arith.subf %select_n3A, %sub3A : vector<256x128xf32>
    %exp3A = math.exp %sub3A_10 : vector<256x128xf32>
    %reduce_sum3A = arith.constant dense<0.000000e+00> : vector<256xf32>
    %reduce_sum3A_11 = vector.multi_reduction <add>, %exp3A, %reduce_sum3A [1] : vector<256x128xf32> to vector<256xf32>
    %broadcast_in_dim3A_12 = vector.shape_cast %reduce_sum3A_11 : vector<256xf32> to vector<256x1xf32>
    %div3A = vector.broadcast %broadcast_in_dim3A_12 : vector<256x1xf32> to vector<256x128xf32>
    %div3A_13 = arith.divf %exp3A, %div3A : vector<256x128xf32>
    %reduce_max3A_14 = arith.constant dense<0xFF800000> : vector<256xf32>
    %reduce_max3A_15 = vector.multi_reduction <maximumf>, %div3A_13, %reduce_max3A_14 [1] : vector<256x128xf32> to vector<256xf32>
    %broadcast_in_dim3A_16 = vector.shape_cast %reduce_max3A_15 : vector<256xf32> to vector<256x1xf32>
    %eq3A = vector.broadcast %broadcast_in_dim3A_16 : vector<256x1xf32> to vector<256x128xf32>
    %eq3A_17 = arith.cmpf oeq, %div3A_13, %eq3A : vector<256x128xf32>
    %jit3A_18 = arith.constant 127 : i32
    %broadcast_in_dim3A_19 = vector.broadcast %jit3A_18 : i32 to vector<256x128xi32>
    %select_n3A_20 = arith.select %eq3A_17, %iota3A, %broadcast_in_dim3A_19 : vector<256x128xi1>, vector<256x128xi32>
    %reduce_min3A = arith.constant dense<2147483647> : vector<256xi32>
    %reduce_min3A_21 = vector.multi_reduction <minsi>, %select_n3A_20, %reduce_min3A [1] : vector<256x128xi32> to vector<256xi32>
    %broadcast_in_dim3A_22 = vector.shape_cast %reduce_min3A_21 : vector<256xi32> to vector<256x1xi32>
    %eq3A_23 = vector.broadcast %broadcast_in_dim3A_22 : vector<256x1xi32> to vector<256x128xi32>
    %eq3A_24 = arith.cmpi eq, %iota3A, %eq3A_23 : vector<256x128xi32>
    %jit3A_25 = arith.constant -1.000000e+00 : f32
    %broadcast_in_dim3A_26 = vector.broadcast %jit3A_25 : f32 to vector<256x128xf32>
    %select_n3A_27 = arith.select %eq3A_24, %broadcast_in_dim3A_26, %div3A_13 : vector<256x128xi1>, vector<256x128xf32>
    %reduce_max3A_28 = arith.constant dense<0xFF800000> : vector<256xf32>
    %reduce_max3A_29 = vector.multi_reduction <maximumf>, %select_n3A_27, %reduce_max3A_28 [1] : vector<256x128xf32> to vector<256xf32>
    %broadcast_in_dim3A_30 = vector.shape_cast %reduce_max3A_29 : vector<256xf32> to vector<256x1xf32>
    %eq3A_31 = vector.broadcast %broadcast_in_dim3A_30 : vector<256x1xf32> to vector<256x128xf32>
    %eq3A_32 = arith.cmpf oeq, %select_n3A_27, %eq3A_31 : vector<256x128xf32>
    %jit3A_33 = arith.constant 127 : i32
    %broadcast_in_dim3A_34 = vector.broadcast %jit3A_33 : i32 to vector<256x128xi32>
    %select_n3A_35 = arith.select %eq3A_32, %iota3A, %broadcast_in_dim3A_34 : vector<256x128xi1>, vector<256x128xi32>
    %reduce_min3A_36 = arith.constant dense<2147483647> : vector<256xi32>
    %reduce_min3A_37 = vector.multi_reduction <minsi>, %select_n3A_35, %reduce_min3A_36 [1] : vector<256x128xi32> to vector<256xi32>
    %broadcast_in_dim3A_38 = vector.shape_cast %reduce_min3A_37 : vector<256xi32> to vector<256x1xi32>
    %slice3A = vector.extract_strided_slice %div3A_13 {offsets = [0, 0], sizes = [256, 8], strides = [1, 1]} : vector<256x128xf32> to vector<256x8xf32>
    %swap3A = arith.constant 0 : index
    %swap3A_39 = arith.constant 0 : index
    %swap3A_40 = vector.load %arg3[%swap3A, %swap3A_39] : memref<256x8xf32, #tpu.memory_space<vmem>>, vector<256x8xf32>
    tpu.vector_store %arg3[%swap3A, %swap3A_39], %slice3A {strides = array<i32>} : memref<256x8xf32, #tpu.memory_space<vmem>>, vector<256x8xf32>,
    %iota3A_41 = tpu.iota {dimensions = array<i32: 1>} : vector<256x8xi32>
    %eq3A_42 = arith.constant 0 : i32
    %eq3A_43 = vector.broadcast %eq3A_42 : i32 to vector<256x8xi32>
    %eq3A_44 = arith.cmpi eq, %iota3A_41, %eq3A_43 : vector<256x8xi32>
    %broadcast_in_dim3A_45 = vector.shape_cast %broadcast_in_dim3A_22 : vector<256x1xi32> to vector<256x1xi32>
    %broadcast_in_dim3A_46 = vector.broadcast %broadcast_in_dim3A_45 : vector<256x1xi32> to vector<256x8xi32>
    %broadcast_in_dim3A_47 = vector.shape_cast %broadcast_in_dim3A_38 : vector<256x1xi32> to vector<256x1xi32>
    %broadcast_in_dim3A_48 = vector.broadcast %broadcast_in_dim3A_47 : vector<256x1xi32> to vector<256x8xi32>
    %select_n3A_49 = arith.select %eq3A_44, %broadcast_in_dim3A_46, %broadcast_in_dim3A_48 : vector<256x8xi1>, vector<256x8xi32>
    %swap3A_50 = arith.constant 0 : index
    %swap3A_51 = arith.constant 0 : index
    %swap3A_52 = vector.load %arg4[%swap3A_50, %swap3A_51] : memref<256x8xi32, #tpu.memory_space<vmem>>, vector<256x8xi32>
    tpu.vector_store %arg4[%swap3A_50, %swap3A_51], %select_n3A_49 {strides = array<i32>} : memref<256x8xi32, #tpu.memory_space<vmem>>, vector<256x8xi32>,
    %eq3A_53 = arith.constant 0 : i32
    %eq3A_54 = vector.broadcast %eq3A_53 : i32 to vector<256x8xi32>
    %eq3A_55 = arith.cmpi eq, %iota3A_41, %eq3A_54 : vector<256x8xi32>
    %broadcast_in_dim3A_56 = vector.shape_cast %broadcast_in_dim3A_16 : vector<256x1xf32> to vector<256x1xf32>
    %broadcast_in_dim3A_57 = vector.broadcast %broadcast_in_dim3A_56 : vector<256x1xf32> to vector<256x8xf32>
    %broadcast_in_dim3A_58 = vector.shape_cast %broadcast_in_dim3A_30 : vector<256x1xf32> to vector<256x1xf32>
    %broadcast_in_dim3A_59 = vector.broadcast %broadcast_in_dim3A_58 : vector<256x1xf32> to vector<256x8xf32>
    %select_n3A_60 = arith.select %eq3A_55, %broadcast_in_dim3A_57, %broadcast_in_dim3A_59 : vector<256x8xi1>, vector<256x8xf32>
    %swap3A_61 = arith.constant 0 : index
    %swap3A_62 = arith.constant 0 : index
    %swap3A_63 = vector.load %arg5[%swap3A_61, %swap3A_62] : memref<256x8xf32, #tpu.memory_space<vmem>>, vector<256x8xf32>
    tpu.vector_store %arg5[%swap3A_61, %swap3A_62], %select_n3A_60 {strides = array<i32>} : memref<256x8xf32, #tpu.memory_space<vmem>>, vector<256x8xf32>,
    return
  }
  func.func @transform_0(%arg0: i32) -> (i32, i32) {
    %c0_i32 = arith.constant 0 : i32
    %c0_i32_0 = arith.constant 0 : i32
    return %arg0, %c0_i32 : i32, i32
  }
  func.func @transform_1(%arg0: i32) -> (i32, i32) {
    %c0_i32 = arith.constant 0 : i32
    %c0_i32_0 = arith.constant 0 : i32
    %c0_i32_1 = arith.constant 0 : i32
    return %c0_i32, %c0_i32_0 : i32, i32
  }
  func.func @transform_2(%arg0: i32) -> (i32, i32) {
    %c0_i32 = arith.constant 0 : i32
    %c0_i32_0 = arith.constant 0 : i32
    return %arg0, %c0_i32 : i32, i32
  }
  func.func @transform_3(%arg0: i32) -> (i32, i32) {
    %c0_i32 = arith.constant 0 : i32
    %c0_i32_0 = arith.constant 0 : i32
    return %arg0, %c0_i32 : i32, i32
  }
  func.func @transform_4(%arg0: i32) -> (i32, i32) {
    %c0_i32 = arith.constant 0 : i32
    %c0_i32_0 = arith.constant 0 : i32
    return %arg0, %c0_i32 : i32, i32
  }
}

module attributes {stable_mosaic.version = 14 : i64} {
  func.func @_mlp_body(%arg0: i32, %arg1: memref<1xi32, #tpu.memory_space<smem>>, %arg2: memref<24xi32, #tpu.memory_space<smem>>, %arg3: memref<256x1024xf32, #tpu.memory_space<vmem>>, %arg4: memref<1x1024x1024xbf16, #tpu.memory_space<vmem>>, %arg5: memref<1x1024x1024xbf16, #tpu.memory_space<vmem>>, %arg6: memref<1x1x1024xf32, #tpu.memory_space<vmem>>, %arg7: memref<1x1x1024xf32, #tpu.memory_space<vmem>>, %arg8: memref<1x1024x1024xbf16, #tpu.memory_space<vmem>>, %arg9: memref<1x1x1024xf32, #tpu.memory_space<vmem>>, %arg10: memref<256x1xf32, #tpu.memory_space<vmem>>, %arg11: memref<256x1024xf32, #tpu.memory_space<vmem>>) attributes {dimension_semantics = [#tpu.dimension_semantics<arbitrary>], iteration_bounds = array<i64: 24>, scalar_prefetch = 2 : i64, scratch_operands = 0 : i64, tpu.core_type = #tpu.core_type<tc>, window_params = [{transform_indices = @transform_0, window_bounds = array<i64: 256, 1024>}, {transform_indices = @transform_1, window_bounds = array<i64: 1, 1024, 1024>}, {transform_indices = @transform_2, window_bounds = array<i64: 1, 1024, 1024>}, {transform_indices = @transform_3, window_bounds = array<i64: 1, 1, 1024>}, {transform_indices = @transform_4, window_bounds = array<i64: 1, 1, 1024>}, {transform_indices = @transform_5, window_bounds = array<i64: 1, 1024, 1024>}, {transform_indices = @transform_6, window_bounds = array<i64: 1, 1, 1024>}, {transform_indices = @transform_7, window_bounds = array<i64: 256, 1>}, {transform_indices = @transform_8, window_bounds = array<i64: 256, 1024>}]} {
    %get3A = arith.constant 0 : index
    %get3A_0 = memref.load %arg1[%get3A] : memref<1xi32, #tpu.memory_space<smem>>
    %lt3A = arith.cmpi slt, %arg0, %get3A_0 : i32
    %convert_element_type3A = arith.extui %lt3A : i1 to i32
    %cond3A = arith.constant 0 : i32
    %cond3A_1 = arith.cmpi ne, %convert_element_type3A, %cond3A : i32
    scf.if %cond3A_1 {
      %get3A_2 = arith.constant 0 : index
      %get3A_3 = arith.constant 0 : index
      %get3A_4 = vector.load %arg3[%get3A_2, %get3A_3] : memref<256x1024xf32, #tpu.memory_space<vmem>>, vector<256x1024xf32>
      %convert_element_type3A_5 = arith.truncf %get3A_4 : vector<256x1024xf32> to vector<256x1024xbf16>
      %get3A_6 = arith.constant 0 : index
      %get3A_7 = arith.constant 0 : index
      %get3A_8 = arith.constant 0 : index
      %get3A_9 = vector.load %arg4[%get3A_6, %get3A_7, %get3A_8] : memref<1x1024x1024xbf16, #tpu.memory_space<vmem>>, vector<1x1024x1024xbf16>
      %get3A_10 = vector.shape_cast %get3A_9 : vector<1x1024x1024xbf16> to vector<1024x1024xbf16>
      %dot_general3A = arith.constant dense<0.000000e+00> : vector<256x1024xf32>
      %dot_general3A_11 = tpu.matmul %convert_element_type3A_5, %get3A_10, %dot_general3A {dimension_numbers = #tpu.dot_dimension_numbers<[1], [0], [0], [1], [0, 0, 1, 1], [], []>, transpose_lhs_hint = false} : vector<256x1024xbf16>, vector<1024x1024xbf16>, vector<256x1024xf32> -> vector<256x1024xf32>
      %get3A_12 = arith.constant 0 : index
      %get3A_13 = arith.constant 0 : index
      %get3A_14 = arith.constant 0 : index
      %get3A_15 = vector.load %arg6[%get3A_12, %get3A_13, %get3A_14] : memref<1x1x1024xf32, #tpu.memory_space<vmem>>, vector<1x1x1024xf32>
      %get3A_16 = vector.shape_cast %get3A_15 : vector<1x1x1024xf32> to vector<1x1024xf32>
      %add3A = vector.broadcast %get3A_16 : vector<1x1024xf32> to vector<256x1024xf32>
      %add3A_17 = arith.addf %dot_general3A_11, %add3A : vector<256x1024xf32>
      %get3A_18 = arith.constant 0 : index
      %get3A_19 = arith.constant 0 : index
      %get3A_20 = arith.constant 0 : index
      %get3A_21 = vector.load %arg5[%get3A_18, %get3A_19, %get3A_20] : memref<1x1024x1024xbf16, #tpu.memory_space<vmem>>, vector<1x1024x1024xbf16>
      %get3A_22 = vector.shape_cast %get3A_21 : vector<1x1024x1024xbf16> to vector<1024x1024xbf16>
      %dot_general3A_23 = arith.constant dense<0.000000e+00> : vector<256x1024xf32>
      %dot_general3A_24 = tpu.matmul %convert_element_type3A_5, %get3A_22, %dot_general3A_23 {dimension_numbers = #tpu.dot_dimension_numbers<[1], [0], [0], [1], [0, 0, 1, 1], [], []>, transpose_lhs_hint = false} : vector<256x1024xbf16>, vector<1024x1024xbf16>, vector<256x1024xf32> -> vector<256x1024xf32>
      %get3A_25 = arith.constant 0 : index
      %get3A_26 = arith.constant 0 : index
      %get3A_27 = arith.constant 0 : index
      %get3A_28 = vector.load %arg7[%get3A_25, %get3A_26, %get3A_27] : memref<1x1x1024xf32, #tpu.memory_space<vmem>>, vector<1x1x1024xf32>
      %get3A_29 = vector.shape_cast %get3A_28 : vector<1x1x1024xf32> to vector<1x1024xf32>
      %add3A_30 = vector.broadcast %get3A_29 : vector<1x1024xf32> to vector<256x1024xf32>
      %add3A_31 = arith.addf %dot_general3A_24, %add3A_30 : vector<256x1024xf32>
      %min3A = arith.constant 7.000000e+00 : f32
      %min3A_32 = vector.broadcast %min3A : f32 to vector<256x1024xf32>
      %min3A_33 = arith.minimumf %add3A_17, %min3A_32 : vector<256x1024xf32>
      %jit3A = arith.constant -7.000000e+00 : f32
      %jit3A_34 = arith.constant 7.000000e+00 : f32
      %max3A = vector.broadcast %jit3A : f32 to vector<256x1024xf32>
      %max3A_35 = arith.maximumf %max3A, %add3A_31 : vector<256x1024xf32>
      %min3A_36 = vector.broadcast %jit3A_34 : f32 to vector<256x1024xf32>
      %min3A_37 = arith.minimumf %min3A_36, %max3A_35 : vector<256x1024xf32>
      %add3A_38 = arith.constant 1.000000e+00 : f32
      %add3A_39 = vector.broadcast %add3A_38 : f32 to vector<256x1024xf32>
      %add3A_40 = arith.addf %min3A_37, %add3A_39 : vector<256x1024xf32>
      %mul3A = arith.mulf %add3A_40, %min3A_33 : vector<256x1024xf32>
      %mul3A_41 = arith.constant -1.702000e+00 : f32
      %mul3A_42 = vector.broadcast %mul3A_41 : f32 to vector<256x1024xf32>
      %mul3A_43 = arith.mulf %min3A_33, %mul3A_42 : vector<256x1024xf32>
      %exp3A = math.exp %mul3A_43 : vector<256x1024xf32>
      %add3A_44 = arith.constant 1.000000e+00 : f32
      %add3A_45 = vector.broadcast %add3A_44 : f32 to vector<256x1024xf32>
      %add3A_46 = arith.addf %add3A_45, %exp3A : vector<256x1024xf32>
      %div3A = arith.constant 1.000000e+00 : f32
      %div3A_47 = vector.broadcast %div3A : f32 to vector<256x1024xf32>
      %div3A_48 = arith.divf %div3A_47, %add3A_46 : vector<256x1024xf32>
      %mul3A_49 = arith.mulf %mul3A, %div3A_48 : vector<256x1024xf32>
      %convert_element_type3A_50 = arith.truncf %mul3A_49 : vector<256x1024xf32> to vector<256x1024xbf16>
      %get3A_51 = arith.constant 0 : index
      %get3A_52 = arith.constant 0 : index
      %get3A_53 = arith.constant 0 : index
      %get3A_54 = vector.load %arg8[%get3A_51, %get3A_52, %get3A_53] : memref<1x1024x1024xbf16, #tpu.memory_space<vmem>>, vector<1x1024x1024xbf16>
      %get3A_55 = vector.shape_cast %get3A_54 : vector<1x1024x1024xbf16> to vector<1024x1024xbf16>
      %dot_general3A_56 = arith.constant dense<0.000000e+00> : vector<256x1024xf32>
      %dot_general3A_57 = tpu.matmul %convert_element_type3A_50, %get3A_55, %dot_general3A_56 {dimension_numbers = #tpu.dot_dimension_numbers<[1], [0], [0], [1], [0, 0, 1, 1], [], []>, transpose_lhs_hint = false} : vector<256x1024xbf16>, vector<1024x1024xbf16>, vector<256x1024xf32> -> vector<256x1024xf32>
      %get3A_58 = arith.constant 0 : index
      %get3A_59 = arith.constant 0 : index
      %get3A_60 = arith.constant 0 : index
      %get3A_61 = vector.load %arg9[%get3A_58, %get3A_59, %get3A_60] : memref<1x1x1024xf32, #tpu.memory_space<vmem>>, vector<1x1x1024xf32>
      %get3A_62 = vector.shape_cast %get3A_61 : vector<1x1x1024xf32> to vector<1x1024xf32>
      %add3A_63 = vector.broadcast %get3A_62 : vector<1x1024xf32> to vector<256x1024xf32>
      %add3A_64 = arith.addf %dot_general3A_57, %add3A_63 : vector<256x1024xf32>
      %get3A_65 = arith.constant 0 : index
      %get3A_66 = arith.constant 0 : index
      %get3A_67 = vector.load %arg10[%get3A_65, %get3A_66] : memref<256x1xf32, #tpu.memory_space<vmem>>, vector<256x1xf32>
      %mul3A_68 = vector.broadcast %get3A_67 : vector<256x1xf32> to vector<256x1024xf32>
      %mul3A_69 = arith.mulf %add3A_64, %mul3A_68 : vector<256x1024xf32>
      %swap3A = arith.constant 0 : index
      %swap3A_70 = arith.constant 0 : index
      %swap3A_71 = vector.load %arg11[%swap3A, %swap3A_70] : memref<256x1024xf32, #tpu.memory_space<vmem>>, vector<256x1024xf32>
      tpu.vector_store %arg11[%swap3A, %swap3A_70], %mul3A_69 {strides = array<i32>} : memref<256x1024xf32, #tpu.memory_space<vmem>>, vector<256x1024xf32>,
    } else {
    }
    return
  }
  func.func @transform_0(%arg0: i32, %arg1: memref<1xi32, #tpu.memory_space<smem>>, %arg2: memref<24xi32, #tpu.memory_space<smem>>) -> (i32, i32) {
    %c0_i32 = arith.constant 0 : i32
    %c0_i32_0 = arith.constant 0 : i32
    return %arg0, %c0_i32 : i32, i32
  }
  func.func @transform_1(%arg0: i32, %arg1: memref<1xi32, #tpu.memory_space<smem>>, %arg2: memref<24xi32, #tpu.memory_space<smem>>) -> (i32, i32, i32) {
    %get3A = arith.index_cast %arg0 : i32 to index
    %get3A_0 = memref.load %arg2[%get3A] : memref<24xi32, #tpu.memory_space<smem>>
    %c0_i32 = arith.constant 0 : i32
    %c0_i32_1 = arith.constant 0 : i32
    %c0_i32_2 = arith.constant 0 : i32
    return %get3A_0, %c0_i32, %c0_i32_1 : i32, i32, i32
  }
  func.func @transform_2(%arg0: i32, %arg1: memref<1xi32, #tpu.memory_space<smem>>, %arg2: memref<24xi32, #tpu.memory_space<smem>>) -> (i32, i32, i32) {
    %get3A = arith.index_cast %arg0 : i32 to index
    %get3A_0 = memref.load %arg2[%get3A] : memref<24xi32, #tpu.memory_space<smem>>
    %c0_i32 = arith.constant 0 : i32
    %c0_i32_1 = arith.constant 0 : i32
    %c0_i32_2 = arith.constant 0 : i32
    return %get3A_0, %c0_i32, %c0_i32_1 : i32, i32, i32
  }
  func.func @transform_3(%arg0: i32, %arg1: memref<1xi32, #tpu.memory_space<smem>>, %arg2: memref<24xi32, #tpu.memory_space<smem>>) -> (i32, i32, i32) {
    %get3A = arith.index_cast %arg0 : i32 to index
    %get3A_0 = memref.load %arg2[%get3A] : memref<24xi32, #tpu.memory_space<smem>>
    %c0_i32 = arith.constant 0 : i32
    %c0_i32_1 = arith.constant 0 : i32
    %c0_i32_2 = arith.constant 0 : i32
    return %get3A_0, %c0_i32, %c0_i32_1 : i32, i32, i32
  }
  func.func @transform_4(%arg0: i32, %arg1: memref<1xi32, #tpu.memory_space<smem>>, %arg2: memref<24xi32, #tpu.memory_space<smem>>) -> (i32, i32, i32) {
    %get3A = arith.index_cast %arg0 : i32 to index
    %get3A_0 = memref.load %arg2[%get3A] : memref<24xi32, #tpu.memory_space<smem>>
    %c0_i32 = arith.constant 0 : i32
    %c0_i32_1 = arith.constant 0 : i32
    %c0_i32_2 = arith.constant 0 : i32
    return %get3A_0, %c0_i32, %c0_i32_1 : i32, i32, i32
  }
  func.func @transform_5(%arg0: i32, %arg1: memref<1xi32, #tpu.memory_space<smem>>, %arg2: memref<24xi32, #tpu.memory_space<smem>>) -> (i32, i32, i32) {
    %get3A = arith.index_cast %arg0 : i32 to index
    %get3A_0 = memref.load %arg2[%get3A] : memref<24xi32, #tpu.memory_space<smem>>
    %c0_i32 = arith.constant 0 : i32
    %c0_i32_1 = arith.constant 0 : i32
    %c0_i32_2 = arith.constant 0 : i32
    return %get3A_0, %c0_i32, %c0_i32_1 : i32, i32, i32
  }
  func.func @transform_6(%arg0: i32, %arg1: memref<1xi32, #tpu.memory_space<smem>>, %arg2: memref<24xi32, #tpu.memory_space<smem>>) -> (i32, i32, i32) {
    %get3A = arith.index_cast %arg0 : i32 to index
    %get3A_0 = memref.load %arg2[%get3A] : memref<24xi32, #tpu.memory_space<smem>>
    %c0_i32 = arith.constant 0 : i32
    %c0_i32_1 = arith.constant 0 : i32
    %c0_i32_2 = arith.constant 0 : i32
    return %get3A_0, %c0_i32, %c0_i32_1 : i32, i32, i32
  }
  func.func @transform_7(%arg0: i32, %arg1: memref<1xi32, #tpu.memory_space<smem>>, %arg2: memref<24xi32, #tpu.memory_space<smem>>) -> (i32, i32) {
    %c0_i32 = arith.constant 0 : i32
    %c0_i32_0 = arith.constant 0 : i32
    return %arg0, %c0_i32 : i32, i32
  }
  func.func @transform_8(%arg0: i32, %arg1: memref<1xi32, #tpu.memory_space<smem>>, %arg2: memref<24xi32, #tpu.memory_space<smem>>) -> (i32, i32) {
    %c0_i32 = arith.constant 0 : i32
    %c0_i32_0 = arith.constant 0 : i32
    return %arg0, %c0_i32 : i32, i32
  }
}

</mosaic_0001>

<sc_bundles>
// kernel: kernel.6.cloned.1.call-start
scs
__scs_entry_jumppad:
0x0: {  	(pc) =	sbr.rel $0x88, $3  }
0x1: {  	(tag) =	ssettag $0x0;
	lr =	simm.s32 $0x1  }
0x2: {  	[smem:$0x3F9B] =	sst lr;
	_ =	strace $0xD0000000  }
0x3: {  	_ = 	snop  }
0x4: {  	_ = 	snop  }
0x5: {  	_ = 	snop  }
0x6: {  	_ = 	snop  }
0x7: {  	_ = 	snop  }
__scs_overlays_trampoline_lowered:
0x8: {  	[smem:$0x3FAA] =	sst s0  }
0x9: {  	[smem:$0x3FAB] =	sst s1  }
0xa: {  	[smem:$0x3FAC] =	sst s2  }
0xb: {  	[smem:$0x3FAD] =	sst s3  }
0xc: {  	[smem:$0x3FAE] =	sst s4  }
0xd: {  	[smem:$0x3FAF] =	sst s5  }
0xe: {  	[smem:$0x3FB0] =	sst s6  }
0xf: {  	[smem:$0x3FB1] =	sst s7  }
0x10: {  	[smem:$0x3FB2] =	sst s8  }
0x11: {  	[smem:$0x3FB3] =	sst s9;
	s0 =	simm.s32 @!p0 $0x0  }
0x12: {  	s1 =	sld [smem:$0x3F99];
	s0 =	simm.s32 @p0 $0x1  }
0x13: {  	[smem:$0x3FB4] =	sst s0;
	s0 =	simm.s32 @!p1 $0x0  }
0x14: {  	s2 =	sld [smem:$0x3F98];
	s0 =	simm.s32 @p1 $0x1  }
0x15: {  	[smem:$0x3FB5] =	sst s0;
	s0 =	simm.s32 @!p2 $0x0  }
0x16: {  	s3 =	sld [smem:$0x3FDB];
	s0 =	simm.s32 @p2 $0x1  }
0x17: {  	s4 =	simm.s32 $0x1BF5;
	[smem:$0x3FB7] =	sst s0  }
0x18: {  	s0 =	sld [smem:$0x3F9A];
	_ =	swait.ge [sflag:s4], $0x0  }
0x19: {  	s7 =	sld [smem:$0x3F9B]  }
0x1a: {  	s8 =	sadd.s32 $0xFFFFE003, lr  }
0x1b: {  	s9 =	sadd.s32 $0xFFFFFEF7, lr;
	s5 =	simm.s32 $0xFFFFFFFF;
	p2 =	slt.u32 s8, $0xFFFFF086  }
0x1c: {  	p1 =	slt.u32 s9, $0xF7A;
	s5 =	simm.s32 @!p2 $0x0  }
0x1d: {  	s5 =	simm.s32 @p1 $0x1;
	p0 =	seq.s32 s7, s2  }
0x1e: {  	s7 =	smul.u32 @!p0 $0xF7A, s2;
	p2 =	seq.s32 @!p0 s5, $0x0  }
0x1f: {  	s9 =	smul.u32 $0xF7A, s1;
	s8 =	simm.s32 @!p0 $0x1BF5;
	p2 =	por !p2, p0  }
0x20: {  	[sflag:s8] =	ssyncset.s32 @!p0 $0xFFFFF086;
	s6 =	sadd.s32 @!p0 s3, s7;
	s7 =	simm.s32 @!p0 $0x108  }
0x21: {  	s3 =	sadd.s32 s3, s9;
	s6 =	sadd.s32 @!p0 $0x88, s6;
	s7 =	simm.s32 @p2 $0x1082  }
0x22: {  	[simem:s7], [sflag:s8] =	dma.local @!p0 [hbm:s6], $0xF7A  }
0x23: {  	s9 =	sor.u32 $0xD0000000, s2;
	s6 =	simm.s32 $0x108;
	_ =	swait.ge @!p0 [sflag:s8], $0x0  }
0x24: {  	s3 =	sadd.s32 $0x88, s3;
	s6 =	simm.s32 @!p1 $0x1082;
	[sflag:s4] =	ssyncset.s32 $0xFFFFF086  }
0x25: {  	[simem:s6], [sflag:s4] =	dma.local [hbm:s3], $0xF7A  }
0x26: {  	[smem:$0x3F9B] =	sst s1;
	(tag) =	ssettag s2;
	_ =	strace s9  }
0x27: {  	s1 =	sld [smem:$0x3FAB]  }
0x28: {  	s2 =	sld [smem:$0x3FAC]  }
0x29: {  	s4 =	sld [smem:$0x3FAE]  }
0x2a: {  	p0 =	seq.s32 s5, $0x0;
	s5 =	sld [smem:$0x3FAF]  }
0x2b: {  	s6 =	sld [smem:$0x3FB0]  }
0x2c: {  	s7 =	sld [smem:$0x3FB1]  }
0x2d: {  	s3 =	simm.s32 $0x108;
	s8 =	sld [smem:$0x3FB2]  }
0x2e: {  	s3 =	simm.s32 @!p0 $0x1082;
	s9 =	sld [smem:$0x3FB3]  }
0x2f: {  	lr =	sadd.s32 s0, s3;
	s0 =	sld [smem:$0x3FAA]  }
0x30: {  	s3 =	sld [smem:$0x3FAD]  }
0x31: {  	[smem:$0x3FB6] =	sst s10  }
0x32: {  	s10 =	sld [smem:$0x3FB4];
	_ =	sdelay $0x3  }
0x33: {  	p0 =	seq.s32 s10, $0x1;
	s10 =	sld [smem:$0x3FB6];
	_ =	sdelay $0x3  }
0x34: {  	[smem:$0x3FB6] =	sst s10  }
0x35: {  	s10 =	sld [smem:$0x3FB5];
	_ =	sdelay $0x3  }
0x36: {  	p1 =	seq.s32 s10, $0x1;
	s10 =	sld [smem:$0x3FB6];
	_ =	sdelay $0x3  }
0x37: {  	[smem:$0x3FB6] =	sst s10  }
0x38: {  	s10 =	sld [smem:$0x3FB7]  }
0x39: {  	_ = 	snop;
	(pc) =	sbr.ind lr, $3  }
0x3a: {  	_ = 	snop  }
0x3b: {  	_ = 	snop  }
0x3c: {  	p2 =	seq.s32 s10, $0x1;
	s10 =	sld [smem:$0x3FB6]  }
0x3d: {  	_ =	shalt  }
0x3e: {  	_ =	shalt  }
0x3f: {  	_ =	shalt  }
0x40: {  	_ =	shalt  }
0x41: {  	_ =	shalt  }
0x42: {  	_ =	shalt  }
0x43: {  	_ =	shalt  }
0x44: {  	_ =	shalt  }
0x45: {  	_ =	shalt  }
0x46: {  	_ =	shalt  }
0x47: {  	_ =	shalt  }
0x48: {  	_ =	shalt  }
0x49: {  	_ =	shalt  }
0x4a: {  	_ =	shalt  }
0x4b: {  	_ =	shalt  }
0x4c: {  	_ =	shalt  }
0x4d: {  	_ =	shalt  }
0x4e: {  	_ =	shalt  }
0x4f: {  	_ =	shalt  }
0x50: {  	_ =	shalt  }
0x51: {  	_ =	shalt  }
0x52: {  	_ =	shalt  }
0x53: {  	_ =	shalt  }
0x54: {  	_ =	shalt  }
0x55: {  	_ =	shalt  }
0x56: {  	_ =	shalt  }
0x57: {  	_ =	shalt  }
0x58: {  	_ =	shalt  }
0x59: {  	_ =	shalt  }
0x5a: {  	_ =	shalt  }
0x5b: {  	_ =	shalt  }
0x5c: {  	_ =	shalt  }
0x5d: {  	_ =	shalt  }
0x5e: {  	_ =	shalt  }
0x5f: {  	_ =	shalt  }
0x60: {  	_ =	shalt  }
0x61: {  	_ =	shalt  }
0x62: {  	_ =	shalt  }
0x63: {  	_ =	shalt  }
0x64: {  	_ =	shalt  }
0x65: {  	_ =	shalt  }
0x66: {  	_ =	shalt  }
0x67: {  	_ =	shalt  }
0x68: {  	_ =	shalt  }
0x69: {  	_ =	shalt  }
0x6a: {  	_ =	shalt  }
0x6b: {  	_ =	shalt  }
0x6c: {  	_ =	shalt  }
0x6d: {  	_ =	shalt  }
0x6e: {  	_ =	shalt  }
0x6f: {  	_ =	shalt  }
0x70: {  	_ =	shalt  }
0x71: {  	_ =	shalt  }
0x72: {  	_ =	shalt  }
0x73: {  	_ =	shalt  }
0x74: {  	_ =	shalt  }
0x75: {  	_ =	shalt  }
0x76: {  	_ =	shalt  }
0x77: {  	_ =	shalt  }
0x78: {  	_ =	shalt  }
0x79: {  	_ =	shalt  }
0x7a: {  	_ =	shalt  }
0x7b: {  	_ =	shalt  }
0x7c: {  	_ =	shalt  }
0x7d: {  	_ =	shalt  }
0x7e: {  	_ =	shalt  }
0x7f: {  	_ =	shalt  }
0x80: {  	_ =	shalt  }
0x81: {  	_ =	shalt  }
0x82: {  	_ =	shalt  }
0x83: {  	_ =	shalt  }
0x84: {  	_ =	shalt  }
0x85: {  	_ =	shalt  }
0x86: {  	_ =	shalt  }
0x87: {  	_ =	shalt  }
.Lfunc_end0:
.L_simem_size_0:
called_computation.1_lowered:
.L_overlay_start_0:
0x88: {  	s2 =	sld [smem:$0x3FD9]  }
0x89: {  	s3 =	sld [smem:$0x3FFE];
	_ =	sdelay $0x1  }
0x8a: {  	s1 =	srdreg.scid  }
0x8b: {  	s0 =	sand.u32 $0x1, s1  }
0x8c: {  	s15 =	sshll.u32 s0, $0xA;
	s2 =	sadd.s32 s3, s2  }
0x8d: {  	s2 =	sadd.s32 s2, s15  }
0x8e: {  	[smem:$0x3FC2] =	sst s2  }
0x8f: {  	_ = 	snop  }
0x90: {  	s16 =	sld [smem:$0x3FD0];
	_ =	sdelay $0x2  }
0x91: {  	s4 =	simm.s32 $0xB;
	s5 =	simm.s32 $0x10;
	s2 =	sld [smem:$0x3FC9]  }
0x92: {  	[smem:s5], [sflag:s4] =	dma.local [hbm:s16], $0x1  }
0x93: {  	_ =	swait.eq [sflag:s4], $0x1  }
0x94: {  	[sflag:s4] =	ssyncset.done $0x0  }
0x95: {  	[sflag:s4] =	ssyncadd.s32 $0xFFFFFFFF  }
0x96: {  	s17 =	sld [smem:$0x11];
	(tm) =	ssettm $0x1  }
0x97: {  	s18 =	sld [smem:$0x3FFB];
	_ =	sdelay $0x3  }
0x98: {  	_ =	strace s18  }
0x99: {  	s3 =	sld [smem:$0x3FFC];
	_ =	sdelay $0x3  }
0x9a: {  	_ =	strace s3  }
0x9b: {  	s3 =	sld [smem:$0x3FFD];
	_ =	sdelay $0x3  }
0x9c: {  	_ =	strace s3  }
0x9d: {  	_ =	strace $0x8FFFFFFF  }
0x9e: {  	s19 =	sld [smem:$0x3FDB];
	_ =	sdelay $0x1  }
0x9f: {  	s20 =	simm.s32 $_scs_section_size  }
0xa0: {  	s6 =	simm.s32 $_size__tile_overlayer_lowered;
	s7 =	simm.s32 $_tile_overlayer_lowered  }
0xa1: {  	s8 =	simm.s32 $0x1BFF;
	s21 =	sshll.u32 s7, $0x1;
	s5 =	sadd.s32 s20, s19  }
0xa2: {  	s22 =	simm.s32 $0x0;
	s6 =	sshll.u32 s6, $0x1;
	s7 =	sadd.s32 s21, s5  }
0xa3: {  	[timem:s22], [sflag:s8] =	dma.local [hbm:s7], s6  }
0xa4: {  	_ =	swait.ge [sflag:s8], s6  }
0xa5: {  	s6 =	ssub.s32 $0x0, s6;
	[sflag:s8] =	ssyncset.done $0x0  }
0xa6: {  	[sflag:s8] =	ssyncadd.s32 s6;
	_ =	sdelay $0x1  }
0xa7: {  	s23 =	simm.s32 $0x1B8B  }
0xa8: {  	_ =	swait.ge [sflag:s23], $0x1  }
0xa9: {  	[sflag:s23] =	ssyncset.done $0x0  }
0xaa: {  	[sflag:s23] =	ssyncadd.s32 $0xFFFFFFFF  }
0xab: {  	s6 =	sld [smem:$0x0]  }
0xac: {  	s7 =	sand.u32 $0xFFFFFFFE, s1  }
0xad: {  	p0 =	sne.s32 s1, s7  }
0xae: {  	s7 =	sshll.u32 @p0 s7, $0xE  }
0xaf: {  	s7 =	sadd.s32 @p0 $0x11B8D, s7;
	s8 =	sshll.u32 @p0 s6, $0x11  }
0xb0: {  	s7 =	sor.u32 @p0 s8, s7  }
0xb1: {  	[sflag:s7] =	ssyncadd.remote.s32 @p0 $0x1;
	_ =	sdelay $0x1  }
0xb2: {  	s7 =	simm.s32 @p0 $0x1B8D  }
0xb3: {  	_ =	swait.eq @p0 [sflag:s7], $0x1  }
0xb4: {  	[sflag:s7] =	ssyncadd.s32 @p0 $0xFFFFFFFF  }
0xb5: {  	s8 =	sshll.u32 @!p0 s1, $0xE  }
0xb6: {  	s8 =	sor.u32 @!p0 $0x4000, s8;
	s7 =	simm.s32 @!p0 $0x1B8D  }
0xb7: {  	s6 =	sshll.u32 @!p0 s6, $0x11;
	s8 =	sadd.s32 @!p0 $0x11B8D, s8;
	_ =	swait.eq @!p0 [sflag:s7], $0x1  }
0xb8: {  	s6 =	sor.u32 @!p0 s6, s8;
	[sflag:s7] =	ssyncadd.s32 @!p0 $0xFFFFFFFF  }
0xb9: {  	s25 =	simm.s32 $0x1B8E;
	s24 =	sld [smem:$0x3FFE];
	[sflag:s6] =	ssyncadd.remote.s32 @!p0 $0x1  }
0xba: {  	s26 =	simm.s32 $execute0_lowered;
	[smem:$0x3FD2] =	sst s25  }
0xbb: {  	s7 =	sshll.u32 s26, $0x1;
	_ =	strace $0x80000049;
	[dreg:$0x1] =	wrdreg $0xFFFFFFFF  }
0xbc: {  	s28 =	simm.s32 $_size_execute0_lowered;
	s5 =	sadd.s32 s5, s7;
	[dreg:$0x0] =	wrdreg $0x0  }
0xbd: {  	s7 =	sshll.u32 s28, $0x1;
	[dreg:$0x2] =	wrdreg s5  }
0xbe: {  	[dreg:$0x3] =	wrdreg s7  }
0xbf: {  	[dreg:$0x4] =	wrdreg $0xC0  }
0xc0: {  	_ =	task [dreg:s22], $0x5FFFF  }
0xc1: {  	[dreg:$0x1] =	wrdreg $0xFFFFFFFF  }
0xc2: {  	[dreg:$0x0] =	wrdreg $0x60  }
0xc3: {  	[dreg:$0x2] =	wrdreg s17  }
0xc4: {  	[dreg:$0x3] =	wrdreg s2  }
0xc5: {  	[dreg:$0x4] =	wrdreg s24  }
0xc6: {  	[dreg:$0x5] =	wrdreg $0xA  }
0xc7: {  	_ =	task.clear_ibuf [dreg:s22], $0x6FFFF;
	_ =	strace $0x90000049  }
0xc8: {  	s29 =	simm.s32 $0xA;
	_ =	strace $0x8000004B  }
0xc9: {  	_ =	swait.ge [sflag:s29], $0x1  }
0xca: {  	[sflag:s29] =	ssyncadd.s32 $0xFFFFFFFF  }
0xcb: {  	_ =	strace $0x9000004B  }
0xcc: {  	_ =	sfence  }
0xcd: {  	s30 =	sld [smem:$0x0];
	_ =	sdelay $0x2  }
0xce: {  	s31 =	sshll.u32 s1, $0xD;
	s1 =	sshrl.u32 s1, $0x2  }
0xcf: {  	s4 =	sand.u32 $0x4000, s31;
	s1 =	sadd.s32 s1, s30  }
0xd0: {  	s0 =	sor.u32 s4, s0;
	s1 =	sshll.u32 s1, $0x11  }
0xd1: {  	s0 =	sor.u32 s1, s0  }
0xd2: {  	s0 =	sadd.s32 $0x8F2B, s0  }
0xd3: {  	[sflag:s0] =	ssyncadd.remote.s32 $0x1  }
0xd4: {  	_ =	sfence.sel $0xFFFF  }
0xd5: {  	[dreg:$0x0] =	wrdreg $0xFFFFFFFF;
	(pc) =	sbr.abs _section_cstart, $3  }
0xd6: {  	[dreg:$0x1] =	wrdreg $0xFFFFFFFF  }
0xd7: {  	_ =	task.clear_ibuf [dreg:s22], $0x2FFFF;
	_ =	strace $0x9FFFFFFF  }
0xd8: {  	(tm) =	ssettm $0x7FFFFFFF  }
0xd9: {  	_ =	shalt  }
tec
execute0_lowered:
.L_overlay_start_1:
0x0: {  	(tag) =	ssettag $0x1  }
0x1: {  	s0 =	rddreg [dreg:$0x0]  }
0x2: {  	s2 =	rddreg [dreg:$0x1];
	s1 =	srdreg.scid  }
0x3: {  	s3 =	stileid.u32;
	s4 =	rddreg [dreg:$0x2];
	s18 =	simm.s32 $0xA00  }
0x4: {  	s19 =	simm.s32 $0x1200;
	s20 =	simm.s32 $0x1A00;
	s21 =	simm.s32 $0x2200  }
0x5: {  	s22 =	simm.s32 $0x2A00;
	s28 =	simm.s32 $0x5200;
	s29 =	simm.s32 $0x5A00  }
0x6: {  	s30 =	simm.s32 $0x6200;
	s31 =	simm.s32 $0x6A00;
	s12 =	simm.s32 $0x8A00  }
0x7: {  	s11 =	simm.s32 $0xA200;
	s13 =	simm.s32 $0xAA00;
	s14 =	simm.s32 $0xB200  }
0x8: {  	s15 =	simm.s32 $0xBA00;
	s1 =	sand.u32 $0x1, s1;
	s5 =	sshll.u32 s3, $0x1  }
0x9: {  	s16 =	simm.s32 $0xC200;
	s3 =	simm.s32 $0x0;
	s5 =	sor.u32 s1, s5  }
0xa: {  	s4 =	sadd.s32 $0x200000, s4;
	[smem:$0x7FF] =	sst s3;
	s6 =	smul.u32 $0x6000, s5  }
0xb: {  	s1 =	ssub.s32 $0x2, s1;
	s7 =	smul.u32 $0x30000, s5;
	s5 =	sshll.u32 s5, $0x6  }
0xc: {  	_ =	strace $0x8000004A;
	s8 =	sshrl.u32 s1, $0x1;
	s0 =	sadd.s32 s0, s5  }
0xd: {  	s1 =	ssub.s32 s1, s8;
	s5 =	sadd.s32 $0x100, s2;
	s6 =	sadd.s32 s4, s6  }
0xe: {  	s23 =	sshrl.u32 s7, $0x3;
	[dreg:$0x4] =	wrdreg s0;
	s7 =	sadd.s32 $0x300, s2  }
0xf: {  	s10 =	smax.u32 s1, $0x1;
	s1 =	simm.s32 $0x3;
	[dreg:$0x8] =	wrdreg s6  }
0x10: {  	s24 =	sadd.s32 $0x1800, s6;
	s4 =	sadd.s32 s4, s23;
	s6 =	sadd.s32 $0x200, s2  }
0x11: {  	v2 =	vlaneseq.u32;
	s23 =	simm.s32 $0x3200;
	[dreg:$0x5] =	wrdreg s24;
	s25 =	sadd.s32 $0x3000, s4  }
0x12: {  	vm0 =	vmmov $0xffff;
	v1 =	vshrl.u32 v2, $0x3;
	s26 =	sadd.s32 $0x4800, s4;
	s24 =	simm.s32 $0x3A00;
	[dreg:$0x6] =	wrdreg s25  }
0x13: {  	v0 =	vand.u32 $0x7, v2;
	v2 =	vor.u32 $0x8, v2;
	v1 =	vmul.u32 $0x8, v1;
	[dreg:$0x7] =	wrdreg s26;
	s25 =	simm.s32 $0x4200;
	s26 =	simm.s32 $0x4A00  }
.LBB2_1:
0x14: {  	s17 =	rddreg [dreg:$0x4];
	s0 =	simm.s32 $0x5  }
0x15: {  	[tilespmem:s3], [sflag:$0x5] =	stream.linear.gather [hbm4b:s17+s3], $0x200, $0x38;
	[tilespmem:$0x18200] =	vst v63  }
0x16: {  	_ =	swait.ge [sflag:s0], $0x200  }
0x17: {  	[sflag:s0] =	ssyncset.done $0x0  }
0x18: {  	[sflag:s0] =	ssyncadd.s32 $0xFFFFFE00  }
0x19: {  	v3 =	vld [tilespmem:$0x0];
	_ =	sdelay $0x4  }
0x1a: {  	v4 =	vshll.u32 v3, $0x3  }
0x1b: {  	v3 =	vand.u32 $0x7, v3;
	v4 =	vand.u32 $0xFFFFFFC0, v4  }
0x1c: {  	v3 =	vor.u32 v3, v4  }
0x1d: {  	v4 =	vperm.xlane v3, v0;
	_ =	sdelay $0x1  }
0x1e: {  	v4 =	vadd.s32 v1, v4;
	_ =	sdelay $0x3  }
0x1f: {  	s4 =	simm.s32 $0x200  }
0x20: {  	[tilespmem:s4], [sflag:$0x1] =	stream.indirect_vreg.gather [hbm4b:s2+s3], $0x80, v4, vm0, $0xb8;
	[tilespmem:$0x18200] =	vst v63  }
0x21: {  	v3 =	vperm.xlane v3, v2  }
0x22: {  	[tilespmem:s18], [sflag:$0x1] =	stream.indirect_vreg.gather [hbm4b:s5+s3], $0x80, v4, vm0, $0xb8;
	[tilespmem:$0x18200] =	vst v63  }
0x23: {  	v3 =	vadd.s32 v1, v3  }
0x24: {  	[tilespmem:s19], [sflag:$0x1] =	stream.indirect_vreg.gather [hbm4b:s6+s3], $0x80, v4, vm0, $0xb8;
	[tilespmem:$0x18200] =	vst v63  }
0x25: {  	_ = 	snop  }
0x26: {  	[tilespmem:s20], [sflag:$0x1] =	stream.indirect_vreg.gather [hbm4b:s7+s3], $0x80, v4, vm0, $0xb8;
	[tilespmem:$0x18200] =	vst v63  }
0x27: {  	_ = 	snop  }
0x28: {  	[tilespmem:s21], [sflag:$0x1] =	stream.indirect_vreg.gather [hbm4b:s2+s3], $0x80, v3, vm0, $0xb8;
	[tilespmem:$0x18200] =	vst v63  }
0x29: {  	_ = 	snop  }
0x2a: {  	[tilespmem:s22], [sflag:$0x1] =	stream.indirect_vreg.gather [hbm4b:s5+s3], $0x80, v3, vm0, $0xb8;
	[tilespmem:$0x18200] =	vst v63  }
0x2b: {  	_ = 	snop  }
0x2c: {  	[tilespmem:s23], [sflag:$0x1] =	stream.indirect_vreg.gather [hbm4b:s6+s3], $0x80, v3, vm0, $0xb8;
	[tilespmem:$0x18200] =	vst v63  }
0x2d: {  	_ = 	snop  }
0x2e: {  	[tilespmem:s24], [sflag:$0x1] =	stream.indirect_vreg.gather [hbm4b:s7+s3], $0x80, v3, vm0, $0xb8;
	[tilespmem:$0x18200] =	vst v63  }
0x2f: {  	v3 =	vld [tilespmem:$0x10];
	_ =	sdelay $0x4  }
0x30: {  	v53 =	vshll.u32 v3, $0x3  }
0x31: {  	v3 =	vand.u32 $0x7, v3;
	v4 =	vand.u32 $0xFFFFFFC0, v53  }
0x32: {  	v3 =	vor.u32 v3, v4  }
0x33: {  	v4 =	vperm.xlane v3, v0;
	_ =	sdelay $0x1  }
0x34: {  	v4 =	vadd.s32 v1, v4;
	_ =	sdelay $0x4  }
0x35: {  	[tilespmem:s25], [sflag:$0x1] =	stream.indirect_vreg.gather [hbm4b:s2+s3], $0x80, v4, vm0, $0xb8;
	[tilespmem:$0x18200] =	vst v63  }
0x36: {  	v3 =	vperm.xlane v3, v2  }
0x37: {  	[tilespmem:s26], [sflag:$0x1] =	stream.indirect_vreg.gather [hbm4b:s5+s3], $0x80, v4, vm0, $0xb8;
	[tilespmem:$0x18200] =	vst v63  }
0x38: {  	v3 =	vadd.s32 v1, v3  }
0x39: {  	[tilespmem:s28], [sflag:$0x1] =	stream.indirect_vreg.gather [hbm4b:s6+s3], $0x80, v4, vm0, $0xb8;
	[tilespmem:$0x18200] =	vst v63  }
0x3a: {  	_ = 	snop  }
0x3b: {  	[tilespmem:s29], [sflag:$0x1] =	stream.indirect_vreg.gather [hbm4b:s7+s3], $0x80, v4, vm0, $0xb8;
	[tilespmem:$0x18200] =	vst v63  }
0x3c: {  	_ = 	snop  }
0x3d: {  	[tilespmem:s30], [sflag:$0x1] =	stream.indirect_vreg.gather [hbm4b:s2+s3], $0x80, v3, vm0, $0xb8;
	[tilespmem:$0x18200] =	vst v63  }
0x3e: {  	_ = 	snop  }
0x3f: {  	[tilespmem:s31], [sflag:$0x1] =	stream.indirect_vreg.gather [hbm4b:s5+s3], $0x80, v3, vm0, $0xb8;
	[tilespmem:$0x18200] =	vst v63  }
0x40: {  	s8 =	simm.s32 $0x7200  }
0x41: {  	[tilespmem:s8], [sflag:$0x1] =	stream.indirect_vreg.gather [hbm4b:s6+s3], $0x80, v3, vm0, $0xb8;
	[tilespmem:$0x18200] =	vst v63  }
0x42: {  	s9 =	simm.s32 $0x7A00  }
0x43: {  	[tilespmem:s9], [sflag:$0x1] =	stream.indirect_vreg.gather [hbm4b:s7+s3], $0x80, v3, vm0, $0xb8;
	[tilespmem:$0x18200] =	vst v63  }
0x44: {  	v3 =	vld [tilespmem:$0x20];
	_ =	sdelay $0x4  }
0x45: {  	v54 =	vshll.u32 v3, $0x3  }
0x46: {  	v3 =	vand.u32 $0x7, v3;
	v4 =	vand.u32 $0xFFFFFFC0, v54  }
0x47: {  	v3 =	vor.u32 v3, v4  }
0x48: {  	v4 =	vperm.xlane v3, v0;
	_ =	sdelay $0x1  }
0x49: {  	v4 =	vadd.s32 v1, v4;
	_ =	sdelay $0x3  }
0x4a: {  	s4 =	simm.s32 $0x8200  }
0x4b: {  	[tilespmem:s4], [sflag:$0x1] =	stream.indirect_vreg.gather [hbm4b:s2+s3], $0x80, v4, vm0, $0xb8;
	[tilespmem:$0x18200] =	vst v63  }
0x4c: {  	v3 =	vperm.xlane v3, v2  }
0x4d: {  	[tilespmem:s12], [sflag:$0x1] =	stream.indirect_vreg.gather [hbm4b:s5+s3], $0x80, v4, vm0, $0xb8;
	[tilespmem:$0x18200] =	vst v63  }
0x4e: {  	s9 =	simm.s32 $0x9200;
	v3 =	vadd.s32 v1, v3  }
0x4f: {  	[tilespmem:s9], [sflag:$0x1] =	stream.indirect_vreg.gather [hbm4b:s6+s3], $0x80, v4, vm0, $0xb8;
	[tilespmem:$0x18200] =	vst v63  }
0x50: {  	s17 =	simm.s32 $0x9A00  }
0x51: {  	[tilespmem:s17], [sflag:$0x1] =	stream.indirect_vreg.gather [hbm4b:s7+s3], $0x80, v4, vm0, $0xb8;
	[tilespmem:$0x18200] =	vst v63  }
0x52: {  	_ = 	snop  }
0x53: {  	[tilespmem:s11], [sflag:$0x1] =	stream.indirect_vreg.gather [hbm4b:s2+s3], $0x80, v3, vm0, $0xb8;
	[tilespmem:$0x18200] =	vst v63  }
0x54: {  	_ = 	snop  }
0x55: {  	[tilespmem:s13], [sflag:$0x1] =	stream.indirect_vreg.gather [hbm4b:s5+s3], $0x80, v3, vm0, $0xb8;
	[tilespmem:$0x18200] =	vst v63  }
0x56: {  	_ = 	snop  }
0x57: {  	[tilespmem:s14], [sflag:$0x1] =	stream.indirect_vreg.gather [hbm4b:s6+s3], $0x80, v3, vm0, $0xb8;
	[tilespmem:$0x18200] =	vst v63  }
0x58: {  	_ = 	snop  }
0x59: {  	[tilespmem:s15], [sflag:$0x1] =	stream.indirect_vreg.gather [hbm4b:s7+s3], $0x80, v3, vm0, $0xb8;
	[tilespmem:$0x18200] =	vst v63  }
0x5a: {  	v3 =	vld [tilespmem:$0x80];
	_ =	sdelay $0x4  }
0x5b: {  	v55 =	vshll.u32 v3, $0x3  }
0x5c: {  	v3 =	vand.u32 $0x7, v3;
	v4 =	vand.u32 $0xFFFFFFC0, v55  }
0x5d: {  	v3 =	vor.u32 v3, v4  }
0x5e: {  	v4 =	vperm.xlane v3, v0;
	_ =	sdelay $0x1  }
0x5f: {  	v4 =	vadd.s32 v1, v4;
	_ =	sdelay $0x4  }
0x60: {  	[tilespmem:s16], [sflag:$0x2] =	stream.indirect_vreg.gather [hbm4b:s2+s3], $0x80, v4, vm0, $0xb8;
	[tilespmem:$0x18200] =	vst v63  }
0x61: {  	s8 =	simm.s32 $0xCA00;
	v3 =	vperm.xlane v3, v2  }
0x62: {  	[tilespmem:s8], [sflag:$0x2] =	stream.indirect_vreg.gather [hbm4b:s5+s3], $0x80, v4, vm0, $0xb8;
	[tilespmem:$0x18200] =	vst v63  }
0x63: {  	s17 =	simm.s32 $0xD200;
	v3 =	vadd.s32 v1, v3  }
0x64: {  	[tilespmem:s17], [sflag:$0x2] =	stream.indirect_vreg.gather [hbm4b:s6+s3], $0x80, v4, vm0, $0xb8;
	[tilespmem:$0x18200] =	vst v63  }
0x65: {  	s8 =	simm.s32 $0xDA00  }
0x66: {  	[tilespmem:s8], [sflag:$0x2] =	stream.indirect_vreg.gather [hbm4b:s7+s3], $0x80, v4, vm0, $0xb8;
	[tilespmem:$0x18200] =	vst v63  }
0x67: {  	s17 =	simm.s32 $0xE200  }
0x68: {  	[tilespmem:s17], [sflag:$0x2] =	stream.indirect_vreg.gather [hbm4b:s2+s3], $0x80, v3, vm0, $0xb8;
	[tilespmem:$0x18200] =	vst v63  }
0x69: {  	s8 =	simm.s32 $0xEA00  }
0x6a: {  	[tilespmem:s8], [sflag:$0x2] =	stream.indirect_vreg.gather [hbm4b:s5+s3], $0x80, v3, vm0, $0xb8;
	[tilespmem:$0x18200] =	vst v63  }
0x6b: {  	s17 =	simm.s32 $0xF200  }
0x6c: {  	[tilespmem:s17], [sflag:$0x2] =	stream.indirect_vreg.gather [hbm4b:s6+s3], $0x80, v3, vm0, $0xb8;
	[tilespmem:$0x18200] =	vst v63  }
0x6d: {  	s8 =	simm.s32 $0xFA00  }
0x6e: {  	[tilespmem:s8], [sflag:$0x2] =	stream.indirect_vreg.gather [hbm4b:s7+s3], $0x80, v3, vm0, $0xb8;
	[tilespmem:$0x18200] =	vst v63  }
0x6f: {  	v3 =	vld [tilespmem:$0x90];
	_ =	sdelay $0x4  }
0x70: {  	v56 =	vshll.u32 v3, $0x3  }
0x71: {  	v3 =	vand.u32 $0x7, v3;
	v4 =	vand.u32 $0xFFFFFFC0, v56  }
0x72: {  	v3 =	vor.u32 v3, v4  }
0x73: {  	v4 =	vperm.xlane v3, v0;
	_ =	sdelay $0x1  }
0x74: {  	v4 =	vadd.s32 v1, v4;
	_ =	sdelay $0x3  }
0x75: {  	s17 =	simm.s32 $0x10200  }
0x76: {  	[tilespmem:s17], [sflag:$0x2] =	stream.indirect_vreg.gather [hbm4b:s2+s3], $0x80, v4, vm0, $0xb8;
	[tilespmem:$0x18200] =	vst v63  }
0x77: {  	s8 =	simm.s32 $0x10A00;
	v3 =	vperm.xlane v3, v2  }
0x78: {  	[tilespmem:s8], [sflag:$0x2] =	stream.indirect_vreg.gather [hbm4b:s5+s3], $0x80, v4, vm0, $0xb8;
	[tilespmem:$0x18200] =	vst v63  }
0x79: {  	v3 =	vadd.s32 v1, v3;
	s17 =	simm.s32 $0x11200  }
0x7a: {  	[tilespmem:s17], [sflag:$0x2] =	stream.indirect_vreg.gather [hbm4b:s6+s3], $0x80, v4, vm0, $0xb8;
	[tilespmem:$0x18200] =	vst v63  }
0x7b: {  	s8 =	simm.s32 $0x11A00  }
0x7c: {  	[tilespmem:s8], [sflag:$0x2] =	stream.indirect_vreg.gather [hbm4b:s7+s3], $0x80, v4, vm0, $0xb8;
	[tilespmem:$0x18200] =	vst v63  }
0x7d: {  	s17 =	simm.s32 $0x12200  }
0x7e: {  	[tilespmem:s17], [sflag:$0x2] =	stream.indirect_vreg.gather [hbm4b:s2+s3], $0x80, v3, vm0, $0xb8;
	[tilespmem:$0x18200] =	vst v63  }
0x7f: {  	s8 =	simm.s32 $0x12A00  }
0x80: {  	[tilespmem:s8], [sflag:$0x2] =	stream.indirect_vreg.gather [hbm4b:s5+s3], $0x80, v3, vm0, $0xb8;
	[tilespmem:$0x18200] =	vst v63  }
0x81: {  	s17 =	simm.s32 $0x13200  }
0x82: {  	[tilespmem:s17], [sflag:$0x2] =	stream.indirect_vreg.gather [hbm4b:s6+s3], $0x80, v3, vm0, $0xb8;
	[tilespmem:$0x18200] =	vst v63  }
0x83: {  	s8 =	simm.s32 $0x13A00  }
0x84: {  	[tilespmem:s8], [sflag:$0x2] =	stream.indirect_vreg.gather [hbm4b:s7+s3], $0x80, v3, vm0, $0xb8;
	[tilespmem:$0x18200] =	vst v63  }
0x85: {  	v3 =	vld [tilespmem:$0xA0];
	_ =	sdelay $0x4  }
0x86: {  	v57 =	vshll.u32 v3, $0x3  }
0x87: {  	v3 =	vand.u32 $0x7, v3;
	v4 =	vand.u32 $0xFFFFFFC0, v57  }
0x88: {  	v3 =	vor.u32 v3, v4  }
0x89: {  	v4 =	vperm.xlane v3, v0;
	_ =	sdelay $0x1  }
0x8a: {  	v4 =	vadd.s32 v1, v4;
	_ =	sdelay $0x3  }
0x8b: {  	s17 =	simm.s32 $0x14200  }
0x8c: {  	[tilespmem:s17], [sflag:$0x2] =	stream.indirect_vreg.gather [hbm4b:s2+s3], $0x80, v4, vm0, $0xb8;
	[tilespmem:$0x18200] =	vst v63  }
0x8d: {  	s8 =	simm.s32 $0x14A00;
	v3 =	vperm.xlane v3, v2  }
0x8e: {  	[tilespmem:s8], [sflag:$0x2] =	stream.indirect_vreg.gather [hbm4b:s5+s3], $0x80, v4, vm0, $0xb8;
	[tilespmem:$0x18200] =	vst v63  }
0x8f: {  	v3 =	vadd.s32 v1, v3;
	s17 =	simm.s32 $0x15200  }
0x90: {  	[tilespmem:s17], [sflag:$0x2] =	stream.indirect_vreg.gather [hbm4b:s6+s3], $0x80, v4, vm0, $0xb8;
	[tilespmem:$0x18200] =	vst v63  }
0x91: {  	s8 =	simm.s32 $0x15A00  }
0x92: {  	[tilespmem:s8], [sflag:$0x2] =	stream.indirect_vreg.gather [hbm4b:s7+s3], $0x80, v4, vm0, $0xb8;
	[tilespmem:$0x18200] =	vst v63  }
0x93: {  	s17 =	simm.s32 $0x16200  }
0x94: {  	[tilespmem:s17], [sflag:$0x2] =	stream.indirect_vreg.gather [hbm4b:s2+s3], $0x80, v3, vm0, $0xb8;
	[tilespmem:$0x18200] =	vst v63  }
0x95: {  	s8 =	simm.s32 $0x16A00  }
0x96: {  	[tilespmem:s8], [sflag:$0x2] =	stream.indirect_vreg.gather [hbm4b:s5+s3], $0x80, v3, vm0, $0xb8;
	[tilespmem:$0x18200] =	vst v63  }
0x97: {  	s17 =	simm.s32 $0x17200  }
0x98: {  	[tilespmem:s17], [sflag:$0x2] =	stream.indirect_vreg.gather [hbm4b:s6+s3], $0x80, v3, vm0, $0xb8;
	[tilespmem:$0x18200] =	vst v63  }
0x99: {  	s0 =	simm.s32 $0x1;
	s8 =	simm.s32 $0x17A00  }
0x9a: {  	[tilespmem:s8], [sflag:$0x2] =	stream.indirect_vreg.gather [hbm4b:s7+s3], $0x80, v3, vm0, $0xb8;
	[tilespmem:$0x18200] =	vst v63  }
0x9b: {  	_ =	swait.ge [sflag:s0], $0xC000  }
0x9c: {  	[sflag:s0] =	ssyncset.done $0x0  }
0x9d: {  	s8 =	simm.s32 $0x200;
	s17 =	rddreg [dreg:$0x8];
	[sflag:s0] =	ssyncadd.s32 $0xFFFF4000  }
0x9e: {  	[hbm4b:s17+s3] =	stream.linear.scatter [tilespmem:s8], [sflag:$0x3], $0xC000, $0x38;
	[tilespmem:$0x18200] =	vst v63  }
0x9f: {  	_ =	swait.ge [sflag:s1], $0xC000  }
0xa0: {  	[sflag:s1] =	ssyncset.done $0x0  }
0xa1: {  	[sflag:s1] =	ssyncadd.s32 $0xFFFF4000  }
0xa2: {  	v3 =	vld [tilespmem:$0x100];
	_ =	sdelay $0x4  }
0xa3: {  	v58 =	vshll.u32 v3, $0x3  }
0xa4: {  	v3 =	vand.u32 $0x7, v3;
	v4 =	vand.u32 $0xFFFFFFC0, v58  }
0xa5: {  	v3 =	vor.u32 v3, v4  }
0xa6: {  	v4 =	vperm.xlane v3, v0;
	_ =	sdelay $0x1  }
0xa7: {  	v4 =	vadd.s32 v1, v4;
	_ =	sdelay $0x4  }
0xa8: {  	[tilespmem:s8], [sflag:$0x1] =	stream.indirect_vreg.gather [hbm4b:s2+s3], $0x80, v4, vm0, $0xb8;
	[tilespmem:$0x18200] =	vst v63  }
0xa9: {  	v3 =	vperm.xlane v3, v2  }
0xaa: {  	[tilespmem:s18], [sflag:$0x1] =	stream.indirect_vreg.gather [hbm4b:s5+s3], $0x80, v4, vm0, $0xb8;
	[tilespmem:$0x18200] =	vst v63  }
0xab: {  	v3 =	vadd.s32 v1, v3  }
0xac: {  	[tilespmem:s19], [sflag:$0x1] =	stream.indirect_vreg.gather [hbm4b:s6+s3], $0x80, v4, vm0, $0xb8;
	[tilespmem:$0x18200] =	vst v63  }
0xad: {  	_ = 	snop  }
0xae: {  	[tilespmem:s20], [sflag:$0x1] =	stream.indirect_vreg.gather [hbm4b:s7+s3], $0x80, v4, vm0, $0xb8;
	[tilespmem:$0x18200] =	vst v63  }
0xaf: {  	_ = 	snop  }
0xb0: {  	[tilespmem:s21], [sflag:$0x1] =	stream.indirect_vreg.gather [hbm4b:s2+s3], $0x80, v3, vm0, $0xb8;
	[tilespmem:$0x18200] =	vst v63  }
0xb1: {  	_ = 	snop  }
0xb2: {  	[tilespmem:s22], [sflag:$0x1] =	stream.indirect_vreg.gather [hbm4b:s5+s3], $0x80, v3, vm0, $0xb8;
	[tilespmem:$0x18200] =	vst v63  }
0xb3: {  	_ = 	snop  }
0xb4: {  	[tilespmem:s23], [sflag:$0x1] =	stream.indirect_vreg.gather [hbm4b:s6+s3], $0x80, v3, vm0, $0xb8;
	[tilespmem:$0x18200] =	vst v63  }
0xb5: {  	_ = 	snop  }
0xb6: {  	[tilespmem:s24], [sflag:$0x1] =	stream.indirect_vreg.gather [hbm4b:s7+s3], $0x80, v3, vm0, $0xb8;
	[tilespmem:$0x18200] =	vst v63  }
0xb7: {  	v3 =	vld [tilespmem:$0x110];
	_ =	sdelay $0x4  }
0xb8: {  	v59 =	vshll.u32 v3, $0x3  }
0xb9: {  	v3 =	vand.u32 $0x7, v3;
	v4 =	vand.u32 $0xFFFFFFC0, v59  }
0xba: {  	v3 =	vor.u32 v3, v4  }
0xbb: {  	v4 =	vperm.xlane v3, v0;
	_ =	sdelay $0x1  }
0xbc: {  	v4 =	vadd.s32 v1, v4;
	_ =	sdelay $0x4  }
0xbd: {  	[tilespmem:s25], [sflag:$0x1] =	stream.indirect_vreg.gather [hbm4b:s2+s3], $0x80, v4, vm0, $0xb8;
	[tilespmem:$0x18200] =	vst v63  }
0xbe: {  	v3 =	vperm.xlane v3, v2  }
0xbf: {  	[tilespmem:s26], [sflag:$0x1] =	stream.indirect_vreg.gather [hbm4b:s5+s3], $0x80, v4, vm0, $0xb8;
	[tilespmem:$0x18200] =	vst v63  }
0xc0: {  	v3 =	vadd.s32 v1, v3  }
0xc1: {  	[tilespmem:s28], [sflag:$0x1] =	stream.indirect_vreg.gather [hbm4b:s6+s3], $0x80, v4, vm0, $0xb8;
	[tilespmem:$0x18200] =	vst v63  }
0xc2: {  	_ = 	snop  }
0xc3: {  	[tilespmem:s29], [sflag:$0x1] =	stream.indirect_vreg.gather [hbm4b:s7+s3], $0x80, v4, vm0, $0xb8;
	[tilespmem:$0x18200] =	vst v63  }
0xc4: {  	_ = 	snop  }
0xc5: {  	[tilespmem:s30], [sflag:$0x1] =	stream.indirect_vreg.gather [hbm4b:s2+s3], $0x80, v3, vm0, $0xb8;
	[tilespmem:$0x18200] =	vst v63  }
0xc6: {  	_ = 	snop  }
0xc7: {  	[tilespmem:s31], [sflag:$0x1] =	stream.indirect_vreg.gather [hbm4b:s5+s3], $0x80, v3, vm0, $0xb8;
	[tilespmem:$0x18200] =	vst v63  }
0xc8: {  	s17 =	simm.s32 $0x7200  }
0xc9: {  	[tilespmem:s17], [sflag:$0x1] =	stream.indirect_vreg.gather [hbm4b:s6+s3], $0x80, v3, vm0, $0xb8;
	[tilespmem:$0x18200] =	vst v63  }
0xca: {  	s17 =	simm.s32 $0x7A00  }
0xcb: {  	[tilespmem:s17], [sflag:$0x1] =	stream.indirect_vreg.gather [hbm4b:s7+s3], $0x80, v3, vm0, $0xb8;
	[tilespmem:$0x18200] =	vst v63  }
0xcc: {  	v3 =	vld [tilespmem:$0x120];
	_ =	sdelay $0x4  }
0xcd: {  	v60 =	vshll.u32 v3, $0x3  }
0xce: {  	v3 =	vand.u32 $0x7, v3;
	v4 =	vand.u32 $0xFFFFFFC0, v60  }
0xcf: {  	v3 =	vor.u32 v3, v4  }
0xd0: {  	v4 =	vperm.xlane v3, v0;
	_ =	sdelay $0x1  }
0xd1: {  	v4 =	vadd.s32 v1, v4;
	_ =	sdelay $0x4  }
0xd2: {  	[tilespmem:s4], [sflag:$0x1] =	stream.indirect_vreg.gather [hbm4b:s2+s3], $0x80, v4, vm0, $0xb8;
	[tilespmem:$0x18200] =	vst v63  }
0xd3: {  	v3 =	vperm.xlane v3, v2  }
0xd4: {  	[tilespmem:s12], [sflag:$0x1] =	stream.indirect_vreg.gather [hbm4b:s5+s3], $0x80, v4, vm0, $0xb8;
	[tilespmem:$0x18200] =	vst v63  }
0xd5: {  	v3 =	vadd.s32 v1, v3  }
0xd6: {  	[tilespmem:s9], [sflag:$0x1] =	stream.indirect_vreg.gather [hbm4b:s6+s3], $0x80, v4, vm0, $0xb8;
	[tilespmem:$0x18200] =	vst v63  }
0xd7: {  	s8 =	simm.s32 $0x9A00  }
0xd8: {  	[tilespmem:s8], [sflag:$0x1] =	stream.indirect_vreg.gather [hbm4b:s7+s3], $0x80, v4, vm0, $0xb8;
	[tilespmem:$0x18200] =	vst v63  }
0xd9: {  	_ = 	snop  }
0xda: {  	[tilespmem:s11], [sflag:$0x1] =	stream.indirect_vreg.gather [hbm4b:s2+s3], $0x80, v3, vm0, $0xb8;
	[tilespmem:$0x18200] =	vst v63  }
0xdb: {  	_ = 	snop  }
0xdc: {  	[tilespmem:s13], [sflag:$0x1] =	stream.indirect_vreg.gather [hbm4b:s5+s3], $0x80, v3, vm0, $0xb8;
	[tilespmem:$0x18200] =	vst v63  }
0xdd: {  	_ = 	snop  }
0xde: {  	[tilespmem:s14], [sflag:$0x1] =	stream.indirect_vreg.gather [hbm4b:s6+s3], $0x80, v3, vm0, $0xb8;
	[tilespmem:$0x18200] =	vst v63  }
0xdf: {  	s4 =	simm.s32 $0x2  }
0xe0: {  	[tilespmem:s15], [sflag:$0x1] =	stream.indirect_vreg.gather [hbm4b:s7+s3], $0x80, v3, vm0, $0xb8;
	[tilespmem:$0x18200] =	vst v63  }
0xe1: {  	_ =	swait.ge [sflag:s4], $0xC000  }
0xe2: {  	[sflag:s4] =	ssyncset.done $0x0  }
0xe3: {  	s9 =	rddreg [dreg:$0x5];
	[sflag:s4] =	ssyncadd.s32 $0xFFFF4000  }
0xe4: {  	[hbm4b:s9+s3] =	stream.linear.scatter [tilespmem:s16], [sflag:$0x4], $0xC000, $0x38;
	[tilespmem:$0x18200] =	vst v63  }
0xe5: {  	s9 =	simm.s32 $0x4  }
0xe6: {  	_ =	swait.ge [sflag:s9], $0xC000  }
0xe7: {  	[sflag:s9] =	ssyncset.done $0x0  }
0xe8: {  	[sflag:s9] =	ssyncadd.s32 $0xFFFF4000  }
0xe9: {  	v3 =	vld [tilespmem:$0x180];
	_ =	sdelay $0x4  }
0xea: {  	v61 =	vshll.u32 v3, $0x3  }
0xeb: {  	v3 =	vand.u32 $0x7, v3;
	v4 =	vand.u32 $0xFFFFFFC0, v61  }
0xec: {  	v3 =	vor.u32 v3, v4  }
0xed: {  	v4 =	vperm.xlane v3, v0;
	_ =	sdelay $0x1  }
0xee: {  	v4 =	vadd.s32 v1, v4;
	_ =	sdelay $0x4  }
0xef: {  	[tilespmem:s16], [sflag:$0x2] =	stream.indirect_vreg.gather [hbm4b:s2+s3], $0x80, v4, vm0, $0xb8;
	[tilespmem:$0x18200] =	vst v63  }
0xf0: {  	s17 =	simm.s32 $0xCA00;
	v3 =	vperm.xlane v3, v2  }
0xf1: {  	[tilespmem:s17], [sflag:$0x2] =	stream.indirect_vreg.gather [hbm4b:s5+s3], $0x80, v4, vm0, $0xb8;
	[tilespmem:$0x18200] =	vst v63  }
0xf2: {  	v3 =	vadd.s32 v1, v3;
	s17 =	simm.s32 $0xD200  }
0xf3: {  	[tilespmem:s17], [sflag:$0x2] =	stream.indirect_vreg.gather [hbm4b:s6+s3], $0x80, v4, vm0, $0xb8;
	[tilespmem:$0x18200] =	vst v63  }
0xf4: {  	s17 =	simm.s32 $0xDA00  }
0xf5: {  	[tilespmem:s17], [sflag:$0x2] =	stream.indirect_vreg.gather [hbm4b:s7+s3], $0x80, v4, vm0, $0xb8;
	[tilespmem:$0x18200] =	vst v63  }
0xf6: {  	s17 =	simm.s32 $0xE200  }
0xf7: {  	[tilespmem:s17], [sflag:$0x2] =	stream.indirect_vreg.gather [hbm4b:s2+s3], $0x80, v3, vm0, $0xb8;
	[tilespmem:$0x18200] =	vst v63  }
0xf8: {  	s17 =	simm.s32 $0xEA00  }
0xf9: {  	[tilespmem:s17], [sflag:$0x2] =	stream.indirect_vreg.gather [hbm4b:s5+s3], $0x80, v3, vm0, $0xb8;
	[tilespmem:$0x18200] =	vst v63  }
0xfa: {  	s17 =	simm.s32 $0xF200  }
0xfb: {  	[tilespmem:s17], [sflag:$0x2] =	stream.indirect_vreg.gather [hbm4b:s6+s3], $0x80, v3, vm0, $0xb8;
	[tilespmem:$0x18200] =	vst v63  }
0xfc: {  	s17 =	simm.s32 $0xFA00  }
0xfd: {  	[tilespmem:s17], [sflag:$0x2] =	stream.indirect_vreg.gather [hbm4b:s7+s3], $0x80, v3, vm0, $0xb8;
	[tilespmem:$0x18200] =	vst v63  }
0xfe: {  	v3 =	vld [tilespmem:$0x190];
	_ =	sdelay $0x4  }
0xff: {  	v62 =	vshll.u32 v3, $0x3  }
0x100: {  	v3 =	vand.u32 $0x7, v3;
	v4 =	vand.u32 $0xFFFFFFC0, v62  }
0x101: {  	v3 =	vor.u32 v3, v4  }
0x102: {  	v4 =	vperm.xlane v3, v0;
	_ =	sdelay $0x1  }
0x103: {  	v4 =	vadd.s32 v1, v4;
	_ =	sdelay $0x3  }
0x104: {  	s17 =	simm.s32 $0x10200  }
0x105: {  	[tilespmem:s17], [sflag:$0x2] =	stream.indirect_vreg.gather [hbm4b:s2+s3], $0x80, v4, vm0, $0xb8;
	[tilespmem:$0x18200] =	vst v63  }
0x106: {  	v3 =	vperm.xlane v3, v2;
	s17 =	simm.s32 $0x10A00  }
0x107: {  	[tilespmem:s17], [sflag:$0x2] =	stream.indirect_vreg.gather [hbm4b:s5+s3], $0x80, v4, vm0, $0xb8;
	[tilespmem:$0x18200] =	vst v63  }
0x108: {  	v3 =	vadd.s32 v1, v3;
	s17 =	simm.s32 $0x11200  }
0x109: {  	[tilespmem:s17], [sflag:$0x2] =	stream.indirect_vreg.gather [hbm4b:s6+s3], $0x80, v4, vm0, $0xb8;
	[tilespmem:$0x18200] =	vst v63  }
0x10a: {  	s17 =	simm.s32 $0x11A00  }
0x10b: {  	[tilespmem:s17], [sflag:$0x2] =	stream.indirect_vreg.gather [hbm4b:s7+s3], $0x80, v4, vm0, $0xb8;
	[tilespmem:$0x18200] =	vst v63  }
0x10c: {  	s17 =	simm.s32 $0x12200  }
0x10d: {  	[tilespmem:s17], [sflag:$0x2] =	stream.indirect_vreg.gather [hbm4b:s2+s3], $0x80, v3, vm0, $0xb8;
	[tilespmem:$0x18200] =	vst v63  }
0x10e: {  	s17 =	simm.s32 $0x12A00  }
0x10f: {  	[tilespmem:s17], [sflag:$0x2] =	stream.indirect_vreg.gather [hbm4b:s5+s3], $0x80, v3, vm0, $0xb8;
	[tilespmem:$0x18200] =	vst v63  }
0x110: {  	s17 =	simm.s32 $0x13200  }
0x111: {  	[tilespmem:s17], [sflag:$0x2] =	stream.indirect_vreg.gather [hbm4b:s6+s3], $0x80, v3, vm0, $0xb8;
	[tilespmem:$0x18200] =	vst v63  }
0x112: {  	s17 =	simm.s32 $0x13A00  }
0x113: {  	[tilespmem:s17], [sflag:$0x2] =	stream.indirect_vreg.gather [hbm4b:s7+s3], $0x80, v3, vm0, $0xb8;
	[tilespmem:$0x18200] =	vst v63  }
0x114: {  	v3 =	vld [tilespmem:$0x1A0];
	_ =	sdelay $0x4  }
0x115: {  	v63 =	vshll.u32 v3, $0x3  }
0x116: {  	v3 =	vand.u32 $0x7, v3;
	v4 =	vand.u32 $0xFFFFFFC0, v63  }
0x117: {  	v3 =	vor.u32 v3, v4  }
0x118: {  	v4 =	vperm.xlane v3, v0;
	_ =	sdelay $0x1  }
0x119: {  	v4 =	vadd.s32 v1, v4;
	_ =	sdelay $0x3  }
0x11a: {  	s17 =	simm.s32 $0x14200  }
0x11b: {  	[tilespmem:s17], [sflag:$0x2] =	stream.indirect_vreg.gather [hbm4b:s2+s3], $0x80, v4, vm0, $0xb8;
	[tilespmem:$0x18200] =	vst v63  }
0x11c: {  	v3 =	vperm.xlane v3, v2;
	s17 =	simm.s32 $0x14A00  }
0x11d: {  	[tilespmem:s17], [sflag:$0x2] =	stream.indirect_vreg.gather [hbm4b:s5+s3], $0x80, v4, vm0, $0xb8;
	[tilespmem:$0x18200] =	vst v63  }
0x11e: {  	v3 =	vadd.s32 v1, v3;
	s17 =	simm.s32 $0x15200  }
0x11f: {  	[tilespmem:s17], [sflag:$0x2] =	stream.indirect_vreg.gather [hbm4b:s6+s3], $0x80, v4, vm0, $0xb8;
	[tilespmem:$0x18200] =	vst v63  }
0x120: {  	s17 =	simm.s32 $0x15A00  }
0x121: {  	[tilespmem:s17], [sflag:$0x2] =	stream.indirect_vreg.gather [hbm4b:s7+s3], $0x80, v4, vm0, $0xb8;
	[tilespmem:$0x18200] =	vst v63  }
0x122: {  	s17 =	simm.s32 $0x16200  }
0x123: {  	[tilespmem:s17], [sflag:$0x2] =	stream.indirect_vreg.gather [hbm4b:s2+s3], $0x80, v3, vm0, $0xb8;
	[tilespmem:$0x18200] =	vst v63  }
0x124: {  	s17 =	simm.s32 $0x16A00  }
0x125: {  	[tilespmem:s17], [sflag:$0x2] =	stream.indirect_vreg.gather [hbm4b:s5+s3], $0x80, v3, vm0, $0xb8;
	[tilespmem:$0x18200] =	vst v63  }
0x126: {  	s17 =	simm.s32 $0x17200  }
0x127: {  	[tilespmem:s17], [sflag:$0x2] =	stream.indirect_vreg.gather [hbm4b:s6+s3], $0x80, v3, vm0, $0xb8;
	[tilespmem:$0x18200] =	vst v63  }
0x128: {  	s17 =	simm.s32 $0x17A00  }
0x129: {  	[tilespmem:s17], [sflag:$0x2] =	stream.indirect_vreg.gather [hbm4b:s7+s3], $0x80, v3, vm0, $0xb8;
	[tilespmem:$0x18200] =	vst v63  }
0x12a: {  	_ =	swait.ge [sflag:s0], $0xC000  }
0x12b: {  	[sflag:s0] =	ssyncset.done $0x0  }
0x12c: {  	s8 =	simm.s32 $0x200;
	s17 =	rddreg [dreg:$0x6];
	[sflag:s0] =	ssyncadd.s32 $0xFFFF4000  }
0x12d: {  	[hbm4b:s17+s3] =	stream.linear.scatter [tilespmem:s8], [sflag:$0x3], $0xC000, $0x38;
	[tilespmem:$0x18200] =	vst v63  }
0x12e: {  	_ =	swait.ge [sflag:s4], $0xC000  }
0x12f: {  	[sflag:s4] =	ssyncset.done $0x0  }
0x130: {  	s8 =	rddreg [dreg:$0x7];
	[sflag:s4] =	ssyncadd.s32 $0xFFFF4000  }
0x131: {  	[hbm4b:s8+s3] =	stream.linear.scatter [tilespmem:s16], [sflag:$0x4], $0xC000, $0x38;
	[tilespmem:$0x18200] =	vst v63  }
0x132: {  	p0 =	sne.s32 s10, $0x1;
	_ =	swait.ge [sflag:s1], $0xC000  }
.Ltmp0:
0x133: {  	[sflag:s1] =	ssyncset.done $0x0;
	(pc) =	sbr.rel @p0 .LBB2_1-.Ltmp0, $4  }
0x134: {  	[sflag:s1] =	ssyncadd.s32 $0xFFFF4000  }
0x135: {  	_ =	swait.ge [sflag:s9], $0xC000  }
0x136: {  	[sflag:s9] =	ssyncset.done $0x0  }
0x137: {  	s10 =	sadd.s32 $0xFFFFFFFF, s10;
	[sflag:s9] =	ssyncadd.s32 $0xFFFF4000  }
0x138: {  	_ =	sfence.sel $0x180000  }
0x139: {  	[bflag:$0x0] =	sbarrier.arrive $0xFFFF  }
0x13a: {  	_ =	strace $0x9000004A  }
0x13b: {  	s0 =	stileid.u32;
	[bflag:$0x2] =	sbarrier.arrive $0xFFFF  }
0x13c: {  	p0 =	sne.s32 s0, $0x0;
	s0 =	rddreg [dreg:$0x3]  }
0x13d: {  	s0 =	sadd.s32 @!p0 $0x100000, s0  }
0x13e: {  	[sflag:s0] =	ssyncadd.tile.s32 @!p0 $0x1;
	_ =	shalt  }
.Lfunc_end2:
_tile_overlayer_lowered:
.L_overlay_start_2:
0x13f: {  	(tag) =	ssettag $0x2  }
0x140: {  	s0 =	rddreg [dreg:$0x0];
	s2 =	stileid.u32  }
0x141: {  	s1 =	rddreg [dreg:$0x1];
	p0 =	sne.s32 s2, $0x0  }
0x142: {  	s3 =	rddreg [dreg:$0x2];
	[bflag:$0x3] =	sbarrier.arrive $0xFFFF;
	s2 =	simm.s32 @!p0 $0x1C05  }
0x143: {  	[timem:s3], [sflag:s2] =	dma.local @!p0 [hbm:s0], s1  }
0x144: {  	s0 =	simm.s32 @!p0 $0x5  }
0x145: {  	_ =	swait.ge @!p0 [sflag:s0], s1  }
0x146: {  	s1 =	ssub.s32 @!p0 $0x0, s1;
	[sflag:s0] =	ssyncset.done @!p0 $0x0  }
0x147: {  	[sflag:s0] =	ssyncadd.s32 @!p0 s1  }
0x148: {  	[bflag:$0x3] =	sbarrier.arrive $0xFFFF  }
0x149: {  	_ =	shalt  }

// kernel: kernel.9.cloned.1.call-start
scs
__scs_entry_jumppad:
0x0: {  	(pc) =	sbr.rel $0x88, $3  }
0x1: {  	(tag) =	ssettag $0x0;
	lr =	simm.s32 $0x1  }
0x2: {  	[smem:$0x3F9B] =	sst lr;
	_ =	strace $0xD0000000  }
0x3: {  	_ = 	snop  }
0x4: {  	_ = 	snop  }
0x5: {  	_ = 	snop  }
0x6: {  	_ = 	snop  }
0x7: {  	_ = 	snop  }
__scs_overlays_trampoline_lowered:
0x8: {  	[smem:$0x3FAA] =	sst s0  }
0x9: {  	[smem:$0x3FAB] =	sst s1  }
0xa: {  	[smem:$0x3FAC] =	sst s2  }
0xb: {  	[smem:$0x3FAD] =	sst s3  }
0xc: {  	[smem:$0x3FAE] =	sst s4  }
0xd: {  	[smem:$0x3FAF] =	sst s5  }
0xe: {  	[smem:$0x3FB0] =	sst s6  }
0xf: {  	[smem:$0x3FB1] =	sst s7  }
0x10: {  	[smem:$0x3FB2] =	sst s8  }
0x11: {  	[smem:$0x3FB3] =	sst s9;
	s0 =	simm.s32 @!p0 $0x0  }
0x12: {  	s1 =	sld [smem:$0x3F99];
	s0 =	simm.s32 @p0 $0x1  }
0x13: {  	[smem:$0x3FB4] =	sst s0;
	s0 =	simm.s32 @!p1 $0x0  }
0x14: {  	s2 =	sld [smem:$0x3F98];
	s0 =	simm.s32 @p1 $0x1  }
0x15: {  	[smem:$0x3FB5] =	sst s0;
	s0 =	simm.s32 @!p2 $0x0  }
0x16: {  	s3 =	sld [smem:$0x3FDB];
	s0 =	simm.s32 @p2 $0x1  }
0x17: {  	s4 =	simm.s32 $0x1BF5;
	[smem:$0x3FB7] =	sst s0  }
0x18: {  	s0 =	sld [smem:$0x3F9A];
	_ =	swait.ge [sflag:s4], $0x0  }
0x19: {  	s7 =	sld [smem:$0x3F9B]  }
0x1a: {  	s8 =	sadd.s32 $0xFFFFE003, lr  }
0x1b: {  	s9 =	sadd.s32 $0xFFFFFEF7, lr;
	s5 =	simm.s32 $0xFFFFFFFF;
	p2 =	slt.u32 s8, $0xFFFFF086  }
0x1c: {  	p1 =	slt.u32 s9, $0xF7A;
	s5 =	simm.s32 @!p2 $0x0  }
0x1d: {  	s5 =	simm.s32 @p1 $0x1;
	p0 =	seq.s32 s7, s2  }
0x1e: {  	s7 =	smul.u32 @!p0 $0xF7A, s2;
	p2 =	seq.s32 @!p0 s5, $0x0  }
0x1f: {  	s9 =	smul.u32 $0xF7A, s1;
	s8 =	simm.s32 @!p0 $0x1BF5;
	p2 =	por !p2, p0  }
0x20: {  	[sflag:s8] =	ssyncset.s32 @!p0 $0xFFFFF086;
	s6 =	sadd.s32 @!p0 s3, s7;
	s7 =	simm.s32 @!p0 $0x108  }
0x21: {  	s3 =	sadd.s32 s3, s9;
	s6 =	sadd.s32 @!p0 $0x88, s6;
	s7 =	simm.s32 @p2 $0x1082  }
0x22: {  	[simem:s7], [sflag:s8] =	dma.local @!p0 [hbm:s6], $0xF7A  }
0x23: {  	s9 =	sor.u32 $0xD0000000, s2;
	s6 =	simm.s32 $0x108;
	_ =	swait.ge @!p0 [sflag:s8], $0x0  }
0x24: {  	s3 =	sadd.s32 $0x88, s3;
	s6 =	simm.s32 @!p1 $0x1082;
	[sflag:s4] =	ssyncset.s32 $0xFFFFF086  }
0x25: {  	[simem:s6], [sflag:s4] =	dma.local [hbm:s3], $0xF7A  }
0x26: {  	[smem:$0x3F9B] =	sst s1;
	(tag) =	ssettag s2;
	_ =	strace s9  }
0x27: {  	s1 =	sld [smem:$0x3FAB]  }
0x28: {  	s2 =	sld [smem:$0x3FAC]  }
0x29: {  	s4 =	sld [smem:$0x3FAE]  }
0x2a: {  	p0 =	seq.s32 s5, $0x0;
	s5 =	sld [smem:$0x3FAF]  }
0x2b: {  	s6 =	sld [smem:$0x3FB0]  }
0x2c: {  	s7 =	sld [smem:$0x3FB1]  }
0x2d: {  	s3 =	simm.s32 $0x108;
	s8 =	sld [smem:$0x3FB2]  }
0x2e: {  	s3 =	simm.s32 @!p0 $0x1082;
	s9 =	sld [smem:$0x3FB3]  }
0x2f: {  	lr =	sadd.s32 s0, s3;
	s0 =	sld [smem:$0x3FAA]  }
0x30: {  	s3 =	sld [smem:$0x3FAD]  }
0x31: {  	[smem:$0x3FB6] =	sst s10  }
0x32: {  	s10 =	sld [smem:$0x3FB4];
	_ =	sdelay $0x3  }
0x33: {  	p0 =	seq.s32 s10, $0x1;
	s10 =	sld [smem:$0x3FB6];
	_ =	sdelay $0x3  }
0x34: {  	[smem:$0x3FB6] =	sst s10  }
0x35: {  	s10 =	sld [smem:$0x3FB5];
	_ =	sdelay $0x3  }
0x36: {  	p1 =	seq.s32 s10, $0x1;
	s10 =	sld [smem:$0x3FB6];
	_ =	sdelay $0x3  }
0x37: {  	[smem:$0x3FB6] =	sst s10  }
0x38: {  	s10 =	sld [smem:$0x3FB7]  }
0x39: {  	_ = 	snop;
	(pc) =	sbr.ind lr, $3  }
0x3a: {  	_ = 	snop  }
0x3b: {  	_ = 	snop  }
0x3c: {  	p2 =	seq.s32 s10, $0x1;
	s10 =	sld [smem:$0x3FB6]  }
0x3d: {  	_ =	shalt  }
0x3e: {  	_ =	shalt  }
0x3f: {  	_ =	shalt  }
0x40: {  	_ =	shalt  }
0x41: {  	_ =	shalt  }
0x42: {  	_ =	shalt  }
0x43: {  	_ =	shalt  }
0x44: {  	_ =	shalt  }
0x45: {  	_ =	shalt  }
0x46: {  	_ =	shalt  }
0x47: {  	_ =	shalt  }
0x48: {  	_ =	shalt  }
0x49: {  	_ =	shalt  }
0x4a: {  	_ =	shalt  }
0x4b: {  	_ =	shalt  }
0x4c: {  	_ =	shalt  }
0x4d: {  	_ =	shalt  }
0x4e: {  	_ =	shalt  }
0x4f: {  	_ =	shalt  }
0x50: {  	_ =	shalt  }
0x51: {  	_ =	shalt  }
0x52: {  	_ =	shalt  }
0x53: {  	_ =	shalt  }
0x54: {  	_ =	shalt  }
0x55: {  	_ =	shalt  }
0x56: {  	_ =	shalt  }
0x57: {  	_ =	shalt  }
0x58: {  	_ =	shalt  }
0x59: {  	_ =	shalt  }
0x5a: {  	_ =	shalt  }
0x5b: {  	_ =	shalt  }
0x5c: {  	_ =	shalt  }
0x5d: {  	_ =	shalt  }
0x5e: {  	_ =	shalt  }
0x5f: {  	_ =	shalt  }
0x60: {  	_ =	shalt  }
0x61: {  	_ =	shalt  }
0x62: {  	_ =	shalt  }
0x63: {  	_ =	shalt  }
0x64: {  	_ =	shalt  }
0x65: {  	_ =	shalt  }
0x66: {  	_ =	shalt  }
0x67: {  	_ =	shalt  }
0x68: {  	_ =	shalt  }
0x69: {  	_ =	shalt  }
0x6a: {  	_ =	shalt  }
0x6b: {  	_ =	shalt  }
0x6c: {  	_ =	shalt  }
0x6d: {  	_ =	shalt  }
0x6e: {  	_ =	shalt  }
0x6f: {  	_ =	shalt  }
0x70: {  	_ =	shalt  }
0x71: {  	_ =	shalt  }
0x72: {  	_ =	shalt  }
0x73: {  	_ =	shalt  }
0x74: {  	_ =	shalt  }
0x75: {  	_ =	shalt  }
0x76: {  	_ =	shalt  }
0x77: {  	_ =	shalt  }
0x78: {  	_ =	shalt  }
0x79: {  	_ =	shalt  }
0x7a: {  	_ =	shalt  }
0x7b: {  	_ =	shalt  }
0x7c: {  	_ =	shalt  }
0x7d: {  	_ =	shalt  }
0x7e: {  	_ =	shalt  }
0x7f: {  	_ =	shalt  }
0x80: {  	_ =	shalt  }
0x81: {  	_ =	shalt  }
0x82: {  	_ =	shalt  }
0x83: {  	_ =	shalt  }
0x84: {  	_ =	shalt  }
0x85: {  	_ =	shalt  }
0x86: {  	_ =	shalt  }
0x87: {  	_ =	shalt  }
.Lfunc_end0:
.L_simem_size_0:
called_computation.2_lowered:
.L_overlay_start_0:
0x88: {  	s2 =	sld [smem:$0x3FD9]  }
0x89: {  	s3 =	sld [smem:$0x3FFE];
	_ =	sdelay $0x1  }
0x8a: {  	s1 =	srdreg.scid  }
0x8b: {  	s0 =	sand.u32 $0x1, s1  }
0x8c: {  	s14 =	sshll.u32 s0, $0xA;
	s2 =	sadd.s32 s3, s2  }
0x8d: {  	s2 =	sadd.s32 s2, s14  }
0x8e: {  	[smem:$0x3FC2] =	sst s2  }
0x8f: {  	_ = 	snop  }
0x90: {  	s2 =	sld [smem:$0x3FD0];
	_ =	sdelay $0x2  }
0x91: {  	s15 =	simm.s32 $0xB;
	s4 =	simm.s32 $0x10  }
0x92: {  	[smem:s4], [sflag:s15] =	dma.local [hbm:s2], $0x1  }
0x93: {  	_ =	swait.eq [sflag:s15], $0x1  }
0x94: {  	[sflag:s15] =	ssyncset.done $0x0  }
0x95: {  	[sflag:s15] =	ssyncadd.s32 $0xFFFFFFFF  }
0x96: {  	s16 =	sld [smem:$0x10];
	(tm) =	ssettm $0x1  }
0x97: {  	s17 =	sld [smem:$0x3FFB];
	_ =	sdelay $0x3  }
0x98: {  	_ =	strace s17  }
0x99: {  	s3 =	sld [smem:$0x3FFC];
	_ =	sdelay $0x3  }
0x9a: {  	_ =	strace s3  }
0x9b: {  	s3 =	sld [smem:$0x3FFD];
	_ =	sdelay $0x3  }
0x9c: {  	_ =	strace s3  }
0x9d: {  	_ =	strace $0x8FFFFFFF  }
0x9e: {  	s18 =	sld [smem:$0x3FDB];
	_ =	sdelay $0x1  }
0x9f: {  	s19 =	simm.s32 $_scs_section_size  }
0xa0: {  	s5 =	simm.s32 $_size__tile_overlayer_lowered;
	s6 =	simm.s32 $_tile_overlayer_lowered  }
0xa1: {  	s22 =	simm.s32 $0x1BFF;
	s21 =	sshll.u32 s6, $0x1;
	s3 =	sadd.s32 s19, s18  }
0xa2: {  	s7 =	simm.s32 $0x0;
	s20 =	sshll.u32 s5, $0x1;
	s5 =	sadd.s32 s21, s3  }
0xa3: {  	[timem:s7], [sflag:s22] =	dma.local [hbm:s5], s20  }
0xa4: {  	_ =	swait.ge [sflag:s22], s20  }
0xa5: {  	s4 =	ssub.s32 $0x0, s20;
	[sflag:s22] =	ssyncset.done $0x0  }
0xa6: {  	[sflag:s22] =	ssyncadd.s32 s4;
	_ =	sdelay $0x1  }
0xa7: {  	s23 =	simm.s32 $0x1B8B  }
0xa8: {  	_ =	swait.ge [sflag:s23], $0x1  }
0xa9: {  	[sflag:s23] =	ssyncset.done $0x0  }
0xaa: {  	s25 =	simm.s32 $0x1B8E;
	s24 =	sld [smem:$0x3FFE];
	[sflag:s23] =	ssyncadd.s32 $0xFFFFFFFF  }
0xab: {  	s26 =	simm.s32 $execute0_lowered;
	[smem:$0x3FD2] =	sst s25  }
0xac: {  	s5 =	sshll.u32 s26, $0x1;
	_ =	strace $0x8000004C;
	[dreg:$0x1] =	wrdreg $0xFFFFFFFF  }
0xad: {  	s28 =	simm.s32 $_size_execute0_lowered;
	s3 =	sadd.s32 s3, s5;
	[dreg:$0x0] =	wrdreg $0x0  }
0xae: {  	s5 =	sshll.u32 s28, $0x1;
	[dreg:$0x2] =	wrdreg s3  }
0xaf: {  	[dreg:$0x3] =	wrdreg s5  }
0xb0: {  	[dreg:$0x4] =	wrdreg $0xC0  }
0xb1: {  	_ =	task [dreg:s7], $0x5FFFF  }
0xb2: {  	[dreg:$0x1] =	wrdreg $0xFFFFFFFF  }
0xb3: {  	[dreg:$0x0] =	wrdreg $0x60  }
0xb4: {  	[dreg:$0x2] =	wrdreg s24  }
0xb5: {  	[dreg:$0x3] =	wrdreg s16  }
0xb6: {  	[dreg:$0x4] =	wrdreg $0x9  }
0xb7: {  	_ =	task.clear_ibuf [dreg:s7], $0x5FFFF;
	_ =	strace $0x9000004C  }
0xb8: {  	s29 =	simm.s32 $0x9;
	_ =	strace $0x8000004E  }
0xb9: {  	_ =	swait.ge [sflag:s29], $0x1  }
0xba: {  	[sflag:s29] =	ssyncadd.s32 $0xFFFFFFFF  }
0xbb: {  	_ =	strace $0x9000004E  }
0xbc: {  	_ =	sfence  }
0xbd: {  	s30 =	sld [smem:$0x0];
	_ =	sdelay $0x2  }
0xbe: {  	s31 =	sshll.u32 s1, $0xD;
	s1 =	sshrl.u32 s1, $0x2  }
0xbf: {  	s3 =	sand.u32 $0x4000, s31;
	s1 =	sadd.s32 s1, s30  }
0xc0: {  	s0 =	sor.u32 s3, s0;
	s1 =	sshll.u32 s1, $0x11  }
0xc1: {  	s0 =	sor.u32 s1, s0  }
0xc2: {  	s0 =	sadd.s32 $0x8F2B, s0  }
0xc3: {  	[sflag:s0] =	ssyncadd.remote.s32 $0x1  }
0xc4: {  	_ =	sfence.sel $0xFFFF  }
0xc5: {  	[dreg:$0x0] =	wrdreg $0xFFFFFFFF;
	(pc) =	sbr.abs _section_cstart, $3  }
0xc6: {  	[dreg:$0x1] =	wrdreg $0xFFFFFFFF  }
0xc7: {  	_ =	task.clear_ibuf [dreg:s7], $0x2FFFF;
	_ =	strace $0x9FFFFFFF  }
0xc8: {  	(tm) =	ssettm $0x7FFFFFFF  }
0xc9: {  	_ =	shalt  }
tec
execute0_lowered:
.L_overlay_start_1:
0x0: {  	(tag) =	ssettag $0x1  }
0x1: {  	s0 =	rddreg [dreg:$0x0];
	s1 =	srdreg.scid  }
0x2: {  	s2 =	stileid.u32;
	s4 =	rddreg [dreg:$0x1];
	s12 =	simm.s32 $0x3  }
0x3: {  	s14 =	simm.s32 $0x200;
	s13 =	simm.s32 $0x9A00;
	s15 =	simm.s32 $0xA200  }
0x4: {  	s16 =	simm.s32 $0xB200;
	s17 =	simm.s32 $0xC200;
	s18 =	simm.s32 $0xCA00  }
0x5: {  	s19 =	simm.s32 $0xD200;
	s20 =	simm.s32 $0xDA00;
	s21 =	simm.s32 $0xE200  }
0x6: {  	s22 =	simm.s32 $0xEA00;
	s10 =	simm.s32 $0xF200;
	s23 =	simm.s32 $0xFA00  }
0x7: {  	s11 =	simm.s32 $0x1;
	s24 =	simm.s32 $0x2;
	s25 =	simm.s32 $0x0  }
0x8: {  	s1 =	sand.u32 $0x1, s1;
	s3 =	sshll.u32 s2, $0x1;
	s2 =	simm.s32 $0x0  }
0x9: {  	s8 =	sadd.s32 $0x80300, s0;
	s5 =	sor.u32 s1, s3;
	[smem:$0x7FF] =	sst s2  }
0xa: {  	s1 =	ssub.s32 $0x2, s1;
	s3 =	sshll.u32 s5, $0x5;
	_ =	strace $0x8000004D  }
0xb: {  	s7 =	sshrl.u32 s1, $0x1;
	s5 =	sshll.u32 s5, $0xD;
	s6 =	sadd.s32 s3, s0  }
0xc: {  	s3 =	sadd.s32 $0x80000, s0;
	s1 =	ssub.s32 s1, s7;
	s29 =	sadd.s32 $0x340200, s6  }
0xd: {  	s9 =	sadd.s32 s4, s5;
	s6 =	sadd.s32 $0x340600, s6;
	[dreg:$0x3] =	wrdreg s29  }
0xe: {  	v2 =	vlaneseq.u32;
	s7 =	sadd.s32 $0x80200, s0;
	s30 =	sadd.s32 $0x1000, s9;
	[dreg:$0x4] =	wrdreg s6  }
0xf: {  	vm0 =	vmmov $0xffff;
	v1 =	vshrl.u32 v2, $0x3;
	s4 =	simm.s32 $0xAA00;
	s31 =	smax.u32 s1, $0x1;
	[dreg:$0x5] =	wrdreg s30  }
0x10: {  	v0 =	vand.u32 $0x7, v2;
	v2 =	vor.u32 $0x8, v2;
	v1 =	vmul.u32 $0x8, v1;
	s5 =	simm.s32 $0xBA00;
	s6 =	sadd.s32 $0x80100, s0;
	[dreg:$0x6] =	wrdreg s31  }
.LBB2_1:
0x11: {  	s0 =	rddreg [dreg:$0x3]  }
0x12: {  	[tilespmem:s2], [sflag:$0x3] =	stream.linear.gather [hbm4b:s0+s2], $0x100, $0x38;
	[tilespmem:$0x10200] =	vst v63  }
0x13: {  	_ =	swait.ge [sflag:s12], $0x100  }
0x14: {  	[sflag:s12] =	ssyncset.done $0x0  }
0x15: {  	s1 =	simm.s32 $0x100;
	s31 =	rddreg [dreg:$0x4];
	[sflag:s12] =	ssyncadd.s32 $0xFFFFFF00  }
0x16: {  	[tilespmem:s1], [sflag:$0x3] =	stream.linear.gather [hbm4b:s31+s2], $0x100, $0x38;
	[tilespmem:$0x10200] =	vst v63  }
0x17: {  	_ =	swait.ge [sflag:s12], $0x100  }
0x18: {  	[sflag:s12] =	ssyncset.done $0x0  }
0x19: {  	[sflag:s12] =	ssyncadd.s32 $0xFFFFFF00  }
0x1a: {  	v3 =	vld [tilespmem:$0x0];
	_ =	sdelay $0x4  }
0x1b: {  	v4 =	vshll.u32 v3, $0x3  }
0x1c: {  	v3 =	vand.u32 $0x7, v3;
	v4 =	vand.u32 $0xFFFFFFC0, v4  }
0x1d: {  	v3 =	vor.u32 v3, v4  }
0x1e: {  	v4 =	vperm.xlane v3, v0;
	_ =	sdelay $0x1  }
0x1f: {  	v4 =	vadd.s32 v1, v4;
	_ =	sdelay $0x4  }
0x20: {  	[tilespmem:s14], [sflag:$0x1] =	stream.indirect_vreg.gather [hbm4b:s3+s2], $0x80, v4, vm0, $0xb8;
	[tilespmem:$0x10200] =	vst v63  }
0x21: {  	s1 =	simm.s32 $0xA00;
	v3 =	vperm.xlane v3, v2  }
0x22: {  	[tilespmem:s1], [sflag:$0x1] =	stream.indirect_vreg.gather [hbm4b:s6+s2], $0x80, v4, vm0, $0xb8;
	[tilespmem:$0x10200] =	vst v63  }
0x23: {  	s26 =	simm.s32 $0x1200;
	v3 =	vadd.s32 v1, v3  }
0x24: {  	[tilespmem:s26], [sflag:$0x1] =	stream.indirect_vreg.gather [hbm4b:s7+s2], $0x80, v4, vm0, $0xb8;
	[tilespmem:$0x10200] =	vst v63  }
0x25: {  	s31 =	simm.s32 $0x1A00  }
0x26: {  	[tilespmem:s31], [sflag:$0x1] =	stream.indirect_vreg.gather [hbm4b:s8+s2], $0x80, v4, vm0, $0xb8;
	[tilespmem:$0x10200] =	vst v63  }
0x27: {  	s1 =	simm.s32 $0x2200  }
0x28: {  	[tilespmem:s1], [sflag:$0x1] =	stream.indirect_vreg.gather [hbm4b:s3+s2], $0x80, v3, vm0, $0xb8;
	[tilespmem:$0x10200] =	vst v63  }
0x29: {  	s26 =	simm.s32 $0x2A00  }
0x2a: {  	[tilespmem:s26], [sflag:$0x1] =	stream.indirect_vreg.gather [hbm4b:s6+s2], $0x80, v3, vm0, $0xb8;
	[tilespmem:$0x10200] =	vst v63  }
0x2b: {  	s31 =	simm.s32 $0x3200  }
0x2c: {  	[tilespmem:s31], [sflag:$0x1] =	stream.indirect_vreg.gather [hbm4b:s7+s2], $0x80, v3, vm0, $0xb8;
	[tilespmem:$0x10200] =	vst v63  }
0x2d: {  	s1 =	simm.s32 $0x3A00  }
0x2e: {  	[tilespmem:s1], [sflag:$0x1] =	stream.indirect_vreg.gather [hbm4b:s8+s2], $0x80, v3, vm0, $0xb8;
	[tilespmem:$0x10200] =	vst v63  }
0x2f: {  	v3 =	vld [tilespmem:$0x10];
	_ =	sdelay $0x4  }
0x30: {  	v61 =	vshll.u32 v3, $0x3  }
0x31: {  	v3 =	vand.u32 $0x7, v3;
	v4 =	vand.u32 $0xFFFFFFC0, v61  }
0x32: {  	v3 =	vor.u32 v3, v4  }
0x33: {  	v4 =	vperm.xlane v3, v0;
	_ =	sdelay $0x1  }
0x34: {  	v4 =	vadd.s32 v1, v4;
	_ =	sdelay $0x3  }
0x35: {  	s26 =	simm.s32 $0x4200  }
0x36: {  	[tilespmem:s26], [sflag:$0x1] =	stream.indirect_vreg.gather [hbm4b:s3+s2], $0x80, v4, vm0, $0xb8;
	[tilespmem:$0x10200] =	vst v63  }
0x37: {  	s31 =	simm.s32 $0x4A00;
	v3 =	vperm.xlane v3, v2  }
0x38: {  	[tilespmem:s31], [sflag:$0x1] =	stream.indirect_vreg.gather [hbm4b:s6+s2], $0x80, v4, vm0, $0xb8;
	[tilespmem:$0x10200] =	vst v63  }
0x39: {  	s1 =	simm.s32 $0x5200;
	v3 =	vadd.s32 v1, v3  }
0x3a: {  	[tilespmem:s1], [sflag:$0x1] =	stream.indirect_vreg.gather [hbm4b:s7+s2], $0x80, v4, vm0, $0xb8;
	[tilespmem:$0x10200] =	vst v63  }
0x3b: {  	s26 =	simm.s32 $0x5A00  }
0x3c: {  	[tilespmem:s26], [sflag:$0x1] =	stream.indirect_vreg.gather [hbm4b:s8+s2], $0x80, v4, vm0, $0xb8;
	[tilespmem:$0x10200] =	vst v63  }
0x3d: {  	s31 =	simm.s32 $0x6200  }
0x3e: {  	[tilespmem:s31], [sflag:$0x1] =	stream.indirect_vreg.gather [hbm4b:s3+s2], $0x80, v3, vm0, $0xb8;
	[tilespmem:$0x10200] =	vst v63  }
0x3f: {  	s1 =	simm.s32 $0x6A00  }
0x40: {  	[tilespmem:s1], [sflag:$0x1] =	stream.indirect_vreg.gather [hbm4b:s6+s2], $0x80, v3, vm0, $0xb8;
	[tilespmem:$0x10200] =	vst v63  }
0x41: {  	s26 =	simm.s32 $0x7200  }
0x42: {  	[tilespmem:s26], [sflag:$0x1] =	stream.indirect_vreg.gather [hbm4b:s7+s2], $0x80, v3, vm0, $0xb8;
	[tilespmem:$0x10200] =	vst v63  }
0x43: {  	s31 =	simm.s32 $0x7A00  }
0x44: {  	[tilespmem:s31], [sflag:$0x1] =	stream.indirect_vreg.gather [hbm4b:s8+s2], $0x80, v3, vm0, $0xb8;
	[tilespmem:$0x10200] =	vst v63  }
0x45: {  	v3 =	vld [tilespmem:$0x100];
	_ =	sdelay $0x4  }
0x46: {  	v62 =	vshll.u32 v3, $0x3  }
0x47: {  	v3 =	vand.u32 $0x7, v3;
	v4 =	vand.u32 $0xFFFFFFC0, v62  }
0x48: {  	v3 =	vor.u32 v3, v4  }
0x49: {  	v4 =	vperm.xlane v3, v0;
	_ =	sdelay $0x1  }
0x4a: {  	v4 =	vadd.s32 v1, v4;
	_ =	sdelay $0x3  }
0x4b: {  	s1 =	simm.s32 $0x8200  }
0x4c: {  	[tilespmem:s1], [sflag:$0x2] =	stream.indirect_vreg.gather [hbm4b:s3+s2], $0x80, v4, vm0, $0xb8;
	[tilespmem:$0x10200] =	vst v63  }
0x4d: {  	s26 =	simm.s32 $0x8A00;
	v3 =	vperm.xlane v3, v2  }
0x4e: {  	[tilespmem:s26], [sflag:$0x2] =	stream.indirect_vreg.gather [hbm4b:s6+s2], $0x80, v4, vm0, $0xb8;
	[tilespmem:$0x10200] =	vst v63  }
0x4f: {  	s31 =	simm.s32 $0x9200;
	v3 =	vadd.s32 v1, v3  }
0x50: {  	[tilespmem:s31], [sflag:$0x2] =	stream.indirect_vreg.gather [hbm4b:s7+s2], $0x80, v4, vm0, $0xb8;
	[tilespmem:$0x10200] =	vst v63  }
0x51: {  	_ = 	snop  }
0x52: {  	[tilespmem:s13], [sflag:$0x2] =	stream.indirect_vreg.gather [hbm4b:s8+s2], $0x80, v4, vm0, $0xb8;
	[tilespmem:$0x10200] =	vst v63  }
0x53: {  	_ = 	snop  }
0x54: {  	[tilespmem:s15], [sflag:$0x2] =	stream.indirect_vreg.gather [hbm4b:s3+s2], $0x80, v3, vm0, $0xb8;
	[tilespmem:$0x10200] =	vst v63  }
0x55: {  	_ = 	snop  }
0x56: {  	[tilespmem:s4], [sflag:$0x2] =	stream.indirect_vreg.gather [hbm4b:s6+s2], $0x80, v3, vm0, $0xb8;
	[tilespmem:$0x10200] =	vst v63  }
0x57: {  	_ = 	snop  }
0x58: {  	[tilespmem:s16], [sflag:$0x2] =	stream.indirect_vreg.gather [hbm4b:s7+s2], $0x80, v3, vm0, $0xb8;
	[tilespmem:$0x10200] =	vst v63  }
0x59: {  	_ = 	snop  }
0x5a: {  	[tilespmem:s5], [sflag:$0x2] =	stream.indirect_vreg.gather [hbm4b:s8+s2], $0x80, v3, vm0, $0xb8;
	[tilespmem:$0x10200] =	vst v63  }
0x5b: {  	v3 =	vld [tilespmem:$0x110];
	_ =	sdelay $0x4  }
0x5c: {  	v63 =	vshll.u32 v3, $0x3  }
0x5d: {  	v3 =	vand.u32 $0x7, v3;
	v4 =	vand.u32 $0xFFFFFFC0, v63  }
0x5e: {  	v3 =	vor.u32 v3, v4  }
0x5f: {  	v4 =	vperm.xlane v3, v0;
	_ =	sdelay $0x1  }
0x60: {  	v4 =	vadd.s32 v1, v4;
	_ =	sdelay $0x4  }
0x61: {  	[tilespmem:s17], [sflag:$0x2] =	stream.indirect_vreg.gather [hbm4b:s3+s2], $0x80, v4, vm0, $0xb8;
	[tilespmem:$0x10200] =	vst v63  }
0x62: {  	v3 =	vperm.xlane v3, v2  }
0x63: {  	[tilespmem:s18], [sflag:$0x2] =	stream.indirect_vreg.gather [hbm4b:s6+s2], $0x80, v4, vm0, $0xb8;
	[tilespmem:$0x10200] =	vst v63  }
0x64: {  	v3 =	vadd.s32 v1, v3  }
0x65: {  	[tilespmem:s19], [sflag:$0x2] =	stream.indirect_vreg.gather [hbm4b:s7+s2], $0x80, v4, vm0, $0xb8;
	[tilespmem:$0x10200] =	vst v63  }
0x66: {  	_ = 	snop  }
0x67: {  	[tilespmem:s20], [sflag:$0x2] =	stream.indirect_vreg.gather [hbm4b:s8+s2], $0x80, v4, vm0, $0xb8;
	[tilespmem:$0x10200] =	vst v63  }
0x68: {  	_ = 	snop  }
0x69: {  	[tilespmem:s21], [sflag:$0x2] =	stream.indirect_vreg.gather [hbm4b:s3+s2], $0x80, v3, vm0, $0xb8;
	[tilespmem:$0x10200] =	vst v63  }
0x6a: {  	_ = 	snop  }
0x6b: {  	[tilespmem:s22], [sflag:$0x2] =	stream.indirect_vreg.gather [hbm4b:s6+s2], $0x80, v3, vm0, $0xb8;
	[tilespmem:$0x10200] =	vst v63  }
0x6c: {  	_ = 	snop  }
0x6d: {  	[tilespmem:s10], [sflag:$0x2] =	stream.indirect_vreg.gather [hbm4b:s7+s2], $0x80, v3, vm0, $0xb8;
	[tilespmem:$0x10200] =	vst v63  }
0x6e: {  	_ = 	snop  }
0x6f: {  	[tilespmem:s23], [sflag:$0x2] =	stream.indirect_vreg.gather [hbm4b:s8+s2], $0x80, v3, vm0, $0xb8;
	[tilespmem:$0x10200] =	vst v63  }
0x70: {  	_ =	swait.ge [sflag:s11], $0x8000  }
0x71: {  	[sflag:s11] =	ssyncset.done $0x0  }
0x72: {  	[sflag:s11] =	ssyncadd.s32 $0xFFFF8000  }
0x73: {  	_ =	swait.ge [sflag:s24], $0x8000  }
0x74: {  	s28 =	simm.s32 $0x0;
	s29 =	simm.s32 $0x0;
	[sflag:s24] =	ssyncset.done $0x0  }
0x75: {  	s30 =	simm.s32 $0x0;
	s26 =	simm.s32 $0xFFFF8000;
	[sflag:s24] =	ssyncadd.s32 $0xFFFF8000  }
.LBB2_2:
0x76: {  	s31 =	sadd.s32 $0x8000, s26  }
0x77: {  	s1 =	sand.u32 $0x380, s30;
	s31 =	sand.u32 $0x6000, s31  }
0x78: {  	s31 =	sor.u32 s1, s31  }
0x79: {  	v3 =	vld [tilespmem:s31+$0x200]  }
0x7a: {  	v4 =	vld [tilespmem:s31+$0x8200]  }
0x7b: {  	v5 =	vld [tilespmem:s31+$0x210]  }
0x7c: {  	v6 =	vld [tilespmem:s31+$0x8210]  }
0x7d: {  	v7 =	vld [tilespmem:s31+$0x220]  }
0x7e: {  	v8 =	vld [tilespmem:s31+$0x8220]  }
0x7f: {  	v9 =	vld [tilespmem:s31+$0x230]  }
0x80: {  	v10 =	vld [tilespmem:s31+$0x8230]  }
0x81: {  	v11 =	vld [tilespmem:s31+$0x240]  }
0x82: {  	v12 =	vld [tilespmem:s31+$0x8240]  }
0x83: {  	v13 =	vld [tilespmem:s31+$0x250]  }
0x84: {  	v14 =	vld [tilespmem:s31+$0x8250]  }
0x85: {  	v15 =	vld [tilespmem:s31+$0x260]  }
0x86: {  	v16 =	vld [tilespmem:s31+$0x8260]  }
0x87: {  	v17 =	vld [tilespmem:s31+$0x270]  }
0x88: {  	v18 =	vld [tilespmem:s31+$0x8270]  }
0x89: {  	v19 =	vld [tilespmem:s31+$0x600]  }
0x8a: {  	v20 =	vld [tilespmem:s31+$0x8600]  }
0x8b: {  	v21 =	vld [tilespmem:s31+$0x610]  }
0x8c: {  	v22 =	vld [tilespmem:s31+$0x8610]  }
0x8d: {  	v23 =	vld [tilespmem:s31+$0x620]  }
0x8e: {  	v24 =	vld [tilespmem:s31+$0x8620]  }
0x8f: {  	v25 =	vld [tilespmem:s31+$0x630]  }
0x90: {  	v26 =	vld [tilespmem:s31+$0x8630]  }
0x91: {  	v27 =	vld [tilespmem:s31+$0x640]  }
0x92: {  	v28 =	vld [tilespmem:s31+$0x8640]  }
0x93: {  	v29 =	vld [tilespmem:s31+$0x650]  }
0x94: {  	v30 =	vld [tilespmem:s31+$0x8650]  }
0x95: {  	v31 =	vld [tilespmem:s31+$0x660]  }
0x96: {  	v32 =	vld [tilespmem:s31+$0x8660]  }
0x97: {  	v33 =	vld [tilespmem:s31+$0x670]  }
0x98: {  	v34 =	vld [tilespmem:s31+$0x8670]  }
0x99: {  	v35 =	vld [tilespmem:s31+$0xA00]  }
0x9a: {  	v36 =	vld [tilespmem:s31+$0x8A00]  }
0x9b: {  	v37 =	vld [tilespmem:s31+$0xA10]  }
0x9c: {  	v38 =	vld [tilespmem:s31+$0x8A10]  }
0x9d: {  	v39 =	vld [tilespmem:s31+$0xA20]  }
0x9e: {  	v40 =	vld [tilespmem:s31+$0x8A20]  }
0x9f: {  	v41 =	vld [tilespmem:s31+$0xA30]  }
0xa0: {  	v42 =	vld [tilespmem:s31+$0x8A30]  }
0xa1: {  	v43 =	vld [tilespmem:s31+$0xA40]  }
0xa2: {  	v44 =	vld [tilespmem:s31+$0x8A40]  }
0xa3: {  	v45 =	vld [tilespmem:s31+$0xA50]  }
0xa4: {  	v46 =	vld [tilespmem:s31+$0x8A50]  }
0xa5: {  	v47 =	vld [tilespmem:s31+$0xA60]  }
0xa6: {  	v48 =	vld [tilespmem:s31+$0x8A60]  }
0xa7: {  	v49 =	vld [tilespmem:s31+$0xA70]  }
0xa8: {  	v50 =	vld [tilespmem:s31+$0x8A70]  }
0xa9: {  	v51 =	vld [tilespmem:s31+$0xE00]  }
0xaa: {  	v52 =	vld [tilespmem:s31+$0x8E00]  }
0xab: {  	v53 =	vld [tilespmem:s31+$0xE10]  }
0xac: {  	v54 =	vld [tilespmem:s31+$0x8E10]  }
0xad: {  	v55 =	vld [tilespmem:s31+$0xE20]  }
0xae: {  	v56 =	vld [tilespmem:s31+$0x8E20]  }
0xaf: {  	v57 =	vld [tilespmem:s31+$0xE30]  }
0xb0: {  	v58 =	vld [tilespmem:s31+$0x8E30]  }
0xb1: {  	v59 =	vld [tilespmem:s31+$0xE40]  }
0xb2: {  	v60 =	vld [tilespmem:s31+$0x8E40]  }
0xb3: {  	v61 =	vld [tilespmem:s31+$0xE50]  }
0xb4: {  	v62 =	vld [tilespmem:s31+$0x8E50]  }
0xb5: {  	v63 =	vld [tilespmem:s31+$0xE60]  }
0xb6: {  	v3 =	vadd.f32 v4, v3;
	v4 =	vld [tilespmem:s31+$0x8E60]  }
0xb7: {  	v5 =	vadd.f32 v6, v5;
	v6 =	vld [tilespmem:s31+$0xE70]  }
0xb8: {  	v14 =	vadd.f32 v14, v13;
	v13 =	vld [tilespmem:s31+$0x9220];
	[tilespmem:s31+$0x200] =	vst v3;
	v3 =	vadd.f32 v8, v7  }
0xb9: {  	v18 =	vadd.f32 v18, v17;
	v17 =	vld [tilespmem:s31+$0x9240];
	[tilespmem:s31+$0x210] =	vst v5  }
0xba: {  	v22 =	vadd.f32 v22, v21;
	v21 =	vld [tilespmem:s31+$0x9260];
	[tilespmem:s31+$0x220] =	vst v3;
	v3 =	vadd.f32 v12, v11  }
0xbb: {  	v7 =	vld [tilespmem:s31+$0x8E70];
	[tilespmem:s31+$0x250] =	vst v14  }
0xbc: {  	v8 =	vld [tilespmem:s31+$0x1200];
	[tilespmem:s31+$0x240] =	vst v3;
	v3 =	vadd.f32 v16, v15  }
0xbd: {  	v5 =	vadd.f32 v10, v9;
	v9 =	vld [tilespmem:s31+$0x9200];
	[tilespmem:s31+$0x270] =	vst v18  }
0xbe: {  	v10 =	vld [tilespmem:s31+$0x1210];
	[tilespmem:s31+$0x260] =	vst v3;
	v3 =	vadd.f32 v20, v19  }
0xbf: {  	v26 =	vadd.f32 v26, v25;
	v14 =	vld [tilespmem:s31+$0x1230];
	[tilespmem:s31+$0x610] =	vst v22  }
0xc0: {  	v18 =	vld [tilespmem:s31+$0x1250];
	[tilespmem:s31+$0x600] =	vst v3;
	v3 =	vadd.f32 v24, v23  }
0xc1: {  	v30 =	vadd.f32 v30, v29;
	[tilespmem:s31+$0x630] =	vst v26;
	v22 =	vld [tilespmem:s31+$0x1270]  }
0xc2: {  	v19 =	vld [tilespmem:s31+$0x9250];
	[tilespmem:s31+$0x620] =	vst v3;
	v3 =	vadd.f32 v28, v27  }
0xc3: {  	v34 =	vadd.f32 v34, v33;
	[tilespmem:s31+$0x650] =	vst v30;
	v11 =	vld [tilespmem:s31+$0x9210]  }
0xc4: {  	v12 =	vld [tilespmem:s31+$0x1220];
	[tilespmem:s31+$0x640] =	vst v3;
	v3 =	vadd.f32 v32, v31  }
0xc5: {  	[tilespmem:s31+$0x670] =	vst v34;
	v15 =	vld [tilespmem:s31+$0x9230]  }
0xc6: {  	v16 =	vld [tilespmem:s31+$0x1240];
	[tilespmem:s31+$0x660] =	vst v3;
	v3 =	vadd.f32 v36, v35  }
0xc7: {  	[tilespmem:s31+$0x230] =	vst v5;
	v20 =	vld [tilespmem:s31+$0x1260];
	v19 =	vadd.f32 v19, v18  }
0xc8: {  	v24 =	vld [tilespmem:s31+$0x1600];
	[tilespmem:s31+$0xA00] =	vst v3;
	v3 =	vadd.f32 v40, v39  }
0xc9: {  	[tilespmem:s31+$0x1250] =	vst v19;
	v36 =	vadd.f32 v38, v37;
	v37 =	vld [tilespmem:s31+$0x9270]  }
0xca: {  	v38 =	vadd.f32 v42, v41;
	v41 =	vld [tilespmem:s31+$0x1610];
	[tilespmem:s31+$0xA20] =	vst v3;
	v3 =	vadd.f32 v44, v43  }
0xcb: {  	v42 =	vld [tilespmem:s31+$0x9610];
	[tilespmem:s31+$0xA10] =	vst v36  }
0xcc: {  	v35 =	vld [tilespmem:s31+$0x1A10];
	[tilespmem:s31+$0xA40] =	vst v3;
	v3 =	vadd.f32 v48, v47  }
0xcd: {  	v39 =	vld [tilespmem:s31+$0x9600];
	[tilespmem:s31+$0xA30] =	vst v38;
	v40 =	vadd.f32 v46, v45  }
0xce: {  	v45 =	vld [tilespmem:s31+$0x9620];
	[tilespmem:s31+$0xA60] =	vst v3;
	v3 =	vadd.f32 v52, v51  }
0xcf: {  	v46 =	vadd.f32 v54, v53;
	v53 =	vld [tilespmem:s31+$0x1650];
	[tilespmem:s31+$0xA50] =	vst v40  }
0xd0: {  	v54 =	vld [tilespmem:s31+$0x9650];
	[tilespmem:s31+$0xE00] =	vst v3;
	v3 =	vadd.f32 v56, v55  }
0xd1: {  	v36 =	vld [tilespmem:s31+$0x9A10];
	v43 =	vadd.f32 v50, v49;
	[tilespmem:s31+$0xE10] =	vst v46  }
0xd2: {  	v38 =	vld [tilespmem:s31+$0x1A20];
	[tilespmem:s31+$0xE20] =	vst v3;
	v3 =	vadd.f32 v60, v59  }
0xd3: {  	v44 =	vld [tilespmem:s31+$0x1620];
	v49 =	vadd.f32 v58, v57;
	[tilespmem:s31+$0xA70] =	vst v43  }
0xd4: {  	v50 =	vld [tilespmem:s31+$0x1640];
	[tilespmem:s31+$0xE40] =	vst v3;
	v3 =	vadd.f32 v4, v63  }
0xd5: {  	v57 =	vld [tilespmem:s31+$0x9660];
	v58 =	vadd.f32 v11, v10;
	[tilespmem:s31+$0xE30] =	vst v49  }
0xd6: {  	v46 =	vld [tilespmem:s31+$0x9A50];
	[tilespmem:s31+$0xE60] =	vst v3;
	v3 =	vadd.f32 v9, v8  }
0xd7: {  	v37 =	vadd.f32 v37, v22;
	v40 =	vadd.f32 v42, v41;
	v41 =	vld [tilespmem:s31+$0x1A30];
	[tilespmem:s31+$0x1210] =	vst v58  }
0xd8: {  	v42 =	vld [tilespmem:s31+$0x9A30];
	[tilespmem:s31+$0x1200] =	vst v3;
	v3 =	vadd.f32 v13, v12  }
0xd9: {  	v47 =	vld [tilespmem:s31+$0x1630];
	[tilespmem:s31+$0x1270] =	vst v37  }
0xda: {  	v48 =	vld [tilespmem:s31+$0x9630];
	[tilespmem:s31+$0x1220] =	vst v3;
	v3 =	vadd.f32 v17, v16  }
0xdb: {  	v49 =	vld [tilespmem:s31+$0x9A60];
	[tilespmem:s31+$0x1610] =	vst v40;
	v52 =	vadd.f32 v62, v61  }
0xdc: {  	v51 =	vld [tilespmem:s31+$0x9640];
	[tilespmem:s31+$0x1240] =	vst v3;
	v3 =	vadd.f32 v21, v20  }
0xdd: {  	v61 =	vadd.f32 v15, v14;
	v62 =	vld [tilespmem:s31+$0x1A00];
	[tilespmem:s31+$0xE50] =	vst v52  }
0xde: {  	v56 =	vld [tilespmem:s31+$0x1660];
	[tilespmem:s31+$0x1260] =	vst v3;
	v3 =	vadd.f32 v39, v24  }
0xdf: {  	v55 =	vadd.f32 v7, v6;
	[tilespmem:s31+$0x1230] =	vst v61;
	v52 =	vld [tilespmem:s31+$0x9A70]  }
0xe0: {  	v43 =	vadd.f32 v48, v47;
	v47 =	vld [tilespmem:s31+$0x1A60];
	[tilespmem:s31+$0x1600] =	vst v3;
	v3 =	vadd.f32 v45, v44  }
0xe1: {  	[tilespmem:s31+$0xE70] =	vst v55;
	v63 =	vld [tilespmem:s31+$0x9A00]  }
0xe2: {  	v59 =	vld [tilespmem:s31+$0x1670];
	[tilespmem:s31+$0x1620] =	vst v3;
	v3 =	vadd.f32 v51, v50  }
0xe3: {  	[tilespmem:s31+$0x1630] =	vst v43;
	v4 =	vadd.f32 v54, v53;
	v39 =	vld [tilespmem:s31+$0x9A20]  }
0xe4: {  	v60 =	vld [tilespmem:s31+$0x9670];
	[tilespmem:s31+$0x1640] =	vst v3;
	v3 =	vadd.f32 v57, v56  }
0xe5: {  	v54 =	vadd.f32 v42, v41;
	[tilespmem:s31+$0x1650] =	vst v4;
	v45 =	vld [tilespmem:s31+$0x1A50]  }
0xe6: {  	v53 =	vld [tilespmem:s31+$0x9A40];
	[tilespmem:s31+$0x1660] =	vst v3;
	v3 =	vadd.f32 v63, v62  }
0xe7: {  	[tilespmem:s31+$0x1A30] =	vst v54;
	v55 =	vadd.f32 v49, v47;
	v50 =	vld [tilespmem:s31+$0x1A70]  }
0xe8: {  	v44 =	vld [tilespmem:s31+$0x1A40];
	[tilespmem:s31+$0x1A00] =	vst v3;
	v3 =	vadd.f32 v39, v38  }
0xe9: {  	v48 =	vadd.f32 v60, v59;
	[tilespmem:s31+$0x1A60] =	vst v55  }
0xea: {  	[tilespmem:s31+$0x1A20] =	vst v3;
	v3 =	vadd.f32 v46, v45  }
0xeb: {  	s0 =	sand.u32 $0x7, s28;
	[tilespmem:s31+$0x1670] =	vst v48;
	v51 =	vadd.f32 v36, v35  }
0xec: {  	s1 =	sshll.u32 s0, $0x7;
	[tilespmem:s31+$0x1A50] =	vst v3;
	v3 =	vadd.f32 v52, v50  }
0xed: {  	s1 =	sadd.s32 s1, s29;
	[tilespmem:s31+$0x1A10] =	vst v51;
	v56 =	vadd.f32 v53, v44  }
0xee: {  	s0 =	sor.u32 $0x1C00, s1;
	[tilespmem:s31+$0x1A70] =	vst v3  }
0xef: {  	[tilespmem:s31+$0x1A40] =	vst v56;
	v3 =	vld [tilespmem:s0+$0x200]  }
0xf0: {  	v4 =	vld [tilespmem:s0+$0x8200];
	_ =	sdelay $0x4  }
0xf1: {  	v3 =	vadd.f32 v4, v3;
	_ =	sdelay $0x1  }
0xf2: {  	s31 =	sor.u32 $0x1C10, s1;
	[tilespmem:s0+$0x200] =	vst v3  }
0xf3: {  	v3 =	vld [tilespmem:s31+$0x200]  }
0xf4: {  	v57 =	vld [tilespmem:s31+$0x8200];
	_ =	sdelay $0x4  }
0xf5: {  	v3 =	vadd.f32 v57, v3;
	_ =	sdelay $0x1  }
0xf6: {  	[tilespmem:s31+$0x200] =	vst v3;
	s31 =	sor.u32 $0x1C20, s1  }
0xf7: {  	v3 =	vld [tilespmem:s31+$0x200]  }
0xf8: {  	v58 =	vld [tilespmem:s31+$0x8200];
	_ =	sdelay $0x4  }
0xf9: {  	v3 =	vadd.f32 v58, v3;
	_ =	sdelay $0x1  }
0xfa: {  	[tilespmem:s31+$0x200] =	vst v3;
	s31 =	sor.u32 $0x1C30, s1  }
0xfb: {  	v3 =	vld [tilespmem:s31+$0x200]  }
0xfc: {  	v59 =	vld [tilespmem:s31+$0x8200];
	_ =	sdelay $0x4  }
0xfd: {  	v3 =	vadd.f32 v59, v3;
	_ =	sdelay $0x1  }
0xfe: {  	[tilespmem:s31+$0x200] =	vst v3;
	s31 =	sor.u32 $0x1C40, s1  }
0xff: {  	v3 =	vld [tilespmem:s31+$0x200]  }
0x100: {  	v60 =	vld [tilespmem:s31+$0x8200];
	_ =	sdelay $0x4  }
0x101: {  	v3 =	vadd.f32 v60, v3;
	_ =	sdelay $0x1  }
0x102: {  	[tilespmem:s31+$0x200] =	vst v3;
	s31 =	sor.u32 $0x1C50, s1  }
0x103: {  	v3 =	vld [tilespmem:s31+$0x200]  }
0x104: {  	v61 =	vld [tilespmem:s31+$0x8200];
	_ =	sdelay $0x4  }
0x105: {  	v3 =	vadd.f32 v61, v3;
	_ =	sdelay $0x1  }
0x106: {  	[tilespmem:s31+$0x200] =	vst v3;
	s31 =	sor.u32 $0x1C60, s1  }
0x107: {  	v3 =	vld [tilespmem:s31+$0x200]  }
0x108: {  	v62 =	vld [tilespmem:s31+$0x8200];
	_ =	sdelay $0x4  }
0x109: {  	v3 =	vadd.f32 v62, v3;
	_ =	sdelay $0x1  }
0x10a: {  	[tilespmem:s31+$0x200] =	vst v3;
	s31 =	sor.u32 $0x1C70, s1  }
0x10b: {  	v3 =	vld [tilespmem:s31+$0x200]  }
0x10c: {  	v63 =	vld [tilespmem:s31+$0x8200];
	_ =	sdelay $0x1  }
0x10d: {  	p0 =	sne.s32 s30, $0xF80  }
.Ltmp0:
0x10e: {  	_ = 	snop;
	(pc) =	sbr.rel @p0 .LBB2_2-.Ltmp0, $4  }
0x10f: {  	_ = 	snop  }
0x110: {  	v3 =	vadd.f32 v63, v3  }
0x111: {  	s28 =	sadd.s32 $0x1, s28  }
0x112: {  	s26 =	sadd.s32 $0x400, s26;
	s30 =	sadd.s32 $0x80, s30;
	s29 =	sadd.s32 $0x400, s29;
	[tilespmem:s31+$0x200] =	vst v3  }
0x113: {  	s26 =	simm.s32 $0x0  }
0x114: {  	[hbm4b:s9+s26] =	stream.linear.scatter [tilespmem:s14], [sflag:$0x3], $0x8000, $0x38;
	[tilespmem:$0x10200] =	vst v63  }
0x115: {  	_ =	swait.ge [sflag:s12], $0x8000  }
0x116: {  	[sflag:s12] =	ssyncset.done $0x0  }
0x117: {  	[sflag:s12] =	ssyncadd.s32 $0xFFFF8000  }
0x118: {  	v3 =	vld [tilespmem:$0x80];
	_ =	sdelay $0x4  }
0x119: {  	v4 =	vshll.u32 v3, $0x3  }
0x11a: {  	v3 =	vand.u32 $0x7, v3;
	v4 =	vand.u32 $0xFFFFFFC0, v4  }
0x11b: {  	v3 =	vor.u32 v3, v4  }
0x11c: {  	v4 =	vperm.xlane v3, v0;
	_ =	sdelay $0x1  }
0x11d: {  	v4 =	vadd.s32 v1, v4;
	_ =	sdelay $0x4  }
0x11e: {  	[tilespmem:s14], [sflag:$0x1] =	stream.indirect_vreg.gather [hbm4b:s3+s26], $0x80, v4, vm0, $0xb8;
	[tilespmem:$0x10200] =	vst v63  }
0x11f: {  	s0 =	simm.s32 $0xA00;
	v3 =	vperm.xlane v3, v2  }
0x120: {  	[tilespmem:s0], [sflag:$0x1] =	stream.indirect_vreg.gather [hbm4b:s6+s26], $0x80, v4, vm0, $0xb8;
	[tilespmem:$0x10200] =	vst v63  }
0x121: {  	s31 =	simm.s32 $0x1200;
	v3 =	vadd.s32 v1, v3  }
0x122: {  	[tilespmem:s31], [sflag:$0x1] =	stream.indirect_vreg.gather [hbm4b:s7+s26], $0x80, v4, vm0, $0xb8;
	[tilespmem:$0x10200] =	vst v63  }
0x123: {  	s1 =	simm.s32 $0x1A00  }
0x124: {  	[tilespmem:s1], [sflag:$0x1] =	stream.indirect_vreg.gather [hbm4b:s8+s26], $0x80, v4, vm0, $0xb8;
	[tilespmem:$0x10200] =	vst v63  }
0x125: {  	s31 =	simm.s32 $0x2200  }
0x126: {  	[tilespmem:s31], [sflag:$0x1] =	stream.indirect_vreg.gather [hbm4b:s3+s26], $0x80, v3, vm0, $0xb8;
	[tilespmem:$0x10200] =	vst v63  }
0x127: {  	s1 =	simm.s32 $0x2A00  }
0x128: {  	[tilespmem:s1], [sflag:$0x1] =	stream.indirect_vreg.gather [hbm4b:s6+s26], $0x80, v3, vm0, $0xb8;
	[tilespmem:$0x10200] =	vst v63  }
0x129: {  	s31 =	simm.s32 $0x3200  }
0x12a: {  	[tilespmem:s31], [sflag:$0x1] =	stream.indirect_vreg.gather [hbm4b:s7+s26], $0x80, v3, vm0, $0xb8;
	[tilespmem:$0x10200] =	vst v63  }
0x12b: {  	s1 =	simm.s32 $0x3A00  }
0x12c: {  	[tilespmem:s1], [sflag:$0x1] =	stream.indirect_vreg.gather [hbm4b:s8+s26], $0x80, v3, vm0, $0xb8;
	[tilespmem:$0x10200] =	vst v63  }
0x12d: {  	v3 =	vld [tilespmem:$0x90];
	_ =	sdelay $0x4  }
0x12e: {  	v61 =	vshll.u32 v3, $0x3  }
0x12f: {  	v3 =	vand.u32 $0x7, v3;
	v4 =	vand.u32 $0xFFFFFFC0, v61  }
0x130: {  	v3 =	vor.u32 v3, v4  }
0x131: {  	v4 =	vperm.xlane v3, v0;
	_ =	sdelay $0x1  }
0x132: {  	v4 =	vadd.s32 v1, v4;
	_ =	sdelay $0x3  }
0x133: {  	s31 =	simm.s32 $0x4200  }
0x134: {  	[tilespmem:s31], [sflag:$0x1] =	stream.indirect_vreg.gather [hbm4b:s3+s26], $0x80, v4, vm0, $0xb8;
	[tilespmem:$0x10200] =	vst v63  }
0x135: {  	s1 =	simm.s32 $0x4A00;
	v3 =	vperm.xlane v3, v2  }
0x136: {  	[tilespmem:s1], [sflag:$0x1] =	stream.indirect_vreg.gather [hbm4b:s6+s26], $0x80, v4, vm0, $0xb8;
	[tilespmem:$0x10200] =	vst v63  }
0x137: {  	v3 =	vadd.s32 v1, v3;
	s31 =	simm.s32 $0x5200  }
0x138: {  	[tilespmem:s31], [sflag:$0x1] =	stream.indirect_vreg.gather [hbm4b:s7+s26], $0x80, v4, vm0, $0xb8;
	[tilespmem:$0x10200] =	vst v63  }
0x139: {  	s1 =	simm.s32 $0x5A00  }
0x13a: {  	[tilespmem:s1], [sflag:$0x1] =	stream.indirect_vreg.gather [hbm4b:s8+s26], $0x80, v4, vm0, $0xb8;
	[tilespmem:$0x10200] =	vst v63  }
0x13b: {  	s31 =	simm.s32 $0x6200  }
0x13c: {  	[tilespmem:s31], [sflag:$0x1] =	stream.indirect_vreg.gather [hbm4b:s3+s26], $0x80, v3, vm0, $0xb8;
	[tilespmem:$0x10200] =	vst v63  }
0x13d: {  	s1 =	simm.s32 $0x6A00  }
0x13e: {  	[tilespmem:s1], [sflag:$0x1] =	stream.indirect_vreg.gather [hbm4b:s6+s26], $0x80, v3, vm0, $0xb8;
	[tilespmem:$0x10200] =	vst v63  }
0x13f: {  	s31 =	simm.s32 $0x7200  }
0x140: {  	[tilespmem:s31], [sflag:$0x1] =	stream.indirect_vreg.gather [hbm4b:s7+s26], $0x80, v3, vm0, $0xb8;
	[tilespmem:$0x10200] =	vst v63  }
0x141: {  	s1 =	simm.s32 $0x7A00  }
0x142: {  	[tilespmem:s1], [sflag:$0x1] =	stream.indirect_vreg.gather [hbm4b:s8+s26], $0x80, v3, vm0, $0xb8;
	[tilespmem:$0x10200] =	vst v63  }
0x143: {  	v3 =	vld [tilespmem:$0x180];
	_ =	sdelay $0x4  }
0x144: {  	v62 =	vshll.u32 v3, $0x3  }
0x145: {  	v3 =	vand.u32 $0x7, v3;
	v4 =	vand.u32 $0xFFFFFFC0, v62  }
0x146: {  	v3 =	vor.u32 v3, v4  }
0x147: {  	v4 =	vperm.xlane v3, v0;
	_ =	sdelay $0x1  }
0x148: {  	v4 =	vadd.s32 v1, v4;
	_ =	sdelay $0x3  }
0x149: {  	s31 =	simm.s32 $0x8200  }
0x14a: {  	[tilespmem:s31], [sflag:$0x2] =	stream.indirect_vreg.gather [hbm4b:s3+s26], $0x80, v4, vm0, $0xb8;
	[tilespmem:$0x10200] =	vst v63  }
0x14b: {  	s1 =	simm.s32 $0x8A00;
	v3 =	vperm.xlane v3, v2  }
0x14c: {  	[tilespmem:s1], [sflag:$0x2] =	stream.indirect_vreg.gather [hbm4b:s6+s26], $0x80, v4, vm0, $0xb8;
	[tilespmem:$0x10200] =	vst v63  }
0x14d: {  	v3 =	vadd.s32 v1, v3;
	s31 =	simm.s32 $0x9200  }
0x14e: {  	[tilespmem:s31], [sflag:$0x2] =	stream.indirect_vreg.gather [hbm4b:s7+s26], $0x80, v4, vm0, $0xb8;
	[tilespmem:$0x10200] =	vst v63  }
0x14f: {  	_ = 	snop  }
0x150: {  	[tilespmem:s13], [sflag:$0x2] =	stream.indirect_vreg.gather [hbm4b:s8+s26], $0x80, v4, vm0, $0xb8;
	[tilespmem:$0x10200] =	vst v63  }
0x151: {  	_ = 	snop  }
0x152: {  	[tilespmem:s15], [sflag:$0x2] =	stream.indirect_vreg.gather [hbm4b:s3+s26], $0x80, v3, vm0, $0xb8;
	[tilespmem:$0x10200] =	vst v63  }
0x153: {  	_ = 	snop  }
0x154: {  	[tilespmem:s4], [sflag:$0x2] =	stream.indirect_vreg.gather [hbm4b:s6+s26], $0x80, v3, vm0, $0xb8;
	[tilespmem:$0x10200] =	vst v63  }
0x155: {  	_ = 	snop  }
0x156: {  	[tilespmem:s16], [sflag:$0x2] =	stream.indirect_vreg.gather [hbm4b:s7+s26], $0x80, v3, vm0, $0xb8;
	[tilespmem:$0x10200] =	vst v63  }
0x157: {  	_ = 	snop  }
0x158: {  	[tilespmem:s5], [sflag:$0x2] =	stream.indirect_vreg.gather [hbm4b:s8+s26], $0x80, v3, vm0, $0xb8;
	[tilespmem:$0x10200] =	vst v63  }
0x159: {  	v3 =	vld [tilespmem:$0x190];
	_ =	sdelay $0x4  }
0x15a: {  	v63 =	vshll.u32 v3, $0x3  }
0x15b: {  	v3 =	vand.u32 $0x7, v3;
	v4 =	vand.u32 $0xFFFFFFC0, v63  }
0x15c: {  	v3 =	vor.u32 v3, v4  }
0x15d: {  	v4 =	vperm.xlane v3, v0;
	_ =	sdelay $0x1  }
0x15e: {  	v4 =	vadd.s32 v1, v4;
	_ =	sdelay $0x4  }
0x15f: {  	[tilespmem:s17], [sflag:$0x2] =	stream.indirect_vreg.gather [hbm4b:s3+s26], $0x80, v4, vm0, $0xb8;
	[tilespmem:$0x10200] =	vst v63  }
0x160: {  	v3 =	vperm.xlane v3, v2  }
0x161: {  	[tilespmem:s18], [sflag:$0x2] =	stream.indirect_vreg.gather [hbm4b:s6+s26], $0x80, v4, vm0, $0xb8;
	[tilespmem:$0x10200] =	vst v63  }
0x162: {  	v3 =	vadd.s32 v1, v3  }
0x163: {  	[tilespmem:s19], [sflag:$0x2] =	stream.indirect_vreg.gather [hbm4b:s7+s26], $0x80, v4, vm0, $0xb8;
	[tilespmem:$0x10200] =	vst v63  }
0x164: {  	_ = 	snop  }
0x165: {  	[tilespmem:s20], [sflag:$0x2] =	stream.indirect_vreg.gather [hbm4b:s8+s26], $0x80, v4, vm0, $0xb8;
	[tilespmem:$0x10200] =	vst v63  }
0x166: {  	_ = 	snop  }
0x167: {  	[tilespmem:s21], [sflag:$0x2] =	stream.indirect_vreg.gather [hbm4b:s3+s26], $0x80, v3, vm0, $0xb8;
	[tilespmem:$0x10200] =	vst v63  }
0x168: {  	_ = 	snop  }
0x169: {  	[tilespmem:s22], [sflag:$0x2] =	stream.indirect_vreg.gather [hbm4b:s6+s26], $0x80, v3, vm0, $0xb8;
	[tilespmem:$0x10200] =	vst v63  }
0x16a: {  	_ = 	snop  }
0x16b: {  	[tilespmem:s10], [sflag:$0x2] =	stream.indirect_vreg.gather [hbm4b:s7+s26], $0x80, v3, vm0, $0xb8;
	[tilespmem:$0x10200] =	vst v63  }
0x16c: {  	_ = 	snop  }
0x16d: {  	[tilespmem:s23], [sflag:$0x2] =	stream.indirect_vreg.gather [hbm4b:s8+s26], $0x80, v3, vm0, $0xb8;
	[tilespmem:$0x10200] =	vst v63  }
0x16e: {  	_ =	swait.ge [sflag:s11], $0x8000  }
0x16f: {  	[sflag:s11] =	ssyncset.done $0x0  }
0x170: {  	[sflag:s11] =	ssyncadd.s32 $0xFFFF8000  }
0x171: {  	_ =	swait.ge [sflag:s24], $0x8000  }
0x172: {  	s28 =	simm.s32 $0xFFFF8000;
	[sflag:s24] =	ssyncset.done $0x0  }
0x173: {  	s29 =	simm.s32 $0x0;
	s30 =	simm.s32 $0x0;
	[sflag:s24] =	ssyncadd.s32 $0xFFFF8000  }
.LBB2_4:
0x174: {  	s0 =	sadd.s32 $0x8000, s28  }
0x175: {  	s1 =	sand.u32 $0x380, s30;
	s0 =	sand.u32 $0x6000, s0  }
0x176: {  	s31 =	sor.u32 s1, s0  }
0x177: {  	v3 =	vld [tilespmem:s31+$0x200]  }
0x178: {  	v4 =	vld [tilespmem:s31+$0x8200]  }
0x179: {  	v5 =	vld [tilespmem:s31+$0x210]  }
0x17a: {  	v6 =	vld [tilespmem:s31+$0x8210]  }
0x17b: {  	v7 =	vld [tilespmem:s31+$0x220]  }
0x17c: {  	v8 =	vld [tilespmem:s31+$0x8220]  }
0x17d: {  	v9 =	vld [tilespmem:s31+$0x230]  }
0x17e: {  	v10 =	vld [tilespmem:s31+$0x8230]  }
0x17f: {  	v11 =	vld [tilespmem:s31+$0x240]  }
0x180: {  	v12 =	vld [tilespmem:s31+$0x8240]  }
0x181: {  	v13 =	vld [tilespmem:s31+$0x250]  }
0x182: {  	v14 =	vld [tilespmem:s31+$0x8250]  }
0x183: {  	v15 =	vld [tilespmem:s31+$0x260]  }
0x184: {  	v16 =	vld [tilespmem:s31+$0x8260]  }
0x185: {  	v17 =	vld [tilespmem:s31+$0x270]  }
0x186: {  	v18 =	vld [tilespmem:s31+$0x8270]  }
0x187: {  	v19 =	vld [tilespmem:s31+$0x600]  }
0x188: {  	v20 =	vld [tilespmem:s31+$0x8600]  }
0x189: {  	v21 =	vld [tilespmem:s31+$0x610]  }
0x18a: {  	v22 =	vld [tilespmem:s31+$0x8610]  }
0x18b: {  	v23 =	vld [tilespmem:s31+$0x620]  }
0x18c: {  	v24 =	vld [tilespmem:s31+$0x8620]  }
0x18d: {  	v25 =	vld [tilespmem:s31+$0x630]  }
0x18e: {  	v26 =	vld [tilespmem:s31+$0x8630]  }
0x18f: {  	v27 =	vld [tilespmem:s31+$0x640]  }
0x190: {  	v28 =	vld [tilespmem:s31+$0x8640]  }
0x191: {  	v29 =	vld [tilespmem:s31+$0x650]  }
0x192: {  	v30 =	vld [tilespmem:s31+$0x8650]  }
0x193: {  	v31 =	vld [tilespmem:s31+$0x660]  }
0x194: {  	v32 =	vld [tilespmem:s31+$0x8660]  }
0x195: {  	v33 =	vld [tilespmem:s31+$0x670]  }
0x196: {  	v34 =	vld [tilespmem:s31+$0x8670]  }
0x197: {  	v35 =	vld [tilespmem:s31+$0xA00]  }
0x198: {  	v36 =	vld [tilespmem:s31+$0x8A00]  }
0x199: {  	v37 =	vld [tilespmem:s31+$0xA10]  }
0x19a: {  	v38 =	vld [tilespmem:s31+$0x8A10]  }
0x19b: {  	v39 =	vld [tilespmem:s31+$0xA20]  }
0x19c: {  	v40 =	vld [tilespmem:s31+$0x8A20]  }
0x19d: {  	v41 =	vld [tilespmem:s31+$0xA30]  }
0x19e: {  	v42 =	vld [tilespmem:s31+$0x8A30]  }
0x19f: {  	v43 =	vld [tilespmem:s31+$0xA40]  }
0x1a0: {  	v44 =	vld [tilespmem:s31+$0x8A40]  }
0x1a1: {  	v45 =	vld [tilespmem:s31+$0xA50]  }
0x1a2: {  	v46 =	vld [tilespmem:s31+$0x8A50]  }
0x1a3: {  	v47 =	vld [tilespmem:s31+$0xA60]  }
0x1a4: {  	v48 =	vld [tilespmem:s31+$0x8A60]  }
0x1a5: {  	v49 =	vld [tilespmem:s31+$0xA70]  }
0x1a6: {  	v50 =	vld [tilespmem:s31+$0x8A70]  }
0x1a7: {  	v51 =	vld [tilespmem:s31+$0xE00]  }
0x1a8: {  	v52 =	vld [tilespmem:s31+$0x8E00]  }
0x1a9: {  	v53 =	vld [tilespmem:s31+$0xE10]  }
0x1aa: {  	v54 =	vld [tilespmem:s31+$0x8E10]  }
0x1ab: {  	v55 =	vld [tilespmem:s31+$0xE20]  }
0x1ac: {  	v56 =	vld [tilespmem:s31+$0x8E20]  }
0x1ad: {  	v57 =	vld [tilespmem:s31+$0xE30]  }
0x1ae: {  	v58 =	vld [tilespmem:s31+$0x8E30]  }
0x1af: {  	v59 =	vld [tilespmem:s31+$0xE40]  }
0x1b0: {  	v60 =	vld [tilespmem:s31+$0x8E40]  }
0x1b1: {  	v61 =	vld [tilespmem:s31+$0xE50]  }
0x1b2: {  	v62 =	vld [tilespmem:s31+$0x8E50]  }
0x1b3: {  	v63 =	vld [tilespmem:s31+$0xE60]  }
0x1b4: {  	v3 =	vadd.f32 v4, v3;
	v4 =	vld [tilespmem:s31+$0x8E60]  }
0x1b5: {  	v5 =	vadd.f32 v6, v5;
	v6 =	vld [tilespmem:s31+$0xE70]  }
0x1b6: {  	v14 =	vadd.f32 v14, v13;
	v13 =	vld [tilespmem:s31+$0x9220];
	[tilespmem:s31+$0x200] =	vst v3;
	v3 =	vadd.f32 v8, v7  }
0x1b7: {  	v18 =	vadd.f32 v18, v17;
	v17 =	vld [tilespmem:s31+$0x9240];
	[tilespmem:s31+$0x210] =	vst v5  }
0x1b8: {  	v22 =	vadd.f32 v22, v21;
	v21 =	vld [tilespmem:s31+$0x9260];
	[tilespmem:s31+$0x220] =	vst v3;
	v3 =	vadd.f32 v12, v11  }
0x1b9: {  	v7 =	vld [tilespmem:s31+$0x8E70];
	[tilespmem:s31+$0x250] =	vst v14  }
0x1ba: {  	v8 =	vld [tilespmem:s31+$0x1200];
	[tilespmem:s31+$0x240] =	vst v3;
	v3 =	vadd.f32 v16, v15  }
0x1bb: {  	v5 =	vadd.f32 v10, v9;
	v9 =	vld [tilespmem:s31+$0x9200];
	[tilespmem:s31+$0x270] =	vst v18  }
0x1bc: {  	v10 =	vld [tilespmem:s31+$0x1210];
	[tilespmem:s31+$0x260] =	vst v3;
	v3 =	vadd.f32 v20, v19  }
0x1bd: {  	v26 =	vadd.f32 v26, v25;
	v14 =	vld [tilespmem:s31+$0x1230];
	[tilespmem:s31+$0x610] =	vst v22  }
0x1be: {  	v18 =	vld [tilespmem:s31+$0x1250];
	[tilespmem:s31+$0x600] =	vst v3;
	v3 =	vadd.f32 v24, v23  }
0x1bf: {  	v30 =	vadd.f32 v30, v29;
	[tilespmem:s31+$0x630] =	vst v26;
	v22 =	vld [tilespmem:s31+$0x1270]  }
0x1c0: {  	v19 =	vld [tilespmem:s31+$0x9250];
	[tilespmem:s31+$0x620] =	vst v3;
	v3 =	vadd.f32 v28, v27  }
0x1c1: {  	v34 =	vadd.f32 v34, v33;
	[tilespmem:s31+$0x650] =	vst v30;
	v11 =	vld [tilespmem:s31+$0x9210]  }
0x1c2: {  	v12 =	vld [tilespmem:s31+$0x1220];
	[tilespmem:s31+$0x640] =	vst v3;
	v3 =	vadd.f32 v32, v31  }
0x1c3: {  	[tilespmem:s31+$0x670] =	vst v34;
	v15 =	vld [tilespmem:s31+$0x9230]  }
0x1c4: {  	v16 =	vld [tilespmem:s31+$0x1240];
	[tilespmem:s31+$0x660] =	vst v3;
	v3 =	vadd.f32 v36, v35  }
0x1c5: {  	[tilespmem:s31+$0x230] =	vst v5;
	v20 =	vld [tilespmem:s31+$0x1260];
	v19 =	vadd.f32 v19, v18  }
0x1c6: {  	v24 =	vld [tilespmem:s31+$0x1600];
	[tilespmem:s31+$0xA00] =	vst v3;
	v3 =	vadd.f32 v40, v39  }
0x1c7: {  	[tilespmem:s31+$0x1250] =	vst v19;
	v36 =	vadd.f32 v38, v37;
	v37 =	vld [tilespmem:s31+$0x9270]  }
0x1c8: {  	v38 =	vadd.f32 v42, v41;
	v41 =	vld [tilespmem:s31+$0x1610];
	[tilespmem:s31+$0xA20] =	vst v3;
	v3 =	vadd.f32 v44, v43  }
0x1c9: {  	v42 =	vld [tilespmem:s31+$0x9610];
	[tilespmem:s31+$0xA10] =	vst v36  }
0x1ca: {  	v35 =	vld [tilespmem:s31+$0x1A10];
	[tilespmem:s31+$0xA40] =	vst v3;
	v3 =	vadd.f32 v48, v47  }
0x1cb: {  	v39 =	vld [tilespmem:s31+$0x9600];
	[tilespmem:s31+$0xA30] =	vst v38;
	v40 =	vadd.f32 v46, v45  }
0x1cc: {  	v45 =	vld [tilespmem:s31+$0x9620];
	[tilespmem:s31+$0xA60] =	vst v3;
	v3 =	vadd.f32 v52, v51  }
0x1cd: {  	v46 =	vadd.f32 v54, v53;
	v53 =	vld [tilespmem:s31+$0x1650];
	[tilespmem:s31+$0xA50] =	vst v40  }
0x1ce: {  	v54 =	vld [tilespmem:s31+$0x9650];
	[tilespmem:s31+$0xE00] =	vst v3;
	v3 =	vadd.f32 v56, v55  }
0x1cf: {  	v36 =	vld [tilespmem:s31+$0x9A10];
	v43 =	vadd.f32 v50, v49;
	[tilespmem:s31+$0xE10] =	vst v46  }
0x1d0: {  	v38 =	vld [tilespmem:s31+$0x1A20];
	[tilespmem:s31+$0xE20] =	vst v3;
	v3 =	vadd.f32 v60, v59  }
0x1d1: {  	v44 =	vld [tilespmem:s31+$0x1620];
	v49 =	vadd.f32 v58, v57;
	[tilespmem:s31+$0xA70] =	vst v43  }
0x1d2: {  	v50 =	vld [tilespmem:s31+$0x1640];
	[tilespmem:s31+$0xE40] =	vst v3;
	v3 =	vadd.f32 v4, v63  }
0x1d3: {  	v57 =	vld [tilespmem:s31+$0x9660];
	v58 =	vadd.f32 v11, v10;
	[tilespmem:s31+$0xE30] =	vst v49  }
0x1d4: {  	v46 =	vld [tilespmem:s31+$0x9A50];
	[tilespmem:s31+$0xE60] =	vst v3;
	v3 =	vadd.f32 v9, v8  }
0x1d5: {  	v37 =	vadd.f32 v37, v22;
	v40 =	vadd.f32 v42, v41;
	v41 =	vld [tilespmem:s31+$0x1A30];
	[tilespmem:s31+$0x1210] =	vst v58  }
0x1d6: {  	v42 =	vld [tilespmem:s31+$0x9A30];
	[tilespmem:s31+$0x1200] =	vst v3;
	v3 =	vadd.f32 v13, v12  }
0x1d7: {  	v47 =	vld [tilespmem:s31+$0x1630];
	[tilespmem:s31+$0x1270] =	vst v37  }
0x1d8: {  	v48 =	vld [tilespmem:s31+$0x9630];
	[tilespmem:s31+$0x1220] =	vst v3;
	v3 =	vadd.f32 v17, v16  }
0x1d9: {  	v49 =	vld [tilespmem:s31+$0x9A60];
	[tilespmem:s31+$0x1610] =	vst v40;
	v52 =	vadd.f32 v62, v61  }
0x1da: {  	v51 =	vld [tilespmem:s31+$0x9640];
	[tilespmem:s31+$0x1240] =	vst v3;
	v3 =	vadd.f32 v21, v20  }
0x1db: {  	v61 =	vadd.f32 v15, v14;
	v62 =	vld [tilespmem:s31+$0x1A00];
	[tilespmem:s31+$0xE50] =	vst v52  }
0x1dc: {  	v56 =	vld [tilespmem:s31+$0x1660];
	[tilespmem:s31+$0x1260] =	vst v3;
	v3 =	vadd.f32 v39, v24  }
0x1dd: {  	v55 =	vadd.f32 v7, v6;
	[tilespmem:s31+$0x1230] =	vst v61;
	v52 =	vld [tilespmem:s31+$0x9A70]  }
0x1de: {  	v43 =	vadd.f32 v48, v47;
	v47 =	vld [tilespmem:s31+$0x1A60];
	[tilespmem:s31+$0x1600] =	vst v3;
	v3 =	vadd.f32 v45, v44  }
0x1df: {  	[tilespmem:s31+$0xE70] =	vst v55;
	v63 =	vld [tilespmem:s31+$0x9A00]  }
0x1e0: {  	v59 =	vld [tilespmem:s31+$0x1670];
	[tilespmem:s31+$0x1620] =	vst v3;
	v3 =	vadd.f32 v51, v50  }
0x1e1: {  	[tilespmem:s31+$0x1630] =	vst v43;
	v4 =	vadd.f32 v54, v53;
	v39 =	vld [tilespmem:s31+$0x9A20]  }
0x1e2: {  	v60 =	vld [tilespmem:s31+$0x9670];
	[tilespmem:s31+$0x1640] =	vst v3;
	v3 =	vadd.f32 v57, v56  }
0x1e3: {  	v54 =	vadd.f32 v42, v41;
	[tilespmem:s31+$0x1650] =	vst v4;
	v45 =	vld [tilespmem:s31+$0x1A50]  }
0x1e4: {  	v53 =	vld [tilespmem:s31+$0x9A40];
	[tilespmem:s31+$0x1660] =	vst v3;
	v3 =	vadd.f32 v63, v62  }
0x1e5: {  	[tilespmem:s31+$0x1A30] =	vst v54;
	v55 =	vadd.f32 v49, v47;
	v50 =	vld [tilespmem:s31+$0x1A70]  }
0x1e6: {  	v44 =	vld [tilespmem:s31+$0x1A40];
	[tilespmem:s31+$0x1A00] =	vst v3;
	v3 =	vadd.f32 v39, v38  }
0x1e7: {  	v48 =	vadd.f32 v60, v59;
	[tilespmem:s31+$0x1A60] =	vst v55  }
0x1e8: {  	[tilespmem:s31+$0x1A20] =	vst v3;
	v3 =	vadd.f32 v46, v45  }
0x1e9: {  	s1 =	sand.u32 $0x7, s26;
	[tilespmem:s31+$0x1670] =	vst v48;
	v51 =	vadd.f32 v36, v35  }
0x1ea: {  	s0 =	sshll.u32 s1, $0x7;
	[tilespmem:s31+$0x1A50] =	vst v3;
	v3 =	vadd.f32 v52, v50  }
0x1eb: {  	s0 =	sadd.s32 s0, s29;
	[tilespmem:s31+$0x1A10] =	vst v51;
	v56 =	vadd.f32 v53, v44  }
0x1ec: {  	s1 =	sor.u32 $0x1C00, s0;
	[tilespmem:s31+$0x1A70] =	vst v3  }
0x1ed: {  	[tilespmem:s31+$0x1A40] =	vst v56;
	v3 =	vld [tilespmem:s1+$0x200]  }
0x1ee: {  	v4 =	vld [tilespmem:s1+$0x8200];
	_ =	sdelay $0x4  }
0x1ef: {  	v3 =	vadd.f32 v4, v3;
	_ =	sdelay $0x1  }
0x1f0: {  	s31 =	sor.u32 $0x1C10, s0;
	[tilespmem:s1+$0x200] =	vst v3  }
0x1f1: {  	v3 =	vld [tilespmem:s31+$0x200]  }
0x1f2: {  	v57 =	vld [tilespmem:s31+$0x8200];
	_ =	sdelay $0x4  }
0x1f3: {  	v3 =	vadd.f32 v57, v3;
	_ =	sdelay $0x1  }
0x1f4: {  	[tilespmem:s31+$0x200] =	vst v3;
	s31 =	sor.u32 $0x1C20, s0  }
0x1f5: {  	v3 =	vld [tilespmem:s31+$0x200]  }
0x1f6: {  	v58 =	vld [tilespmem:s31+$0x8200];
	_ =	sdelay $0x4  }
0x1f7: {  	v3 =	vadd.f32 v58, v3;
	_ =	sdelay $0x1  }
0x1f8: {  	[tilespmem:s31+$0x200] =	vst v3;
	s31 =	sor.u32 $0x1C30, s0  }
0x1f9: {  	v3 =	vld [tilespmem:s31+$0x200]  }
0x1fa: {  	v59 =	vld [tilespmem:s31+$0x8200];
	_ =	sdelay $0x4  }
0x1fb: {  	v3 =	vadd.f32 v59, v3;
	_ =	sdelay $0x1  }
0x1fc: {  	[tilespmem:s31+$0x200] =	vst v3;
	s31 =	sor.u32 $0x1C40, s0  }
0x1fd: {  	v3 =	vld [tilespmem:s31+$0x200]  }
0x1fe: {  	v60 =	vld [tilespmem:s31+$0x8200];
	_ =	sdelay $0x4  }
0x1ff: {  	v3 =	vadd.f32 v60, v3;
	_ =	sdelay $0x1  }
0x200: {  	[tilespmem:s31+$0x200] =	vst v3;
	s31 =	sor.u32 $0x1C50, s0  }
0x201: {  	v3 =	vld [tilespmem:s31+$0x200]  }
0x202: {  	v61 =	vld [tilespmem:s31+$0x8200];
	_ =	sdelay $0x4  }
0x203: {  	v3 =	vadd.f32 v61, v3;
	_ =	sdelay $0x1  }
0x204: {  	[tilespmem:s31+$0x200] =	vst v3;
	s31 =	sor.u32 $0x1C60, s0  }
0x205: {  	v3 =	vld [tilespmem:s31+$0x200]  }
0x206: {  	v62 =	vld [tilespmem:s31+$0x8200];
	_ =	sdelay $0x4  }
0x207: {  	v3 =	vadd.f32 v62, v3;
	_ =	sdelay $0x1  }
0x208: {  	s0 =	sor.u32 $0x1C70, s0;
	[tilespmem:s31+$0x200] =	vst v3  }
0x209: {  	v3 =	vld [tilespmem:s0+$0x200]  }
0x20a: {  	v63 =	vld [tilespmem:s0+$0x8200];
	_ =	sdelay $0x1  }
0x20b: {  	p0 =	sne.s32 s30, $0xF80  }
.Ltmp1:
0x20c: {  	_ = 	snop;
	(pc) =	sbr.rel @p0 .LBB2_4-.Ltmp1, $4  }
0x20d: {  	_ = 	snop  }
0x20e: {  	v3 =	vadd.f32 v63, v3  }
0x20f: {  	s28 =	sadd.s32 $0x400, s28  }
0x210: {  	s30 =	sadd.s32 $0x80, s30;
	s26 =	sadd.s32 $0x1, s26;
	s29 =	sadd.s32 $0x400, s29;
	[tilespmem:s0+$0x200] =	vst v3  }
0x211: {  	s0 =	rddreg [dreg:$0x5]  }
0x212: {  	[hbm4b:s0+s2] =	stream.linear.scatter [tilespmem:s14], [sflag:$0x3], $0x8000, $0x38;
	[tilespmem:$0x10200] =	vst v63  }
0x213: {  	_ =	swait.ge [sflag:s12], $0x8000  }
0x214: {  	s25 =	sadd.s32 $0x1, s25;
	s31 =	rddreg [dreg:$0x6]  }
0x215: {  	p0 =	sne.s32 s25, s31  }
.Ltmp2:
0x216: {  	_ = 	snop;
	(pc) =	sbr.rel @p0 .LBB2_1-.Ltmp2, $3  }
0x217: {  	_ =	sdelay $0x1  }
0x218: {  	[sflag:s12] =	ssyncset.done $0x0  }
0x219: {  	[sflag:s12] =	ssyncadd.s32 $0xFFFF8000  }
0x21a: {  	_ =	sfence.sel $0x180000  }
0x21b: {  	[bflag:$0x0] =	sbarrier.arrive $0xFFFF  }
0x21c: {  	_ =	strace $0x9000004D  }
0x21d: {  	s0 =	stileid.u32;
	[bflag:$0x2] =	sbarrier.arrive $0xFFFF  }
0x21e: {  	p0 =	sne.s32 s0, $0x0;
	s0 =	rddreg [dreg:$0x2]  }
0x21f: {  	s0 =	sadd.s32 @!p0 $0x100000, s0  }
0x220: {  	[sflag:s0] =	ssyncadd.tile.s32 @!p0 $0x1;
	_ =	shalt  }
.Lfunc_end2:
_tile_overlayer_lowered:
.L_overlay_start_2:
0x221: {  	(tag) =	ssettag $0x2  }
0x222: {  	s0 =	rddreg [dreg:$0x0];
	s2 =	stileid.u32  }
0x223: {  	s1 =	rddreg [dreg:$0x1];
	p0 =	sne.s32 s2, $0x0  }
0x224: {  	s3 =	rddreg [dreg:$0x2];
	[bflag:$0x3] =	sbarrier.arrive $0xFFFF;
	s2 =	simm.s32 @!p0 $0x1C03  }
0x225: {  	[timem:s3], [sflag:s2] =	dma.local @!p0 [hbm:s0], s1  }
0x226: {  	s0 =	simm.s32 @!p0 $0x3  }
0x227: {  	_ =	swait.ge @!p0 [sflag:s0], s1  }
0x228: {  	s1 =	ssub.s32 @!p0 $0x0, s1;
	[sflag:s0] =	ssyncset.done @!p0 $0x0  }
0x229: {  	[sflag:s0] =	ssyncadd.s32 @!p0 s1  }
0x22a: {  	[bflag:$0x3] =	sbarrier.arrive $0xFFFF  }
0x22b: {  	_ =	shalt  }

// kernel: sparse-core-data-format-call.cloned.1.call-start
scs
called_computation_lowered:
.L_overlay_start_0:
0x0: {  	s1 =	sld [smem:$0x3FD9]  }
0x1: {  	s2 =	sld [smem:$0x3FFE];
	_ =	sdelay $0x1  }
0x2: {  	s3 =	srdreg.scid  }
0x3: {  	s0 =	sand.u32 $0x1, s3  }
0x4: {  	s17 =	sshll.u32 s0, $0xA;
	s1 =	sadd.s32 s2, s1  }
0x5: {  	s1 =	sadd.s32 s1, s17  }
0x6: {  	[smem:$0x3FC2] =	sst s1  }
0x7: {  	_ = 	snop  }
0x8: {  	(tm) =	ssettm $0x1  }
0x9: {  	s18 =	sld [smem:$0x3FFB];
	_ =	sdelay $0x3  }
0xa: {  	_ =	strace s18  }
0xb: {  	s1 =	sld [smem:$0x3FFC];
	_ =	sdelay $0x3  }
0xc: {  	_ =	strace s1  }
0xd: {  	s1 =	sld [smem:$0x3FFD];
	_ =	sdelay $0x3  }
0xe: {  	_ =	strace s1  }
0xf: {  	_ =	strace $0x8FFFFFFF  }
0x10: {  	s19 =	sld [smem:$0x3FDB];
	_ =	sdelay $0x1  }
0x11: {  	s20 =	simm.s32 $_scs_section_size  }
0x12: {  	s4 =	simm.s32 $_size__tile_overlayer_lowered;
	s5 =	simm.s32 $_tile_overlayer_lowered  }
0x13: {  	s23 =	simm.s32 $0x1BFF;
	s22 =	sshll.u32 s5, $0x1;
	s1 =	sadd.s32 s20, s19  }
0x14: {  	s6 =	simm.s32 $0x0;
	s21 =	sshll.u32 s4, $0x1;
	s4 =	sadd.s32 s22, s1  }
0x15: {  	[timem:s6], [sflag:s23] =	dma.local [hbm:s4], s21  }
0x16: {  	_ =	swait.ge [sflag:s23], s21  }
0x17: {  	s2 =	ssub.s32 $0x0, s21;
	[sflag:s23] =	ssyncset.done $0x0  }
0x18: {  	[sflag:s23] =	ssyncadd.s32 s2;
	_ =	sdelay $0x1  }
0x19: {  	s24 =	simm.s32 $0x1B8B  }
0x1a: {  	_ =	swait.ge [sflag:s24], $0x1  }
0x1b: {  	[sflag:s24] =	ssyncset.done $0x0  }
0x1c: {  	s26 =	simm.s32 $0x1B8E;
	s25 =	sld [smem:$0x3FFE];
	[sflag:s24] =	ssyncadd.s32 $0xFFFFFFFF  }
0x1d: {  	s27 =	simm.s32 $execute0_lowered;
	[smem:$0x3FD2] =	sst s26  }
0x1e: {  	s4 =	sshll.u32 s27, $0x1;
	_ =	strace $0x80000046;
	[dreg:$0x1] =	wrdreg $0xFFFFFFFF  }
0x1f: {  	s28 =	simm.s32 $_size_execute0_lowered;
	s1 =	sadd.s32 s1, s4;
	[dreg:$0x0] =	wrdreg $0x0  }
0x20: {  	s4 =	sshll.u32 s28, $0x1;
	[dreg:$0x2] =	wrdreg s1  }
0x21: {  	[dreg:$0x3] =	wrdreg s4  }
0x22: {  	[dreg:$0x4] =	wrdreg $0xC0  }
0x23: {  	_ =	task [dreg:s6], $0x5FFFF  }
0x24: {  	[dreg:$0x1] =	wrdreg $0xFFFFFFFF  }
0x25: {  	[dreg:$0x0] =	wrdreg $0x60  }
0x26: {  	[dreg:$0x2] =	wrdreg s25  }
0x27: {  	[dreg:$0x3] =	wrdreg $0x9  }
0x28: {  	_ =	task.clear_ibuf [dreg:s6], $0x4FFFF;
	_ =	strace $0x90000046  }
0x29: {  	s29 =	simm.s32 $0x9;
	_ =	strace $0x80000048  }
0x2a: {  	_ =	swait.ge [sflag:s29], $0x1  }
0x2b: {  	[sflag:s29] =	ssyncadd.s32 $0xFFFFFFFF  }
0x2c: {  	_ =	strace $0x90000048  }
0x2d: {  	_ =	sfence  }
0x2e: {  	s30 =	sld [smem:$0x0];
	_ =	sdelay $0x2  }
0x2f: {  	s31 =	sshll.u32 s3, $0xD;
	s3 =	sshrl.u32 s3, $0x2  }
0x30: {  	s2 =	sand.u32 $0x4000, s31;
	s1 =	sadd.s32 s3, s30  }
0x31: {  	s0 =	sor.u32 s2, s0;
	s1 =	sshll.u32 s1, $0x11  }
0x32: {  	s0 =	sor.u32 s1, s0  }
0x33: {  	s0 =	sadd.s32 $0x8F2B, s0  }
0x34: {  	[sflag:s0] =	ssyncadd.remote.s32 $0x1  }
0x35: {  	_ =	sfence.sel $0xFFFF  }
0x36: {  	[dreg:$0x0] =	wrdreg $0xFFFFFFFF;
	(pc) =	sbr.abs _section_cstart, $3  }
0x37: {  	[dreg:$0x1] =	wrdreg $0xFFFFFFFF  }
0x38: {  	_ =	task.clear_ibuf [dreg:s6], $0x2FFFF;
	_ =	strace $0x9FFFFFFF  }
0x39: {  	(tm) =	ssettm $0x7FFFFFFF  }
tec
execute0_lowered:
.L_overlay_start_1:
0x0: {  	(tag) =	ssettag $0x1  }
0x1: {  	s0 =	stileid.u32  }
0x2: {  	s2 =	rddreg [dreg:$0x0];
	s4 =	srdreg.scid  }
0x3: {  	s31 =	simm.s32 $0x2;
	s20 =	simm.s32 $0x0;
	s11 =	simm.s32 $0x1000  }
0x4: {  	s18 =	simm.s32 $0x0;
	s19 =	simm.s32 $0x0;
	s17 =	simm.s32 $0x0  }
0x5: {  	s12 =	simm.s32 $0x0;
	s16 =	simm.s32 $0x0;
	s1 =	sshll.u32 s0, $0x7  }
0x6: {  	s3 =	sshrl.u32 s0, $0x3;
	s4 =	sshll.u32 s4, $0x1;
	s1 =	sand.u32 $0x380, s1  }
0x7: {  	s4 =	sand.u32 $0x2, s4;
	s7 =	ssub.s32 $0x2, s3;
	s5 =	ssub.s32 $0x400, s1  }
0x8: {  	s14 =	smov.u32 s3;
	s8 =	sshrl.u32 s7, $0x1;
	s6 =	sand.u32 $0x380, s5  }
0x9: {  	s7 =	sand.u32 $0x1, s7;
	p0 =	sne.s32 s6, $0x0;
	s6 =	simm.s32 $0x1  }
0xa: {  	s9 =	ssub.s32 $0x8, s4;
	s5 =	sshrl.u32 s5, $0xA;
	s6 =	simm.s32 @!p0 $0x0  }
0xb: {  	s27 =	sadd.s32 s7, s8;
	s28 =	sshrl.u32 s9, $0x1;
	s5 =	sadd.s32 s6, s5  }
0xc: {  	s29 =	sshrl.u32 s9, $0x2;
	s7 =	sand.u32 $0x1, s28;
	s30 =	smul.u32 s5, s27  }
.Ltmp0:
0xd: {  	s13 =	smov.u32 s4;
	s7 =	sadd.s32 s29, s7;
	(pc) =	sbr.rel .LBB1_1-.Ltmp0, $4  }
0xe: {  	s15 =	smov.u32 s1;
	s9 =	sadd.s32 $0x110000, s2;
	s8 =	smul.u32 s7, s30  }
0xf: {  	s6 =	simm.s32 $0x1;
	s5 =	rddreg [dreg:$0x1];
	_ =	strace $0x80000047  }
0x10: {  	p0 =	por $0x0, $0x0;
	[sflag:s6] =	ssyncpa.u1 $0x0;
	s8 =	sshll.u32 s8, $0x3  }
0x11: {  	s7 =	sadd.s32 $0x100000, s2;
	[sflag:s31] =	ssyncpa.u1 $0x0;
	s10 =	sor.u32 $0x1, s8  }
.LBB1_4:
0x12: {  	v11 =	vld [tilespmem:s25+$0xFFFFFFE0];
	v12 =	vcombine.low v6, v7  }
0x13: {  	v3 =	vperm.xlane.i2c.b16 v3;
	[tilespmem:s26+$0x3870 ss:$0x81] =	vst.msk $0xffff, v9;
	v45 =	vld [tilespmem:s25+$0xFFFFFFF0];
	v4 =	vperm.xlane.i2c.b16 v4  }
0x14: {  	v46 =	vcombine.high v6, v7;
	[tilespmem:s24+$0x2040 ss:$0x81] =	vst.msk $0xffff, v10;
	v47 =	vld [tilespmem:s25+$0x0];
	v5 =	vperm.xlane.i2c.b16 v5  }
0x15: {  	v49 =	vld [tilespmem:s25+$0x10];
	v1 =	vperm.xlane.i2c.b16 v1;
	[tilespmem:s26+$0x810 ss:$0x81] =	vst.msk $0xffff, v12;
	v48 =	vcombine.low v8, v3  }
0x16: {  	v51 =	vld [tilespmem:s25+$0xFFFFFFC0];
	v58 =	vperm.xlane.i2c.b16 v2;
	v50 =	vcombine.low v4, v0;
	[tilespmem:s26+$0x2850 ss:$0x81] =	vst.msk $0xffff, v46  }
0x17: {  	s29 =	sshra.s32 s27, $0x2;
	v3 =	vcombine.high v8, v3;
	v52 =	vcombine.low v1, v5;
	[tilespmem:s26+$0x1020 ss:$0x81] =	vst.msk $0xffff, v48  }
0x18: {  	s23 =	sadd.s32 s29, s23;
	v1 =	vcombine.high v1, v5;
	v55 =	vcombine.high v4, v0;
	[tilespmem:s26+$0x0 ss:$0x81] =	vst.msk $0xffff, v50  }
0x19: {  	[tilespmem:s23+$0x1830 ss:$0x81] =	vst.msk $0xffff, v52;
	v11 =	vperm.xlane.i2c.b16 v11;
	v53 =	vperm.xlane.i2c.b16 v45  }
0x1a: {  	s30 =	sshll.u32 s20, $0xA;
	[tilespmem:s26+$0x3060 ss:$0x81] =	vst.msk $0xffff, v3;
	v54 =	vperm.xlane.i2c.b16 v47;
	v57 =	vperm.xlane.i2c.b16 v49  }
0x1b: {  	s31 =	sshll.u32 s17, $0x3;
	s27 =	sshll.u32 s17, $0x1;
	s19 =	sshll.u32 s19, $0x13;
	[tilespmem:s23+$0x3870 ss:$0x81] =	vst.msk $0xffff, v1;
	v60 =	vperm.xlane.i2c.b16 v51;
	v56 =	vcombine.low v11, v53  }
0x1c: {  	s18 =	sshll.u32 s18, $0x10;
	s24 =	sand.u32 $0xFE000, s30;
	s25 =	sand.u32 $0xFFC00, s31;
	[tilespmem:s26+$0x2040 ss:$0x81] =	vst.msk $0xffff, v55;
	v61 =	vcombine.low v54, v57  }
0x1d: {  	s28 =	sadd.s32 s19, s18;
	s29 =	sand.u32 $0x7, s17;
	s26 =	sshll.u32 s20, $0x7;
	v63 =	vcombine.low v60, v58;
	[tilespmem:s23+$0x810 ss:$0x81] =	vst.msk $0xffff, v56  }
0x1e: {  	s24 =	sadd.s32 s25, s24;
	s25 =	sand.u32 $0xF0, s27;
	s20 =	sand.u32 $0x300, s26;
	v59 =	vcombine.high v11, v53;
	[tilespmem:s23+$0x1020 ss:$0x81] =	vst.msk $0xffff, v61  }
0x1f: {  	s19 =	sadd.s32 s19, s9;
	s17 =	sshll.u32 s29, $0x12;
	v62 =	vcombine.high v54, v57;
	s20 =	sor.u32 s25, s20;
	[tilespmem:s23+$0x0 ss:$0x81] =	vst.msk $0xffff, v63  }
0x20: {  	s24 =	sshrl.u32 s24, $0x4;
	v0 =	vcombine.high v60, v58;
	s25 =	sadd.s32 s7, s28;
	s20 =	sshrl.u32 s20, $0x4;
	[tilespmem:s23+$0x2850 ss:$0x81] =	vst.msk $0xffff, v59  }
0x21: {  	s18 =	sadd.s32 s18, s19;
	s24 =	sand.u32 $0xFFC0, s24;
	s25 =	sadd.s32 s20, s25;
	[tilespmem:s23+$0x3060 ss:$0x81] =	vst.msk $0xffff, v62  }
0x22: {  	s17 =	sor.u32 $0x200, s17;
	s18 =	sadd.s32 s20, s18;
	[tilespmem:s23+$0x2040 ss:$0x81] =	vst.msk $0xffff, v0;
	s30 =	sadd.s32 s24, s25  }
0x23: {  	[hbm4b:s30+s17] =	stream.strided.scatter [tilespmem:s22], [sflag:$0x2], $0x2000, s11, s17, $0x20;
	[tilespmem:$0x10100] =	vst v63  }
0x24: {  	s31 =	sadd.s32 $0xA040, s21;
	s18 =	sadd.s32 s24, s18  }
0x25: {  	[hbm4b:s18+s17] =	stream.strided.scatter [tilespmem:s31], [sflag:$0x2], $0x2000, s11, s17, $0x20;
	[tilespmem:$0x10100] =	vst v63  }
.LBB1_5:
0x26: {  	s21 =	sadd.s32 $0x80, s12  }
0x27: {  	s17 =	sadd.s32 $0x4, s13;
	s22 =	smov.u32 s13;
	p2 =	sgt.s32 s21, $0x3FF  }
0x28: {  	s22 =	smov.u32 @p2 s17  }
0x29: {  	s23 =	smov.u32 s14;
	s17 =	sadd.s32 $0x2, s14;
	p3 =	sgt.s32 s22, $0x7  }
0x2a: {  	s23 =	smov.u32 @p3 s17  }
0x2b: {  	s24 =	smov.u32 s15;
	s17 =	sadd.s32 $0x400, s15;
	p4 =	sgt.s32 s23, $0x1  }
0x2c: {  	p1 =	slt.u32 s16, $0x2;
	s24 =	smov.u32 @p4 s17  }
0x2d: {  	s20 =	smov.u32 s12;
	s21 =	simm.s32 @p2 $0x0;
	p2 =	sgt.s32 s24, $0x3FF  }
0x2e: {  	s25 =	simm.s32 @!p1 $0x2;
	s24 =	smov.u32 @p2 s1;
	p2 =	sne.s32 s16, s10  }
.Ltmp1:
0x2f: {  	s18 =	smov.u32 s13;
	_ =	swait.ge @!p1 [sflag:s25], $0x4000;
	(pc) =	sbr.rel @!p2 .LBB1_6-.Ltmp1, $4  }
0x30: {  	s19 =	smov.u32 s14;
	p0 =	por !p0, !p0;
	[sflag:s25] =	ssyncset.done @!p1 $0x0  }
0x31: {  	s12 =	smov.u32 s21;
	s22 =	smov.u32 @p3 s4;
	[sflag:s25] =	ssyncadd.s32 @!p1 $0xFFFFC000  }
0x32: {  	s13 =	smov.u32 s22;
	s23 =	smov.u32 @p4 s3;
	s17 =	smov.u32 s15  }
0x33: {  	s14 =	smov.u32 s23;
	s16 =	sadd.s32 $0x1, s16;
	s15 =	smov.u32 s24  }
.LBB1_1:
0x34: {  	p1 =	sge.u32 s16, s8  }
0x35: {  	s21 =	sshll.u32 @!p1 s13, $0x7;
	s22 =	sshll.u32 @!p1 s12, $0x1  }
0x36: {  	s21 =	sand.u32 @!p1 $0x300, s21;
	s22 =	sand.u32 @!p1 $0xF0, s22  }
0x37: {  	s31 =	sadd.s32 $0xFFFFFFFF, s16;
	s21 =	sor.u32 @!p1 s21, s22;
	s22 =	sshll.u32 @!p1 s15, $0xA  }
0x38: {  	s23 =	sshll.u32 @!p1 s14, $0x9;
	s24 =	sshrl.u32 @!p1 s12, $0x1;
	s22 =	sadd.s32 @!p1 s2, s22  }
0x39: {  	s25 =	sxor.u32 @!p1 $0xFFFFFFFF, s16;
	s24 =	sand.u32 @!p1 $0x1C0, s24;
	s22 =	sadd.s32 @!p1 s23, s22  }
0x3a: {  	s21 =	sshrl.u32 @!p1 s21, $0x4;
	s23 =	sand.u32 @!p1 $0x7, s12;
	s22 =	sadd.s32 @!p1 s24, s22  }
0x3b: {  	s23 =	sshll.u32 @!p1 s23, $0x12;
	s21 =	sadd.s32 @!p1 s21, s22;
	s22 =	sshll.u32 @!p1 s25, $0xE  }
0x3c: {  	s24 =	simm.s32 @!p1 $0x2000;
	s23 =	sor.u32 @!p1 $0x80, s23;
	s22 =	sand.u32 @!p1 $0x4000, s22  }
0x3d: {  	[tilespmem:s22], [sflag:$0x1] =	stream.strided.gather @!p1 [hbm4b:s21+s23], $0x4000, s24, s23, $0x38;
	[tilespmem:$0x10100] =	vst v63  }
0x3e: {  	p1 =	sge.u32 s31, s8  }
.Ltmp2:
0x3f: {  	_ = 	snop;
	(pc) =	sbr.rel @p1 .LBB1_5-.Ltmp2, $1  }
0x40: {  	_ =	sdelay $0x3  }
0x41: {  	s21 =	simm.s32 $0x1  }
0x42: {  	_ =	swait.ge [sflag:s6], $0x4000;
	s21 =	simm.s32 @!p0 $0x0  }
0x43: {  	[sflag:s6] =	ssyncset.done $0x0;
	s22 =	sshll.u32 s21, $0xE  }
0x44: {  	[sflag:s6] =	ssyncadd.s32 $0xFFFFC000;
	s22 =	sor.u32 $0x40, s22  }
0x45: {  	v0 =	vld [tilespmem:s22+$0x20]  }
0x46: {  	v1 =	vld [tilespmem:s22+$0x30]  }
0x47: {  	v2 =	vld [tilespmem:s22+$0xFFFFFFD0]  }
0x48: {  	v3 =	vld [tilespmem:s22+$0xFFFFFFE0]  }
0x49: {  	v4 =	vld [tilespmem:s22+$0xFFFFFFF0]  }
0x4a: {  	v5 =	vld [tilespmem:s22+$0x0]  }
0x4b: {  	v6 =	vld [tilespmem:s22+$0x10]  }
0x4c: {  	v7 =	vld [tilespmem:s22+$0xFFFFFFC0]  }
0x4d: {  	s21 =	smul.u32 $0x10200, s21;
	v1 =	vperm.xlane.i2c.b16 v1;
	v0 =	vperm.xlane.i2c.b16 v0  }
0x4e: {  	s22 =	sadd.s32 $0x80, s22;
	v10 =	vperm.xlane.i2c.b16 v2;
	v3 =	vperm.xlane.i2c.b16 v3  }
0x4f: {  	s21 =	sshrl.u32 s21, $0x2;
	v9 =	vld [tilespmem:s22+$0x30];
	v4 =	vperm.xlane.i2c.b16 v4;
	v5 =	vperm.xlane.i2c.b16 v5  }
0x50: {  	s23 =	sor.u32 $0x8000, s21;
	v2 =	vld [tilespmem:s22+$0x20];
	v6 =	vperm.xlane.i2c.b16 v6;
	v8 =	vcombine.low v0, v1  }
0x51: {  	v12 =	vld [tilespmem:s22+$0xFFFFFFF0];
	s24 =	sadd.s32 $0x0, s23;
	v13 =	vperm.xlane.i2c.b16 v7;
	v11 =	vcombine.low v3, v4  }
0x52: {  	v0 =	vcombine.high v0, v1;
	v1 =	vld [tilespmem:s22+$0xFFFFFFD0];
	v7 =	vcombine.low v5, v6;
	[tilespmem:s24+$0x1830 ss:$0x81] =	vst.msk $0xffff, v8  }
0x53: {  	v8 =	vld [tilespmem:s22+$0xFFFFFFE0];
	[tilespmem:s24+$0x810 ss:$0x81] =	vst.msk $0xffff, v11  }
0x54: {  	v14 =	vld [tilespmem:s22+$0x0];
	v9 =	vperm.xlane.i2c.b16 v9;
	v5 =	vcombine.high v5, v6;
	[tilespmem:s24+$0x1020 ss:$0x81] =	vst.msk $0xffff, v7  }
0x55: {  	s31 =	sand.u32 $0x1, s16;
	[tilespmem:s24+$0x3870 ss:$0x81] =	vst.msk $0xffff, v0;
	v0 =	vcombine.high v3, v4;
	v3 =	vld [tilespmem:s22+$0x10];
	v2 =	vperm.xlane.i2c.b16 v2  }
0x56: {  	s21 =	smul.u32 $0x10200, s31;
	s25 =	sadd.s32 $0x80, s22;
	v11 =	vcombine.low v13, v10;
	v7 =	vperm.xlane.i2c.b16 v12;
	v4 =	vld [tilespmem:s22+$0xFFFFFFC0];
	[tilespmem:s24+$0x3060 ss:$0x81] =	vst.msk $0xffff, v5  }
0x57: {  	v5 =	vld [tilespmem:s25+$0x30];
	[tilespmem:s24+$0x2850 ss:$0x81] =	vst.msk $0xffff, v0;
	v0 =	vperm.xlane.i2c.b16 v1;
	v15 =	vcombine.low v2, v9  }
0x58: {  	s26 =	sadd.s32 $0x1, s23;
	s21 =	sshrl.u32 s21, $0x2;
	[tilespmem:s24+$0x0 ss:$0x81] =	vst.msk $0xffff, v11;
	v1 =	vld [tilespmem:s25+$0x20];
	v9 =	vcombine.high v2, v9;
	v6 =	vperm.xlane.i2c.b16 v8  }
0x59: {  	s27 =	simm.s32 $0x8;
	s28 =	simm.s32 $0xC;
	v10 =	vcombine.high v13, v10;
	s22 =	sor.u32 $0x8000, s21;
	v2 =	vld [tilespmem:s25+$0xFFFFFFD0];
	v8 =	vperm.xlane.i2c.b16 v14;
	[tilespmem:s26+$0x1830 ss:$0x81] =	vst.msk $0xffff, v15  }
.LBB1_3:
0x5a: {  	p1 =	sne.s32 s28, $0x1FC;
	v11 =	vld [tilespmem:s25+$0xFFFFFFE0];
	v12 =	vcombine.low v6, v7;
	v3 =	vperm.xlane.i2c.b16 v3;
	[tilespmem:s26+$0x3870 ss:$0x81] =	vst.msk $0xffff, v9  }
0x5b: {  	v13 =	vperm.xlane.i2c.b16 v4;
	v4 =	vcombine.high v6, v7;
	v9 =	vld [tilespmem:s25+$0xFFFFFFF0];
	[tilespmem:s24+$0x2040 ss:$0x81] =	vst.msk $0xffff, v10;
	s24 =	smov.u32 s26  }
0x5c: {  	v10 =	vld [tilespmem:s25+$0x0];
	[tilespmem:s24+$0x810 ss:$0x81] =	vst.msk $0xffff, v12;
	v6 =	vcombine.low v8, v3;
	v7 =	vcombine.high v8, v3  }
.Ltmp3:
0x5d: {  	v8 =	vperm.xlane.i2c.b16 v5;
	v12 =	vperm.xlane.i2c.b16 v1;
	v3 =	vld [tilespmem:s25+$0x10];
	[tilespmem:s24+$0x2850 ss:$0x81] =	vst.msk $0xffff, v4;
	(pc) =	sbr.rel @p1 .LBB1_3-.Ltmp3, $4  }
0x5e: {  	v14 =	vperm.xlane.i2c.b16 v2;
	v2 =	vcombine.low v13, v0;
	v4 =	vld [tilespmem:s25+$0xFFFFFFC0];
	s25 =	sadd.s32 $0x80, s25;
	[tilespmem:s24+$0x1020 ss:$0x81] =	vst.msk $0xffff, v6  }
0x5f: {  	s26 =	sshra.s32 s27, $0x2;
	s27 =	smov.u32 s28;
	v1 =	vld [tilespmem:s25+$0x20];
	v6 =	vperm.xlane.i2c.b16 v11;
	v11 =	vcombine.low v12, v8;
	[tilespmem:s24+$0x3060 ss:$0x81] =	vst.msk $0xffff, v7  }
0x60: {  	s26 =	sadd.s32 s26, s23;
	v5 =	vld [tilespmem:s25+$0x30];
	v7 =	vperm.xlane.i2c.b16 v9;
	v9 =	vcombine.high v12, v8;
	[tilespmem:s24+$0x0 ss:$0x81] =	vst.msk $0xffff, v2  }
0x61: {  	s28 =	sadd.s32 $0x4, s28;
	v2 =	vld [tilespmem:s25+$0xFFFFFFD0];
	v8 =	vperm.xlane.i2c.b16 v10;
	[tilespmem:s26+$0x1830 ss:$0x81] =	vst.msk $0xffff, v11;
	v10 =	vcombine.high v13, v0;
	v0 =	vmov v14  }
.Ltmp4:
0x62: {  	_ = 	snop;
	(pc) =	sbr.rel .LBB1_4-.Ltmp4, $1  }
0x63: {  	_ =	sdelay $0x3  }
.LBB1_6:
0x64: {  	_ =	sfence.sel $0x180000  }
0x65: {  	s1 =	simm.s32 $0x1;
	[bflag:$0x0] =	sbarrier.arrive $0xFFFF  }
0x66: {  	s31 =	simm.s32 $0x2;
	[sflag:s1] =	ssyncpa.u1 $0x1  }
0x67: {  	[sflag:s31] =	ssyncpa.u1 $0x1  }
0x68: {  	p0 =	sne.s32 s0, $0x0;
	_ =	strace $0x90000047  }
0x69: {  	s0 =	sadd.s32 @!p0 $0x100000, s5;
	[bflag:$0x2] =	sbarrier.arrive $0xFFFF  }
0x6a: {  	[sflag:s0] =	ssyncadd.tile.s32 @!p0 $0x1;
	_ =	shalt  }
.Lfunc_end1:
_tile_overlayer_lowered:
.L_overlay_start_2:
0x6b: {  	(tag) =	ssettag $0x2  }
0x6c: {  	s0 =	rddreg [dreg:$0x0];
	s2 =	stileid.u32  }
0x6d: {  	s1 =	rddreg [dreg:$0x1];
	p0 =	sne.s32 s2, $0x0  }
0x6e: {  	s3 =	rddreg [dreg:$0x2];
	[bflag:$0x3] =	sbarrier.arrive $0xFFFF;
	s2 =	simm.s32 @!p0 $0x1C01  }
0x6f: {  	[timem:s3], [sflag:s2] =	dma.local @!p0 [hbm:s0], s1  }
0x70: {  	s0 =	simm.s32 @!p0 $0x1  }
0x71: {  	_ =	swait.ge @!p0 [sflag:s0], s1  }
0x72: {  	s1 =	ssub.s32 @!p0 $0x0, s1;
	[sflag:s0] =	ssyncset.done @!p0 $0x0  }
0x73: {  	[sflag:s0] =	ssyncadd.s32 @!p0 s1  }
0x74: {  	[bflag:$0x3] =	sbarrier.arrive $0xFFFF  }
0x75: {  	_ =	shalt  }

</sc_bundles>
